<compile_context>
chip_gen: v7x
topology: tpu7x:2x2x1
jax: 0.10.2.dev20260603
libtpu: 0.0.44.dev20260713+nightly
codegen_flags: <defaults>
</compile_context>

<pallas_src>
import functools

import jax
import jax.numpy as jnp
from jax import lax
from jax.experimental import pallas as pl
from jax.experimental.pallas import tpu as pltpu
from jax.experimental.pallas import tpu_sc as plsc

N = 10000
D = 128
E = 320000
NC = 2
NS = 16
NW = NC * NS
EPW = E // NW
CH = 80
NCHUNK = EPW // CH
RPT = 624


def _sc_edge_phase(x, src, dst, ew, acat, w2tab, embtab):
  mesh = plsc.VectorSubcoreMesh(core_axis_name="c", subcore_axis_name="s")

  @functools.partial(
      pl.kernel,
      mesh=mesh,
      compiler_params=pltpu.CompilerParams(needs_layout_passes=False),
      out_type=(
          jax.ShapeDtypeStruct((NC * N, D), jnp.float32),
          jax.ShapeDtypeStruct((NW * N,), jnp.float32),
      ),
      scratch_types=[
          pltpu.VMEM((N,), jnp.int32),
          pltpu.VMEM((30 * D,), jnp.float32),
          pltpu.VMEM((30 * D,), jnp.float32),
          pltpu.VMEM((N,), jnp.float32),
          pltpu.VMEM((CH, D), jnp.float32),
          pltpu.VMEM((CH, D), jnp.float32),
          pltpu.VMEM((8, D), jnp.float32),
          pltpu.VMEM((CH,), jnp.int32),
          pltpu.VMEM((CH,), jnp.int32),
          pltpu.VMEM((CH,), jnp.int32),
          pltpu.VMEM((CH,), jnp.int32),
          pltpu.VMEM_SHARED((N, D), jnp.float32),
          pltpu.SemaphoreType.DMA,
          pltpu.SemaphoreType.DMA,
      ],
  )
  def k(x_h, src_h, dst_h, ew_h, acat_h, w2_h, emb_h,
        m_out, den_out,
        acat_v, w2_v, emb_v, den_v, rows0, rows1,
        zbuf, gidx0, gidx1, sidx0, ew_v, m_sh, g0, g1):
    cid = lax.axis_index("c")
    sid = lax.axis_index("s")
    wid = sid * NC + cid

    pltpu.sync_copy(acat_h, acat_v)
    pltpu.sync_copy(w2_h, w2_v)
    pltpu.sync_copy(emb_h, emb_v)

    zero16 = jnp.zeros((16,), jnp.float32)

    def _zden(i, carry):
      den_v[pl.ds(i * 16, 16)] = zero16
      return carry

    lax.fori_loop(0, N // 16, _zden, 0)

    for r in range(8):
      for c8 in range(8):
        zbuf[r, pl.ds(c8 * 16, 16)] = zero16
    for j in range(78):
      r0 = pl.multiple_of(sid * RPT + j * 8, 8)
      pltpu.sync_copy(zbuf, m_sh.at[pl.ds(r0, 8)])

    @pl.when(sid == NS - 1)
    def _zero_tail():
      r0 = pl.multiple_of(N - 16, 8)
      pltpu.sync_copy(zbuf, m_sh.at[pl.ds(r0, 8)])
      r1 = pl.multiple_of(N - 8, 8)
      pltpu.sync_copy(zbuf, m_sh.at[pl.ds(r1, 8)])

    plsc.subcore_barrier()

    lanes = lax.iota(jnp.int32, 16)
    rows_b = (rows0, rows1)
    gsem = (g0, g1)
    gidx = (gidx0, gidx1)

    def issue_gather(t, b):
      base = pl.multiple_of(wid * EPW + t * CH, 8)
      pltpu.sync_copy(src_h.at[pl.ds(base, CH)], gidx[b])
      pltpu.async_copy(x_h.at[gidx[b]], rows_b[b], gsem[b])

    def wait_gather(b):
      pltpu.make_async_copy(x_h.at[gidx[b]], rows_b[b], gsem[b]).wait()

    def load_chunk_meta(t):
      base = pl.multiple_of(wid * EPW + t * CH, 8)
      pltpu.sync_copy(dst_h.at[pl.ds(base, CH)], sidx0)
      pltpu.sync_copy(ew_h.at[pl.ds(base, CH)], ew_v)

    def compute(t, b):
      rows = rows_b[b]
      for g in range(CH // 16):
        e16 = g * 16 + lanes
        d16 = sidx0[pl.ds(g * 16, 16)]
        w16 = ew_v[pl.ds(g * 16, 16)]
        pk = plsc.load_gather(acat_v, [d16])
        cv = pk & 3
        av = plsc.bitcast(pk & ~3, jnp.float32)
        cwb = (cv * 10 + w16) * D

        def f1(j, acc2):
          a0, a1 = acc2
          f = j * 4
          for u in range(4):
            fv = jnp.zeros((16,), jnp.int32) + (f + u)
            xv = plsc.load_gather(rows, [e16, fv])
            wv = plsc.load_gather(w2_v, [cwb + fv])
            if u % 2 == 0:
              a0 = a0 + xv * wv
            else:
              a1 = a1 + xv * wv
          return a0, a1

        z16 = jnp.zeros((16,), jnp.float32)
        sa0, sa1 = (z16, z16)
        logit = av + sa0 + sa1
        logit = jnp.where(logit >= 0.0, logit, -0.1 * logit)
        exv = jnp.exp(logit)
        plsc.addupdate_scatter(den_v, [d16], exv)

        def f2(j, carry2):
          f = j * 4
          for u in range(4):
            fv = jnp.zeros((16,), jnp.int32) + (f + u)
            xv = plsc.load_gather(rows, [e16, fv])
            ev = plsc.load_gather(emb_v, [cwb + fv])
            plsc.store_scatter(rows, [e16, fv], exv * xv * ev)
          return carry2

        pass

    issue_gather(0, 0)

    def pair_body(q, carry):
      t0 = q * 2
      wait_gather(0)
      issue_gather(t0 + 1, 1)
      load_chunk_meta(t0)
      compute(t0, 0)
      pltpu.sync_copy(rows0, m_sh.at[sidx0], add=True)
      wait_gather(1)
      issue_gather(t0 + 2, 0)
      load_chunk_meta(t0 + 1)
      compute(t0 + 1, 1)
      pltpu.sync_copy(rows1, m_sh.at[sidx0], add=True)
      return carry

    lax.fori_loop(0, (NCHUNK - 1) // 2, pair_body, 0)
    wait_gather(0)
    load_chunk_meta(NCHUNK - 1)
    compute(NCHUNK - 1, 0)
    pltpu.sync_copy(rows0, m_sh.at[sidx0], add=True)
    plsc.subcore_barrier()

    pltpu.sync_copy(den_v, den_out.at[pl.ds(pl.multiple_of(wid * N, 8), N)])
    for j in range(7):
      r0 = pl.multiple_of(sid * RPT + j * CH, 8)
      pltpu.sync_copy(m_sh.at[pl.ds(r0, CH)], rows0)
      pltpu.sync_copy(rows0,
                      m_out.at[pl.ds(pl.multiple_of(cid * N + r0, 8), CH)])
    r0 = pl.multiple_of(sid * RPT + 7 * CH, 8)
    pltpu.sync_copy(m_sh.at[pl.ds(r0, 64)], rows0.at[pl.ds(0, 64)])
    pltpu.sync_copy(rows0.at[pl.ds(0, 64)],
                    m_out.at[pl.ds(pl.multiple_of(cid * N + r0, 8), 64)])

    @pl.when(sid == NS - 1)
    def _copy_tail():
      r1 = pl.multiple_of(N - 16, 8)
      pltpu.sync_copy(m_sh.at[pl.ds(r1, 16)], rows0.at[pl.ds(0, 16)])
      pltpu.sync_copy(rows0.at[pl.ds(0, 16)],
                      m_out.at[pl.ds(pl.multiple_of(cid * N + r1, 8), 16)])

  return k(x, src, dst, ew, acat, w2tab, embtab)


_BN = 2000


def _tc_pre(x, w1, battrow, catc):
  def body(x_r, w1_r, bt_r, cat_r, o_r):
    av = jnp.dot(x_r[...], w1_r[...], preferred_element_type=jnp.float32)
    av = av + bt_r[...]
    c = cat_r[...]
    m0 = (c == 0).astype(jnp.float32)
    m1 = (c == 1).astype(jnp.float32)
    m2 = (c == 2).astype(jnp.float32)
    o_r[...] = m0 * av[:, 0:1] + m1 * av[:, 1:2] + m2 * av[:, 2:3]

  return pl.pallas_call(
      body,
      grid=(N // _BN,),
      in_specs=[
          pl.BlockSpec((_BN, D), lambda i: (i, 0)),
          pl.BlockSpec((D, 8), lambda i: (0, 0)),
          pl.BlockSpec((1, 8), lambda i: (0, 0)),
          pl.BlockSpec((_BN, 1), lambda i: (i, 0)),
      ],
      out_specs=pl.BlockSpec((_BN, 1), lambda i: (i, 0)),
      out_shape=jax.ShapeDtypeStruct((N, 1), jnp.float32),
  )(x, w1, battrow, catc)


def _tc_post(x, m2, den, catc, wr3, br3, wg, bgrow, wa, barow):
  def body(x_r, m_r, den_r, cat_r, wr_r, br_r, wg_r, bg_r, wa_r, ba_r, o_r):
    msum = m_r[0] + m_r[1]
    den_b = den_r[...]
    inv = 1.0 / (den_b + 1e-16)
    mbar = msum * inv
    sfrac = den_b * inv
    c = cat_r[...]
    m0 = (c == 0).astype(jnp.float32)
    m1 = (c == 1).astype(jnp.float32)
    m2b = (c == 2).astype(jnp.float32)
    wr = wr_r[...]
    v = (m0 * jnp.dot(mbar, wr[0:D], preferred_element_type=jnp.float32)
         + m1 * jnp.dot(mbar, wr[D:2 * D], preferred_element_type=jnp.float32)
         + m2b * jnp.dot(mbar, wr[2 * D:3 * D],
                         preferred_element_type=jnp.float32))
    br = br_r[...]
    v = v + sfrac * (m0 * br[0:1] + m1 * br[1:2] + m2b * br[2:3])
    wg_b = wg_r[...]
    bg_b = bg_r[...]
    ga = jax.nn.sigmoid(
        jnp.dot(v, wg_b[0:D], preferred_element_type=jnp.float32) + bg_b)
    gb = jax.nn.sigmoid(
        jnp.dot(v, wg_b[D:2 * D], preferred_element_type=jnp.float32) + bg_b)
    fl = v - ga * v
    fr = gb * v
    out1 = m0 * fl + m1 * fr
    out2 = m0 * fl + m2b * fr
    out3 = m1 * fl + m2b * fr
    wa_b = wa_r[...]
    o_r[...] = jnp.tanh(
        jnp.dot(x_r[...], wa_b[0:D], preferred_element_type=jnp.float32)
        + jnp.dot(out1, wa_b[D:2 * D], preferred_element_type=jnp.float32)
        + jnp.dot(out2, wa_b[2 * D:3 * D], preferred_element_type=jnp.float32)
        + jnp.dot(out3, wa_b[3 * D:4 * D], preferred_element_type=jnp.float32)
        + ba_r[...])

  return pl.pallas_call(
      body,
      grid=(N // _BN,),
      in_specs=[
          pl.BlockSpec((_BN, D), lambda i: (i, 0)),
          pl.BlockSpec((NC, _BN, D), lambda i: (0, i, 0)),
          pl.BlockSpec((_BN, 1), lambda i: (i, 0)),
          pl.BlockSpec((_BN, 1), lambda i: (i, 0)),
          pl.BlockSpec((3 * D, D), lambda i: (0, 0)),
          pl.BlockSpec((8, D), lambda i: (0, 0)),
          pl.BlockSpec((2 * D, D), lambda i: (0, 0)),
          pl.BlockSpec((1, D), lambda i: (0, 0)),
          pl.BlockSpec((4 * D, D), lambda i: (0, 0)),
          pl.BlockSpec((1, D), lambda i: (0, 0)),
      ],
      out_specs=pl.BlockSpec((_BN, D), lambda i: (i, 0)),
      out_shape=jax.ShapeDtypeStruct((N, D), jnp.float32),
  )(x, m2, den, catc, wr3, br3, wg, bgrow, wa, barow)


def kernel(x, edge_index, edge_weight, cat_list,
           Wr_real, br_real, Watt_real, batt_real, emb_real,
           Wr_plan, br_plan, Watt_plan, batt_plan, emb_plan,
           Wr_other, br_other, Watt_other, batt_other, emb_other,
           Wg, bg, Wa, ba):
  src = edge_index[0]
  dst = edge_index[1]
  catc = cat_list[:, None]

  w1 = jnp.concatenate(
      [Watt_real[:D], Watt_plan[:D], Watt_other[:D],
       jnp.zeros((D, 5), jnp.float32)], axis=1)
  battrow = jnp.concatenate(
      [batt_real, batt_plan, batt_other, jnp.zeros((5,), jnp.float32)])[None]
  a = _tc_pre(x, w1, battrow, catc)[:, 0]

  w2s = jnp.stack([Watt_real[D:, 0], Watt_plan[D:, 0], Watt_other[D:, 0]], 0)
  embtab = jnp.stack([emb_real, emb_plan, emb_other], 0)
  w2tab = (embtab * w2s[:, None, :]).reshape(30 * D)
  embflat = embtab.reshape(30 * D)

  acat = (jax.lax.bitcast_convert_type(a, jnp.int32) & ~3) | cat_list
  m_flat, den_flat = _sc_edge_phase(
      x, src, dst, edge_weight, acat, w2tab, embflat)
  m2 = m_flat.reshape(NC, N, D)
  den = den_flat.reshape(NW, N).sum(0)[:, None]

  wr3 = jnp.concatenate([Wr_real, Wr_plan, Wr_other], 0)
  br3 = jnp.concatenate(
      [br_real[None], br_plan[None], br_other[None],
       jnp.zeros((5, D), jnp.float32)], 0)

  return _tc_post(x, m2, den, catc, wr3, br3, Wg, bg[None], Wa, ba[None])

# --- scband reference (transcript-rebuilt; emitter-appended) ---
"""Pipeline reference for scband-t-closure-55903294324914 (READ-ONLY COPY).

The authoritative reference and input builder live on the scoring server;
editing this copy changes nothing except your own understanding.
"""

import jax, jax.numpy as jnp
import numpy as np

N_NODES = 10000
D = 128
E = 320000


def setup_inputs(seed: int = 0) -> dict:
    key = jax.random.key(seed)
    ks = jax.random.split(key, 24)
    inp = {}
    inp['x'] = jax.random.normal(ks[0], (N_NODES, D), dtype=jnp.float32)
    inp['edge_index'] = jax.random.randint(ks[1], (2, E), 0, N_NODES, dtype=jnp.int32)
    inp['edge_weight'] = jax.random.randint(ks[2], (E,), 0, 10, dtype=jnp.int32)
    inp['cat_list'] = jax.random.randint(ks[3], (N_NODES,), 0, 3, dtype=jnp.int32)
    i = 4
    for name in ('real', 'plan', 'other'):
        inp['Wr_' + name] = jax.random.normal(ks[i], (D, D), dtype=jnp.float32) * 0.05; i += 1
        inp['br_' + name] = jnp.zeros((D,), jnp.float32)
        inp['Watt_' + name] = jax.random.normal(ks[i], (2 * D, 1), dtype=jnp.float32) * 0.05; i += 1
        inp['batt_' + name] = jnp.zeros((1,), jnp.float32)
        inp['emb_' + name] = jax.random.uniform(ks[i], (10, D), dtype=jnp.float32); i += 1
    inp['Wg'] = jax.random.normal(ks[i], (2 * D, D), dtype=jnp.float32) * 0.05; i += 1
    inp['bg'] = jnp.zeros((D,), jnp.float32)
    inp['Wa'] = jax.random.normal(ks[i], (4 * D, D), dtype=jnp.float32) * 0.05; i += 1
    inp['ba'] = jnp.zeros((D,), jnp.float32)
    return inp


def _graph_conv(x, src, dst, ew, mask, emb, Watt, batt, Wr, br):
    # Faithful port of GraphConv.forward (which returns `prop` only):
    # message: emb(ew) * x_j; attention via lin_att on [x_i, msg];
    # leaky_relu(slope=-0.1); segment softmax over dst; lin_r(msg) * att;
    # aggregate: scatter-sum over dst. Edges outside `mask` are excluded.
    n = x.shape[0]
    x_j = x[src]
    x_i = x[dst]
    nm = emb[ew] * x_j
    logit = (jnp.concatenate([x_i, nm], axis=-1) @ Watt + batt)[:, 0]
    logit = jnp.where(logit >= 0, logit, -0.1 * logit)
    masked = jnp.where(mask, logit, -1e30)
    seg_max = jax.ops.segment_max(masked, dst, num_segments=n)
    seg_max = jnp.where(seg_max > -1e29, seg_max, 0.0)
    arg = jnp.where(mask, logit - seg_max[dst], 0.0)
    ex = jnp.where(mask, jnp.exp(arg), 0.0)
    denom = jax.ops.segment_sum(ex, dst, num_segments=n)
    att = ex / (denom[dst] + 1e-16)
    fm = (nm @ Wr + br) * att[:, None]
    fm = jnp.where(mask[:, None], fm, 0.0)
    return jax.ops.segment_sum(fm, dst, num_segments=n)


def _gated_fusion(A, B, Wg, bg):
    gate = jax.nn.sigmoid(jnp.concatenate([A, B], axis=-1) @ Wg + bg)
    return (1.0 - gate) * A + gate * B


def reference(x, edge_index, edge_weight, cat_list,
              Wr_real, br_real, Watt_real, batt_real, emb_real,
              Wr_plan, br_plan, Watt_plan, batt_plan, emb_plan,
              Wr_other, br_other, Watt_other, batt_other, emb_other,
              Wg, bg, Wa, ba):
    src = edge_index[0]
    dst = edge_index[1]
    ecat = cat_list[dst]
    real = _graph_conv(x, src, dst, edge_weight, ecat == 0, emb_real, Watt_real, batt_real, Wr_real, br_real)
    plan = _graph_conv(x, src, dst, edge_weight, ecat == 1, emb_plan, Watt_plan, batt_plan, Wr_plan, br_plan)
    other = _graph_conv(x, src, dst, edge_weight, ecat == 2, emb_other, Watt_other, batt_other, Wr_other, br_other)
    out1 = _gated_fusion(real, plan, Wg, bg)
    out2 = _gated_fusion(real, other, Wg, bg)
    out3 = _gated_fusion(plan, other, Wg, bg)
    all_features = jnp.concatenate([x, out1, out2, out3], axis=-1)
    out = jnp.tanh(all_features @ Wa + ba)
    return out

if __name__ == "__main__":
    import jax
    _d = setup_inputs()
    print(jax.jit(kernel)(*tuple(_d.values())))

</pallas_src>

<mosaic_0001>
#map = affine_map<(d0, d1) -> (0, 0)>
#map1 = affine_map<(d0, d1) -> (0)>
module attributes {stable_mosaic.version = 14 : i64} {
  func.func @k(%arg0: i32, %arg1: i32, %arg2: memref<10000x128xf32, #tpu.memory_space<hbm>>, %arg3: memref<320000xi32, #tpu.memory_space<hbm>>, %arg4: memref<320000xi32, #tpu.memory_space<hbm>>, %arg5: memref<320000xi32, #tpu.memory_space<hbm>>, %arg6: memref<10000xi32, #tpu.memory_space<hbm>>, %arg7: memref<3840xf32, #tpu.memory_space<hbm>>, %arg8: memref<3840xf32, #tpu.memory_space<hbm>>, %arg9: memref<20000x128xf32, #tpu.memory_space<hbm>>, %arg10: memref<320000xf32, #tpu.memory_space<hbm>>, %arg11: memref<10000xi32, #tpu.memory_space<vmem>>, %arg12: memref<3840xf32, #tpu.memory_space<vmem>>, %arg13: memref<3840xf32, #tpu.memory_space<vmem>>, %arg14: memref<10000xf32, #tpu.memory_space<vmem>>, %arg15: memref<80x128xf32, #tpu.memory_space<vmem>>, %arg16: memref<80x128xf32, #tpu.memory_space<vmem>>, %arg17: memref<8x128xf32, #tpu.memory_space<vmem>>, %arg18: memref<80xi32, #tpu.memory_space<vmem>>, %arg19: memref<80xi32, #tpu.memory_space<vmem>>, %arg20: memref<80xi32, #tpu.memory_space<vmem>>, %arg21: memref<80xi32, #tpu.memory_space<vmem>>, %arg22: memref<10000x128xf32, #tpu.memory_space<vmem_shared>>, %arg23: memref<!tpu.dma_semaphore, #tpu.memory_space<semaphore_mem>>, %arg24: memref<!tpu.dma_semaphore, #tpu.memory_space<semaphore_mem>>) attributes {dimension_semantics = [#tpu.dimension_semantics<core_parallel>, #tpu.dimension_semantics<subcore_parallel>], iteration_bounds = array<i64: 2, 16>, scalar_prefetch = 0 : i64, scratch_operands = 14 : i64, tpu.core_type = #tpu.core_type<sc_vector_subcore>, window_params = [{transform_indices = #map}, {transform_indices = #map1}, {transform_indices = #map1}, {transform_indices = #map1}, {transform_indices = #map1}, {transform_indices = #map1}, {transform_indices = #map1}, {transform_indices = #map}, {transform_indices = #map1}]} {
    %mul3A = arith.constant 2 : i32
    %mul3A_0 = arith.muli %arg1, %mul3A : i32
    %add3A = arith.addi %mul3A_0, %arg0 : i32
    "tpu.region"() ({
      %run_scoped3A = tpu.sem_alloc : memref<!tpu.dma_semaphore, #tpu.memory_space<semaphore_mem>>
      tpu.enqueue_dma source(%arg6 : memref<10000xi32, #tpu.memory_space<hbm>>) target(%arg11 : memref<10000xi32, #tpu.memory_space<vmem>>) target_semaphore(%run_scoped3A : memref<!tpu.dma_semaphore, #tpu.memory_space<semaphore_mem>>)
      tpu.wait_dma2 semaphore(%run_scoped3A : memref<!tpu.dma_semaphore, #tpu.memory_space<semaphore_mem>>) src(%arg6 : memref<10000xi32, #tpu.memory_space<hbm>>) dst(%arg11 : memref<10000xi32, #tpu.memory_space<vmem>>)
      tpu.yield
    }) : () -> ()
    "tpu.region"() ({
      %run_scoped3A = tpu.sem_alloc : memref<!tpu.dma_semaphore, #tpu.memory_space<semaphore_mem>>
      tpu.enqueue_dma source(%arg7 : memref<3840xf32, #tpu.memory_space<hbm>>) target(%arg12 : memref<3840xf32, #tpu.memory_space<vmem>>) target_semaphore(%run_scoped3A : memref<!tpu.dma_semaphore, #tpu.memory_space<semaphore_mem>>)
      tpu.wait_dma2 semaphore(%run_scoped3A : memref<!tpu.dma_semaphore, #tpu.memory_space<semaphore_mem>>) src(%arg7 : memref<3840xf32, #tpu.memory_space<hbm>>) dst(%arg12 : memref<3840xf32, #tpu.memory_space<vmem>>)
      tpu.yield
    }) : () -> ()
    "tpu.region"() ({
      %run_scoped3A = tpu.sem_alloc : memref<!tpu.dma_semaphore, #tpu.memory_space<semaphore_mem>>
      tpu.enqueue_dma source(%arg8 : memref<3840xf32, #tpu.memory_space<hbm>>) target(%arg13 : memref<3840xf32, #tpu.memory_space<vmem>>) target_semaphore(%run_scoped3A : memref<!tpu.dma_semaphore, #tpu.memory_space<semaphore_mem>>)
      tpu.wait_dma2 semaphore(%run_scoped3A : memref<!tpu.dma_semaphore, #tpu.memory_space<semaphore_mem>>) src(%arg8 : memref<3840xf32, #tpu.memory_space<hbm>>) dst(%arg13 : memref<3840xf32, #tpu.memory_space<vmem>>)
      tpu.yield
    }) : () -> ()
    %broadcast_in_dim3A = arith.constant 0.000000e+00 : f32
    %broadcast_in_dim3A_1 = vector.broadcast %broadcast_in_dim3A : f32 to vector<16xf32>
    %scan3A = arith.constant 0 : i32
    %scan3A_2 = arith.constant 0 : i32
    %scan3A_3 = arith.constant 625 : i32
    %scan3A_4 = arith.addi %scan3A_2, %scan3A_3 : i32
    %scan3A_5 = arith.constant 1 : i32
    scf.for %scan3A_917 = %scan3A_2 to %scan3A_4 step %scan3A_5  : i32 {
      %mul3A_918 = arith.constant 16 : i32
      %mul3A_919 = arith.muli %scan3A_917, %mul3A_918 : i32
      %swap3A_920 = arith.index_cast %mul3A_919 : i32 to index
      %swap3A_921 = tpu.vector_load %arg14[%swap3A_920] {strides = array<i32>} : memref<10000xf32, #tpu.memory_space<vmem>>, vector<16xf32>,
      tpu.vector_store %arg14[%swap3A_920], %broadcast_in_dim3A_1 {strides = array<i32>} : memref<10000xf32, #tpu.memory_space<vmem>>, vector<16xf32>,
    }
    %scan3A_6 = arith.constant 625 : i32
    %swap3A = arith.constant 0 : i32
    %swap3A_7 = arith.index_cast %swap3A : i32 to index
    %swap3A_8 = arith.constant 0 : index
    %swap3A_9 = tpu.vector_load %arg17[%swap3A_7, %swap3A_8] {strides = array<i32>} : memref<8x128xf32, #tpu.memory_space<vmem>>, vector<16xf32>,
    tpu.vector_store %arg17[%swap3A_7, %swap3A_8], %broadcast_in_dim3A_1 {strides = array<i32>} : memref<8x128xf32, #tpu.memory_space<vmem>>, vector<16xf32>,
    %swap3A_10 = arith.constant 0 : i32
    %swap3A_11 = arith.index_cast %swap3A_10 : i32 to index
    %swap3A_12 = arith.constant 16 : index
    %swap3A_13 = tpu.vector_load %arg17[%swap3A_11, %swap3A_12] {strides = array<i32>} : memref<8x128xf32, #tpu.memory_space<vmem>>, vector<16xf32>,
    tpu.vector_store %arg17[%swap3A_11, %swap3A_12], %broadcast_in_dim3A_1 {strides = array<i32>} : memref<8x128xf32, #tpu.memory_space<vmem>>, vector<16xf32>,
    %swap3A_14 = arith.constant 0 : i32
    %swap3A_15 = arith.index_cast %swap3A_14 : i32 to index
    %swap3A_16 = arith.constant 32 : index
    %swap3A_17 = tpu.vector_load %arg17[%swap3A_15, %swap3A_16] {strides = array<i32>} : memref<8x128xf32, #tpu.memory_space<vmem>>, vector<16xf32>,
    tpu.vector_store %arg17[%swap3A_15, %swap3A_16], %broadcast_in_dim3A_1 {strides = array<i32>} : memref<8x128xf32, #tpu.memory_space<vmem>>, vector<16xf32>,
    %swap3A_18 = arith.constant 0 : i32
    %swap3A_19 = arith.index_cast %swap3A_18 : i32 to index
    %swap3A_20 = arith.constant 48 : index
    %swap3A_21 = tpu.vector_load %arg17[%swap3A_19, %swap3A_20] {strides = array<i32>} : memref<8x128xf32, #tpu.memory_space<vmem>>, vector<16xf32>,
    tpu.vector_store %arg17[%swap3A_19, %swap3A_20], %broadcast_in_dim3A_1 {strides = array<i32>} : memref<8x128xf32, #tpu.memory_space<vmem>>, vector<16xf32>,
    %swap3A_22 = arith.constant 0 : i32
    %swap3A_23 = arith.index_cast %swap3A_22 : i32 to index
    %swap3A_24 = arith.constant 64 : index
    %swap3A_25 = tpu.vector_load %arg17[%swap3A_23, %swap3A_24] {strides = array<i32>} : memref<8x128xf32, #tpu.memory_space<vmem>>, vector<16xf32>,
    tpu.vector_store %arg17[%swap3A_23, %swap3A_24], %broadcast_in_dim3A_1 {strides = array<i32>} : memref<8x128xf32, #tpu.memory_space<vmem>>, vector<16xf32>,
    %swap3A_26 = arith.constant 0 : i32
    %swap3A_27 = arith.index_cast %swap3A_26 : i32 to index
    %swap3A_28 = arith.constant 80 : index
    %swap3A_29 = tpu.vector_load %arg17[%swap3A_27, %swap3A_28] {strides = array<i32>} : memref<8x128xf32, #tpu.memory_space<vmem>>, vector<16xf32>,
    tpu.vector_store %arg17[%swap3A_27, %swap3A_28], %broadcast_in_dim3A_1 {strides = array<i32>} : memref<8x128xf32, #tpu.memory_space<vmem>>, vector<16xf32>,
    %swap3A_30 = arith.constant 0 : i32
    %swap3A_31 = arith.index_cast %swap3A_30 : i32 to index
    %swap3A_32 = arith.constant 96 : index
    %swap3A_33 = tpu.vector_load %arg17[%swap3A_31, %swap3A_32] {strides = array<i32>} : memref<8x128xf32, #tpu.memory_space<vmem>>, vector<16xf32>,
    tpu.vector_store %arg17[%swap3A_31, %swap3A_32], %broadcast_in_dim3A_1 {strides = array<i32>} : memref<8x128xf32, #tpu.memory_space<vmem>>, vector<16xf32>,
    %swap3A_34 = arith.constant 0 : i32
    %swap3A_35 = arith.index_cast %swap3A_34 : i32 to index
    %swap3A_36 = arith.constant 112 : index
    %swap3A_37 = tpu.vector_load %arg17[%swap3A_35, %swap3A_36] {strides = array<i32>} : memref<8x128xf32, #tpu.memory_space<vmem>>, vector<16xf32>,
    tpu.vector_store %arg17[%swap3A_35, %swap3A_36], %broadcast_in_dim3A_1 {strides = array<i32>} : memref<8x128xf32, #tpu.memory_space<vmem>>, vector<16xf32>,
    %swap3A_38 = arith.constant 1 : i32
    %swap3A_39 = arith.index_cast %swap3A_38 : i32 to index
    %swap3A_40 = arith.constant 0 : index
    %swap3A_41 = tpu.vector_load %arg17[%swap3A_39, %swap3A_40] {strides = array<i32>} : memref<8x128xf32, #tpu.memory_space<vmem>>, vector<16xf32>,
    tpu.vector_store %arg17[%swap3A_39, %swap3A_40], %broadcast_in_dim3A_1 {strides = array<i32>} : memref<8x128xf32, #tpu.memory_space<vmem>>, vector<16xf32>,
    %swap3A_42 = arith.constant 1 : i32
    %swap3A_43 = arith.index_cast %swap3A_42 : i32 to index
    %swap3A_44 = arith.constant 16 : index
    %swap3A_45 = tpu.vector_load %arg17[%swap3A_43, %swap3A_44] {strides = array<i32>} : memref<8x128xf32, #tpu.memory_space<vmem>>, vector<16xf32>,
    tpu.vector_store %arg17[%swap3A_43, %swap3A_44], %broadcast_in_dim3A_1 {strides = array<i32>} : memref<8x128xf32, #tpu.memory_space<vmem>>, vector<16xf32>,
    %swap3A_46 = arith.constant 1 : i32
    %swap3A_47 = arith.index_cast %swap3A_46 : i32 to index
    %swap3A_48 = arith.constant 32 : index
    %swap3A_49 = tpu.vector_load %arg17[%swap3A_47, %swap3A_48] {strides = array<i32>} : memref<8x128xf32, #tpu.memory_space<vmem>>, vector<16xf32>,
    tpu.vector_store %arg17[%swap3A_47, %swap3A_48], %broadcast_in_dim3A_1 {strides = array<i32>} : memref<8x128xf32, #tpu.memory_space<vmem>>, vector<16xf32>,
    %swap3A_50 = arith.constant 1 : i32
    %swap3A_51 = arith.index_cast %swap3A_50 : i32 to index
    %swap3A_52 = arith.constant 48 : index
    %swap3A_53 = tpu.vector_load %arg17[%swap3A_51, %swap3A_52] {strides = array<i32>} : memref<8x128xf32, #tpu.memory_space<vmem>>, vector<16xf32>,
    tpu.vector_store %arg17[%swap3A_51, %swap3A_52], %broadcast_in_dim3A_1 {strides = array<i32>} : memref<8x128xf32, #tpu.memory_space<vmem>>, vector<16xf32>,
    %swap3A_54 = arith.constant 1 : i32
    %swap3A_55 = arith.index_cast %swap3A_54 : i32 to index
    %swap3A_56 = arith.constant 64 : index
    %swap3A_57 = tpu.vector_load %arg17[%swap3A_55, %swap3A_56] {strides = array<i32>} : memref<8x128xf32, #tpu.memory_space<vmem>>, vector<16xf32>,
    tpu.vector_store %arg17[%swap3A_55, %swap3A_56], %broadcast_in_dim3A_1 {strides = array<i32>} : memref<8x128xf32, #tpu.memory_space<vmem>>, vector<16xf32>,
    %swap3A_58 = arith.constant 1 : i32
    %swap3A_59 = arith.index_cast %swap3A_58 : i32 to index
    %swap3A_60 = arith.constant 80 : index
    %swap3A_61 = tpu.vector_load %arg17[%swap3A_59, %swap3A_60] {strides = array<i32>} : memref<8x128xf32, #tpu.memory_space<vmem>>, vector<16xf32>,
    tpu.vector_store %arg17[%swap3A_59, %swap3A_60], %broadcast_in_dim3A_1 {strides = array<i32>} : memref<8x128xf32, #tpu.memory_space<vmem>>, vector<16xf32>,
    %swap3A_62 = arith.constant 1 : i32
    %swap3A_63 = arith.index_cast %swap3A_62 : i32 to index
    %swap3A_64 = arith.constant 96 : index
    %swap3A_65 = tpu.vector_load %arg17[%swap3A_63, %swap3A_64] {strides = array<i32>} : memref<8x128xf32, #tpu.memory_space<vmem>>, vector<16xf32>,
    tpu.vector_store %arg17[%swap3A_63, %swap3A_64], %broadcast_in_dim3A_1 {strides = array<i32>} : memref<8x128xf32, #tpu.memory_space<vmem>>, vector<16xf32>,
    %swap3A_66 = arith.constant 1 : i32
    %swap3A_67 = arith.index_cast %swap3A_66 : i32 to index
    %swap3A_68 = arith.constant 112 : index
    %swap3A_69 = tpu.vector_load %arg17[%swap3A_67, %swap3A_68] {strides = array<i32>} : memref<8x128xf32, #tpu.memory_space<vmem>>, vector<16xf32>,
    tpu.vector_store %arg17[%swap3A_67, %swap3A_68], %broadcast_in_dim3A_1 {strides = array<i32>} : memref<8x128xf32, #tpu.memory_space<vmem>>, vector<16xf32>,
    %swap3A_70 = arith.constant 2 : i32
    %swap3A_71 = arith.index_cast %swap3A_70 : i32 to index
    %swap3A_72 = arith.constant 0 : index
    %swap3A_73 = tpu.vector_load %arg17[%swap3A_71, %swap3A_72] {strides = array<i32>} : memref<8x128xf32, #tpu.memory_space<vmem>>, vector<16xf32>,
    tpu.vector_store %arg17[%swap3A_71, %swap3A_72], %broadcast_in_dim3A_1 {strides = array<i32>} : memref<8x128xf32, #tpu.memory_space<vmem>>, vector<16xf32>,
    %swap3A_74 = arith.constant 2 : i32
    %swap3A_75 = arith.index_cast %swap3A_74 : i32 to index
    %swap3A_76 = arith.constant 16 : index
    %swap3A_77 = tpu.vector_load %arg17[%swap3A_75, %swap3A_76] {strides = array<i32>} : memref<8x128xf32, #tpu.memory_space<vmem>>, vector<16xf32>,
    tpu.vector_store %arg17[%swap3A_75, %swap3A_76], %broadcast_in_dim3A_1 {strides = array<i32>} : memref<8x128xf32, #tpu.memory_space<vmem>>, vector<16xf32>,
    %swap3A_78 = arith.constant 2 : i32
    %swap3A_79 = arith.index_cast %swap3A_78 : i32 to index
    %swap3A_80 = arith.constant 32 : index
    %swap3A_81 = tpu.vector_load %arg17[%swap3A_79, %swap3A_80] {strides = array<i32>} : memref<8x128xf32, #tpu.memory_space<vmem>>, vector<16xf32>,
    tpu.vector_store %arg17[%swap3A_79, %swap3A_80], %broadcast_in_dim3A_1 {strides = array<i32>} : memref<8x128xf32, #tpu.memory_space<vmem>>, vector<16xf32>,
    %swap3A_82 = arith.constant 2 : i32
    %swap3A_83 = arith.index_cast %swap3A_82 : i32 to index
    %swap3A_84 = arith.constant 48 : index
    %swap3A_85 = tpu.vector_load %arg17[%swap3A_83, %swap3A_84] {strides = array<i32>} : memref<8x128xf32, #tpu.memory_space<vmem>>, vector<16xf32>,
    tpu.vector_store %arg17[%swap3A_83, %swap3A_84], %broadcast_in_dim3A_1 {strides = array<i32>} : memref<8x128xf32, #tpu.memory_space<vmem>>, vector<16xf32>,
    %swap3A_86 = arith.constant 2 : i32
    %swap3A_87 = arith.index_cast %swap3A_86 : i32 to index
    %swap3A_88 = arith.constant 64 : index
    %swap3A_89 = tpu.vector_load %arg17[%swap3A_87, %swap3A_88] {strides = array<i32>} : memref<8x128xf32, #tpu.memory_space<vmem>>, vector<16xf32>,
    tpu.vector_store %arg17[%swap3A_87, %swap3A_88], %broadcast_in_dim3A_1 {strides = array<i32>} : memref<8x128xf32, #tpu.memory_space<vmem>>, vector<16xf32>,
    %swap3A_90 = arith.constant 2 : i32
    %swap3A_91 = arith.index_cast %swap3A_90 : i32 to index
    %swap3A_92 = arith.constant 80 : index
    %swap3A_93 = tpu.vector_load %arg17[%swap3A_91, %swap3A_92] {strides = array<i32>} : memref<8x128xf32, #tpu.memory_space<vmem>>, vector<16xf32>,
    tpu.vector_store %arg17[%swap3A_91, %swap3A_92], %broadcast_in_dim3A_1 {strides = array<i32>} : memref<8x128xf32, #tpu.memory_space<vmem>>, vector<16xf32>,
    %swap3A_94 = arith.constant 2 : i32
    %swap3A_95 = arith.index_cast %swap3A_94 : i32 to index
    %swap3A_96 = arith.constant 96 : index
    %swap3A_97 = tpu.vector_load %arg17[%swap3A_95, %swap3A_96] {strides = array<i32>} : memref<8x128xf32, #tpu.memory_space<vmem>>, vector<16xf32>,
    tpu.vector_store %arg17[%swap3A_95, %swap3A_96], %broadcast_in_dim3A_1 {strides = array<i32>} : memref<8x128xf32, #tpu.memory_space<vmem>>, vector<16xf32>,
    %swap3A_98 = arith.constant 2 : i32
    %swap3A_99 = arith.index_cast %swap3A_98 : i32 to index
    %swap3A_100 = arith.constant 112 : index
    %swap3A_101 = tpu.vector_load %arg17[%swap3A_99, %swap3A_100] {strides = array<i32>} : memref<8x128xf32, #tpu.memory_space<vmem>>, vector<16xf32>,
    tpu.vector_store %arg17[%swap3A_99, %swap3A_100], %broadcast_in_dim3A_1 {strides = array<i32>} : memref<8x128xf32, #tpu.memory_space<vmem>>, vector<16xf32>,
    %swap3A_102 = arith.constant 3 : i32
    %swap3A_103 = arith.index_cast %swap3A_102 : i32 to index
    %swap3A_104 = arith.constant 0 : index
    %swap3A_105 = tpu.vector_load %arg17[%swap3A_103, %swap3A_104] {strides = array<i32>} : memref<8x128xf32, #tpu.memory_space<vmem>>, vector<16xf32>,
    tpu.vector_store %arg17[%swap3A_103, %swap3A_104], %broadcast_in_dim3A_1 {strides = array<i32>} : memref<8x128xf32, #tpu.memory_space<vmem>>, vector<16xf32>,
    %swap3A_106 = arith.constant 3 : i32
    %swap3A_107 = arith.index_cast %swap3A_106 : i32 to index
    %swap3A_108 = arith.constant 16 : index
    %swap3A_109 = tpu.vector_load %arg17[%swap3A_107, %swap3A_108] {strides = array<i32>} : memref<8x128xf32, #tpu.memory_space<vmem>>, vector<16xf32>,
    tpu.vector_store %arg17[%swap3A_107, %swap3A_108], %broadcast_in_dim3A_1 {strides = array<i32>} : memref<8x128xf32, #tpu.memory_space<vmem>>, vector<16xf32>,
    %swap3A_110 = arith.constant 3 : i32
    %swap3A_111 = arith.index_cast %swap3A_110 : i32 to index
    %swap3A_112 = arith.constant 32 : index
    %swap3A_113 = tpu.vector_load %arg17[%swap3A_111, %swap3A_112] {strides = array<i32>} : memref<8x128xf32, #tpu.memory_space<vmem>>, vector<16xf32>,
    tpu.vector_store %arg17[%swap3A_111, %swap3A_112], %broadcast_in_dim3A_1 {strides = array<i32>} : memref<8x128xf32, #tpu.memory_space<vmem>>, vector<16xf32>,
    %swap3A_114 = arith.constant 3 : i32
    %swap3A_115 = arith.index_cast %swap3A_114 : i32 to index
    %swap3A_116 = arith.constant 48 : index
    %swap3A_117 = tpu.vector_load %arg17[%swap3A_115, %swap3A_116] {strides = array<i32>} : memref<8x128xf32, #tpu.memory_space<vmem>>, vector<16xf32>,
    tpu.vector_store %arg17[%swap3A_115, %swap3A_116], %broadcast_in_dim3A_1 {strides = array<i32>} : memref<8x128xf32, #tpu.memory_space<vmem>>, vector<16xf32>,
    %swap3A_118 = arith.constant 3 : i32
    %swap3A_119 = arith.index_cast %swap3A_118 : i32 to index
    %swap3A_120 = arith.constant 64 : index
    %swap3A_121 = tpu.vector_load %arg17[%swap3A_119, %swap3A_120] {strides = array<i32>} : memref<8x128xf32, #tpu.memory_space<vmem>>, vector<16xf32>,
    tpu.vector_store %arg17[%swap3A_119, %swap3A_120], %broadcast_in_dim3A_1 {strides = array<i32>} : memref<8x128xf32, #tpu.memory_space<vmem>>, vector<16xf32>,
    %swap3A_122 = arith.constant 3 : i32
    %swap3A_123 = arith.index_cast %swap3A_122 : i32 to index
    %swap3A_124 = arith.constant 80 : index
    %swap3A_125 = tpu.vector_load %arg17[%swap3A_123, %swap3A_124] {strides = array<i32>} : memref<8x128xf32, #tpu.memory_space<vmem>>, vector<16xf32>,
    tpu.vector_store %arg17[%swap3A_123, %swap3A_124], %broadcast_in_dim3A_1 {strides = array<i32>} : memref<8x128xf32, #tpu.memory_space<vmem>>, vector<16xf32>,
    %swap3A_126 = arith.constant 3 : i32
    %swap3A_127 = arith.index_cast %swap3A_126 : i32 to index
    %swap3A_128 = arith.constant 96 : index
    %swap3A_129 = tpu.vector_load %arg17[%swap3A_127, %swap3A_128] {strides = array<i32>} : memref<8x128xf32, #tpu.memory_space<vmem>>, vector<16xf32>,
    tpu.vector_store %arg17[%swap3A_127, %swap3A_128], %broadcast_in_dim3A_1 {strides = array<i32>} : memref<8x128xf32, #tpu.memory_space<vmem>>, vector<16xf32>,
    %swap3A_130 = arith.constant 3 : i32
    %swap3A_131 = arith.index_cast %swap3A_130 : i32 to index
    %swap3A_132 = arith.constant 112 : index
    %swap3A_133 = tpu.vector_load %arg17[%swap3A_131, %swap3A_132] {strides = array<i32>} : memref<8x128xf32, #tpu.memory_space<vmem>>, vector<16xf32>,
    tpu.vector_store %arg17[%swap3A_131, %swap3A_132], %broadcast_in_dim3A_1 {strides = array<i32>} : memref<8x128xf32, #tpu.memory_space<vmem>>, vector<16xf32>,
    %swap3A_134 = arith.constant 4 : i32
    %swap3A_135 = arith.index_cast %swap3A_134 : i32 to index
    %swap3A_136 = arith.constant 0 : index
    %swap3A_137 = tpu.vector_load %arg17[%swap3A_135, %swap3A_136] {strides = array<i32>} : memref<8x128xf32, #tpu.memory_space<vmem>>, vector<16xf32>,
    tpu.vector_store %arg17[%swap3A_135, %swap3A_136], %broadcast_in_dim3A_1 {strides = array<i32>} : memref<8x128xf32, #tpu.memory_space<vmem>>, vector<16xf32>,
    %swap3A_138 = arith.constant 4 : i32
    %swap3A_139 = arith.index_cast %swap3A_138 : i32 to index
    %swap3A_140 = arith.constant 16 : index
    %swap3A_141 = tpu.vector_load %arg17[%swap3A_139, %swap3A_140] {strides = array<i32>} : memref<8x128xf32, #tpu.memory_space<vmem>>, vector<16xf32>,
    tpu.vector_store %arg17[%swap3A_139, %swap3A_140], %broadcast_in_dim3A_1 {strides = array<i32>} : memref<8x128xf32, #tpu.memory_space<vmem>>, vector<16xf32>,
    %swap3A_142 = arith.constant 4 : i32
    %swap3A_143 = arith.index_cast %swap3A_142 : i32 to index
    %swap3A_144 = arith.constant 32 : index
    %swap3A_145 = tpu.vector_load %arg17[%swap3A_143, %swap3A_144] {strides = array<i32>} : memref<8x128xf32, #tpu.memory_space<vmem>>, vector<16xf32>,
    tpu.vector_store %arg17[%swap3A_143, %swap3A_144], %broadcast_in_dim3A_1 {strides = array<i32>} : memref<8x128xf32, #tpu.memory_space<vmem>>, vector<16xf32>,
    %swap3A_146 = arith.constant 4 : i32
    %swap3A_147 = arith.index_cast %swap3A_146 : i32 to index
    %swap3A_148 = arith.constant 48 : index
    %swap3A_149 = tpu.vector_load %arg17[%swap3A_147, %swap3A_148] {strides = array<i32>} : memref<8x128xf32, #tpu.memory_space<vmem>>, vector<16xf32>,
    tpu.vector_store %arg17[%swap3A_147, %swap3A_148], %broadcast_in_dim3A_1 {strides = array<i32>} : memref<8x128xf32, #tpu.memory_space<vmem>>, vector<16xf32>,
    %swap3A_150 = arith.constant 4 : i32
    %swap3A_151 = arith.index_cast %swap3A_150 : i32 to index
    %swap3A_152 = arith.constant 64 : index
    %swap3A_153 = tpu.vector_load %arg17[%swap3A_151, %swap3A_152] {strides = array<i32>} : memref<8x128xf32, #tpu.memory_space<vmem>>, vector<16xf32>,
    tpu.vector_store %arg17[%swap3A_151, %swap3A_152], %broadcast_in_dim3A_1 {strides = array<i32>} : memref<8x128xf32, #tpu.memory_space<vmem>>, vector<16xf32>,
    %swap3A_154 = arith.constant 4 : i32
    %swap3A_155 = arith.index_cast %swap3A_154 : i32 to index
    %swap3A_156 = arith.constant 80 : index
    %swap3A_157 = tpu.vector_load %arg17[%swap3A_155, %swap3A_156] {strides = array<i32>} : memref<8x128xf32, #tpu.memory_space<vmem>>, vector<16xf32>,
    tpu.vector_store %arg17[%swap3A_155, %swap3A_156], %broadcast_in_dim3A_1 {strides = array<i32>} : memref<8x128xf32, #tpu.memory_space<vmem>>, vector<16xf32>,
    %swap3A_158 = arith.constant 4 : i32
    %swap3A_159 = arith.index_cast %swap3A_158 : i32 to index
    %swap3A_160 = arith.constant 96 : index
    %swap3A_161 = tpu.vector_load %arg17[%swap3A_159, %swap3A_160] {strides = array<i32>} : memref<8x128xf32, #tpu.memory_space<vmem>>, vector<16xf32>,
    tpu.vector_store %arg17[%swap3A_159, %swap3A_160], %broadcast_in_dim3A_1 {strides = array<i32>} : memref<8x128xf32, #tpu.memory_space<vmem>>, vector<16xf32>,
    %swap3A_162 = arith.constant 4 : i32
    %swap3A_163 = arith.index_cast %swap3A_162 : i32 to index
    %swap3A_164 = arith.constant 112 : index
    %swap3A_165 = tpu.vector_load %arg17[%swap3A_163, %swap3A_164] {strides = array<i32>} : memref<8x128xf32, #tpu.memory_space<vmem>>, vector<16xf32>,
    tpu.vector_store %arg17[%swap3A_163, %swap3A_164], %broadcast_in_dim3A_1 {strides = array<i32>} : memref<8x128xf32, #tpu.memory_space<vmem>>, vector<16xf32>,
    %swap3A_166 = arith.constant 5 : i32
    %swap3A_167 = arith.index_cast %swap3A_166 : i32 to index
    %swap3A_168 = arith.constant 0 : index
    %swap3A_169 = tpu.vector_load %arg17[%swap3A_167, %swap3A_168] {strides = array<i32>} : memref<8x128xf32, #tpu.memory_space<vmem>>, vector<16xf32>,
    tpu.vector_store %arg17[%swap3A_167, %swap3A_168], %broadcast_in_dim3A_1 {strides = array<i32>} : memref<8x128xf32, #tpu.memory_space<vmem>>, vector<16xf32>,
    %swap3A_170 = arith.constant 5 : i32
    %swap3A_171 = arith.index_cast %swap3A_170 : i32 to index
    %swap3A_172 = arith.constant 16 : index
    %swap3A_173 = tpu.vector_load %arg17[%swap3A_171, %swap3A_172] {strides = array<i32>} : memref<8x128xf32, #tpu.memory_space<vmem>>, vector<16xf32>,
    tpu.vector_store %arg17[%swap3A_171, %swap3A_172], %broadcast_in_dim3A_1 {strides = array<i32>} : memref<8x128xf32, #tpu.memory_space<vmem>>, vector<16xf32>,
    %swap3A_174 = arith.constant 5 : i32
    %swap3A_175 = arith.index_cast %swap3A_174 : i32 to index
    %swap3A_176 = arith.constant 32 : index
    %swap3A_177 = tpu.vector_load %arg17[%swap3A_175, %swap3A_176] {strides = array<i32>} : memref<8x128xf32, #tpu.memory_space<vmem>>, vector<16xf32>,
    tpu.vector_store %arg17[%swap3A_175, %swap3A_176], %broadcast_in_dim3A_1 {strides = array<i32>} : memref<8x128xf32, #tpu.memory_space<vmem>>, vector<16xf32>,
    %swap3A_178 = arith.constant 5 : i32
    %swap3A_179 = arith.index_cast %swap3A_178 : i32 to index
    %swap3A_180 = arith.constant 48 : index
    %swap3A_181 = tpu.vector_load %arg17[%swap3A_179, %swap3A_180] {strides = array<i32>} : memref<8x128xf32, #tpu.memory_space<vmem>>, vector<16xf32>,
    tpu.vector_store %arg17[%swap3A_179, %swap3A_180], %broadcast_in_dim3A_1 {strides = array<i32>} : memref<8x128xf32, #tpu.memory_space<vmem>>, vector<16xf32>,
    %swap3A_182 = arith.constant 5 : i32
    %swap3A_183 = arith.index_cast %swap3A_182 : i32 to index
    %swap3A_184 = arith.constant 64 : index
    %swap3A_185 = tpu.vector_load %arg17[%swap3A_183, %swap3A_184] {strides = array<i32>} : memref<8x128xf32, #tpu.memory_space<vmem>>, vector<16xf32>,
    tpu.vector_store %arg17[%swap3A_183, %swap3A_184], %broadcast_in_dim3A_1 {strides = array<i32>} : memref<8x128xf32, #tpu.memory_space<vmem>>, vector<16xf32>,
    %swap3A_186 = arith.constant 5 : i32
    %swap3A_187 = arith.index_cast %swap3A_186 : i32 to index
    %swap3A_188 = arith.constant 80 : index
    %swap3A_189 = tpu.vector_load %arg17[%swap3A_187, %swap3A_188] {strides = array<i32>} : memref<8x128xf32, #tpu.memory_space<vmem>>, vector<16xf32>,
    tpu.vector_store %arg17[%swap3A_187, %swap3A_188], %broadcast_in_dim3A_1 {strides = array<i32>} : memref<8x128xf32, #tpu.memory_space<vmem>>, vector<16xf32>,
    %swap3A_190 = arith.constant 5 : i32
    %swap3A_191 = arith.index_cast %swap3A_190 : i32 to index
    %swap3A_192 = arith.constant 96 : index
    %swap3A_193 = tpu.vector_load %arg17[%swap3A_191, %swap3A_192] {strides = array<i32>} : memref<8x128xf32, #tpu.memory_space<vmem>>, vector<16xf32>,
    tpu.vector_store %arg17[%swap3A_191, %swap3A_192], %broadcast_in_dim3A_1 {strides = array<i32>} : memref<8x128xf32, #tpu.memory_space<vmem>>, vector<16xf32>,
    %swap3A_194 = arith.constant 5 : i32
    %swap3A_195 = arith.index_cast %swap3A_194 : i32 to index
    %swap3A_196 = arith.constant 112 : index
    %swap3A_197 = tpu.vector_load %arg17[%swap3A_195, %swap3A_196] {strides = array<i32>} : memref<8x128xf32, #tpu.memory_space<vmem>>, vector<16xf32>,
    tpu.vector_store %arg17[%swap3A_195, %swap3A_196], %broadcast_in_dim3A_1 {strides = array<i32>} : memref<8x128xf32, #tpu.memory_space<vmem>>, vector<16xf32>,
    %swap3A_198 = arith.constant 6 : i32
    %swap3A_199 = arith.index_cast %swap3A_198 : i32 to index
    %swap3A_200 = arith.constant 0 : index
    %swap3A_201 = tpu.vector_load %arg17[%swap3A_199, %swap3A_200] {strides = array<i32>} : memref<8x128xf32, #tpu.memory_space<vmem>>, vector<16xf32>,
    tpu.vector_store %arg17[%swap3A_199, %swap3A_200], %broadcast_in_dim3A_1 {strides = array<i32>} : memref<8x128xf32, #tpu.memory_space<vmem>>, vector<16xf32>,
    %swap3A_202 = arith.constant 6 : i32
    %swap3A_203 = arith.index_cast %swap3A_202 : i32 to index
    %swap3A_204 = arith.constant 16 : index
    %swap3A_205 = tpu.vector_load %arg17[%swap3A_203, %swap3A_204] {strides = array<i32>} : memref<8x128xf32, #tpu.memory_space<vmem>>, vector<16xf32>,
    tpu.vector_store %arg17[%swap3A_203, %swap3A_204], %broadcast_in_dim3A_1 {strides = array<i32>} : memref<8x128xf32, #tpu.memory_space<vmem>>, vector<16xf32>,
    %swap3A_206 = arith.constant 6 : i32
    %swap3A_207 = arith.index_cast %swap3A_206 : i32 to index
    %swap3A_208 = arith.constant 32 : index
    %swap3A_209 = tpu.vector_load %arg17[%swap3A_207, %swap3A_208] {strides = array<i32>} : memref<8x128xf32, #tpu.memory_space<vmem>>, vector<16xf32>,
    tpu.vector_store %arg17[%swap3A_207, %swap3A_208], %broadcast_in_dim3A_1 {strides = array<i32>} : memref<8x128xf32, #tpu.memory_space<vmem>>, vector<16xf32>,
    %swap3A_210 = arith.constant 6 : i32
    %swap3A_211 = arith.index_cast %swap3A_210 : i32 to index
    %swap3A_212 = arith.constant 48 : index
    %swap3A_213 = tpu.vector_load %arg17[%swap3A_211, %swap3A_212] {strides = array<i32>} : memref<8x128xf32, #tpu.memory_space<vmem>>, vector<16xf32>,
    tpu.vector_store %arg17[%swap3A_211, %swap3A_212], %broadcast_in_dim3A_1 {strides = array<i32>} : memref<8x128xf32, #tpu.memory_space<vmem>>, vector<16xf32>,
    %swap3A_214 = arith.constant 6 : i32
    %swap3A_215 = arith.index_cast %swap3A_214 : i32 to index
    %swap3A_216 = arith.constant 64 : index
    %swap3A_217 = tpu.vector_load %arg17[%swap3A_215, %swap3A_216] {strides = array<i32>} : memref<8x128xf32, #tpu.memory_space<vmem>>, vector<16xf32>,
    tpu.vector_store %arg17[%swap3A_215, %swap3A_216], %broadcast_in_dim3A_1 {strides = array<i32>} : memref<8x128xf32, #tpu.memory_space<vmem>>, vector<16xf32>,
    %swap3A_218 = arith.constant 6 : i32
    %swap3A_219 = arith.index_cast %swap3A_218 : i32 to index
    %swap3A_220 = arith.constant 80 : index
    %swap3A_221 = tpu.vector_load %arg17[%swap3A_219, %swap3A_220] {strides = array<i32>} : memref<8x128xf32, #tpu.memory_space<vmem>>, vector<16xf32>,
    tpu.vector_store %arg17[%swap3A_219, %swap3A_220], %broadcast_in_dim3A_1 {strides = array<i32>} : memref<8x128xf32, #tpu.memory_space<vmem>>, vector<16xf32>,
    %swap3A_222 = arith.constant 6 : i32
    %swap3A_223 = arith.index_cast %swap3A_222 : i32 to index
    %swap3A_224 = arith.constant 96 : index
    %swap3A_225 = tpu.vector_load %arg17[%swap3A_223, %swap3A_224] {strides = array<i32>} : memref<8x128xf32, #tpu.memory_space<vmem>>, vector<16xf32>,
    tpu.vector_store %arg17[%swap3A_223, %swap3A_224], %broadcast_in_dim3A_1 {strides = array<i32>} : memref<8x128xf32, #tpu.memory_space<vmem>>, vector<16xf32>,
    %swap3A_226 = arith.constant 6 : i32
    %swap3A_227 = arith.index_cast %swap3A_226 : i32 to index
    %swap3A_228 = arith.constant 112 : index
    %swap3A_229 = tpu.vector_load %arg17[%swap3A_227, %swap3A_228] {strides = array<i32>} : memref<8x128xf32, #tpu.memory_space<vmem>>, vector<16xf32>,
    tpu.vector_store %arg17[%swap3A_227, %swap3A_228], %broadcast_in_dim3A_1 {strides = array<i32>} : memref<8x128xf32, #tpu.memory_space<vmem>>, vector<16xf32>,
    %swap3A_230 = arith.constant 7 : i32
    %swap3A_231 = arith.index_cast %swap3A_230 : i32 to index
    %swap3A_232 = arith.constant 0 : index
    %swap3A_233 = tpu.vector_load %arg17[%swap3A_231, %swap3A_232] {strides = array<i32>} : memref<8x128xf32, #tpu.memory_space<vmem>>, vector<16xf32>,
    tpu.vector_store %arg17[%swap3A_231, %swap3A_232], %broadcast_in_dim3A_1 {strides = array<i32>} : memref<8x128xf32, #tpu.memory_space<vmem>>, vector<16xf32>,
    %swap3A_234 = arith.constant 7 : i32
    %swap3A_235 = arith.index_cast %swap3A_234 : i32 to index
    %swap3A_236 = arith.constant 16 : index
    %swap3A_237 = tpu.vector_load %arg17[%swap3A_235, %swap3A_236] {strides = array<i32>} : memref<8x128xf32, #tpu.memory_space<vmem>>, vector<16xf32>,
    tpu.vector_store %arg17[%swap3A_235, %swap3A_236], %broadcast_in_dim3A_1 {strides = array<i32>} : memref<8x128xf32, #tpu.memory_space<vmem>>, vector<16xf32>,
    %swap3A_238 = arith.constant 7 : i32
    %swap3A_239 = arith.index_cast %swap3A_238 : i32 to index
    %swap3A_240 = arith.constant 32 : index
    %swap3A_241 = tpu.vector_load %arg17[%swap3A_239, %swap3A_240] {strides = array<i32>} : memref<8x128xf32, #tpu.memory_space<vmem>>, vector<16xf32>,
    tpu.vector_store %arg17[%swap3A_239, %swap3A_240], %broadcast_in_dim3A_1 {strides = array<i32>} : memref<8x128xf32, #tpu.memory_space<vmem>>, vector<16xf32>,
    %swap3A_242 = arith.constant 7 : i32
    %swap3A_243 = arith.index_cast %swap3A_242 : i32 to index
    %swap3A_244 = arith.constant 48 : index
    %swap3A_245 = tpu.vector_load %arg17[%swap3A_243, %swap3A_244] {strides = array<i32>} : memref<8x128xf32, #tpu.memory_space<vmem>>, vector<16xf32>,
    tpu.vector_store %arg17[%swap3A_243, %swap3A_244], %broadcast_in_dim3A_1 {strides = array<i32>} : memref<8x128xf32, #tpu.memory_space<vmem>>, vector<16xf32>,
    %swap3A_246 = arith.constant 7 : i32
    %swap3A_247 = arith.index_cast %swap3A_246 : i32 to index
    %swap3A_248 = arith.constant 64 : index
    %swap3A_249 = tpu.vector_load %arg17[%swap3A_247, %swap3A_248] {strides = array<i32>} : memref<8x128xf32, #tpu.memory_space<vmem>>, vector<16xf32>,
    tpu.vector_store %arg17[%swap3A_247, %swap3A_248], %broadcast_in_dim3A_1 {strides = array<i32>} : memref<8x128xf32, #tpu.memory_space<vmem>>, vector<16xf32>,
    %swap3A_250 = arith.constant 7 : i32
    %swap3A_251 = arith.index_cast %swap3A_250 : i32 to index
    %swap3A_252 = arith.constant 80 : index
    %swap3A_253 = tpu.vector_load %arg17[%swap3A_251, %swap3A_252] {strides = array<i32>} : memref<8x128xf32, #tpu.memory_space<vmem>>, vector<16xf32>,
    tpu.vector_store %arg17[%swap3A_251, %swap3A_252], %broadcast_in_dim3A_1 {strides = array<i32>} : memref<8x128xf32, #tpu.memory_space<vmem>>, vector<16xf32>,
    %swap3A_254 = arith.constant 7 : i32
    %swap3A_255 = arith.index_cast %swap3A_254 : i32 to index
    %swap3A_256 = arith.constant 96 : index
    %swap3A_257 = tpu.vector_load %arg17[%swap3A_255, %swap3A_256] {strides = array<i32>} : memref<8x128xf32, #tpu.memory_space<vmem>>, vector<16xf32>,
    tpu.vector_store %arg17[%swap3A_255, %swap3A_256], %broadcast_in_dim3A_1 {strides = array<i32>} : memref<8x128xf32, #tpu.memory_space<vmem>>, vector<16xf32>,
    %swap3A_258 = arith.constant 7 : i32
    %swap3A_259 = arith.index_cast %swap3A_258 : i32 to index
    %swap3A_260 = arith.constant 112 : index
    %swap3A_261 = tpu.vector_load %arg17[%swap3A_259, %swap3A_260] {strides = array<i32>} : memref<8x128xf32, #tpu.memory_space<vmem>>, vector<16xf32>,
    tpu.vector_store %arg17[%swap3A_259, %swap3A_260], %broadcast_in_dim3A_1 {strides = array<i32>} : memref<8x128xf32, #tpu.memory_space<vmem>>, vector<16xf32>,
    %mul3A_262 = arith.constant 624 : i32
    %mul3A_263 = arith.muli %arg1, %mul3A_262 : i32
    %add3A_264 = arith.constant 0 : i32
    %add3A_265 = arith.addi %mul3A_263, %add3A_264 : i32
    %multiple_of3A = tpu.assume_multiple %add3A_265, 8 : i32
    "tpu.region"() ({
      %run_scoped3A = tpu.sem_alloc : memref<!tpu.dma_semaphore, #tpu.memory_space<semaphore_mem>>
      %dma_start3A_917 = arith.constant 0 : i32
      %dma_start3A_918 = tpu.memref_slice %arg22[%multiple_of3A, %dma_start3A_917] : memref<10000x128xf32, #tpu.memory_space<vmem_shared>> -> memref<8x128xf32, #tpu.memory_space<vmem_shared>>
      %dma_start3A_919 = arith.constant 0 : i32
      %dma_start3A_920 = tpu.memref_slice %arg22[%multiple_of3A, %dma_start3A_919] : memref<10000x128xf32, #tpu.memory_space<vmem_shared>> -> memref<8x128xf32, #tpu.memory_space<vmem_shared>>
      tpu.enqueue_dma source(%arg17 : memref<8x128xf32, #tpu.memory_space<vmem>>) target(%dma_start3A_920 : memref<8x128xf32, #tpu.memory_space<vmem_shared>>) target_semaphore(%run_scoped3A : memref<!tpu.dma_semaphore, #tpu.memory_space<semaphore_mem>>)
      %dma_wait3A_921 = arith.constant 0 : i32
      %dma_wait3A_922 = tpu.memref_slice %arg22[%multiple_of3A, %dma_wait3A_921] : memref<10000x128xf32, #tpu.memory_space<vmem_shared>> -> memref<8x128xf32, #tpu.memory_space<vmem_shared>>
      %dma_wait3A_923 = arith.constant 0 : i32
      %dma_wait3A_924 = tpu.memref_slice %arg22[%multiple_of3A, %dma_wait3A_923] : memref<10000x128xf32, #tpu.memory_space<vmem_shared>> -> memref<8x128xf32, #tpu.memory_space<vmem_shared>>
      tpu.wait_dma2 semaphore(%run_scoped3A : memref<!tpu.dma_semaphore, #tpu.memory_space<semaphore_mem>>) src(%arg17 : memref<8x128xf32, #tpu.memory_space<vmem>>) dst(%dma_wait3A_924 : memref<8x128xf32, #tpu.memory_space<vmem_shared>>)
      tpu.yield
    }) : () -> ()
    %mul3A_266 = arith.constant 624 : i32
    %mul3A_267 = arith.muli %arg1, %mul3A_266 : i32
    %add3A_268 = arith.constant 8 : i32
    %add3A_269 = arith.addi %mul3A_267, %add3A_268 : i32
    %multiple_of3A_270 = tpu.assume_multiple %add3A_269, 8 : i32
    "tpu.region"() ({
      %run_scoped3A = tpu.sem_alloc : memref<!tpu.dma_semaphore, #tpu.memory_space<semaphore_mem>>
      %dma_start3A_917 = arith.constant 0 : i32
      %dma_start3A_918 = tpu.memref_slice %arg22[%multiple_of3A_270, %dma_start3A_917] : memref<10000x128xf32, #tpu.memory_space<vmem_shared>> -> memref<8x128xf32, #tpu.memory_space<vmem_shared>>
      %dma_start3A_919 = arith.constant 0 : i32
      %dma_start3A_920 = tpu.memref_slice %arg22[%multiple_of3A_270, %dma_start3A_919] : memref<10000x128xf32, #tpu.memory_space<vmem_shared>> -> memref<8x128xf32, #tpu.memory_space<vmem_shared>>
      tpu.enqueue_dma source(%arg17 : memref<8x128xf32, #tpu.memory_space<vmem>>) target(%dma_start3A_920 : memref<8x128xf32, #tpu.memory_space<vmem_shared>>) target_semaphore(%run_scoped3A : memref<!tpu.dma_semaphore, #tpu.memory_space<semaphore_mem>>)
      %dma_wait3A_921 = arith.constant 0 : i32
      %dma_wait3A_922 = tpu.memref_slice %arg22[%multiple_of3A_270, %dma_wait3A_921] : memref<10000x128xf32, #tpu.memory_space<vmem_shared>> -> memref<8x128xf32, #tpu.memory_space<vmem_shared>>
      %dma_wait3A_923 = arith.constant 0 : i32
      %dma_wait3A_924 = tpu.memref_slice %arg22[%multiple_of3A_270, %dma_wait3A_923] : memref<10000x128xf32, #tpu.memory_space<vmem_shared>> -> memref<8x128xf32, #tpu.memory_space<vmem_shared>>
      tpu.wait_dma2 semaphore(%run_scoped3A : memref<!tpu.dma_semaphore, #tpu.memory_space<semaphore_mem>>) src(%arg17 : memref<8x128xf32, #tpu.memory_space<vmem>>) dst(%dma_wait3A_924 : memref<8x128xf32, #tpu.memory_space<vmem_shared>>)
      tpu.yield
    }) : () -> ()
    %mul3A_271 = arith.constant 624 : i32
    %mul3A_272 = arith.muli %arg1, %mul3A_271 : i32
    %add3A_273 = arith.constant 16 : i32
    %add3A_274 = arith.addi %mul3A_272, %add3A_273 : i32
    %multiple_of3A_275 = tpu.assume_multiple %add3A_274, 8 : i32
    "tpu.region"() ({
      %run_scoped3A = tpu.sem_alloc : memref<!tpu.dma_semaphore, #tpu.memory_space<semaphore_mem>>
      %dma_start3A_917 = arith.constant 0 : i32
      %dma_start3A_918 = tpu.memref_slice %arg22[%multiple_of3A_275, %dma_start3A_917] : memref<10000x128xf32, #tpu.memory_space<vmem_shared>> -> memref<8x128xf32, #tpu.memory_space<vmem_shared>>
      %dma_start3A_919 = arith.constant 0 : i32
      %dma_start3A_920 = tpu.memref_slice %arg22[%multiple_of3A_275, %dma_start3A_919] : memref<10000x128xf32, #tpu.memory_space<vmem_shared>> -> memref<8x128xf32, #tpu.memory_space<vmem_shared>>
      tpu.enqueue_dma source(%arg17 : memref<8x128xf32, #tpu.memory_space<vmem>>) target(%dma_start3A_920 : memref<8x128xf32, #tpu.memory_space<vmem_shared>>) target_semaphore(%run_scoped3A : memref<!tpu.dma_semaphore, #tpu.memory_space<semaphore_mem>>)
      %dma_wait3A_921 = arith.constant 0 : i32
      %dma_wait3A_922 = tpu.memref_slice %arg22[%multiple_of3A_275, %dma_wait3A_921] : memref<10000x128xf32, #tpu.memory_space<vmem_shared>> -> memref<8x128xf32, #tpu.memory_space<vmem_shared>>
      %dma_wait3A_923 = arith.constant 0 : i32
      %dma_wait3A_924 = tpu.memref_slice %arg22[%multiple_of3A_275, %dma_wait3A_923] : memref<10000x128xf32, #tpu.memory_space<vmem_shared>> -> memref<8x128xf32, #tpu.memory_space<vmem_shared>>
      tpu.wait_dma2 semaphore(%run_scoped3A : memref<!tpu.dma_semaphore, #tpu.memory_space<semaphore_mem>>) src(%arg17 : memref<8x128xf32, #tpu.memory_space<vmem>>) dst(%dma_wait3A_924 : memref<8x128xf32, #tpu.memory_space<vmem_shared>>)
      tpu.yield
    }) : () -> ()
    %mul3A_276 = arith.constant 624 : i32
    %mul3A_277 = arith.muli %arg1, %mul3A_276 : i32
    %add3A_278 = arith.constant 24 : i32
    %add3A_279 = arith.addi %mul3A_277, %add3A_278 : i32
    %multiple_of3A_280 = tpu.assume_multiple %add3A_279, 8 : i32
    "tpu.region"() ({
      %run_scoped3A = tpu.sem_alloc : memref<!tpu.dma_semaphore, #tpu.memory_space<semaphore_mem>>
      %dma_start3A_917 = arith.constant 0 : i32
      %dma_start3A_918 = tpu.memref_slice %arg22[%multiple_of3A_280, %dma_start3A_917] : memref<10000x128xf32, #tpu.memory_space<vmem_shared>> -> memref<8x128xf32, #tpu.memory_space<vmem_shared>>
      %dma_start3A_919 = arith.constant 0 : i32
      %dma_start3A_920 = tpu.memref_slice %arg22[%multiple_of3A_280, %dma_start3A_919] : memref<10000x128xf32, #tpu.memory_space<vmem_shared>> -> memref<8x128xf32, #tpu.memory_space<vmem_shared>>
      tpu.enqueue_dma source(%arg17 : memref<8x128xf32, #tpu.memory_space<vmem>>) target(%dma_start3A_920 : memref<8x128xf32, #tpu.memory_space<vmem_shared>>) target_semaphore(%run_scoped3A : memref<!tpu.dma_semaphore, #tpu.memory_space<semaphore_mem>>)
      %dma_wait3A_921 = arith.constant 0 : i32
      %dma_wait3A_922 = tpu.memref_slice %arg22[%multiple_of3A_280, %dma_wait3A_921] : memref<10000x128xf32, #tpu.memory_space<vmem_shared>> -> memref<8x128xf32, #tpu.memory_space<vmem_shared>>
      %dma_wait3A_923 = arith.constant 0 : i32
      %dma_wait3A_924 = tpu.memref_slice %arg22[%multiple_of3A_280, %dma_wait3A_923] : memref<10000x128xf32, #tpu.memory_space<vmem_shared>> -> memref<8x128xf32, #tpu.memory_space<vmem_shared>>
      tpu.wait_dma2 semaphore(%run_scoped3A : memref<!tpu.dma_semaphore, #tpu.memory_space<semaphore_mem>>) src(%arg17 : memref<8x128xf32, #tpu.memory_space<vmem>>) dst(%dma_wait3A_924 : memref<8x128xf32, #tpu.memory_space<vmem_shared>>)
      tpu.yield
    }) : () -> ()
    %mul3A_281 = arith.constant 624 : i32
    %mul3A_282 = arith.muli %arg1, %mul3A_281 : i32
    %add3A_283 = arith.constant 32 : i32
    %add3A_284 = arith.addi %mul3A_282, %add3A_283 : i32
    %multiple_of3A_285 = tpu.assume_multiple %add3A_284, 8 : i32
    "tpu.region"() ({
      %run_scoped3A = tpu.sem_alloc : memref<!tpu.dma_semaphore, #tpu.memory_space<semaphore_mem>>
      %dma_start3A_917 = arith.constant 0 : i32
      %dma_start3A_918 = tpu.memref_slice %arg22[%multiple_of3A_285, %dma_start3A_917] : memref<10000x128xf32, #tpu.memory_space<vmem_shared>> -> memref<8x128xf32, #tpu.memory_space<vmem_shared>>
      %dma_start3A_919 = arith.constant 0 : i32
      %dma_start3A_920 = tpu.memref_slice %arg22[%multiple_of3A_285, %dma_start3A_919] : memref<10000x128xf32, #tpu.memory_space<vmem_shared>> -> memref<8x128xf32, #tpu.memory_space<vmem_shared>>
      tpu.enqueue_dma source(%arg17 : memref<8x128xf32, #tpu.memory_space<vmem>>) target(%dma_start3A_920 : memref<8x128xf32, #tpu.memory_space<vmem_shared>>) target_semaphore(%run_scoped3A : memref<!tpu.dma_semaphore, #tpu.memory_space<semaphore_mem>>)
      %dma_wait3A_921 = arith.constant 0 : i32
      %dma_wait3A_922 = tpu.memref_slice %arg22[%multiple_of3A_285, %dma_wait3A_921] : memref<10000x128xf32, #tpu.memory_space<vmem_shared>> -> memref<8x128xf32, #tpu.memory_space<vmem_shared>>
      %dma_wait3A_923 = arith.constant 0 : i32
      %dma_wait3A_924 = tpu.memref_slice %arg22[%multiple_of3A_285, %dma_wait3A_923] : memref<10000x128xf32, #tpu.memory_space<vmem_shared>> -> memref<8x128xf32, #tpu.memory_space<vmem_shared>>
      tpu.wait_dma2 semaphore(%run_scoped3A : memref<!tpu.dma_semaphore, #tpu.memory_space<semaphore_mem>>) src(%arg17 : memref<8x128xf32, #tpu.memory_space<vmem>>) dst(%dma_wait3A_924 : memref<8x128xf32, #tpu.memory_space<vmem_shared>>)
      tpu.yield
    }) : () -> ()
    %mul3A_286 = arith.constant 624 : i32
    %mul3A_287 = arith.muli %arg1, %mul3A_286 : i32
    %add3A_288 = arith.constant 40 : i32
    %add3A_289 = arith.addi %mul3A_287, %add3A_288 : i32
    %multiple_of3A_290 = tpu.assume_multiple %add3A_289, 8 : i32
    "tpu.region"() ({
      %run_scoped3A = tpu.sem_alloc : memref<!tpu.dma_semaphore, #tpu.memory_space<semaphore_mem>>
      %dma_start3A_917 = arith.constant 0 : i32
      %dma_start3A_918 = tpu.memref_slice %arg22[%multiple_of3A_290, %dma_start3A_917] : memref<10000x128xf32, #tpu.memory_space<vmem_shared>> -> memref<8x128xf32, #tpu.memory_space<vmem_shared>>
      %dma_start3A_919 = arith.constant 0 : i32
      %dma_start3A_920 = tpu.memref_slice %arg22[%multiple_of3A_290, %dma_start3A_919] : memref<10000x128xf32, #tpu.memory_space<vmem_shared>> -> memref<8x128xf32, #tpu.memory_space<vmem_shared>>
      tpu.enqueue_dma source(%arg17 : memref<8x128xf32, #tpu.memory_space<vmem>>) target(%dma_start3A_920 : memref<8x128xf32, #tpu.memory_space<vmem_shared>>) target_semaphore(%run_scoped3A : memref<!tpu.dma_semaphore, #tpu.memory_space<semaphore_mem>>)
      %dma_wait3A_921 = arith.constant 0 : i32
      %dma_wait3A_922 = tpu.memref_slice %arg22[%multiple_of3A_290, %dma_wait3A_921] : memref<10000x128xf32, #tpu.memory_space<vmem_shared>> -> memref<8x128xf32, #tpu.memory_space<vmem_shared>>
      %dma_wait3A_923 = arith.constant 0 : i32
      %dma_wait3A_924 = tpu.memref_slice %arg22[%multiple_of3A_290, %dma_wait3A_923] : memref<10000x128xf32, #tpu.memory_space<vmem_shared>> -> memref<8x128xf32, #tpu.memory_space<vmem_shared>>
      tpu.wait_dma2 semaphore(%run_scoped3A : memref<!tpu.dma_semaphore, #tpu.memory_space<semaphore_mem>>) src(%arg17 : memref<8x128xf32, #tpu.memory_space<vmem>>) dst(%dma_wait3A_924 : memref<8x128xf32, #tpu.memory_space<vmem_shared>>)
      tpu.yield
    }) : () -> ()
    %mul3A_291 = arith.constant 624 : i32
    %mul3A_292 = arith.muli %arg1, %mul3A_291 : i32
    %add3A_293 = arith.constant 48 : i32
    %add3A_294 = arith.addi %mul3A_292, %add3A_293 : i32
    %multiple_of3A_295 = tpu.assume_multiple %add3A_294, 8 : i32
    "tpu.region"() ({
      %run_scoped3A = tpu.sem_alloc : memref<!tpu.dma_semaphore, #tpu.memory_space<semaphore_mem>>
      %dma_start3A_917 = arith.constant 0 : i32
      %dma_start3A_918 = tpu.memref_slice %arg22[%multiple_of3A_295, %dma_start3A_917] : memref<10000x128xf32, #tpu.memory_space<vmem_shared>> -> memref<8x128xf32, #tpu.memory_space<vmem_shared>>
      %dma_start3A_919 = arith.constant 0 : i32
      %dma_start3A_920 = tpu.memref_slice %arg22[%multiple_of3A_295, %dma_start3A_919] : memref<10000x128xf32, #tpu.memory_space<vmem_shared>> -> memref<8x128xf32, #tpu.memory_space<vmem_shared>>
      tpu.enqueue_dma source(%arg17 : memref<8x128xf32, #tpu.memory_space<vmem>>) target(%dma_start3A_920 : memref<8x128xf32, #tpu.memory_space<vmem_shared>>) target_semaphore(%run_scoped3A : memref<!tpu.dma_semaphore, #tpu.memory_space<semaphore_mem>>)
      %dma_wait3A_921 = arith.constant 0 : i32
      %dma_wait3A_922 = tpu.memref_slice %arg22[%multiple_of3A_295, %dma_wait3A_921] : memref<10000x128xf32, #tpu.memory_space<vmem_shared>> -> memref<8x128xf32, #tpu.memory_space<vmem_shared>>
      %dma_wait3A_923 = arith.constant 0 : i32
      %dma_wait3A_924 = tpu.memref_slice %arg22[%multiple_of3A_295, %dma_wait3A_923] : memref<10000x128xf32, #tpu.memory_space<vmem_shared>> -> memref<8x128xf32, #tpu.memory_space<vmem_shared>>
      tpu.wait_dma2 semaphore(%run_scoped3A : memref<!tpu.dma_semaphore, #tpu.memory_space<semaphore_mem>>) src(%arg17 : memref<8x128xf32, #tpu.memory_space<vmem>>) dst(%dma_wait3A_924 : memref<8x128xf32, #tpu.memory_space<vmem_shared>>)
      tpu.yield
    }) : () -> ()
    %mul3A_296 = arith.constant 624 : i32
    %mul3A_297 = arith.muli %arg1, %mul3A_296 : i32
    %add3A_298 = arith.constant 56 : i32
    %add3A_299 = arith.addi %mul3A_297, %add3A_298 : i32
    %multiple_of3A_300 = tpu.assume_multiple %add3A_299, 8 : i32
    "tpu.region"() ({
      %run_scoped3A = tpu.sem_alloc : memref<!tpu.dma_semaphore, #tpu.memory_space<semaphore_mem>>
      %dma_start3A_917 = arith.constant 0 : i32
      %dma_start3A_918 = tpu.memref_slice %arg22[%multiple_of3A_300, %dma_start3A_917] : memref<10000x128xf32, #tpu.memory_space<vmem_shared>> -> memref<8x128xf32, #tpu.memory_space<vmem_shared>>
      %dma_start3A_919 = arith.constant 0 : i32
      %dma_start3A_920 = tpu.memref_slice %arg22[%multiple_of3A_300, %dma_start3A_919] : memref<10000x128xf32, #tpu.memory_space<vmem_shared>> -> memref<8x128xf32, #tpu.memory_space<vmem_shared>>
      tpu.enqueue_dma source(%arg17 : memref<8x128xf32, #tpu.memory_space<vmem>>) target(%dma_start3A_920 : memref<8x128xf32, #tpu.memory_space<vmem_shared>>) target_semaphore(%run_scoped3A : memref<!tpu.dma_semaphore, #tpu.memory_space<semaphore_mem>>)
      %dma_wait3A_921 = arith.constant 0 : i32
      %dma_wait3A_922 = tpu.memref_slice %arg22[%multiple_of3A_300, %dma_wait3A_921] : memref<10000x128xf32, #tpu.memory_space<vmem_shared>> -> memref<8x128xf32, #tpu.memory_space<vmem_shared>>
      %dma_wait3A_923 = arith.constant 0 : i32
      %dma_wait3A_924 = tpu.memref_slice %arg22[%multiple_of3A_300, %dma_wait3A_923] : memref<10000x128xf32, #tpu.memory_space<vmem_shared>> -> memref<8x128xf32, #tpu.memory_space<vmem_shared>>
      tpu.wait_dma2 semaphore(%run_scoped3A : memref<!tpu.dma_semaphore, #tpu.memory_space<semaphore_mem>>) src(%arg17 : memref<8x128xf32, #tpu.memory_space<vmem>>) dst(%dma_wait3A_924 : memref<8x128xf32, #tpu.memory_space<vmem_shared>>)
      tpu.yield
    }) : () -> ()
    %mul3A_301 = arith.constant 624 : i32
    %mul3A_302 = arith.muli %arg1, %mul3A_301 : i32
    %add3A_303 = arith.constant 64 : i32
    %add3A_304 = arith.addi %mul3A_302, %add3A_303 : i32
    %multiple_of3A_305 = tpu.assume_multiple %add3A_304, 8 : i32
    "tpu.region"() ({
      %run_scoped3A = tpu.sem_alloc : memref<!tpu.dma_semaphore, #tpu.memory_space<semaphore_mem>>
      %dma_start3A_917 = arith.constant 0 : i32
      %dma_start3A_918 = tpu.memref_slice %arg22[%multiple_of3A_305, %dma_start3A_917] : memref<10000x128xf32, #tpu.memory_space<vmem_shared>> -> memref<8x128xf32, #tpu.memory_space<vmem_shared>>
      %dma_start3A_919 = arith.constant 0 : i32
      %dma_start3A_920 = tpu.memref_slice %arg22[%multiple_of3A_305, %dma_start3A_919] : memref<10000x128xf32, #tpu.memory_space<vmem_shared>> -> memref<8x128xf32, #tpu.memory_space<vmem_shared>>
      tpu.enqueue_dma source(%arg17 : memref<8x128xf32, #tpu.memory_space<vmem>>) target(%dma_start3A_920 : memref<8x128xf32, #tpu.memory_space<vmem_shared>>) target_semaphore(%run_scoped3A : memref<!tpu.dma_semaphore, #tpu.memory_space<semaphore_mem>>)
      %dma_wait3A_921 = arith.constant 0 : i32
      %dma_wait3A_922 = tpu.memref_slice %arg22[%multiple_of3A_305, %dma_wait3A_921] : memref<10000x128xf32, #tpu.memory_space<vmem_shared>> -> memref<8x128xf32, #tpu.memory_space<vmem_shared>>
      %dma_wait3A_923 = arith.constant 0 : i32
      %dma_wait3A_924 = tpu.memref_slice %arg22[%multiple_of3A_305, %dma_wait3A_923] : memref<10000x128xf32, #tpu.memory_space<vmem_shared>> -> memref<8x128xf32, #tpu.memory_space<vmem_shared>>
      tpu.wait_dma2 semaphore(%run_scoped3A : memref<!tpu.dma_semaphore, #tpu.memory_space<semaphore_mem>>) src(%arg17 : memref<8x128xf32, #tpu.memory_space<vmem>>) dst(%dma_wait3A_924 : memref<8x128xf32, #tpu.memory_space<vmem_shared>>)
      tpu.yield
    }) : () -> ()
    %mul3A_306 = arith.constant 624 : i32
    %mul3A_307 = arith.muli %arg1, %mul3A_306 : i32
    %add3A_308 = arith.constant 72 : i32
    %add3A_309 = arith.addi %mul3A_307, %add3A_308 : i32
    %multiple_of3A_310 = tpu.assume_multiple %add3A_309, 8 : i32
    "tpu.region"() ({
      %run_scoped3A = tpu.sem_alloc : memref<!tpu.dma_semaphore, #tpu.memory_space<semaphore_mem>>
      %dma_start3A_917 = arith.constant 0 : i32
      %dma_start3A_918 = tpu.memref_slice %arg22[%multiple_of3A_310, %dma_start3A_917] : memref<10000x128xf32, #tpu.memory_space<vmem_shared>> -> memref<8x128xf32, #tpu.memory_space<vmem_shared>>
      %dma_start3A_919 = arith.constant 0 : i32
      %dma_start3A_920 = tpu.memref_slice %arg22[%multiple_of3A_310, %dma_start3A_919] : memref<10000x128xf32, #tpu.memory_space<vmem_shared>> -> memref<8x128xf32, #tpu.memory_space<vmem_shared>>
      tpu.enqueue_dma source(%arg17 : memref<8x128xf32, #tpu.memory_space<vmem>>) target(%dma_start3A_920 : memref<8x128xf32, #tpu.memory_space<vmem_shared>>) target_semaphore(%run_scoped3A : memref<!tpu.dma_semaphore, #tpu.memory_space<semaphore_mem>>)
      %dma_wait3A_921 = arith.constant 0 : i32
      %dma_wait3A_922 = tpu.memref_slice %arg22[%multiple_of3A_310, %dma_wait3A_921] : memref<10000x128xf32, #tpu.memory_space<vmem_shared>> -> memref<8x128xf32, #tpu.memory_space<vmem_shared>>
      %dma_wait3A_923 = arith.constant 0 : i32
      %dma_wait3A_924 = tpu.memref_slice %arg22[%multiple_of3A_310, %dma_wait3A_923] : memref<10000x128xf32, #tpu.memory_space<vmem_shared>> -> memref<8x128xf32, #tpu.memory_space<vmem_shared>>
      tpu.wait_dma2 semaphore(%run_scoped3A : memref<!tpu.dma_semaphore, #tpu.memory_space<semaphore_mem>>) src(%arg17 : memref<8x128xf32, #tpu.memory_space<vmem>>) dst(%dma_wait3A_924 : memref<8x128xf32, #tpu.memory_space<vmem_shared>>)
      tpu.yield
    }) : () -> ()
    %mul3A_311 = arith.constant 624 : i32
    %mul3A_312 = arith.muli %arg1, %mul3A_311 : i32
    %add3A_313 = arith.constant 80 : i32
    %add3A_314 = arith.addi %mul3A_312, %add3A_313 : i32
    %multiple_of3A_315 = tpu.assume_multiple %add3A_314, 8 : i32
    "tpu.region"() ({
      %run_scoped3A = tpu.sem_alloc : memref<!tpu.dma_semaphore, #tpu.memory_space<semaphore_mem>>
      %dma_start3A_917 = arith.constant 0 : i32
      %dma_start3A_918 = tpu.memref_slice %arg22[%multiple_of3A_315, %dma_start3A_917] : memref<10000x128xf32, #tpu.memory_space<vmem_shared>> -> memref<8x128xf32, #tpu.memory_space<vmem_shared>>
      %dma_start3A_919 = arith.constant 0 : i32
      %dma_start3A_920 = tpu.memref_slice %arg22[%multiple_of3A_315, %dma_start3A_919] : memref<10000x128xf32, #tpu.memory_space<vmem_shared>> -> memref<8x128xf32, #tpu.memory_space<vmem_shared>>
      tpu.enqueue_dma source(%arg17 : memref<8x128xf32, #tpu.memory_space<vmem>>) target(%dma_start3A_920 : memref<8x128xf32, #tpu.memory_space<vmem_shared>>) target_semaphore(%run_scoped3A : memref<!tpu.dma_semaphore, #tpu.memory_space<semaphore_mem>>)
      %dma_wait3A_921 = arith.constant 0 : i32
      %dma_wait3A_922 = tpu.memref_slice %arg22[%multiple_of3A_315, %dma_wait3A_921] : memref<10000x128xf32, #tpu.memory_space<vmem_shared>> -> memref<8x128xf32, #tpu.memory_space<vmem_shared>>
      %dma_wait3A_923 = arith.constant 0 : i32
      %dma_wait3A_924 = tpu.memref_slice %arg22[%multiple_of3A_315, %dma_wait3A_923] : memref<10000x128xf32, #tpu.memory_space<vmem_shared>> -> memref<8x128xf32, #tpu.memory_space<vmem_shared>>
      tpu.wait_dma2 semaphore(%run_scoped3A : memref<!tpu.dma_semaphore, #tpu.memory_space<semaphore_mem>>) src(%arg17 : memref<8x128xf32, #tpu.memory_space<vmem>>) dst(%dma_wait3A_924 : memref<8x128xf32, #tpu.memory_space<vmem_shared>>)
      tpu.yield
    }) : () -> ()
    %mul3A_316 = arith.constant 624 : i32
    %mul3A_317 = arith.muli %arg1, %mul3A_316 : i32
    %add3A_318 = arith.constant 88 : i32
    %add3A_319 = arith.addi %mul3A_317, %add3A_318 : i32
    %multiple_of3A_320 = tpu.assume_multiple %add3A_319, 8 : i32
    "tpu.region"() ({
      %run_scoped3A = tpu.sem_alloc : memref<!tpu.dma_semaphore, #tpu.memory_space<semaphore_mem>>
      %dma_start3A_917 = arith.constant 0 : i32
      %dma_start3A_918 = tpu.memref_slice %arg22[%multiple_of3A_320, %dma_start3A_917] : memref<10000x128xf32, #tpu.memory_space<vmem_shared>> -> memref<8x128xf32, #tpu.memory_space<vmem_shared>>
      %dma_start3A_919 = arith.constant 0 : i32
      %dma_start3A_920 = tpu.memref_slice %arg22[%multiple_of3A_320, %dma_start3A_919] : memref<10000x128xf32, #tpu.memory_space<vmem_shared>> -> memref<8x128xf32, #tpu.memory_space<vmem_shared>>
      tpu.enqueue_dma source(%arg17 : memref<8x128xf32, #tpu.memory_space<vmem>>) target(%dma_start3A_920 : memref<8x128xf32, #tpu.memory_space<vmem_shared>>) target_semaphore(%run_scoped3A : memref<!tpu.dma_semaphore, #tpu.memory_space<semaphore_mem>>)
      %dma_wait3A_921 = arith.constant 0 : i32
      %dma_wait3A_922 = tpu.memref_slice %arg22[%multiple_of3A_320, %dma_wait3A_921] : memref<10000x128xf32, #tpu.memory_space<vmem_shared>> -> memref<8x128xf32, #tpu.memory_space<vmem_shared>>
      %dma_wait3A_923 = arith.constant 0 : i32
      %dma_wait3A_924 = tpu.memref_slice %arg22[%multiple_of3A_320, %dma_wait3A_923] : memref<10000x128xf32, #tpu.memory_space<vmem_shared>> -> memref<8x128xf32, #tpu.memory_space<vmem_shared>>
      tpu.wait_dma2 semaphore(%run_scoped3A : memref<!tpu.dma_semaphore, #tpu.memory_space<semaphore_mem>>) src(%arg17 : memref<8x128xf32, #tpu.memory_space<vmem>>) dst(%dma_wait3A_924 : memref<8x128xf32, #tpu.memory_space<vmem_shared>>)
      tpu.yield
    }) : () -> ()
    %mul3A_321 = arith.constant 624 : i32
    %mul3A_322 = arith.muli %arg1, %mul3A_321 : i32
    %add3A_323 = arith.constant 96 : i32
    %add3A_324 = arith.addi %mul3A_322, %add3A_323 : i32
    %multiple_of3A_325 = tpu.assume_multiple %add3A_324, 8 : i32
    "tpu.region"() ({
      %run_scoped3A = tpu.sem_alloc : memref<!tpu.dma_semaphore, #tpu.memory_space<semaphore_mem>>
      %dma_start3A_917 = arith.constant 0 : i32
      %dma_start3A_918 = tpu.memref_slice %arg22[%multiple_of3A_325, %dma_start3A_917] : memref<10000x128xf32, #tpu.memory_space<vmem_shared>> -> memref<8x128xf32, #tpu.memory_space<vmem_shared>>
      %dma_start3A_919 = arith.constant 0 : i32
      %dma_start3A_920 = tpu.memref_slice %arg22[%multiple_of3A_325, %dma_start3A_919] : memref<10000x128xf32, #tpu.memory_space<vmem_shared>> -> memref<8x128xf32, #tpu.memory_space<vmem_shared>>
      tpu.enqueue_dma source(%arg17 : memref<8x128xf32, #tpu.memory_space<vmem>>) target(%dma_start3A_920 : memref<8x128xf32, #tpu.memory_space<vmem_shared>>) target_semaphore(%run_scoped3A : memref<!tpu.dma_semaphore, #tpu.memory_space<semaphore_mem>>)
      %dma_wait3A_921 = arith.constant 0 : i32
      %dma_wait3A_922 = tpu.memref_slice %arg22[%multiple_of3A_325, %dma_wait3A_921] : memref<10000x128xf32, #tpu.memory_space<vmem_shared>> -> memref<8x128xf32, #tpu.memory_space<vmem_shared>>
      %dma_wait3A_923 = arith.constant 0 : i32
      %dma_wait3A_924 = tpu.memref_slice %arg22[%multiple_of3A_325, %dma_wait3A_923] : memref<10000x128xf32, #tpu.memory_space<vmem_shared>> -> memref<8x128xf32, #tpu.memory_space<vmem_shared>>
      tpu.wait_dma2 semaphore(%run_scoped3A : memref<!tpu.dma_semaphore, #tpu.memory_space<semaphore_mem>>) src(%arg17 : memref<8x128xf32, #tpu.memory_space<vmem>>) dst(%dma_wait3A_924 : memref<8x128xf32, #tpu.memory_space<vmem_shared>>)
      tpu.yield
    }) : () -> ()
    %mul3A_326 = arith.constant 624 : i32
    %mul3A_327 = arith.muli %arg1, %mul3A_326 : i32
    %add3A_328 = arith.constant 104 : i32
    %add3A_329 = arith.addi %mul3A_327, %add3A_328 : i32
    %multiple_of3A_330 = tpu.assume_multiple %add3A_329, 8 : i32
    "tpu.region"() ({
      %run_scoped3A = tpu.sem_alloc : memref<!tpu.dma_semaphore, #tpu.memory_space<semaphore_mem>>
      %dma_start3A_917 = arith.constant 0 : i32
      %dma_start3A_918 = tpu.memref_slice %arg22[%multiple_of3A_330, %dma_start3A_917] : memref<10000x128xf32, #tpu.memory_space<vmem_shared>> -> memref<8x128xf32, #tpu.memory_space<vmem_shared>>
      %dma_start3A_919 = arith.constant 0 : i32
      %dma_start3A_920 = tpu.memref_slice %arg22[%multiple_of3A_330, %dma_start3A_919] : memref<10000x128xf32, #tpu.memory_space<vmem_shared>> -> memref<8x128xf32, #tpu.memory_space<vmem_shared>>
      tpu.enqueue_dma source(%arg17 : memref<8x128xf32, #tpu.memory_space<vmem>>) target(%dma_start3A_920 : memref<8x128xf32, #tpu.memory_space<vmem_shared>>) target_semaphore(%run_scoped3A : memref<!tpu.dma_semaphore, #tpu.memory_space<semaphore_mem>>)
      %dma_wait3A_921 = arith.constant 0 : i32
      %dma_wait3A_922 = tpu.memref_slice %arg22[%multiple_of3A_330, %dma_wait3A_921] : memref<10000x128xf32, #tpu.memory_space<vmem_shared>> -> memref<8x128xf32, #tpu.memory_space<vmem_shared>>
      %dma_wait3A_923 = arith.constant 0 : i32
      %dma_wait3A_924 = tpu.memref_slice %arg22[%multiple_of3A_330, %dma_wait3A_923] : memref<10000x128xf32, #tpu.memory_space<vmem_shared>> -> memref<8x128xf32, #tpu.memory_space<vmem_shared>>
      tpu.wait_dma2 semaphore(%run_scoped3A : memref<!tpu.dma_semaphore, #tpu.memory_space<semaphore_mem>>) src(%arg17 : memref<8x128xf32, #tpu.memory_space<vmem>>) dst(%dma_wait3A_924 : memref<8x128xf32, #tpu.memory_space<vmem_shared>>)
      tpu.yield
    }) : () -> ()
    %mul3A_331 = arith.constant 624 : i32
    %mul3A_332 = arith.muli %arg1, %mul3A_331 : i32
    %add3A_333 = arith.constant 112 : i32
    %add3A_334 = arith.addi %mul3A_332, %add3A_333 : i32
    %multiple_of3A_335 = tpu.assume_multiple %add3A_334, 8 : i32
    "tpu.region"() ({
      %run_scoped3A = tpu.sem_alloc : memref<!tpu.dma_semaphore, #tpu.memory_space<semaphore_mem>>
      %dma_start3A_917 = arith.constant 0 : i32
      %dma_start3A_918 = tpu.memref_slice %arg22[%multiple_of3A_335, %dma_start3A_917] : memref<10000x128xf32, #tpu.memory_space<vmem_shared>> -> memref<8x128xf32, #tpu.memory_space<vmem_shared>>
      %dma_start3A_919 = arith.constant 0 : i32
      %dma_start3A_920 = tpu.memref_slice %arg22[%multiple_of3A_335, %dma_start3A_919] : memref<10000x128xf32, #tpu.memory_space<vmem_shared>> -> memref<8x128xf32, #tpu.memory_space<vmem_shared>>
      tpu.enqueue_dma source(%arg17 : memref<8x128xf32, #tpu.memory_space<vmem>>) target(%dma_start3A_920 : memref<8x128xf32, #tpu.memory_space<vmem_shared>>) target_semaphore(%run_scoped3A : memref<!tpu.dma_semaphore, #tpu.memory_space<semaphore_mem>>)
      %dma_wait3A_921 = arith.constant 0 : i32
      %dma_wait3A_922 = tpu.memref_slice %arg22[%multiple_of3A_335, %dma_wait3A_921] : memref<10000x128xf32, #tpu.memory_space<vmem_shared>> -> memref<8x128xf32, #tpu.memory_space<vmem_shared>>
      %dma_wait3A_923 = arith.constant 0 : i32
      %dma_wait3A_924 = tpu.memref_slice %arg22[%multiple_of3A_335, %dma_wait3A_923] : memref<10000x128xf32, #tpu.memory_space<vmem_shared>> -> memref<8x128xf32, #tpu.memory_space<vmem_shared>>
      tpu.wait_dma2 semaphore(%run_scoped3A : memref<!tpu.dma_semaphore, #tpu.memory_space<semaphore_mem>>) src(%arg17 : memref<8x128xf32, #tpu.memory_space<vmem>>) dst(%dma_wait3A_924 : memref<8x128xf32, #tpu.memory_space<vmem_shared>>)
      tpu.yield
    }) : () -> ()
    %mul3A_336 = arith.constant 624 : i32
    %mul3A_337 = arith.muli %arg1, %mul3A_336 : i32
    %add3A_338 = arith.constant 120 : i32
    %add3A_339 = arith.addi %mul3A_337, %add3A_338 : i32
    %multiple_of3A_340 = tpu.assume_multiple %add3A_339, 8 : i32
    "tpu.region"() ({
      %run_scoped3A = tpu.sem_alloc : memref<!tpu.dma_semaphore, #tpu.memory_space<semaphore_mem>>
      %dma_start3A_917 = arith.constant 0 : i32
      %dma_start3A_918 = tpu.memref_slice %arg22[%multiple_of3A_340, %dma_start3A_917] : memref<10000x128xf32, #tpu.memory_space<vmem_shared>> -> memref<8x128xf32, #tpu.memory_space<vmem_shared>>
      %dma_start3A_919 = arith.constant 0 : i32
      %dma_start3A_920 = tpu.memref_slice %arg22[%multiple_of3A_340, %dma_start3A_919] : memref<10000x128xf32, #tpu.memory_space<vmem_shared>> -> memref<8x128xf32, #tpu.memory_space<vmem_shared>>
      tpu.enqueue_dma source(%arg17 : memref<8x128xf32, #tpu.memory_space<vmem>>) target(%dma_start3A_920 : memref<8x128xf32, #tpu.memory_space<vmem_shared>>) target_semaphore(%run_scoped3A : memref<!tpu.dma_semaphore, #tpu.memory_space<semaphore_mem>>)
      %dma_wait3A_921 = arith.constant 0 : i32
      %dma_wait3A_922 = tpu.memref_slice %arg22[%multiple_of3A_340, %dma_wait3A_921] : memref<10000x128xf32, #tpu.memory_space<vmem_shared>> -> memref<8x128xf32, #tpu.memory_space<vmem_shared>>
      %dma_wait3A_923 = arith.constant 0 : i32
      %dma_wait3A_924 = tpu.memref_slice %arg22[%multiple_of3A_340, %dma_wait3A_923] : memref<10000x128xf32, #tpu.memory_space<vmem_shared>> -> memref<8x128xf32, #tpu.memory_space<vmem_shared>>
      tpu.wait_dma2 semaphore(%run_scoped3A : memref<!tpu.dma_semaphore, #tpu.memory_space<semaphore_mem>>) src(%arg17 : memref<8x128xf32, #tpu.memory_space<vmem>>) dst(%dma_wait3A_924 : memref<8x128xf32, #tpu.memory_space<vmem_shared>>)
      tpu.yield
    }) : () -> ()
    %mul3A_341 = arith.constant 624 : i32
    %mul3A_342 = arith.muli %arg1, %mul3A_341 : i32
    %add3A_343 = arith.constant 128 : i32
    %add3A_344 = arith.addi %mul3A_342, %add3A_343 : i32
    %multiple_of3A_345 = tpu.assume_multiple %add3A_344, 8 : i32
    "tpu.region"() ({
      %run_scoped3A = tpu.sem_alloc : memref<!tpu.dma_semaphore, #tpu.memory_space<semaphore_mem>>
      %dma_start3A_917 = arith.constant 0 : i32
      %dma_start3A_918 = tpu.memref_slice %arg22[%multiple_of3A_345, %dma_start3A_917] : memref<10000x128xf32, #tpu.memory_space<vmem_shared>> -> memref<8x128xf32, #tpu.memory_space<vmem_shared>>
      %dma_start3A_919 = arith.constant 0 : i32
      %dma_start3A_920 = tpu.memref_slice %arg22[%multiple_of3A_345, %dma_start3A_919] : memref<10000x128xf32, #tpu.memory_space<vmem_shared>> -> memref<8x128xf32, #tpu.memory_space<vmem_shared>>
      tpu.enqueue_dma source(%arg17 : memref<8x128xf32, #tpu.memory_space<vmem>>) target(%dma_start3A_920 : memref<8x128xf32, #tpu.memory_space<vmem_shared>>) target_semaphore(%run_scoped3A : memref<!tpu.dma_semaphore, #tpu.memory_space<semaphore_mem>>)
      %dma_wait3A_921 = arith.constant 0 : i32
      %dma_wait3A_922 = tpu.memref_slice %arg22[%multiple_of3A_345, %dma_wait3A_921] : memref<10000x128xf32, #tpu.memory_space<vmem_shared>> -> memref<8x128xf32, #tpu.memory_space<vmem_shared>>
      %dma_wait3A_923 = arith.constant 0 : i32
      %dma_wait3A_924 = tpu.memref_slice %arg22[%multiple_of3A_345, %dma_wait3A_923] : memref<10000x128xf32, #tpu.memory_space<vmem_shared>> -> memref<8x128xf32, #tpu.memory_space<vmem_shared>>
      tpu.wait_dma2 semaphore(%run_scoped3A : memref<!tpu.dma_semaphore, #tpu.memory_space<semaphore_mem>>) src(%arg17 : memref<8x128xf32, #tpu.memory_space<vmem>>) dst(%dma_wait3A_924 : memref<8x128xf32, #tpu.memory_space<vmem_shared>>)
      tpu.yield
    }) : () -> ()
    %mul3A_346 = arith.constant 624 : i32
    %mul3A_347 = arith.muli %arg1, %mul3A_346 : i32
    %add3A_348 = arith.constant 136 : i32
    %add3A_349 = arith.addi %mul3A_347, %add3A_348 : i32
    %multiple_of3A_350 = tpu.assume_multiple %add3A_349, 8 : i32
    "tpu.region"() ({
      %run_scoped3A = tpu.sem_alloc : memref<!tpu.dma_semaphore, #tpu.memory_space<semaphore_mem>>
      %dma_start3A_917 = arith.constant 0 : i32
      %dma_start3A_918 = tpu.memref_slice %arg22[%multiple_of3A_350, %dma_start3A_917] : memref<10000x128xf32, #tpu.memory_space<vmem_shared>> -> memref<8x128xf32, #tpu.memory_space<vmem_shared>>
      %dma_start3A_919 = arith.constant 0 : i32
      %dma_start3A_920 = tpu.memref_slice %arg22[%multiple_of3A_350, %dma_start3A_919] : memref<10000x128xf32, #tpu.memory_space<vmem_shared>> -> memref<8x128xf32, #tpu.memory_space<vmem_shared>>
      tpu.enqueue_dma source(%arg17 : memref<8x128xf32, #tpu.memory_space<vmem>>) target(%dma_start3A_920 : memref<8x128xf32, #tpu.memory_space<vmem_shared>>) target_semaphore(%run_scoped3A : memref<!tpu.dma_semaphore, #tpu.memory_space<semaphore_mem>>)
      %dma_wait3A_921 = arith.constant 0 : i32
      %dma_wait3A_922 = tpu.memref_slice %arg22[%multiple_of3A_350, %dma_wait3A_921] : memref<10000x128xf32, #tpu.memory_space<vmem_shared>> -> memref<8x128xf32, #tpu.memory_space<vmem_shared>>
      %dma_wait3A_923 = arith.constant 0 : i32
      %dma_wait3A_924 = tpu.memref_slice %arg22[%multiple_of3A_350, %dma_wait3A_923] : memref<10000x128xf32, #tpu.memory_space<vmem_shared>> -> memref<8x128xf32, #tpu.memory_space<vmem_shared>>
      tpu.wait_dma2 semaphore(%run_scoped3A : memref<!tpu.dma_semaphore, #tpu.memory_space<semaphore_mem>>) src(%arg17 : memref<8x128xf32, #tpu.memory_space<vmem>>) dst(%dma_wait3A_924 : memref<8x128xf32, #tpu.memory_space<vmem_shared>>)
      tpu.yield
    }) : () -> ()
    %mul3A_351 = arith.constant 624 : i32
    %mul3A_352 = arith.muli %arg1, %mul3A_351 : i32
    %add3A_353 = arith.constant 144 : i32
    %add3A_354 = arith.addi %mul3A_352, %add3A_353 : i32
    %multiple_of3A_355 = tpu.assume_multiple %add3A_354, 8 : i32
    "tpu.region"() ({
      %run_scoped3A = tpu.sem_alloc : memref<!tpu.dma_semaphore, #tpu.memory_space<semaphore_mem>>
      %dma_start3A_917 = arith.constant 0 : i32
      %dma_start3A_918 = tpu.memref_slice %arg22[%multiple_of3A_355, %dma_start3A_917] : memref<10000x128xf32, #tpu.memory_space<vmem_shared>> -> memref<8x128xf32, #tpu.memory_space<vmem_shared>>
      %dma_start3A_919 = arith.constant 0 : i32
      %dma_start3A_920 = tpu.memref_slice %arg22[%multiple_of3A_355, %dma_start3A_919] : memref<10000x128xf32, #tpu.memory_space<vmem_shared>> -> memref<8x128xf32, #tpu.memory_space<vmem_shared>>
      tpu.enqueue_dma source(%arg17 : memref<8x128xf32, #tpu.memory_space<vmem>>) target(%dma_start3A_920 : memref<8x128xf32, #tpu.memory_space<vmem_shared>>) target_semaphore(%run_scoped3A : memref<!tpu.dma_semaphore, #tpu.memory_space<semaphore_mem>>)
      %dma_wait3A_921 = arith.constant 0 : i32
      %dma_wait3A_922 = tpu.memref_slice %arg22[%multiple_of3A_355, %dma_wait3A_921] : memref<10000x128xf32, #tpu.memory_space<vmem_shared>> -> memref<8x128xf32, #tpu.memory_space<vmem_shared>>
      %dma_wait3A_923 = arith.constant 0 : i32
      %dma_wait3A_924 = tpu.memref_slice %arg22[%multiple_of3A_355, %dma_wait3A_923] : memref<10000x128xf32, #tpu.memory_space<vmem_shared>> -> memref<8x128xf32, #tpu.memory_space<vmem_shared>>
      tpu.wait_dma2 semaphore(%run_scoped3A : memref<!tpu.dma_semaphore, #tpu.memory_space<semaphore_mem>>) src(%arg17 : memref<8x128xf32, #tpu.memory_space<vmem>>) dst(%dma_wait3A_924 : memref<8x128xf32, #tpu.memory_space<vmem_shared>>)
      tpu.yield
    }) : () -> ()
    %mul3A_356 = arith.constant 624 : i32
    %mul3A_357 = arith.muli %arg1, %mul3A_356 : i32
    %add3A_358 = arith.constant 152 : i32
    %add3A_359 = arith.addi %mul3A_357, %add3A_358 : i32
    %multiple_of3A_360 = tpu.assume_multiple %add3A_359, 8 : i32
    "tpu.region"() ({
      %run_scoped3A = tpu.sem_alloc : memref<!tpu.dma_semaphore, #tpu.memory_space<semaphore_mem>>
      %dma_start3A_917 = arith.constant 0 : i32
      %dma_start3A_918 = tpu.memref_slice %arg22[%multiple_of3A_360, %dma_start3A_917] : memref<10000x128xf32, #tpu.memory_space<vmem_shared>> -> memref<8x128xf32, #tpu.memory_space<vmem_shared>>
      %dma_start3A_919 = arith.constant 0 : i32
      %dma_start3A_920 = tpu.memref_slice %arg22[%multiple_of3A_360, %dma_start3A_919] : memref<10000x128xf32, #tpu.memory_space<vmem_shared>> -> memref<8x128xf32, #tpu.memory_space<vmem_shared>>
      tpu.enqueue_dma source(%arg17 : memref<8x128xf32, #tpu.memory_space<vmem>>) target(%dma_start3A_920 : memref<8x128xf32, #tpu.memory_space<vmem_shared>>) target_semaphore(%run_scoped3A : memref<!tpu.dma_semaphore, #tpu.memory_space<semaphore_mem>>)
      %dma_wait3A_921 = arith.constant 0 : i32
      %dma_wait3A_922 = tpu.memref_slice %arg22[%multiple_of3A_360, %dma_wait3A_921] : memref<10000x128xf32, #tpu.memory_space<vmem_shared>> -> memref<8x128xf32, #tpu.memory_space<vmem_shared>>
      %dma_wait3A_923 = arith.constant 0 : i32
      %dma_wait3A_924 = tpu.memref_slice %arg22[%multiple_of3A_360, %dma_wait3A_923] : memref<10000x128xf32, #tpu.memory_space<vmem_shared>> -> memref<8x128xf32, #tpu.memory_space<vmem_shared>>
      tpu.wait_dma2 semaphore(%run_scoped3A : memref<!tpu.dma_semaphore, #tpu.memory_space<semaphore_mem>>) src(%arg17 : memref<8x128xf32, #tpu.memory_space<vmem>>) dst(%dma_wait3A_924 : memref<8x128xf32, #tpu.memory_space<vmem_shared>>)
      tpu.yield
    }) : () -> ()
    %mul3A_361 = arith.constant 624 : i32
    %mul3A_362 = arith.muli %arg1, %mul3A_361 : i32
    %add3A_363 = arith.constant 160 : i32
    %add3A_364 = arith.addi %mul3A_362, %add3A_363 : i32
    %multiple_of3A_365 = tpu.assume_multiple %add3A_364, 8 : i32
    "tpu.region"() ({
      %run_scoped3A = tpu.sem_alloc : memref<!tpu.dma_semaphore, #tpu.memory_space<semaphore_mem>>
      %dma_start3A_917 = arith.constant 0 : i32
      %dma_start3A_918 = tpu.memref_slice %arg22[%multiple_of3A_365, %dma_start3A_917] : memref<10000x128xf32, #tpu.memory_space<vmem_shared>> -> memref<8x128xf32, #tpu.memory_space<vmem_shared>>
      %dma_start3A_919 = arith.constant 0 : i32
      %dma_start3A_920 = tpu.memref_slice %arg22[%multiple_of3A_365, %dma_start3A_919] : memref<10000x128xf32, #tpu.memory_space<vmem_shared>> -> memref<8x128xf32, #tpu.memory_space<vmem_shared>>
      tpu.enqueue_dma source(%arg17 : memref<8x128xf32, #tpu.memory_space<vmem>>) target(%dma_start3A_920 : memref<8x128xf32, #tpu.memory_space<vmem_shared>>) target_semaphore(%run_scoped3A : memref<!tpu.dma_semaphore, #tpu.memory_space<semaphore_mem>>)
      %dma_wait3A_921 = arith.constant 0 : i32
      %dma_wait3A_922 = tpu.memref_slice %arg22[%multiple_of3A_365, %dma_wait3A_921] : memref<10000x128xf32, #tpu.memory_space<vmem_shared>> -> memref<8x128xf32, #tpu.memory_space<vmem_shared>>
      %dma_wait3A_923 = arith.constant 0 : i32
      %dma_wait3A_924 = tpu.memref_slice %arg22[%multiple_of3A_365, %dma_wait3A_923] : memref<10000x128xf32, #tpu.memory_space<vmem_shared>> -> memref<8x128xf32, #tpu.memory_space<vmem_shared>>
      tpu.wait_dma2 semaphore(%run_scoped3A : memref<!tpu.dma_semaphore, #tpu.memory_space<semaphore_mem>>) src(%arg17 : memref<8x128xf32, #tpu.memory_space<vmem>>) dst(%dma_wait3A_924 : memref<8x128xf32, #tpu.memory_space<vmem_shared>>)
      tpu.yield
    }) : () -> ()
    %mul3A_366 = arith.constant 624 : i32
    %mul3A_367 = arith.muli %arg1, %mul3A_366 : i32
    %add3A_368 = arith.constant 168 : i32
    %add3A_369 = arith.addi %mul3A_367, %add3A_368 : i32
    %multiple_of3A_370 = tpu.assume_multiple %add3A_369, 8 : i32
    "tpu.region"() ({
      %run_scoped3A = tpu.sem_alloc : memref<!tpu.dma_semaphore, #tpu.memory_space<semaphore_mem>>
      %dma_start3A_917 = arith.constant 0 : i32
      %dma_start3A_918 = tpu.memref_slice %arg22[%multiple_of3A_370, %dma_start3A_917] : memref<10000x128xf32, #tpu.memory_space<vmem_shared>> -> memref<8x128xf32, #tpu.memory_space<vmem_shared>>
      %dma_start3A_919 = arith.constant 0 : i32
      %dma_start3A_920 = tpu.memref_slice %arg22[%multiple_of3A_370, %dma_start3A_919] : memref<10000x128xf32, #tpu.memory_space<vmem_shared>> -> memref<8x128xf32, #tpu.memory_space<vmem_shared>>
      tpu.enqueue_dma source(%arg17 : memref<8x128xf32, #tpu.memory_space<vmem>>) target(%dma_start3A_920 : memref<8x128xf32, #tpu.memory_space<vmem_shared>>) target_semaphore(%run_scoped3A : memref<!tpu.dma_semaphore, #tpu.memory_space<semaphore_mem>>)
      %dma_wait3A_921 = arith.constant 0 : i32
      %dma_wait3A_922 = tpu.memref_slice %arg22[%multiple_of3A_370, %dma_wait3A_921] : memref<10000x128xf32, #tpu.memory_space<vmem_shared>> -> memref<8x128xf32, #tpu.memory_space<vmem_shared>>
      %dma_wait3A_923 = arith.constant 0 : i32
      %dma_wait3A_924 = tpu.memref_slice %arg22[%multiple_of3A_370, %dma_wait3A_923] : memref<10000x128xf32, #tpu.memory_space<vmem_shared>> -> memref<8x128xf32, #tpu.memory_space<vmem_shared>>
      tpu.wait_dma2 semaphore(%run_scoped3A : memref<!tpu.dma_semaphore, #tpu.memory_space<semaphore_mem>>) src(%arg17 : memref<8x128xf32, #tpu.memory_space<vmem>>) dst(%dma_wait3A_924 : memref<8x128xf32, #tpu.memory_space<vmem_shared>>)
      tpu.yield
    }) : () -> ()
    %mul3A_371 = arith.constant 624 : i32
    %mul3A_372 = arith.muli %arg1, %mul3A_371 : i32
    %add3A_373 = arith.constant 176 : i32
    %add3A_374 = arith.addi %mul3A_372, %add3A_373 : i32
    %multiple_of3A_375 = tpu.assume_multiple %add3A_374, 8 : i32
    "tpu.region"() ({
      %run_scoped3A = tpu.sem_alloc : memref<!tpu.dma_semaphore, #tpu.memory_space<semaphore_mem>>
      %dma_start3A_917 = arith.constant 0 : i32
      %dma_start3A_918 = tpu.memref_slice %arg22[%multiple_of3A_375, %dma_start3A_917] : memref<10000x128xf32, #tpu.memory_space<vmem_shared>> -> memref<8x128xf32, #tpu.memory_space<vmem_shared>>
      %dma_start3A_919 = arith.constant 0 : i32
      %dma_start3A_920 = tpu.memref_slice %arg22[%multiple_of3A_375, %dma_start3A_919] : memref<10000x128xf32, #tpu.memory_space<vmem_shared>> -> memref<8x128xf32, #tpu.memory_space<vmem_shared>>
      tpu.enqueue_dma source(%arg17 : memref<8x128xf32, #tpu.memory_space<vmem>>) target(%dma_start3A_920 : memref<8x128xf32, #tpu.memory_space<vmem_shared>>) target_semaphore(%run_scoped3A : memref<!tpu.dma_semaphore, #tpu.memory_space<semaphore_mem>>)
      %dma_wait3A_921 = arith.constant 0 : i32
      %dma_wait3A_922 = tpu.memref_slice %arg22[%multiple_of3A_375, %dma_wait3A_921] : memref<10000x128xf32, #tpu.memory_space<vmem_shared>> -> memref<8x128xf32, #tpu.memory_space<vmem_shared>>
      %dma_wait3A_923 = arith.constant 0 : i32
      %dma_wait3A_924 = tpu.memref_slice %arg22[%multiple_of3A_375, %dma_wait3A_923] : memref<10000x128xf32, #tpu.memory_space<vmem_shared>> -> memref<8x128xf32, #tpu.memory_space<vmem_shared>>
      tpu.wait_dma2 semaphore(%run_scoped3A : memref<!tpu.dma_semaphore, #tpu.memory_space<semaphore_mem>>) src(%arg17 : memref<8x128xf32, #tpu.memory_space<vmem>>) dst(%dma_wait3A_924 : memref<8x128xf32, #tpu.memory_space<vmem_shared>>)
      tpu.yield
    }) : () -> ()
    %mul3A_376 = arith.constant 624 : i32
    %mul3A_377 = arith.muli %arg1, %mul3A_376 : i32
    %add3A_378 = arith.constant 184 : i32
    %add3A_379 = arith.addi %mul3A_377, %add3A_378 : i32
    %multiple_of3A_380 = tpu.assume_multiple %add3A_379, 8 : i32
    "tpu.region"() ({
      %run_scoped3A = tpu.sem_alloc : memref<!tpu.dma_semaphore, #tpu.memory_space<semaphore_mem>>
      %dma_start3A_917 = arith.constant 0 : i32
      %dma_start3A_918 = tpu.memref_slice %arg22[%multiple_of3A_380, %dma_start3A_917] : memref<10000x128xf32, #tpu.memory_space<vmem_shared>> -> memref<8x128xf32, #tpu.memory_space<vmem_shared>>
      %dma_start3A_919 = arith.constant 0 : i32
      %dma_start3A_920 = tpu.memref_slice %arg22[%multiple_of3A_380, %dma_start3A_919] : memref<10000x128xf32, #tpu.memory_space<vmem_shared>> -> memref<8x128xf32, #tpu.memory_space<vmem_shared>>
      tpu.enqueue_dma source(%arg17 : memref<8x128xf32, #tpu.memory_space<vmem>>) target(%dma_start3A_920 : memref<8x128xf32, #tpu.memory_space<vmem_shared>>) target_semaphore(%run_scoped3A : memref<!tpu.dma_semaphore, #tpu.memory_space<semaphore_mem>>)
      %dma_wait3A_921 = arith.constant 0 : i32
      %dma_wait3A_922 = tpu.memref_slice %arg22[%multiple_of3A_380, %dma_wait3A_921] : memref<10000x128xf32, #tpu.memory_space<vmem_shared>> -> memref<8x128xf32, #tpu.memory_space<vmem_shared>>
      %dma_wait3A_923 = arith.constant 0 : i32
      %dma_wait3A_924 = tpu.memref_slice %arg22[%multiple_of3A_380, %dma_wait3A_923] : memref<10000x128xf32, #tpu.memory_space<vmem_shared>> -> memref<8x128xf32, #tpu.memory_space<vmem_shared>>
      tpu.wait_dma2 semaphore(%run_scoped3A : memref<!tpu.dma_semaphore, #tpu.memory_space<semaphore_mem>>) src(%arg17 : memref<8x128xf32, #tpu.memory_space<vmem>>) dst(%dma_wait3A_924 : memref<8x128xf32, #tpu.memory_space<vmem_shared>>)
      tpu.yield
    }) : () -> ()
    %mul3A_381 = arith.constant 624 : i32
    %mul3A_382 = arith.muli %arg1, %mul3A_381 : i32
    %add3A_383 = arith.constant 192 : i32
    %add3A_384 = arith.addi %mul3A_382, %add3A_383 : i32
    %multiple_of3A_385 = tpu.assume_multiple %add3A_384, 8 : i32
    "tpu.region"() ({
      %run_scoped3A = tpu.sem_alloc : memref<!tpu.dma_semaphore, #tpu.memory_space<semaphore_mem>>
      %dma_start3A_917 = arith.constant 0 : i32
      %dma_start3A_918 = tpu.memref_slice %arg22[%multiple_of3A_385, %dma_start3A_917] : memref<10000x128xf32, #tpu.memory_space<vmem_shared>> -> memref<8x128xf32, #tpu.memory_space<vmem_shared>>
      %dma_start3A_919 = arith.constant 0 : i32
      %dma_start3A_920 = tpu.memref_slice %arg22[%multiple_of3A_385, %dma_start3A_919] : memref<10000x128xf32, #tpu.memory_space<vmem_shared>> -> memref<8x128xf32, #tpu.memory_space<vmem_shared>>
      tpu.enqueue_dma source(%arg17 : memref<8x128xf32, #tpu.memory_space<vmem>>) target(%dma_start3A_920 : memref<8x128xf32, #tpu.memory_space<vmem_shared>>) target_semaphore(%run_scoped3A : memref<!tpu.dma_semaphore, #tpu.memory_space<semaphore_mem>>)
      %dma_wait3A_921 = arith.constant 0 : i32
      %dma_wait3A_922 = tpu.memref_slice %arg22[%multiple_of3A_385, %dma_wait3A_921] : memref<10000x128xf32, #tpu.memory_space<vmem_shared>> -> memref<8x128xf32, #tpu.memory_space<vmem_shared>>
      %dma_wait3A_923 = arith.constant 0 : i32
      %dma_wait3A_924 = tpu.memref_slice %arg22[%multiple_of3A_385, %dma_wait3A_923] : memref<10000x128xf32, #tpu.memory_space<vmem_shared>> -> memref<8x128xf32, #tpu.memory_space<vmem_shared>>
      tpu.wait_dma2 semaphore(%run_scoped3A : memref<!tpu.dma_semaphore, #tpu.memory_space<semaphore_mem>>) src(%arg17 : memref<8x128xf32, #tpu.memory_space<vmem>>) dst(%dma_wait3A_924 : memref<8x128xf32, #tpu.memory_space<vmem_shared>>)
      tpu.yield
    }) : () -> ()
    %mul3A_386 = arith.constant 624 : i32
    %mul3A_387 = arith.muli %arg1, %mul3A_386 : i32
    %add3A_388 = arith.constant 200 : i32
    %add3A_389 = arith.addi %mul3A_387, %add3A_388 : i32
    %multiple_of3A_390 = tpu.assume_multiple %add3A_389, 8 : i32
    "tpu.region"() ({
      %run_scoped3A = tpu.sem_alloc : memref<!tpu.dma_semaphore, #tpu.memory_space<semaphore_mem>>
      %dma_start3A_917 = arith.constant 0 : i32
      %dma_start3A_918 = tpu.memref_slice %arg22[%multiple_of3A_390, %dma_start3A_917] : memref<10000x128xf32, #tpu.memory_space<vmem_shared>> -> memref<8x128xf32, #tpu.memory_space<vmem_shared>>
      %dma_start3A_919 = arith.constant 0 : i32
      %dma_start3A_920 = tpu.memref_slice %arg22[%multiple_of3A_390, %dma_start3A_919] : memref<10000x128xf32, #tpu.memory_space<vmem_shared>> -> memref<8x128xf32, #tpu.memory_space<vmem_shared>>
      tpu.enqueue_dma source(%arg17 : memref<8x128xf32, #tpu.memory_space<vmem>>) target(%dma_start3A_920 : memref<8x128xf32, #tpu.memory_space<vmem_shared>>) target_semaphore(%run_scoped3A : memref<!tpu.dma_semaphore, #tpu.memory_space<semaphore_mem>>)
      %dma_wait3A_921 = arith.constant 0 : i32
      %dma_wait3A_922 = tpu.memref_slice %arg22[%multiple_of3A_390, %dma_wait3A_921] : memref<10000x128xf32, #tpu.memory_space<vmem_shared>> -> memref<8x128xf32, #tpu.memory_space<vmem_shared>>
      %dma_wait3A_923 = arith.constant 0 : i32
      %dma_wait3A_924 = tpu.memref_slice %arg22[%multiple_of3A_390, %dma_wait3A_923] : memref<10000x128xf32, #tpu.memory_space<vmem_shared>> -> memref<8x128xf32, #tpu.memory_space<vmem_shared>>
      tpu.wait_dma2 semaphore(%run_scoped3A : memref<!tpu.dma_semaphore, #tpu.memory_space<semaphore_mem>>) src(%arg17 : memref<8x128xf32, #tpu.memory_space<vmem>>) dst(%dma_wait3A_924 : memref<8x128xf32, #tpu.memory_space<vmem_shared>>)
      tpu.yield
    }) : () -> ()
    %mul3A_391 = arith.constant 624 : i32
    %mul3A_392 = arith.muli %arg1, %mul3A_391 : i32
    %add3A_393 = arith.constant 208 : i32
    %add3A_394 = arith.addi %mul3A_392, %add3A_393 : i32
    %multiple_of3A_395 = tpu.assume_multiple %add3A_394, 8 : i32
    "tpu.region"() ({
      %run_scoped3A = tpu.sem_alloc : memref<!tpu.dma_semaphore, #tpu.memory_space<semaphore_mem>>
      %dma_start3A_917 = arith.constant 0 : i32
      %dma_start3A_918 = tpu.memref_slice %arg22[%multiple_of3A_395, %dma_start3A_917] : memref<10000x128xf32, #tpu.memory_space<vmem_shared>> -> memref<8x128xf32, #tpu.memory_space<vmem_shared>>
      %dma_start3A_919 = arith.constant 0 : i32
      %dma_start3A_920 = tpu.memref_slice %arg22[%multiple_of3A_395, %dma_start3A_919] : memref<10000x128xf32, #tpu.memory_space<vmem_shared>> -> memref<8x128xf32, #tpu.memory_space<vmem_shared>>
      tpu.enqueue_dma source(%arg17 : memref<8x128xf32, #tpu.memory_space<vmem>>) target(%dma_start3A_920 : memref<8x128xf32, #tpu.memory_space<vmem_shared>>) target_semaphore(%run_scoped3A : memref<!tpu.dma_semaphore, #tpu.memory_space<semaphore_mem>>)
      %dma_wait3A_921 = arith.constant 0 : i32
      %dma_wait3A_922 = tpu.memref_slice %arg22[%multiple_of3A_395, %dma_wait3A_921] : memref<10000x128xf32, #tpu.memory_space<vmem_shared>> -> memref<8x128xf32, #tpu.memory_space<vmem_shared>>
      %dma_wait3A_923 = arith.constant 0 : i32
      %dma_wait3A_924 = tpu.memref_slice %arg22[%multiple_of3A_395, %dma_wait3A_923] : memref<10000x128xf32, #tpu.memory_space<vmem_shared>> -> memref<8x128xf32, #tpu.memory_space<vmem_shared>>
      tpu.wait_dma2 semaphore(%run_scoped3A : memref<!tpu.dma_semaphore, #tpu.memory_space<semaphore_mem>>) src(%arg17 : memref<8x128xf32, #tpu.memory_space<vmem>>) dst(%dma_wait3A_924 : memref<8x128xf32, #tpu.memory_space<vmem_shared>>)
      tpu.yield
    }) : () -> ()
    %mul3A_396 = arith.constant 624 : i32
    %mul3A_397 = arith.muli %arg1, %mul3A_396 : i32
    %add3A_398 = arith.constant 216 : i32
    %add3A_399 = arith.addi %mul3A_397, %add3A_398 : i32
    %multiple_of3A_400 = tpu.assume_multiple %add3A_399, 8 : i32
    "tpu.region"() ({
      %run_scoped3A = tpu.sem_alloc : memref<!tpu.dma_semaphore, #tpu.memory_space<semaphore_mem>>
      %dma_start3A_917 = arith.constant 0 : i32
      %dma_start3A_918 = tpu.memref_slice %arg22[%multiple_of3A_400, %dma_start3A_917] : memref<10000x128xf32, #tpu.memory_space<vmem_shared>> -> memref<8x128xf32, #tpu.memory_space<vmem_shared>>
      %dma_start3A_919 = arith.constant 0 : i32
      %dma_start3A_920 = tpu.memref_slice %arg22[%multiple_of3A_400, %dma_start3A_919] : memref<10000x128xf32, #tpu.memory_space<vmem_shared>> -> memref<8x128xf32, #tpu.memory_space<vmem_shared>>
      tpu.enqueue_dma source(%arg17 : memref<8x128xf32, #tpu.memory_space<vmem>>) target(%dma_start3A_920 : memref<8x128xf32, #tpu.memory_space<vmem_shared>>) target_semaphore(%run_scoped3A : memref<!tpu.dma_semaphore, #tpu.memory_space<semaphore_mem>>)
      %dma_wait3A_921 = arith.constant 0 : i32
      %dma_wait3A_922 = tpu.memref_slice %arg22[%multiple_of3A_400, %dma_wait3A_921] : memref<10000x128xf32, #tpu.memory_space<vmem_shared>> -> memref<8x128xf32, #tpu.memory_space<vmem_shared>>
      %dma_wait3A_923 = arith.constant 0 : i32
      %dma_wait3A_924 = tpu.memref_slice %arg22[%multiple_of3A_400, %dma_wait3A_923] : memref<10000x128xf32, #tpu.memory_space<vmem_shared>> -> memref<8x128xf32, #tpu.memory_space<vmem_shared>>
      tpu.wait_dma2 semaphore(%run_scoped3A : memref<!tpu.dma_semaphore, #tpu.memory_space<semaphore_mem>>) src(%arg17 : memref<8x128xf32, #tpu.memory_space<vmem>>) dst(%dma_wait3A_924 : memref<8x128xf32, #tpu.memory_space<vmem_shared>>)
      tpu.yield
    }) : () -> ()
    %mul3A_401 = arith.constant 624 : i32
    %mul3A_402 = arith.muli %arg1, %mul3A_401 : i32
    %add3A_403 = arith.constant 224 : i32
    %add3A_404 = arith.addi %mul3A_402, %add3A_403 : i32
    %multiple_of3A_405 = tpu.assume_multiple %add3A_404, 8 : i32
    "tpu.region"() ({
      %run_scoped3A = tpu.sem_alloc : memref<!tpu.dma_semaphore, #tpu.memory_space<semaphore_mem>>
      %dma_start3A_917 = arith.constant 0 : i32
      %dma_start3A_918 = tpu.memref_slice %arg22[%multiple_of3A_405, %dma_start3A_917] : memref<10000x128xf32, #tpu.memory_space<vmem_shared>> -> memref<8x128xf32, #tpu.memory_space<vmem_shared>>
      %dma_start3A_919 = arith.constant 0 : i32
      %dma_start3A_920 = tpu.memref_slice %arg22[%multiple_of3A_405, %dma_start3A_919] : memref<10000x128xf32, #tpu.memory_space<vmem_shared>> -> memref<8x128xf32, #tpu.memory_space<vmem_shared>>
      tpu.enqueue_dma source(%arg17 : memref<8x128xf32, #tpu.memory_space<vmem>>) target(%dma_start3A_920 : memref<8x128xf32, #tpu.memory_space<vmem_shared>>) target_semaphore(%run_scoped3A : memref<!tpu.dma_semaphore, #tpu.memory_space<semaphore_mem>>)
      %dma_wait3A_921 = arith.constant 0 : i32
      %dma_wait3A_922 = tpu.memref_slice %arg22[%multiple_of3A_405, %dma_wait3A_921] : memref<10000x128xf32, #tpu.memory_space<vmem_shared>> -> memref<8x128xf32, #tpu.memory_space<vmem_shared>>
      %dma_wait3A_923 = arith.constant 0 : i32
      %dma_wait3A_924 = tpu.memref_slice %arg22[%multiple_of3A_405, %dma_wait3A_923] : memref<10000x128xf32, #tpu.memory_space<vmem_shared>> -> memref<8x128xf32, #tpu.memory_space<vmem_shared>>
      tpu.wait_dma2 semaphore(%run_scoped3A : memref<!tpu.dma_semaphore, #tpu.memory_space<semaphore_mem>>) src(%arg17 : memref<8x128xf32, #tpu.memory_space<vmem>>) dst(%dma_wait3A_924 : memref<8x128xf32, #tpu.memory_space<vmem_shared>>)
      tpu.yield
    }) : () -> ()
    %mul3A_406 = arith.constant 624 : i32
    %mul3A_407 = arith.muli %arg1, %mul3A_406 : i32
    %add3A_408 = arith.constant 232 : i32
    %add3A_409 = arith.addi %mul3A_407, %add3A_408 : i32
    %multiple_of3A_410 = tpu.assume_multiple %add3A_409, 8 : i32
    "tpu.region"() ({
      %run_scoped3A = tpu.sem_alloc : memref<!tpu.dma_semaphore, #tpu.memory_space<semaphore_mem>>
      %dma_start3A_917 = arith.constant 0 : i32
      %dma_start3A_918 = tpu.memref_slice %arg22[%multiple_of3A_410, %dma_start3A_917] : memref<10000x128xf32, #tpu.memory_space<vmem_shared>> -> memref<8x128xf32, #tpu.memory_space<vmem_shared>>
      %dma_start3A_919 = arith.constant 0 : i32
      %dma_start3A_920 = tpu.memref_slice %arg22[%multiple_of3A_410, %dma_start3A_919] : memref<10000x128xf32, #tpu.memory_space<vmem_shared>> -> memref<8x128xf32, #tpu.memory_space<vmem_shared>>
      tpu.enqueue_dma source(%arg17 : memref<8x128xf32, #tpu.memory_space<vmem>>) target(%dma_start3A_920 : memref<8x128xf32, #tpu.memory_space<vmem_shared>>) target_semaphore(%run_scoped3A : memref<!tpu.dma_semaphore, #tpu.memory_space<semaphore_mem>>)
      %dma_wait3A_921 = arith.constant 0 : i32
      %dma_wait3A_922 = tpu.memref_slice %arg22[%multiple_of3A_410, %dma_wait3A_921] : memref<10000x128xf32, #tpu.memory_space<vmem_shared>> -> memref<8x128xf32, #tpu.memory_space<vmem_shared>>
      %dma_wait3A_923 = arith.constant 0 : i32
      %dma_wait3A_924 = tpu.memref_slice %arg22[%multiple_of3A_410, %dma_wait3A_923] : memref<10000x128xf32, #tpu.memory_space<vmem_shared>> -> memref<8x128xf32, #tpu.memory_space<vmem_shared>>
      tpu.wait_dma2 semaphore(%run_scoped3A : memref<!tpu.dma_semaphore, #tpu.memory_space<semaphore_mem>>) src(%arg17 : memref<8x128xf32, #tpu.memory_space<vmem>>) dst(%dma_wait3A_924 : memref<8x128xf32, #tpu.memory_space<vmem_shared>>)
      tpu.yield
    }) : () -> ()
    %mul3A_411 = arith.constant 624 : i32
    %mul3A_412 = arith.muli %arg1, %mul3A_411 : i32
    %add3A_413 = arith.constant 240 : i32
    %add3A_414 = arith.addi %mul3A_412, %add3A_413 : i32
    %multiple_of3A_415 = tpu.assume_multiple %add3A_414, 8 : i32
    "tpu.region"() ({
      %run_scoped3A = tpu.sem_alloc : memref<!tpu.dma_semaphore, #tpu.memory_space<semaphore_mem>>
      %dma_start3A_917 = arith.constant 0 : i32
      %dma_start3A_918 = tpu.memref_slice %arg22[%multiple_of3A_415, %dma_start3A_917] : memref<10000x128xf32, #tpu.memory_space<vmem_shared>> -> memref<8x128xf32, #tpu.memory_space<vmem_shared>>
      %dma_start3A_919 = arith.constant 0 : i32
      %dma_start3A_920 = tpu.memref_slice %arg22[%multiple_of3A_415, %dma_start3A_919] : memref<10000x128xf32, #tpu.memory_space<vmem_shared>> -> memref<8x128xf32, #tpu.memory_space<vmem_shared>>
      tpu.enqueue_dma source(%arg17 : memref<8x128xf32, #tpu.memory_space<vmem>>) target(%dma_start3A_920 : memref<8x128xf32, #tpu.memory_space<vmem_shared>>) target_semaphore(%run_scoped3A : memref<!tpu.dma_semaphore, #tpu.memory_space<semaphore_mem>>)
      %dma_wait3A_921 = arith.constant 0 : i32
      %dma_wait3A_922 = tpu.memref_slice %arg22[%multiple_of3A_415, %dma_wait3A_921] : memref<10000x128xf32, #tpu.memory_space<vmem_shared>> -> memref<8x128xf32, #tpu.memory_space<vmem_shared>>
      %dma_wait3A_923 = arith.constant 0 : i32
      %dma_wait3A_924 = tpu.memref_slice %arg22[%multiple_of3A_415, %dma_wait3A_923] : memref<10000x128xf32, #tpu.memory_space<vmem_shared>> -> memref<8x128xf32, #tpu.memory_space<vmem_shared>>
      tpu.wait_dma2 semaphore(%run_scoped3A : memref<!tpu.dma_semaphore, #tpu.memory_space<semaphore_mem>>) src(%arg17 : memref<8x128xf32, #tpu.memory_space<vmem>>) dst(%dma_wait3A_924 : memref<8x128xf32, #tpu.memory_space<vmem_shared>>)
      tpu.yield
    }) : () -> ()
    %mul3A_416 = arith.constant 624 : i32
    %mul3A_417 = arith.muli %arg1, %mul3A_416 : i32
    %add3A_418 = arith.constant 248 : i32
    %add3A_419 = arith.addi %mul3A_417, %add3A_418 : i32
    %multiple_of3A_420 = tpu.assume_multiple %add3A_419, 8 : i32
    "tpu.region"() ({
      %run_scoped3A = tpu.sem_alloc : memref<!tpu.dma_semaphore, #tpu.memory_space<semaphore_mem>>
      %dma_start3A_917 = arith.constant 0 : i32
      %dma_start3A_918 = tpu.memref_slice %arg22[%multiple_of3A_420, %dma_start3A_917] : memref<10000x128xf32, #tpu.memory_space<vmem_shared>> -> memref<8x128xf32, #tpu.memory_space<vmem_shared>>
      %dma_start3A_919 = arith.constant 0 : i32
      %dma_start3A_920 = tpu.memref_slice %arg22[%multiple_of3A_420, %dma_start3A_919] : memref<10000x128xf32, #tpu.memory_space<vmem_shared>> -> memref<8x128xf32, #tpu.memory_space<vmem_shared>>
      tpu.enqueue_dma source(%arg17 : memref<8x128xf32, #tpu.memory_space<vmem>>) target(%dma_start3A_920 : memref<8x128xf32, #tpu.memory_space<vmem_shared>>) target_semaphore(%run_scoped3A : memref<!tpu.dma_semaphore, #tpu.memory_space<semaphore_mem>>)
      %dma_wait3A_921 = arith.constant 0 : i32
      %dma_wait3A_922 = tpu.memref_slice %arg22[%multiple_of3A_420, %dma_wait3A_921] : memref<10000x128xf32, #tpu.memory_space<vmem_shared>> -> memref<8x128xf32, #tpu.memory_space<vmem_shared>>
      %dma_wait3A_923 = arith.constant 0 : i32
      %dma_wait3A_924 = tpu.memref_slice %arg22[%multiple_of3A_420, %dma_wait3A_923] : memref<10000x128xf32, #tpu.memory_space<vmem_shared>> -> memref<8x128xf32, #tpu.memory_space<vmem_shared>>
      tpu.wait_dma2 semaphore(%run_scoped3A : memref<!tpu.dma_semaphore, #tpu.memory_space<semaphore_mem>>) src(%arg17 : memref<8x128xf32, #tpu.memory_space<vmem>>) dst(%dma_wait3A_924 : memref<8x128xf32, #tpu.memory_space<vmem_shared>>)
      tpu.yield
    }) : () -> ()
    %mul3A_421 = arith.constant 624 : i32
    %mul3A_422 = arith.muli %arg1, %mul3A_421 : i32
    %add3A_423 = arith.constant 256 : i32
    %add3A_424 = arith.addi %mul3A_422, %add3A_423 : i32
    %multiple_of3A_425 = tpu.assume_multiple %add3A_424, 8 : i32
    "tpu.region"() ({
      %run_scoped3A = tpu.sem_alloc : memref<!tpu.dma_semaphore, #tpu.memory_space<semaphore_mem>>
      %dma_start3A_917 = arith.constant 0 : i32
      %dma_start3A_918 = tpu.memref_slice %arg22[%multiple_of3A_425, %dma_start3A_917] : memref<10000x128xf32, #tpu.memory_space<vmem_shared>> -> memref<8x128xf32, #tpu.memory_space<vmem_shared>>
      %dma_start3A_919 = arith.constant 0 : i32
      %dma_start3A_920 = tpu.memref_slice %arg22[%multiple_of3A_425, %dma_start3A_919] : memref<10000x128xf32, #tpu.memory_space<vmem_shared>> -> memref<8x128xf32, #tpu.memory_space<vmem_shared>>
      tpu.enqueue_dma source(%arg17 : memref<8x128xf32, #tpu.memory_space<vmem>>) target(%dma_start3A_920 : memref<8x128xf32, #tpu.memory_space<vmem_shared>>) target_semaphore(%run_scoped3A : memref<!tpu.dma_semaphore, #tpu.memory_space<semaphore_mem>>)
      %dma_wait3A_921 = arith.constant 0 : i32
      %dma_wait3A_922 = tpu.memref_slice %arg22[%multiple_of3A_425, %dma_wait3A_921] : memref<10000x128xf32, #tpu.memory_space<vmem_shared>> -> memref<8x128xf32, #tpu.memory_space<vmem_shared>>
      %dma_wait3A_923 = arith.constant 0 : i32
      %dma_wait3A_924 = tpu.memref_slice %arg22[%multiple_of3A_425, %dma_wait3A_923] : memref<10000x128xf32, #tpu.memory_space<vmem_shared>> -> memref<8x128xf32, #tpu.memory_space<vmem_shared>>
      tpu.wait_dma2 semaphore(%run_scoped3A : memref<!tpu.dma_semaphore, #tpu.memory_space<semaphore_mem>>) src(%arg17 : memref<8x128xf32, #tpu.memory_space<vmem>>) dst(%dma_wait3A_924 : memref<8x128xf32, #tpu.memory_space<vmem_shared>>)
      tpu.yield
    }) : () -> ()
    %mul3A_426 = arith.constant 624 : i32
    %mul3A_427 = arith.muli %arg1, %mul3A_426 : i32
    %add3A_428 = arith.constant 264 : i32
    %add3A_429 = arith.addi %mul3A_427, %add3A_428 : i32
    %multiple_of3A_430 = tpu.assume_multiple %add3A_429, 8 : i32
    "tpu.region"() ({
      %run_scoped3A = tpu.sem_alloc : memref<!tpu.dma_semaphore, #tpu.memory_space<semaphore_mem>>
      %dma_start3A_917 = arith.constant 0 : i32
      %dma_start3A_918 = tpu.memref_slice %arg22[%multiple_of3A_430, %dma_start3A_917] : memref<10000x128xf32, #tpu.memory_space<vmem_shared>> -> memref<8x128xf32, #tpu.memory_space<vmem_shared>>
      %dma_start3A_919 = arith.constant 0 : i32
      %dma_start3A_920 = tpu.memref_slice %arg22[%multiple_of3A_430, %dma_start3A_919] : memref<10000x128xf32, #tpu.memory_space<vmem_shared>> -> memref<8x128xf32, #tpu.memory_space<vmem_shared>>
      tpu.enqueue_dma source(%arg17 : memref<8x128xf32, #tpu.memory_space<vmem>>) target(%dma_start3A_920 : memref<8x128xf32, #tpu.memory_space<vmem_shared>>) target_semaphore(%run_scoped3A : memref<!tpu.dma_semaphore, #tpu.memory_space<semaphore_mem>>)
      %dma_wait3A_921 = arith.constant 0 : i32
      %dma_wait3A_922 = tpu.memref_slice %arg22[%multiple_of3A_430, %dma_wait3A_921] : memref<10000x128xf32, #tpu.memory_space<vmem_shared>> -> memref<8x128xf32, #tpu.memory_space<vmem_shared>>
      %dma_wait3A_923 = arith.constant 0 : i32
      %dma_wait3A_924 = tpu.memref_slice %arg22[%multiple_of3A_430, %dma_wait3A_923] : memref<10000x128xf32, #tpu.memory_space<vmem_shared>> -> memref<8x128xf32, #tpu.memory_space<vmem_shared>>
      tpu.wait_dma2 semaphore(%run_scoped3A : memref<!tpu.dma_semaphore, #tpu.memory_space<semaphore_mem>>) src(%arg17 : memref<8x128xf32, #tpu.memory_space<vmem>>) dst(%dma_wait3A_924 : memref<8x128xf32, #tpu.memory_space<vmem_shared>>)
      tpu.yield
    }) : () -> ()
    %mul3A_431 = arith.constant 624 : i32
    %mul3A_432 = arith.muli %arg1, %mul3A_431 : i32
    %add3A_433 = arith.constant 272 : i32
    %add3A_434 = arith.addi %mul3A_432, %add3A_433 : i32
    %multiple_of3A_435 = tpu.assume_multiple %add3A_434, 8 : i32
    "tpu.region"() ({
      %run_scoped3A = tpu.sem_alloc : memref<!tpu.dma_semaphore, #tpu.memory_space<semaphore_mem>>
      %dma_start3A_917 = arith.constant 0 : i32
      %dma_start3A_918 = tpu.memref_slice %arg22[%multiple_of3A_435, %dma_start3A_917] : memref<10000x128xf32, #tpu.memory_space<vmem_shared>> -> memref<8x128xf32, #tpu.memory_space<vmem_shared>>
      %dma_start3A_919 = arith.constant 0 : i32
      %dma_start3A_920 = tpu.memref_slice %arg22[%multiple_of3A_435, %dma_start3A_919] : memref<10000x128xf32, #tpu.memory_space<vmem_shared>> -> memref<8x128xf32, #tpu.memory_space<vmem_shared>>
      tpu.enqueue_dma source(%arg17 : memref<8x128xf32, #tpu.memory_space<vmem>>) target(%dma_start3A_920 : memref<8x128xf32, #tpu.memory_space<vmem_shared>>) target_semaphore(%run_scoped3A : memref<!tpu.dma_semaphore, #tpu.memory_space<semaphore_mem>>)
      %dma_wait3A_921 = arith.constant 0 : i32
      %dma_wait3A_922 = tpu.memref_slice %arg22[%multiple_of3A_435, %dma_wait3A_921] : memref<10000x128xf32, #tpu.memory_space<vmem_shared>> -> memref<8x128xf32, #tpu.memory_space<vmem_shared>>
      %dma_wait3A_923 = arith.constant 0 : i32
      %dma_wait3A_924 = tpu.memref_slice %arg22[%multiple_of3A_435, %dma_wait3A_923] : memref<10000x128xf32, #tpu.memory_space<vmem_shared>> -> memref<8x128xf32, #tpu.memory_space<vmem_shared>>
      tpu.wait_dma2 semaphore(%run_scoped3A : memref<!tpu.dma_semaphore, #tpu.memory_space<semaphore_mem>>) src(%arg17 : memref<8x128xf32, #tpu.memory_space<vmem>>) dst(%dma_wait3A_924 : memref<8x128xf32, #tpu.memory_space<vmem_shared>>)
      tpu.yield
    }) : () -> ()
    %mul3A_436 = arith.constant 624 : i32
    %mul3A_437 = arith.muli %arg1, %mul3A_436 : i32
    %add3A_438 = arith.constant 280 : i32
    %add3A_439 = arith.addi %mul3A_437, %add3A_438 : i32
    %multiple_of3A_440 = tpu.assume_multiple %add3A_439, 8 : i32
    "tpu.region"() ({
      %run_scoped3A = tpu.sem_alloc : memref<!tpu.dma_semaphore, #tpu.memory_space<semaphore_mem>>
      %dma_start3A_917 = arith.constant 0 : i32
      %dma_start3A_918 = tpu.memref_slice %arg22[%multiple_of3A_440, %dma_start3A_917] : memref<10000x128xf32, #tpu.memory_space<vmem_shared>> -> memref<8x128xf32, #tpu.memory_space<vmem_shared>>
      %dma_start3A_919 = arith.constant 0 : i32
      %dma_start3A_920 = tpu.memref_slice %arg22[%multiple_of3A_440, %dma_start3A_919] : memref<10000x128xf32, #tpu.memory_space<vmem_shared>> -> memref<8x128xf32, #tpu.memory_space<vmem_shared>>
      tpu.enqueue_dma source(%arg17 : memref<8x128xf32, #tpu.memory_space<vmem>>) target(%dma_start3A_920 : memref<8x128xf32, #tpu.memory_space<vmem_shared>>) target_semaphore(%run_scoped3A : memref<!tpu.dma_semaphore, #tpu.memory_space<semaphore_mem>>)
      %dma_wait3A_921 = arith.constant 0 : i32
      %dma_wait3A_922 = tpu.memref_slice %arg22[%multiple_of3A_440, %dma_wait3A_921] : memref<10000x128xf32, #tpu.memory_space<vmem_shared>> -> memref<8x128xf32, #tpu.memory_space<vmem_shared>>
      %dma_wait3A_923 = arith.constant 0 : i32
      %dma_wait3A_924 = tpu.memref_slice %arg22[%multiple_of3A_440, %dma_wait3A_923] : memref<10000x128xf32, #tpu.memory_space<vmem_shared>> -> memref<8x128xf32, #tpu.memory_space<vmem_shared>>
      tpu.wait_dma2 semaphore(%run_scoped3A : memref<!tpu.dma_semaphore, #tpu.memory_space<semaphore_mem>>) src(%arg17 : memref<8x128xf32, #tpu.memory_space<vmem>>) dst(%dma_wait3A_924 : memref<8x128xf32, #tpu.memory_space<vmem_shared>>)
      tpu.yield
    }) : () -> ()
    %mul3A_441 = arith.constant 624 : i32
    %mul3A_442 = arith.muli %arg1, %mul3A_441 : i32
    %add3A_443 = arith.constant 288 : i32
    %add3A_444 = arith.addi %mul3A_442, %add3A_443 : i32
    %multiple_of3A_445 = tpu.assume_multiple %add3A_444, 8 : i32
    "tpu.region"() ({
      %run_scoped3A = tpu.sem_alloc : memref<!tpu.dma_semaphore, #tpu.memory_space<semaphore_mem>>
      %dma_start3A_917 = arith.constant 0 : i32
      %dma_start3A_918 = tpu.memref_slice %arg22[%multiple_of3A_445, %dma_start3A_917] : memref<10000x128xf32, #tpu.memory_space<vmem_shared>> -> memref<8x128xf32, #tpu.memory_space<vmem_shared>>
      %dma_start3A_919 = arith.constant 0 : i32
      %dma_start3A_920 = tpu.memref_slice %arg22[%multiple_of3A_445, %dma_start3A_919] : memref<10000x128xf32, #tpu.memory_space<vmem_shared>> -> memref<8x128xf32, #tpu.memory_space<vmem_shared>>
      tpu.enqueue_dma source(%arg17 : memref<8x128xf32, #tpu.memory_space<vmem>>) target(%dma_start3A_920 : memref<8x128xf32, #tpu.memory_space<vmem_shared>>) target_semaphore(%run_scoped3A : memref<!tpu.dma_semaphore, #tpu.memory_space<semaphore_mem>>)
      %dma_wait3A_921 = arith.constant 0 : i32
      %dma_wait3A_922 = tpu.memref_slice %arg22[%multiple_of3A_445, %dma_wait3A_921] : memref<10000x128xf32, #tpu.memory_space<vmem_shared>> -> memref<8x128xf32, #tpu.memory_space<vmem_shared>>
      %dma_wait3A_923 = arith.constant 0 : i32
      %dma_wait3A_924 = tpu.memref_slice %arg22[%multiple_of3A_445, %dma_wait3A_923] : memref<10000x128xf32, #tpu.memory_space<vmem_shared>> -> memref<8x128xf32, #tpu.memory_space<vmem_shared>>
      tpu.wait_dma2 semaphore(%run_scoped3A : memref<!tpu.dma_semaphore, #tpu.memory_space<semaphore_mem>>) src(%arg17 : memref<8x128xf32, #tpu.memory_space<vmem>>) dst(%dma_wait3A_924 : memref<8x128xf32, #tpu.memory_space<vmem_shared>>)
      tpu.yield
    }) : () -> ()
    %mul3A_446 = arith.constant 624 : i32
    %mul3A_447 = arith.muli %arg1, %mul3A_446 : i32
    %add3A_448 = arith.constant 296 : i32
    %add3A_449 = arith.addi %mul3A_447, %add3A_448 : i32
    %multiple_of3A_450 = tpu.assume_multiple %add3A_449, 8 : i32
    "tpu.region"() ({
      %run_scoped3A = tpu.sem_alloc : memref<!tpu.dma_semaphore, #tpu.memory_space<semaphore_mem>>
      %dma_start3A_917 = arith.constant 0 : i32
      %dma_start3A_918 = tpu.memref_slice %arg22[%multiple_of3A_450, %dma_start3A_917] : memref<10000x128xf32, #tpu.memory_space<vmem_shared>> -> memref<8x128xf32, #tpu.memory_space<vmem_shared>>
      %dma_start3A_919 = arith.constant 0 : i32
      %dma_start3A_920 = tpu.memref_slice %arg22[%multiple_of3A_450, %dma_start3A_919] : memref<10000x128xf32, #tpu.memory_space<vmem_shared>> -> memref<8x128xf32, #tpu.memory_space<vmem_shared>>
      tpu.enqueue_dma source(%arg17 : memref<8x128xf32, #tpu.memory_space<vmem>>) target(%dma_start3A_920 : memref<8x128xf32, #tpu.memory_space<vmem_shared>>) target_semaphore(%run_scoped3A : memref<!tpu.dma_semaphore, #tpu.memory_space<semaphore_mem>>)
      %dma_wait3A_921 = arith.constant 0 : i32
      %dma_wait3A_922 = tpu.memref_slice %arg22[%multiple_of3A_450, %dma_wait3A_921] : memref<10000x128xf32, #tpu.memory_space<vmem_shared>> -> memref<8x128xf32, #tpu.memory_space<vmem_shared>>
      %dma_wait3A_923 = arith.constant 0 : i32
      %dma_wait3A_924 = tpu.memref_slice %arg22[%multiple_of3A_450, %dma_wait3A_923] : memref<10000x128xf32, #tpu.memory_space<vmem_shared>> -> memref<8x128xf32, #tpu.memory_space<vmem_shared>>
      tpu.wait_dma2 semaphore(%run_scoped3A : memref<!tpu.dma_semaphore, #tpu.memory_space<semaphore_mem>>) src(%arg17 : memref<8x128xf32, #tpu.memory_space<vmem>>) dst(%dma_wait3A_924 : memref<8x128xf32, #tpu.memory_space<vmem_shared>>)
      tpu.yield
    }) : () -> ()
    %mul3A_451 = arith.constant 624 : i32
    %mul3A_452 = arith.muli %arg1, %mul3A_451 : i32
    %add3A_453 = arith.constant 304 : i32
    %add3A_454 = arith.addi %mul3A_452, %add3A_453 : i32
    %multiple_of3A_455 = tpu.assume_multiple %add3A_454, 8 : i32
    "tpu.region"() ({
      %run_scoped3A = tpu.sem_alloc : memref<!tpu.dma_semaphore, #tpu.memory_space<semaphore_mem>>
      %dma_start3A_917 = arith.constant 0 : i32
      %dma_start3A_918 = tpu.memref_slice %arg22[%multiple_of3A_455, %dma_start3A_917] : memref<10000x128xf32, #tpu.memory_space<vmem_shared>> -> memref<8x128xf32, #tpu.memory_space<vmem_shared>>
      %dma_start3A_919 = arith.constant 0 : i32
      %dma_start3A_920 = tpu.memref_slice %arg22[%multiple_of3A_455, %dma_start3A_919] : memref<10000x128xf32, #tpu.memory_space<vmem_shared>> -> memref<8x128xf32, #tpu.memory_space<vmem_shared>>
      tpu.enqueue_dma source(%arg17 : memref<8x128xf32, #tpu.memory_space<vmem>>) target(%dma_start3A_920 : memref<8x128xf32, #tpu.memory_space<vmem_shared>>) target_semaphore(%run_scoped3A : memref<!tpu.dma_semaphore, #tpu.memory_space<semaphore_mem>>)
      %dma_wait3A_921 = arith.constant 0 : i32
      %dma_wait3A_922 = tpu.memref_slice %arg22[%multiple_of3A_455, %dma_wait3A_921] : memref<10000x128xf32, #tpu.memory_space<vmem_shared>> -> memref<8x128xf32, #tpu.memory_space<vmem_shared>>
      %dma_wait3A_923 = arith.constant 0 : i32
      %dma_wait3A_924 = tpu.memref_slice %arg22[%multiple_of3A_455, %dma_wait3A_923] : memref<10000x128xf32, #tpu.memory_space<vmem_shared>> -> memref<8x128xf32, #tpu.memory_space<vmem_shared>>
      tpu.wait_dma2 semaphore(%run_scoped3A : memref<!tpu.dma_semaphore, #tpu.memory_space<semaphore_mem>>) src(%arg17 : memref<8x128xf32, #tpu.memory_space<vmem>>) dst(%dma_wait3A_924 : memref<8x128xf32, #tpu.memory_space<vmem_shared>>)
      tpu.yield
    }) : () -> ()
    %mul3A_456 = arith.constant 624 : i32
    %mul3A_457 = arith.muli %arg1, %mul3A_456 : i32
    %add3A_458 = arith.constant 312 : i32
    %add3A_459 = arith.addi %mul3A_457, %add3A_458 : i32
    %multiple_of3A_460 = tpu.assume_multiple %add3A_459, 8 : i32
    "tpu.region"() ({
      %run_scoped3A = tpu.sem_alloc : memref<!tpu.dma_semaphore, #tpu.memory_space<semaphore_mem>>
      %dma_start3A_917 = arith.constant 0 : i32
      %dma_start3A_918 = tpu.memref_slice %arg22[%multiple_of3A_460, %dma_start3A_917] : memref<10000x128xf32, #tpu.memory_space<vmem_shared>> -> memref<8x128xf32, #tpu.memory_space<vmem_shared>>
      %dma_start3A_919 = arith.constant 0 : i32
      %dma_start3A_920 = tpu.memref_slice %arg22[%multiple_of3A_460, %dma_start3A_919] : memref<10000x128xf32, #tpu.memory_space<vmem_shared>> -> memref<8x128xf32, #tpu.memory_space<vmem_shared>>
      tpu.enqueue_dma source(%arg17 : memref<8x128xf32, #tpu.memory_space<vmem>>) target(%dma_start3A_920 : memref<8x128xf32, #tpu.memory_space<vmem_shared>>) target_semaphore(%run_scoped3A : memref<!tpu.dma_semaphore, #tpu.memory_space<semaphore_mem>>)
      %dma_wait3A_921 = arith.constant 0 : i32
      %dma_wait3A_922 = tpu.memref_slice %arg22[%multiple_of3A_460, %dma_wait3A_921] : memref<10000x128xf32, #tpu.memory_space<vmem_shared>> -> memref<8x128xf32, #tpu.memory_space<vmem_shared>>
      %dma_wait3A_923 = arith.constant 0 : i32
      %dma_wait3A_924 = tpu.memref_slice %arg22[%multiple_of3A_460, %dma_wait3A_923] : memref<10000x128xf32, #tpu.memory_space<vmem_shared>> -> memref<8x128xf32, #tpu.memory_space<vmem_shared>>
      tpu.wait_dma2 semaphore(%run_scoped3A : memref<!tpu.dma_semaphore, #tpu.memory_space<semaphore_mem>>) src(%arg17 : memref<8x128xf32, #tpu.memory_space<vmem>>) dst(%dma_wait3A_924 : memref<8x128xf32, #tpu.memory_space<vmem_shared>>)
      tpu.yield
    }) : () -> ()
    %mul3A_461 = arith.constant 624 : i32
    %mul3A_462 = arith.muli %arg1, %mul3A_461 : i32
    %add3A_463 = arith.constant 320 : i32
    %add3A_464 = arith.addi %mul3A_462, %add3A_463 : i32
    %multiple_of3A_465 = tpu.assume_multiple %add3A_464, 8 : i32
    "tpu.region"() ({
      %run_scoped3A = tpu.sem_alloc : memref<!tpu.dma_semaphore, #tpu.memory_space<semaphore_mem>>
      %dma_start3A_917 = arith.constant 0 : i32
      %dma_start3A_918 = tpu.memref_slice %arg22[%multiple_of3A_465, %dma_start3A_917] : memref<10000x128xf32, #tpu.memory_space<vmem_shared>> -> memref<8x128xf32, #tpu.memory_space<vmem_shared>>
      %dma_start3A_919 = arith.constant 0 : i32
      %dma_start3A_920 = tpu.memref_slice %arg22[%multiple_of3A_465, %dma_start3A_919] : memref<10000x128xf32, #tpu.memory_space<vmem_shared>> -> memref<8x128xf32, #tpu.memory_space<vmem_shared>>
      tpu.enqueue_dma source(%arg17 : memref<8x128xf32, #tpu.memory_space<vmem>>) target(%dma_start3A_920 : memref<8x128xf32, #tpu.memory_space<vmem_shared>>) target_semaphore(%run_scoped3A : memref<!tpu.dma_semaphore, #tpu.memory_space<semaphore_mem>>)
      %dma_wait3A_921 = arith.constant 0 : i32
      %dma_wait3A_922 = tpu.memref_slice %arg22[%multiple_of3A_465, %dma_wait3A_921] : memref<10000x128xf32, #tpu.memory_space<vmem_shared>> -> memref<8x128xf32, #tpu.memory_space<vmem_shared>>
      %dma_wait3A_923 = arith.constant 0 : i32
      %dma_wait3A_924 = tpu.memref_slice %arg22[%multiple_of3A_465, %dma_wait3A_923] : memref<10000x128xf32, #tpu.memory_space<vmem_shared>> -> memref<8x128xf32, #tpu.memory_space<vmem_shared>>
      tpu.wait_dma2 semaphore(%run_scoped3A : memref<!tpu.dma_semaphore, #tpu.memory_space<semaphore_mem>>) src(%arg17 : memref<8x128xf32, #tpu.memory_space<vmem>>) dst(%dma_wait3A_924 : memref<8x128xf32, #tpu.memory_space<vmem_shared>>)
      tpu.yield
    }) : () -> ()
    %mul3A_466 = arith.constant 624 : i32
    %mul3A_467 = arith.muli %arg1, %mul3A_466 : i32
    %add3A_468 = arith.constant 328 : i32
    %add3A_469 = arith.addi %mul3A_467, %add3A_468 : i32
    %multiple_of3A_470 = tpu.assume_multiple %add3A_469, 8 : i32
    "tpu.region"() ({
      %run_scoped3A = tpu.sem_alloc : memref<!tpu.dma_semaphore, #tpu.memory_space<semaphore_mem>>
      %dma_start3A_917 = arith.constant 0 : i32
      %dma_start3A_918 = tpu.memref_slice %arg22[%multiple_of3A_470, %dma_start3A_917] : memref<10000x128xf32, #tpu.memory_space<vmem_shared>> -> memref<8x128xf32, #tpu.memory_space<vmem_shared>>
      %dma_start3A_919 = arith.constant 0 : i32
      %dma_start3A_920 = tpu.memref_slice %arg22[%multiple_of3A_470, %dma_start3A_919] : memref<10000x128xf32, #tpu.memory_space<vmem_shared>> -> memref<8x128xf32, #tpu.memory_space<vmem_shared>>
      tpu.enqueue_dma source(%arg17 : memref<8x128xf32, #tpu.memory_space<vmem>>) target(%dma_start3A_920 : memref<8x128xf32, #tpu.memory_space<vmem_shared>>) target_semaphore(%run_scoped3A : memref<!tpu.dma_semaphore, #tpu.memory_space<semaphore_mem>>)
      %dma_wait3A_921 = arith.constant 0 : i32
      %dma_wait3A_922 = tpu.memref_slice %arg22[%multiple_of3A_470, %dma_wait3A_921] : memref<10000x128xf32, #tpu.memory_space<vmem_shared>> -> memref<8x128xf32, #tpu.memory_space<vmem_shared>>
      %dma_wait3A_923 = arith.constant 0 : i32
      %dma_wait3A_924 = tpu.memref_slice %arg22[%multiple_of3A_470, %dma_wait3A_923] : memref<10000x128xf32, #tpu.memory_space<vmem_shared>> -> memref<8x128xf32, #tpu.memory_space<vmem_shared>>
      tpu.wait_dma2 semaphore(%run_scoped3A : memref<!tpu.dma_semaphore, #tpu.memory_space<semaphore_mem>>) src(%arg17 : memref<8x128xf32, #tpu.memory_space<vmem>>) dst(%dma_wait3A_924 : memref<8x128xf32, #tpu.memory_space<vmem_shared>>)
      tpu.yield
    }) : () -> ()
    %mul3A_471 = arith.constant 624 : i32
    %mul3A_472 = arith.muli %arg1, %mul3A_471 : i32
    %add3A_473 = arith.constant 336 : i32
    %add3A_474 = arith.addi %mul3A_472, %add3A_473 : i32
    %multiple_of3A_475 = tpu.assume_multiple %add3A_474, 8 : i32
    "tpu.region"() ({
      %run_scoped3A = tpu.sem_alloc : memref<!tpu.dma_semaphore, #tpu.memory_space<semaphore_mem>>
      %dma_start3A_917 = arith.constant 0 : i32
      %dma_start3A_918 = tpu.memref_slice %arg22[%multiple_of3A_475, %dma_start3A_917] : memref<10000x128xf32, #tpu.memory_space<vmem_shared>> -> memref<8x128xf32, #tpu.memory_space<vmem_shared>>
      %dma_start3A_919 = arith.constant 0 : i32
      %dma_start3A_920 = tpu.memref_slice %arg22[%multiple_of3A_475, %dma_start3A_919] : memref<10000x128xf32, #tpu.memory_space<vmem_shared>> -> memref<8x128xf32, #tpu.memory_space<vmem_shared>>
      tpu.enqueue_dma source(%arg17 : memref<8x128xf32, #tpu.memory_space<vmem>>) target(%dma_start3A_920 : memref<8x128xf32, #tpu.memory_space<vmem_shared>>) target_semaphore(%run_scoped3A : memref<!tpu.dma_semaphore, #tpu.memory_space<semaphore_mem>>)
      %dma_wait3A_921 = arith.constant 0 : i32
      %dma_wait3A_922 = tpu.memref_slice %arg22[%multiple_of3A_475, %dma_wait3A_921] : memref<10000x128xf32, #tpu.memory_space<vmem_shared>> -> memref<8x128xf32, #tpu.memory_space<vmem_shared>>
      %dma_wait3A_923 = arith.constant 0 : i32
      %dma_wait3A_924 = tpu.memref_slice %arg22[%multiple_of3A_475, %dma_wait3A_923] : memref<10000x128xf32, #tpu.memory_space<vmem_shared>> -> memref<8x128xf32, #tpu.memory_space<vmem_shared>>
      tpu.wait_dma2 semaphore(%run_scoped3A : memref<!tpu.dma_semaphore, #tpu.memory_space<semaphore_mem>>) src(%arg17 : memref<8x128xf32, #tpu.memory_space<vmem>>) dst(%dma_wait3A_924 : memref<8x128xf32, #tpu.memory_space<vmem_shared>>)
      tpu.yield
    }) : () -> ()
    %mul3A_476 = arith.constant 624 : i32
    %mul3A_477 = arith.muli %arg1, %mul3A_476 : i32
    %add3A_478 = arith.constant 344 : i32
    %add3A_479 = arith.addi %mul3A_477, %add3A_478 : i32
    %multiple_of3A_480 = tpu.assume_multiple %add3A_479, 8 : i32
    "tpu.region"() ({
      %run_scoped3A = tpu.sem_alloc : memref<!tpu.dma_semaphore, #tpu.memory_space<semaphore_mem>>
      %dma_start3A_917 = arith.constant 0 : i32
      %dma_start3A_918 = tpu.memref_slice %arg22[%multiple_of3A_480, %dma_start3A_917] : memref<10000x128xf32, #tpu.memory_space<vmem_shared>> -> memref<8x128xf32, #tpu.memory_space<vmem_shared>>
      %dma_start3A_919 = arith.constant 0 : i32
      %dma_start3A_920 = tpu.memref_slice %arg22[%multiple_of3A_480, %dma_start3A_919] : memref<10000x128xf32, #tpu.memory_space<vmem_shared>> -> memref<8x128xf32, #tpu.memory_space<vmem_shared>>
      tpu.enqueue_dma source(%arg17 : memref<8x128xf32, #tpu.memory_space<vmem>>) target(%dma_start3A_920 : memref<8x128xf32, #tpu.memory_space<vmem_shared>>) target_semaphore(%run_scoped3A : memref<!tpu.dma_semaphore, #tpu.memory_space<semaphore_mem>>)
      %dma_wait3A_921 = arith.constant 0 : i32
      %dma_wait3A_922 = tpu.memref_slice %arg22[%multiple_of3A_480, %dma_wait3A_921] : memref<10000x128xf32, #tpu.memory_space<vmem_shared>> -> memref<8x128xf32, #tpu.memory_space<vmem_shared>>
      %dma_wait3A_923 = arith.constant 0 : i32
      %dma_wait3A_924 = tpu.memref_slice %arg22[%multiple_of3A_480, %dma_wait3A_923] : memref<10000x128xf32, #tpu.memory_space<vmem_shared>> -> memref<8x128xf32, #tpu.memory_space<vmem_shared>>
      tpu.wait_dma2 semaphore(%run_scoped3A : memref<!tpu.dma_semaphore, #tpu.memory_space<semaphore_mem>>) src(%arg17 : memref<8x128xf32, #tpu.memory_space<vmem>>) dst(%dma_wait3A_924 : memref<8x128xf32, #tpu.memory_space<vmem_shared>>)
      tpu.yield
    }) : () -> ()
    %mul3A_481 = arith.constant 624 : i32
    %mul3A_482 = arith.muli %arg1, %mul3A_481 : i32
    %add3A_483 = arith.constant 352 : i32
    %add3A_484 = arith.addi %mul3A_482, %add3A_483 : i32
    %multiple_of3A_485 = tpu.assume_multiple %add3A_484, 8 : i32
    "tpu.region"() ({
      %run_scoped3A = tpu.sem_alloc : memref<!tpu.dma_semaphore, #tpu.memory_space<semaphore_mem>>
      %dma_start3A_917 = arith.constant 0 : i32
      %dma_start3A_918 = tpu.memref_slice %arg22[%multiple_of3A_485, %dma_start3A_917] : memref<10000x128xf32, #tpu.memory_space<vmem_shared>> -> memref<8x128xf32, #tpu.memory_space<vmem_shared>>
      %dma_start3A_919 = arith.constant 0 : i32
      %dma_start3A_920 = tpu.memref_slice %arg22[%multiple_of3A_485, %dma_start3A_919] : memref<10000x128xf32, #tpu.memory_space<vmem_shared>> -> memref<8x128xf32, #tpu.memory_space<vmem_shared>>
      tpu.enqueue_dma source(%arg17 : memref<8x128xf32, #tpu.memory_space<vmem>>) target(%dma_start3A_920 : memref<8x128xf32, #tpu.memory_space<vmem_shared>>) target_semaphore(%run_scoped3A : memref<!tpu.dma_semaphore, #tpu.memory_space<semaphore_mem>>)
      %dma_wait3A_921 = arith.constant 0 : i32
      %dma_wait3A_922 = tpu.memref_slice %arg22[%multiple_of3A_485, %dma_wait3A_921] : memref<10000x128xf32, #tpu.memory_space<vmem_shared>> -> memref<8x128xf32, #tpu.memory_space<vmem_shared>>
      %dma_wait3A_923 = arith.constant 0 : i32
      %dma_wait3A_924 = tpu.memref_slice %arg22[%multiple_of3A_485, %dma_wait3A_923] : memref<10000x128xf32, #tpu.memory_space<vmem_shared>> -> memref<8x128xf32, #tpu.memory_space<vmem_shared>>
      tpu.wait_dma2 semaphore(%run_scoped3A : memref<!tpu.dma_semaphore, #tpu.memory_space<semaphore_mem>>) src(%arg17 : memref<8x128xf32, #tpu.memory_space<vmem>>) dst(%dma_wait3A_924 : memref<8x128xf32, #tpu.memory_space<vmem_shared>>)
      tpu.yield
    }) : () -> ()
    %mul3A_486 = arith.constant 624 : i32
    %mul3A_487 = arith.muli %arg1, %mul3A_486 : i32
    %add3A_488 = arith.constant 360 : i32
    %add3A_489 = arith.addi %mul3A_487, %add3A_488 : i32
    %multiple_of3A_490 = tpu.assume_multiple %add3A_489, 8 : i32
    "tpu.region"() ({
      %run_scoped3A = tpu.sem_alloc : memref<!tpu.dma_semaphore, #tpu.memory_space<semaphore_mem>>
      %dma_start3A_917 = arith.constant 0 : i32
      %dma_start3A_918 = tpu.memref_slice %arg22[%multiple_of3A_490, %dma_start3A_917] : memref<10000x128xf32, #tpu.memory_space<vmem_shared>> -> memref<8x128xf32, #tpu.memory_space<vmem_shared>>
      %dma_start3A_919 = arith.constant 0 : i32
      %dma_start3A_920 = tpu.memref_slice %arg22[%multiple_of3A_490, %dma_start3A_919] : memref<10000x128xf32, #tpu.memory_space<vmem_shared>> -> memref<8x128xf32, #tpu.memory_space<vmem_shared>>
      tpu.enqueue_dma source(%arg17 : memref<8x128xf32, #tpu.memory_space<vmem>>) target(%dma_start3A_920 : memref<8x128xf32, #tpu.memory_space<vmem_shared>>) target_semaphore(%run_scoped3A : memref<!tpu.dma_semaphore, #tpu.memory_space<semaphore_mem>>)
      %dma_wait3A_921 = arith.constant 0 : i32
      %dma_wait3A_922 = tpu.memref_slice %arg22[%multiple_of3A_490, %dma_wait3A_921] : memref<10000x128xf32, #tpu.memory_space<vmem_shared>> -> memref<8x128xf32, #tpu.memory_space<vmem_shared>>
      %dma_wait3A_923 = arith.constant 0 : i32
      %dma_wait3A_924 = tpu.memref_slice %arg22[%multiple_of3A_490, %dma_wait3A_923] : memref<10000x128xf32, #tpu.memory_space<vmem_shared>> -> memref<8x128xf32, #tpu.memory_space<vmem_shared>>
      tpu.wait_dma2 semaphore(%run_scoped3A : memref<!tpu.dma_semaphore, #tpu.memory_space<semaphore_mem>>) src(%arg17 : memref<8x128xf32, #tpu.memory_space<vmem>>) dst(%dma_wait3A_924 : memref<8x128xf32, #tpu.memory_space<vmem_shared>>)
      tpu.yield
    }) : () -> ()
    %mul3A_491 = arith.constant 624 : i32
    %mul3A_492 = arith.muli %arg1, %mul3A_491 : i32
    %add3A_493 = arith.constant 368 : i32
    %add3A_494 = arith.addi %mul3A_492, %add3A_493 : i32
    %multiple_of3A_495 = tpu.assume_multiple %add3A_494, 8 : i32
    "tpu.region"() ({
      %run_scoped3A = tpu.sem_alloc : memref<!tpu.dma_semaphore, #tpu.memory_space<semaphore_mem>>
      %dma_start3A_917 = arith.constant 0 : i32
      %dma_start3A_918 = tpu.memref_slice %arg22[%multiple_of3A_495, %dma_start3A_917] : memref<10000x128xf32, #tpu.memory_space<vmem_shared>> -> memref<8x128xf32, #tpu.memory_space<vmem_shared>>
      %dma_start3A_919 = arith.constant 0 : i32
      %dma_start3A_920 = tpu.memref_slice %arg22[%multiple_of3A_495, %dma_start3A_919] : memref<10000x128xf32, #tpu.memory_space<vmem_shared>> -> memref<8x128xf32, #tpu.memory_space<vmem_shared>>
      tpu.enqueue_dma source(%arg17 : memref<8x128xf32, #tpu.memory_space<vmem>>) target(%dma_start3A_920 : memref<8x128xf32, #tpu.memory_space<vmem_shared>>) target_semaphore(%run_scoped3A : memref<!tpu.dma_semaphore, #tpu.memory_space<semaphore_mem>>)
      %dma_wait3A_921 = arith.constant 0 : i32
      %dma_wait3A_922 = tpu.memref_slice %arg22[%multiple_of3A_495, %dma_wait3A_921] : memref<10000x128xf32, #tpu.memory_space<vmem_shared>> -> memref<8x128xf32, #tpu.memory_space<vmem_shared>>
      %dma_wait3A_923 = arith.constant 0 : i32
      %dma_wait3A_924 = tpu.memref_slice %arg22[%multiple_of3A_495, %dma_wait3A_923] : memref<10000x128xf32, #tpu.memory_space<vmem_shared>> -> memref<8x128xf32, #tpu.memory_space<vmem_shared>>
      tpu.wait_dma2 semaphore(%run_scoped3A : memref<!tpu.dma_semaphore, #tpu.memory_space<semaphore_mem>>) src(%arg17 : memref<8x128xf32, #tpu.memory_space<vmem>>) dst(%dma_wait3A_924 : memref<8x128xf32, #tpu.memory_space<vmem_shared>>)
      tpu.yield
    }) : () -> ()
    %mul3A_496 = arith.constant 624 : i32
    %mul3A_497 = arith.muli %arg1, %mul3A_496 : i32
    %add3A_498 = arith.constant 376 : i32
    %add3A_499 = arith.addi %mul3A_497, %add3A_498 : i32
    %multiple_of3A_500 = tpu.assume_multiple %add3A_499, 8 : i32
    "tpu.region"() ({
      %run_scoped3A = tpu.sem_alloc : memref<!tpu.dma_semaphore, #tpu.memory_space<semaphore_mem>>
      %dma_start3A_917 = arith.constant 0 : i32
      %dma_start3A_918 = tpu.memref_slice %arg22[%multiple_of3A_500, %dma_start3A_917] : memref<10000x128xf32, #tpu.memory_space<vmem_shared>> -> memref<8x128xf32, #tpu.memory_space<vmem_shared>>
      %dma_start3A_919 = arith.constant 0 : i32
      %dma_start3A_920 = tpu.memref_slice %arg22[%multiple_of3A_500, %dma_start3A_919] : memref<10000x128xf32, #tpu.memory_space<vmem_shared>> -> memref<8x128xf32, #tpu.memory_space<vmem_shared>>
      tpu.enqueue_dma source(%arg17 : memref<8x128xf32, #tpu.memory_space<vmem>>) target(%dma_start3A_920 : memref<8x128xf32, #tpu.memory_space<vmem_shared>>) target_semaphore(%run_scoped3A : memref<!tpu.dma_semaphore, #tpu.memory_space<semaphore_mem>>)
      %dma_wait3A_921 = arith.constant 0 : i32
      %dma_wait3A_922 = tpu.memref_slice %arg22[%multiple_of3A_500, %dma_wait3A_921] : memref<10000x128xf32, #tpu.memory_space<vmem_shared>> -> memref<8x128xf32, #tpu.memory_space<vmem_shared>>
      %dma_wait3A_923 = arith.constant 0 : i32
      %dma_wait3A_924 = tpu.memref_slice %arg22[%multiple_of3A_500, %dma_wait3A_923] : memref<10000x128xf32, #tpu.memory_space<vmem_shared>> -> memref<8x128xf32, #tpu.memory_space<vmem_shared>>
      tpu.wait_dma2 semaphore(%run_scoped3A : memref<!tpu.dma_semaphore, #tpu.memory_space<semaphore_mem>>) src(%arg17 : memref<8x128xf32, #tpu.memory_space<vmem>>) dst(%dma_wait3A_924 : memref<8x128xf32, #tpu.memory_space<vmem_shared>>)
      tpu.yield
    }) : () -> ()
    %mul3A_501 = arith.constant 624 : i32
    %mul3A_502 = arith.muli %arg1, %mul3A_501 : i32
    %add3A_503 = arith.constant 384 : i32
    %add3A_504 = arith.addi %mul3A_502, %add3A_503 : i32
    %multiple_of3A_505 = tpu.assume_multiple %add3A_504, 8 : i32
    "tpu.region"() ({
      %run_scoped3A = tpu.sem_alloc : memref<!tpu.dma_semaphore, #tpu.memory_space<semaphore_mem>>
      %dma_start3A_917 = arith.constant 0 : i32
      %dma_start3A_918 = tpu.memref_slice %arg22[%multiple_of3A_505, %dma_start3A_917] : memref<10000x128xf32, #tpu.memory_space<vmem_shared>> -> memref<8x128xf32, #tpu.memory_space<vmem_shared>>
      %dma_start3A_919 = arith.constant 0 : i32
      %dma_start3A_920 = tpu.memref_slice %arg22[%multiple_of3A_505, %dma_start3A_919] : memref<10000x128xf32, #tpu.memory_space<vmem_shared>> -> memref<8x128xf32, #tpu.memory_space<vmem_shared>>
      tpu.enqueue_dma source(%arg17 : memref<8x128xf32, #tpu.memory_space<vmem>>) target(%dma_start3A_920 : memref<8x128xf32, #tpu.memory_space<vmem_shared>>) target_semaphore(%run_scoped3A : memref<!tpu.dma_semaphore, #tpu.memory_space<semaphore_mem>>)
      %dma_wait3A_921 = arith.constant 0 : i32
      %dma_wait3A_922 = tpu.memref_slice %arg22[%multiple_of3A_505, %dma_wait3A_921] : memref<10000x128xf32, #tpu.memory_space<vmem_shared>> -> memref<8x128xf32, #tpu.memory_space<vmem_shared>>
      %dma_wait3A_923 = arith.constant 0 : i32
      %dma_wait3A_924 = tpu.memref_slice %arg22[%multiple_of3A_505, %dma_wait3A_923] : memref<10000x128xf32, #tpu.memory_space<vmem_shared>> -> memref<8x128xf32, #tpu.memory_space<vmem_shared>>
      tpu.wait_dma2 semaphore(%run_scoped3A : memref<!tpu.dma_semaphore, #tpu.memory_space<semaphore_mem>>) src(%arg17 : memref<8x128xf32, #tpu.memory_space<vmem>>) dst(%dma_wait3A_924 : memref<8x128xf32, #tpu.memory_space<vmem_shared>>)
      tpu.yield
    }) : () -> ()
    %mul3A_506 = arith.constant 624 : i32
    %mul3A_507 = arith.muli %arg1, %mul3A_506 : i32
    %add3A_508 = arith.constant 392 : i32
    %add3A_509 = arith.addi %mul3A_507, %add3A_508 : i32
    %multiple_of3A_510 = tpu.assume_multiple %add3A_509, 8 : i32
    "tpu.region"() ({
      %run_scoped3A = tpu.sem_alloc : memref<!tpu.dma_semaphore, #tpu.memory_space<semaphore_mem>>
      %dma_start3A_917 = arith.constant 0 : i32
      %dma_start3A_918 = tpu.memref_slice %arg22[%multiple_of3A_510, %dma_start3A_917] : memref<10000x128xf32, #tpu.memory_space<vmem_shared>> -> memref<8x128xf32, #tpu.memory_space<vmem_shared>>
      %dma_start3A_919 = arith.constant 0 : i32
      %dma_start3A_920 = tpu.memref_slice %arg22[%multiple_of3A_510, %dma_start3A_919] : memref<10000x128xf32, #tpu.memory_space<vmem_shared>> -> memref<8x128xf32, #tpu.memory_space<vmem_shared>>
      tpu.enqueue_dma source(%arg17 : memref<8x128xf32, #tpu.memory_space<vmem>>) target(%dma_start3A_920 : memref<8x128xf32, #tpu.memory_space<vmem_shared>>) target_semaphore(%run_scoped3A : memref<!tpu.dma_semaphore, #tpu.memory_space<semaphore_mem>>)
      %dma_wait3A_921 = arith.constant 0 : i32
      %dma_wait3A_922 = tpu.memref_slice %arg22[%multiple_of3A_510, %dma_wait3A_921] : memref<10000x128xf32, #tpu.memory_space<vmem_shared>> -> memref<8x128xf32, #tpu.memory_space<vmem_shared>>
      %dma_wait3A_923 = arith.constant 0 : i32
      %dma_wait3A_924 = tpu.memref_slice %arg22[%multiple_of3A_510, %dma_wait3A_923] : memref<10000x128xf32, #tpu.memory_space<vmem_shared>> -> memref<8x128xf32, #tpu.memory_space<vmem_shared>>
      tpu.wait_dma2 semaphore(%run_scoped3A : memref<!tpu.dma_semaphore, #tpu.memory_space<semaphore_mem>>) src(%arg17 : memref<8x128xf32, #tpu.memory_space<vmem>>) dst(%dma_wait3A_924 : memref<8x128xf32, #tpu.memory_space<vmem_shared>>)
      tpu.yield
    }) : () -> ()
    %mul3A_511 = arith.constant 624 : i32
    %mul3A_512 = arith.muli %arg1, %mul3A_511 : i32
    %add3A_513 = arith.constant 400 : i32
    %add3A_514 = arith.addi %mul3A_512, %add3A_513 : i32
    %multiple_of3A_515 = tpu.assume_multiple %add3A_514, 8 : i32
    "tpu.region"() ({
      %run_scoped3A = tpu.sem_alloc : memref<!tpu.dma_semaphore, #tpu.memory_space<semaphore_mem>>
      %dma_start3A_917 = arith.constant 0 : i32
      %dma_start3A_918 = tpu.memref_slice %arg22[%multiple_of3A_515, %dma_start3A_917] : memref<10000x128xf32, #tpu.memory_space<vmem_shared>> -> memref<8x128xf32, #tpu.memory_space<vmem_shared>>
      %dma_start3A_919 = arith.constant 0 : i32
      %dma_start3A_920 = tpu.memref_slice %arg22[%multiple_of3A_515, %dma_start3A_919] : memref<10000x128xf32, #tpu.memory_space<vmem_shared>> -> memref<8x128xf32, #tpu.memory_space<vmem_shared>>
      tpu.enqueue_dma source(%arg17 : memref<8x128xf32, #tpu.memory_space<vmem>>) target(%dma_start3A_920 : memref<8x128xf32, #tpu.memory_space<vmem_shared>>) target_semaphore(%run_scoped3A : memref<!tpu.dma_semaphore, #tpu.memory_space<semaphore_mem>>)
      %dma_wait3A_921 = arith.constant 0 : i32
      %dma_wait3A_922 = tpu.memref_slice %arg22[%multiple_of3A_515, %dma_wait3A_921] : memref<10000x128xf32, #tpu.memory_space<vmem_shared>> -> memref<8x128xf32, #tpu.memory_space<vmem_shared>>
      %dma_wait3A_923 = arith.constant 0 : i32
      %dma_wait3A_924 = tpu.memref_slice %arg22[%multiple_of3A_515, %dma_wait3A_923] : memref<10000x128xf32, #tpu.memory_space<vmem_shared>> -> memref<8x128xf32, #tpu.memory_space<vmem_shared>>
      tpu.wait_dma2 semaphore(%run_scoped3A : memref<!tpu.dma_semaphore, #tpu.memory_space<semaphore_mem>>) src(%arg17 : memref<8x128xf32, #tpu.memory_space<vmem>>) dst(%dma_wait3A_924 : memref<8x128xf32, #tpu.memory_space<vmem_shared>>)
      tpu.yield
    }) : () -> ()
    %mul3A_516 = arith.constant 624 : i32
    %mul3A_517 = arith.muli %arg1, %mul3A_516 : i32
    %add3A_518 = arith.constant 408 : i32
    %add3A_519 = arith.addi %mul3A_517, %add3A_518 : i32
    %multiple_of3A_520 = tpu.assume_multiple %add3A_519, 8 : i32
    "tpu.region"() ({
      %run_scoped3A = tpu.sem_alloc : memref<!tpu.dma_semaphore, #tpu.memory_space<semaphore_mem>>
      %dma_start3A_917 = arith.constant 0 : i32
      %dma_start3A_918 = tpu.memref_slice %arg22[%multiple_of3A_520, %dma_start3A_917] : memref<10000x128xf32, #tpu.memory_space<vmem_shared>> -> memref<8x128xf32, #tpu.memory_space<vmem_shared>>
      %dma_start3A_919 = arith.constant 0 : i32
      %dma_start3A_920 = tpu.memref_slice %arg22[%multiple_of3A_520, %dma_start3A_919] : memref<10000x128xf32, #tpu.memory_space<vmem_shared>> -> memref<8x128xf32, #tpu.memory_space<vmem_shared>>
      tpu.enqueue_dma source(%arg17 : memref<8x128xf32, #tpu.memory_space<vmem>>) target(%dma_start3A_920 : memref<8x128xf32, #tpu.memory_space<vmem_shared>>) target_semaphore(%run_scoped3A : memref<!tpu.dma_semaphore, #tpu.memory_space<semaphore_mem>>)
      %dma_wait3A_921 = arith.constant 0 : i32
      %dma_wait3A_922 = tpu.memref_slice %arg22[%multiple_of3A_520, %dma_wait3A_921] : memref<10000x128xf32, #tpu.memory_space<vmem_shared>> -> memref<8x128xf32, #tpu.memory_space<vmem_shared>>
      %dma_wait3A_923 = arith.constant 0 : i32
      %dma_wait3A_924 = tpu.memref_slice %arg22[%multiple_of3A_520, %dma_wait3A_923] : memref<10000x128xf32, #tpu.memory_space<vmem_shared>> -> memref<8x128xf32, #tpu.memory_space<vmem_shared>>
      tpu.wait_dma2 semaphore(%run_scoped3A : memref<!tpu.dma_semaphore, #tpu.memory_space<semaphore_mem>>) src(%arg17 : memref<8x128xf32, #tpu.memory_space<vmem>>) dst(%dma_wait3A_924 : memref<8x128xf32, #tpu.memory_space<vmem_shared>>)
      tpu.yield
    }) : () -> ()
    %mul3A_521 = arith.constant 624 : i32
    %mul3A_522 = arith.muli %arg1, %mul3A_521 : i32
    %add3A_523 = arith.constant 416 : i32
    %add3A_524 = arith.addi %mul3A_522, %add3A_523 : i32
    %multiple_of3A_525 = tpu.assume_multiple %add3A_524, 8 : i32
    "tpu.region"() ({
      %run_scoped3A = tpu.sem_alloc : memref<!tpu.dma_semaphore, #tpu.memory_space<semaphore_mem>>
      %dma_start3A_917 = arith.constant 0 : i32
      %dma_start3A_918 = tpu.memref_slice %arg22[%multiple_of3A_525, %dma_start3A_917] : memref<10000x128xf32, #tpu.memory_space<vmem_shared>> -> memref<8x128xf32, #tpu.memory_space<vmem_shared>>
      %dma_start3A_919 = arith.constant 0 : i32
      %dma_start3A_920 = tpu.memref_slice %arg22[%multiple_of3A_525, %dma_start3A_919] : memref<10000x128xf32, #tpu.memory_space<vmem_shared>> -> memref<8x128xf32, #tpu.memory_space<vmem_shared>>
      tpu.enqueue_dma source(%arg17 : memref<8x128xf32, #tpu.memory_space<vmem>>) target(%dma_start3A_920 : memref<8x128xf32, #tpu.memory_space<vmem_shared>>) target_semaphore(%run_scoped3A : memref<!tpu.dma_semaphore, #tpu.memory_space<semaphore_mem>>)
      %dma_wait3A_921 = arith.constant 0 : i32
      %dma_wait3A_922 = tpu.memref_slice %arg22[%multiple_of3A_525, %dma_wait3A_921] : memref<10000x128xf32, #tpu.memory_space<vmem_shared>> -> memref<8x128xf32, #tpu.memory_space<vmem_shared>>
      %dma_wait3A_923 = arith.constant 0 : i32
      %dma_wait3A_924 = tpu.memref_slice %arg22[%multiple_of3A_525, %dma_wait3A_923] : memref<10000x128xf32, #tpu.memory_space<vmem_shared>> -> memref<8x128xf32, #tpu.memory_space<vmem_shared>>
      tpu.wait_dma2 semaphore(%run_scoped3A : memref<!tpu.dma_semaphore, #tpu.memory_space<semaphore_mem>>) src(%arg17 : memref<8x128xf32, #tpu.memory_space<vmem>>) dst(%dma_wait3A_924 : memref<8x128xf32, #tpu.memory_space<vmem_shared>>)
      tpu.yield
    }) : () -> ()
    %mul3A_526 = arith.constant 624 : i32
    %mul3A_527 = arith.muli %arg1, %mul3A_526 : i32
    %add3A_528 = arith.constant 424 : i32
    %add3A_529 = arith.addi %mul3A_527, %add3A_528 : i32
    %multiple_of3A_530 = tpu.assume_multiple %add3A_529, 8 : i32
    "tpu.region"() ({
      %run_scoped3A = tpu.sem_alloc : memref<!tpu.dma_semaphore, #tpu.memory_space<semaphore_mem>>
      %dma_start3A_917 = arith.constant 0 : i32
      %dma_start3A_918 = tpu.memref_slice %arg22[%multiple_of3A_530, %dma_start3A_917] : memref<10000x128xf32, #tpu.memory_space<vmem_shared>> -> memref<8x128xf32, #tpu.memory_space<vmem_shared>>
      %dma_start3A_919 = arith.constant 0 : i32
      %dma_start3A_920 = tpu.memref_slice %arg22[%multiple_of3A_530, %dma_start3A_919] : memref<10000x128xf32, #tpu.memory_space<vmem_shared>> -> memref<8x128xf32, #tpu.memory_space<vmem_shared>>
      tpu.enqueue_dma source(%arg17 : memref<8x128xf32, #tpu.memory_space<vmem>>) target(%dma_start3A_920 : memref<8x128xf32, #tpu.memory_space<vmem_shared>>) target_semaphore(%run_scoped3A : memref<!tpu.dma_semaphore, #tpu.memory_space<semaphore_mem>>)
      %dma_wait3A_921 = arith.constant 0 : i32
      %dma_wait3A_922 = tpu.memref_slice %arg22[%multiple_of3A_530, %dma_wait3A_921] : memref<10000x128xf32, #tpu.memory_space<vmem_shared>> -> memref<8x128xf32, #tpu.memory_space<vmem_shared>>
      %dma_wait3A_923 = arith.constant 0 : i32
      %dma_wait3A_924 = tpu.memref_slice %arg22[%multiple_of3A_530, %dma_wait3A_923] : memref<10000x128xf32, #tpu.memory_space<vmem_shared>> -> memref<8x128xf32, #tpu.memory_space<vmem_shared>>
      tpu.wait_dma2 semaphore(%run_scoped3A : memref<!tpu.dma_semaphore, #tpu.memory_space<semaphore_mem>>) src(%arg17 : memref<8x128xf32, #tpu.memory_space<vmem>>) dst(%dma_wait3A_924 : memref<8x128xf32, #tpu.memory_space<vmem_shared>>)
      tpu.yield
    }) : () -> ()
    %mul3A_531 = arith.constant 624 : i32
    %mul3A_532 = arith.muli %arg1, %mul3A_531 : i32
    %add3A_533 = arith.constant 432 : i32
    %add3A_534 = arith.addi %mul3A_532, %add3A_533 : i32
    %multiple_of3A_535 = tpu.assume_multiple %add3A_534, 8 : i32
    "tpu.region"() ({
      %run_scoped3A = tpu.sem_alloc : memref<!tpu.dma_semaphore, #tpu.memory_space<semaphore_mem>>
      %dma_start3A_917 = arith.constant 0 : i32
      %dma_start3A_918 = tpu.memref_slice %arg22[%multiple_of3A_535, %dma_start3A_917] : memref<10000x128xf32, #tpu.memory_space<vmem_shared>> -> memref<8x128xf32, #tpu.memory_space<vmem_shared>>
      %dma_start3A_919 = arith.constant 0 : i32
      %dma_start3A_920 = tpu.memref_slice %arg22[%multiple_of3A_535, %dma_start3A_919] : memref<10000x128xf32, #tpu.memory_space<vmem_shared>> -> memref<8x128xf32, #tpu.memory_space<vmem_shared>>
      tpu.enqueue_dma source(%arg17 : memref<8x128xf32, #tpu.memory_space<vmem>>) target(%dma_start3A_920 : memref<8x128xf32, #tpu.memory_space<vmem_shared>>) target_semaphore(%run_scoped3A : memref<!tpu.dma_semaphore, #tpu.memory_space<semaphore_mem>>)
      %dma_wait3A_921 = arith.constant 0 : i32
      %dma_wait3A_922 = tpu.memref_slice %arg22[%multiple_of3A_535, %dma_wait3A_921] : memref<10000x128xf32, #tpu.memory_space<vmem_shared>> -> memref<8x128xf32, #tpu.memory_space<vmem_shared>>
      %dma_wait3A_923 = arith.constant 0 : i32
      %dma_wait3A_924 = tpu.memref_slice %arg22[%multiple_of3A_535, %dma_wait3A_923] : memref<10000x128xf32, #tpu.memory_space<vmem_shared>> -> memref<8x128xf32, #tpu.memory_space<vmem_shared>>
      tpu.wait_dma2 semaphore(%run_scoped3A : memref<!tpu.dma_semaphore, #tpu.memory_space<semaphore_mem>>) src(%arg17 : memref<8x128xf32, #tpu.memory_space<vmem>>) dst(%dma_wait3A_924 : memref<8x128xf32, #tpu.memory_space<vmem_shared>>)
      tpu.yield
    }) : () -> ()
    %mul3A_536 = arith.constant 624 : i32
    %mul3A_537 = arith.muli %arg1, %mul3A_536 : i32
    %add3A_538 = arith.constant 440 : i32
    %add3A_539 = arith.addi %mul3A_537, %add3A_538 : i32
    %multiple_of3A_540 = tpu.assume_multiple %add3A_539, 8 : i32
    "tpu.region"() ({
      %run_scoped3A = tpu.sem_alloc : memref<!tpu.dma_semaphore, #tpu.memory_space<semaphore_mem>>
      %dma_start3A_917 = arith.constant 0 : i32
      %dma_start3A_918 = tpu.memref_slice %arg22[%multiple_of3A_540, %dma_start3A_917] : memref<10000x128xf32, #tpu.memory_space<vmem_shared>> -> memref<8x128xf32, #tpu.memory_space<vmem_shared>>
      %dma_start3A_919 = arith.constant 0 : i32
      %dma_start3A_920 = tpu.memref_slice %arg22[%multiple_of3A_540, %dma_start3A_919] : memref<10000x128xf32, #tpu.memory_space<vmem_shared>> -> memref<8x128xf32, #tpu.memory_space<vmem_shared>>
      tpu.enqueue_dma source(%arg17 : memref<8x128xf32, #tpu.memory_space<vmem>>) target(%dma_start3A_920 : memref<8x128xf32, #tpu.memory_space<vmem_shared>>) target_semaphore(%run_scoped3A : memref<!tpu.dma_semaphore, #tpu.memory_space<semaphore_mem>>)
      %dma_wait3A_921 = arith.constant 0 : i32
      %dma_wait3A_922 = tpu.memref_slice %arg22[%multiple_of3A_540, %dma_wait3A_921] : memref<10000x128xf32, #tpu.memory_space<vmem_shared>> -> memref<8x128xf32, #tpu.memory_space<vmem_shared>>
      %dma_wait3A_923 = arith.constant 0 : i32
      %dma_wait3A_924 = tpu.memref_slice %arg22[%multiple_of3A_540, %dma_wait3A_923] : memref<10000x128xf32, #tpu.memory_space<vmem_shared>> -> memref<8x128xf32, #tpu.memory_space<vmem_shared>>
      tpu.wait_dma2 semaphore(%run_scoped3A : memref<!tpu.dma_semaphore, #tpu.memory_space<semaphore_mem>>) src(%arg17 : memref<8x128xf32, #tpu.memory_space<vmem>>) dst(%dma_wait3A_924 : memref<8x128xf32, #tpu.memory_space<vmem_shared>>)
      tpu.yield
    }) : () -> ()
    %mul3A_541 = arith.constant 624 : i32
    %mul3A_542 = arith.muli %arg1, %mul3A_541 : i32
    %add3A_543 = arith.constant 448 : i32
    %add3A_544 = arith.addi %mul3A_542, %add3A_543 : i32
    %multiple_of3A_545 = tpu.assume_multiple %add3A_544, 8 : i32
    "tpu.region"() ({
      %run_scoped3A = tpu.sem_alloc : memref<!tpu.dma_semaphore, #tpu.memory_space<semaphore_mem>>
      %dma_start3A_917 = arith.constant 0 : i32
      %dma_start3A_918 = tpu.memref_slice %arg22[%multiple_of3A_545, %dma_start3A_917] : memref<10000x128xf32, #tpu.memory_space<vmem_shared>> -> memref<8x128xf32, #tpu.memory_space<vmem_shared>>
      %dma_start3A_919 = arith.constant 0 : i32
      %dma_start3A_920 = tpu.memref_slice %arg22[%multiple_of3A_545, %dma_start3A_919] : memref<10000x128xf32, #tpu.memory_space<vmem_shared>> -> memref<8x128xf32, #tpu.memory_space<vmem_shared>>
      tpu.enqueue_dma source(%arg17 : memref<8x128xf32, #tpu.memory_space<vmem>>) target(%dma_start3A_920 : memref<8x128xf32, #tpu.memory_space<vmem_shared>>) target_semaphore(%run_scoped3A : memref<!tpu.dma_semaphore, #tpu.memory_space<semaphore_mem>>)
      %dma_wait3A_921 = arith.constant 0 : i32
      %dma_wait3A_922 = tpu.memref_slice %arg22[%multiple_of3A_545, %dma_wait3A_921] : memref<10000x128xf32, #tpu.memory_space<vmem_shared>> -> memref<8x128xf32, #tpu.memory_space<vmem_shared>>
      %dma_wait3A_923 = arith.constant 0 : i32
      %dma_wait3A_924 = tpu.memref_slice %arg22[%multiple_of3A_545, %dma_wait3A_923] : memref<10000x128xf32, #tpu.memory_space<vmem_shared>> -> memref<8x128xf32, #tpu.memory_space<vmem_shared>>
      tpu.wait_dma2 semaphore(%run_scoped3A : memref<!tpu.dma_semaphore, #tpu.memory_space<semaphore_mem>>) src(%arg17 : memref<8x128xf32, #tpu.memory_space<vmem>>) dst(%dma_wait3A_924 : memref<8x128xf32, #tpu.memory_space<vmem_shared>>)
      tpu.yield
    }) : () -> ()
    %mul3A_546 = arith.constant 624 : i32
    %mul3A_547 = arith.muli %arg1, %mul3A_546 : i32
    %add3A_548 = arith.constant 456 : i32
    %add3A_549 = arith.addi %mul3A_547, %add3A_548 : i32
    %multiple_of3A_550 = tpu.assume_multiple %add3A_549, 8 : i32
    "tpu.region"() ({
      %run_scoped3A = tpu.sem_alloc : memref<!tpu.dma_semaphore, #tpu.memory_space<semaphore_mem>>
      %dma_start3A_917 = arith.constant 0 : i32
      %dma_start3A_918 = tpu.memref_slice %arg22[%multiple_of3A_550, %dma_start3A_917] : memref<10000x128xf32, #tpu.memory_space<vmem_shared>> -> memref<8x128xf32, #tpu.memory_space<vmem_shared>>
      %dma_start3A_919 = arith.constant 0 : i32
      %dma_start3A_920 = tpu.memref_slice %arg22[%multiple_of3A_550, %dma_start3A_919] : memref<10000x128xf32, #tpu.memory_space<vmem_shared>> -> memref<8x128xf32, #tpu.memory_space<vmem_shared>>
      tpu.enqueue_dma source(%arg17 : memref<8x128xf32, #tpu.memory_space<vmem>>) target(%dma_start3A_920 : memref<8x128xf32, #tpu.memory_space<vmem_shared>>) target_semaphore(%run_scoped3A : memref<!tpu.dma_semaphore, #tpu.memory_space<semaphore_mem>>)
      %dma_wait3A_921 = arith.constant 0 : i32
      %dma_wait3A_922 = tpu.memref_slice %arg22[%multiple_of3A_550, %dma_wait3A_921] : memref<10000x128xf32, #tpu.memory_space<vmem_shared>> -> memref<8x128xf32, #tpu.memory_space<vmem_shared>>
      %dma_wait3A_923 = arith.constant 0 : i32
      %dma_wait3A_924 = tpu.memref_slice %arg22[%multiple_of3A_550, %dma_wait3A_923] : memref<10000x128xf32, #tpu.memory_space<vmem_shared>> -> memref<8x128xf32, #tpu.memory_space<vmem_shared>>
      tpu.wait_dma2 semaphore(%run_scoped3A : memref<!tpu.dma_semaphore, #tpu.memory_space<semaphore_mem>>) src(%arg17 : memref<8x128xf32, #tpu.memory_space<vmem>>) dst(%dma_wait3A_924 : memref<8x128xf32, #tpu.memory_space<vmem_shared>>)
      tpu.yield
    }) : () -> ()
    %mul3A_551 = arith.constant 624 : i32
    %mul3A_552 = arith.muli %arg1, %mul3A_551 : i32
    %add3A_553 = arith.constant 464 : i32
    %add3A_554 = arith.addi %mul3A_552, %add3A_553 : i32
    %multiple_of3A_555 = tpu.assume_multiple %add3A_554, 8 : i32
    "tpu.region"() ({
      %run_scoped3A = tpu.sem_alloc : memref<!tpu.dma_semaphore, #tpu.memory_space<semaphore_mem>>
      %dma_start3A_917 = arith.constant 0 : i32
      %dma_start3A_918 = tpu.memref_slice %arg22[%multiple_of3A_555, %dma_start3A_917] : memref<10000x128xf32, #tpu.memory_space<vmem_shared>> -> memref<8x128xf32, #tpu.memory_space<vmem_shared>>
      %dma_start3A_919 = arith.constant 0 : i32
      %dma_start3A_920 = tpu.memref_slice %arg22[%multiple_of3A_555, %dma_start3A_919] : memref<10000x128xf32, #tpu.memory_space<vmem_shared>> -> memref<8x128xf32, #tpu.memory_space<vmem_shared>>
      tpu.enqueue_dma source(%arg17 : memref<8x128xf32, #tpu.memory_space<vmem>>) target(%dma_start3A_920 : memref<8x128xf32, #tpu.memory_space<vmem_shared>>) target_semaphore(%run_scoped3A : memref<!tpu.dma_semaphore, #tpu.memory_space<semaphore_mem>>)
      %dma_wait3A_921 = arith.constant 0 : i32
      %dma_wait3A_922 = tpu.memref_slice %arg22[%multiple_of3A_555, %dma_wait3A_921] : memref<10000x128xf32, #tpu.memory_space<vmem_shared>> -> memref<8x128xf32, #tpu.memory_space<vmem_shared>>
      %dma_wait3A_923 = arith.constant 0 : i32
      %dma_wait3A_924 = tpu.memref_slice %arg22[%multiple_of3A_555, %dma_wait3A_923] : memref<10000x128xf32, #tpu.memory_space<vmem_shared>> -> memref<8x128xf32, #tpu.memory_space<vmem_shared>>
      tpu.wait_dma2 semaphore(%run_scoped3A : memref<!tpu.dma_semaphore, #tpu.memory_space<semaphore_mem>>) src(%arg17 : memref<8x128xf32, #tpu.memory_space<vmem>>) dst(%dma_wait3A_924 : memref<8x128xf32, #tpu.memory_space<vmem_shared>>)
      tpu.yield
    }) : () -> ()
    %mul3A_556 = arith.constant 624 : i32
    %mul3A_557 = arith.muli %arg1, %mul3A_556 : i32
    %add3A_558 = arith.constant 472 : i32
    %add3A_559 = arith.addi %mul3A_557, %add3A_558 : i32
    %multiple_of3A_560 = tpu.assume_multiple %add3A_559, 8 : i32
    "tpu.region"() ({
      %run_scoped3A = tpu.sem_alloc : memref<!tpu.dma_semaphore, #tpu.memory_space<semaphore_mem>>
      %dma_start3A_917 = arith.constant 0 : i32
      %dma_start3A_918 = tpu.memref_slice %arg22[%multiple_of3A_560, %dma_start3A_917] : memref<10000x128xf32, #tpu.memory_space<vmem_shared>> -> memref<8x128xf32, #tpu.memory_space<vmem_shared>>
      %dma_start3A_919 = arith.constant 0 : i32
      %dma_start3A_920 = tpu.memref_slice %arg22[%multiple_of3A_560, %dma_start3A_919] : memref<10000x128xf32, #tpu.memory_space<vmem_shared>> -> memref<8x128xf32, #tpu.memory_space<vmem_shared>>
      tpu.enqueue_dma source(%arg17 : memref<8x128xf32, #tpu.memory_space<vmem>>) target(%dma_start3A_920 : memref<8x128xf32, #tpu.memory_space<vmem_shared>>) target_semaphore(%run_scoped3A : memref<!tpu.dma_semaphore, #tpu.memory_space<semaphore_mem>>)
      %dma_wait3A_921 = arith.constant 0 : i32
      %dma_wait3A_922 = tpu.memref_slice %arg22[%multiple_of3A_560, %dma_wait3A_921] : memref<10000x128xf32, #tpu.memory_space<vmem_shared>> -> memref<8x128xf32, #tpu.memory_space<vmem_shared>>
      %dma_wait3A_923 = arith.constant 0 : i32
      %dma_wait3A_924 = tpu.memref_slice %arg22[%multiple_of3A_560, %dma_wait3A_923] : memref<10000x128xf32, #tpu.memory_space<vmem_shared>> -> memref<8x128xf32, #tpu.memory_space<vmem_shared>>
      tpu.wait_dma2 semaphore(%run_scoped3A : memref<!tpu.dma_semaphore, #tpu.memory_space<semaphore_mem>>) src(%arg17 : memref<8x128xf32, #tpu.memory_space<vmem>>) dst(%dma_wait3A_924 : memref<8x128xf32, #tpu.memory_space<vmem_shared>>)
      tpu.yield
    }) : () -> ()
    %mul3A_561 = arith.constant 624 : i32
    %mul3A_562 = arith.muli %arg1, %mul3A_561 : i32
    %add3A_563 = arith.constant 480 : i32
    %add3A_564 = arith.addi %mul3A_562, %add3A_563 : i32
    %multiple_of3A_565 = tpu.assume_multiple %add3A_564, 8 : i32
    "tpu.region"() ({
      %run_scoped3A = tpu.sem_alloc : memref<!tpu.dma_semaphore, #tpu.memory_space<semaphore_mem>>
      %dma_start3A_917 = arith.constant 0 : i32
      %dma_start3A_918 = tpu.memref_slice %arg22[%multiple_of3A_565, %dma_start3A_917] : memref<10000x128xf32, #tpu.memory_space<vmem_shared>> -> memref<8x128xf32, #tpu.memory_space<vmem_shared>>
      %dma_start3A_919 = arith.constant 0 : i32
      %dma_start3A_920 = tpu.memref_slice %arg22[%multiple_of3A_565, %dma_start3A_919] : memref<10000x128xf32, #tpu.memory_space<vmem_shared>> -> memref<8x128xf32, #tpu.memory_space<vmem_shared>>
      tpu.enqueue_dma source(%arg17 : memref<8x128xf32, #tpu.memory_space<vmem>>) target(%dma_start3A_920 : memref<8x128xf32, #tpu.memory_space<vmem_shared>>) target_semaphore(%run_scoped3A : memref<!tpu.dma_semaphore, #tpu.memory_space<semaphore_mem>>)
      %dma_wait3A_921 = arith.constant 0 : i32
      %dma_wait3A_922 = tpu.memref_slice %arg22[%multiple_of3A_565, %dma_wait3A_921] : memref<10000x128xf32, #tpu.memory_space<vmem_shared>> -> memref<8x128xf32, #tpu.memory_space<vmem_shared>>
      %dma_wait3A_923 = arith.constant 0 : i32
      %dma_wait3A_924 = tpu.memref_slice %arg22[%multiple_of3A_565, %dma_wait3A_923] : memref<10000x128xf32, #tpu.memory_space<vmem_shared>> -> memref<8x128xf32, #tpu.memory_space<vmem_shared>>
      tpu.wait_dma2 semaphore(%run_scoped3A : memref<!tpu.dma_semaphore, #tpu.memory_space<semaphore_mem>>) src(%arg17 : memref<8x128xf32, #tpu.memory_space<vmem>>) dst(%dma_wait3A_924 : memref<8x128xf32, #tpu.memory_space<vmem_shared>>)
      tpu.yield
    }) : () -> ()
    %mul3A_566 = arith.constant 624 : i32
    %mul3A_567 = arith.muli %arg1, %mul3A_566 : i32
    %add3A_568 = arith.constant 488 : i32
    %add3A_569 = arith.addi %mul3A_567, %add3A_568 : i32
    %multiple_of3A_570 = tpu.assume_multiple %add3A_569, 8 : i32
    "tpu.region"() ({
      %run_scoped3A = tpu.sem_alloc : memref<!tpu.dma_semaphore, #tpu.memory_space<semaphore_mem>>
      %dma_start3A_917 = arith.constant 0 : i32
      %dma_start3A_918 = tpu.memref_slice %arg22[%multiple_of3A_570, %dma_start3A_917] : memref<10000x128xf32, #tpu.memory_space<vmem_shared>> -> memref<8x128xf32, #tpu.memory_space<vmem_shared>>
      %dma_start3A_919 = arith.constant 0 : i32
      %dma_start3A_920 = tpu.memref_slice %arg22[%multiple_of3A_570, %dma_start3A_919] : memref<10000x128xf32, #tpu.memory_space<vmem_shared>> -> memref<8x128xf32, #tpu.memory_space<vmem_shared>>
      tpu.enqueue_dma source(%arg17 : memref<8x128xf32, #tpu.memory_space<vmem>>) target(%dma_start3A_920 : memref<8x128xf32, #tpu.memory_space<vmem_shared>>) target_semaphore(%run_scoped3A : memref<!tpu.dma_semaphore, #tpu.memory_space<semaphore_mem>>)
      %dma_wait3A_921 = arith.constant 0 : i32
      %dma_wait3A_922 = tpu.memref_slice %arg22[%multiple_of3A_570, %dma_wait3A_921] : memref<10000x128xf32, #tpu.memory_space<vmem_shared>> -> memref<8x128xf32, #tpu.memory_space<vmem_shared>>
      %dma_wait3A_923 = arith.constant 0 : i32
      %dma_wait3A_924 = tpu.memref_slice %arg22[%multiple_of3A_570, %dma_wait3A_923] : memref<10000x128xf32, #tpu.memory_space<vmem_shared>> -> memref<8x128xf32, #tpu.memory_space<vmem_shared>>
      tpu.wait_dma2 semaphore(%run_scoped3A : memref<!tpu.dma_semaphore, #tpu.memory_space<semaphore_mem>>) src(%arg17 : memref<8x128xf32, #tpu.memory_space<vmem>>) dst(%dma_wait3A_924 : memref<8x128xf32, #tpu.memory_space<vmem_shared>>)
      tpu.yield
    }) : () -> ()
    %mul3A_571 = arith.constant 624 : i32
    %mul3A_572 = arith.muli %arg1, %mul3A_571 : i32
    %add3A_573 = arith.constant 496 : i32
    %add3A_574 = arith.addi %mul3A_572, %add3A_573 : i32
    %multiple_of3A_575 = tpu.assume_multiple %add3A_574, 8 : i32
    "tpu.region"() ({
      %run_scoped3A = tpu.sem_alloc : memref<!tpu.dma_semaphore, #tpu.memory_space<semaphore_mem>>
      %dma_start3A_917 = arith.constant 0 : i32
      %dma_start3A_918 = tpu.memref_slice %arg22[%multiple_of3A_575, %dma_start3A_917] : memref<10000x128xf32, #tpu.memory_space<vmem_shared>> -> memref<8x128xf32, #tpu.memory_space<vmem_shared>>
      %dma_start3A_919 = arith.constant 0 : i32
      %dma_start3A_920 = tpu.memref_slice %arg22[%multiple_of3A_575, %dma_start3A_919] : memref<10000x128xf32, #tpu.memory_space<vmem_shared>> -> memref<8x128xf32, #tpu.memory_space<vmem_shared>>
      tpu.enqueue_dma source(%arg17 : memref<8x128xf32, #tpu.memory_space<vmem>>) target(%dma_start3A_920 : memref<8x128xf32, #tpu.memory_space<vmem_shared>>) target_semaphore(%run_scoped3A : memref<!tpu.dma_semaphore, #tpu.memory_space<semaphore_mem>>)
      %dma_wait3A_921 = arith.constant 0 : i32
      %dma_wait3A_922 = tpu.memref_slice %arg22[%multiple_of3A_575, %dma_wait3A_921] : memref<10000x128xf32, #tpu.memory_space<vmem_shared>> -> memref<8x128xf32, #tpu.memory_space<vmem_shared>>
      %dma_wait3A_923 = arith.constant 0 : i32
      %dma_wait3A_924 = tpu.memref_slice %arg22[%multiple_of3A_575, %dma_wait3A_923] : memref<10000x128xf32, #tpu.memory_space<vmem_shared>> -> memref<8x128xf32, #tpu.memory_space<vmem_shared>>
      tpu.wait_dma2 semaphore(%run_scoped3A : memref<!tpu.dma_semaphore, #tpu.memory_space<semaphore_mem>>) src(%arg17 : memref<8x128xf32, #tpu.memory_space<vmem>>) dst(%dma_wait3A_924 : memref<8x128xf32, #tpu.memory_space<vmem_shared>>)
      tpu.yield
    }) : () -> ()
    %mul3A_576 = arith.constant 624 : i32
    %mul3A_577 = arith.muli %arg1, %mul3A_576 : i32
    %add3A_578 = arith.constant 504 : i32
    %add3A_579 = arith.addi %mul3A_577, %add3A_578 : i32
    %multiple_of3A_580 = tpu.assume_multiple %add3A_579, 8 : i32
    "tpu.region"() ({
      %run_scoped3A = tpu.sem_alloc : memref<!tpu.dma_semaphore, #tpu.memory_space<semaphore_mem>>
      %dma_start3A_917 = arith.constant 0 : i32
      %dma_start3A_918 = tpu.memref_slice %arg22[%multiple_of3A_580, %dma_start3A_917] : memref<10000x128xf32, #tpu.memory_space<vmem_shared>> -> memref<8x128xf32, #tpu.memory_space<vmem_shared>>
      %dma_start3A_919 = arith.constant 0 : i32
      %dma_start3A_920 = tpu.memref_slice %arg22[%multiple_of3A_580, %dma_start3A_919] : memref<10000x128xf32, #tpu.memory_space<vmem_shared>> -> memref<8x128xf32, #tpu.memory_space<vmem_shared>>
      tpu.enqueue_dma source(%arg17 : memref<8x128xf32, #tpu.memory_space<vmem>>) target(%dma_start3A_920 : memref<8x128xf32, #tpu.memory_space<vmem_shared>>) target_semaphore(%run_scoped3A : memref<!tpu.dma_semaphore, #tpu.memory_space<semaphore_mem>>)
      %dma_wait3A_921 = arith.constant 0 : i32
      %dma_wait3A_922 = tpu.memref_slice %arg22[%multiple_of3A_580, %dma_wait3A_921] : memref<10000x128xf32, #tpu.memory_space<vmem_shared>> -> memref<8x128xf32, #tpu.memory_space<vmem_shared>>
      %dma_wait3A_923 = arith.constant 0 : i32
      %dma_wait3A_924 = tpu.memref_slice %arg22[%multiple_of3A_580, %dma_wait3A_923] : memref<10000x128xf32, #tpu.memory_space<vmem_shared>> -> memref<8x128xf32, #tpu.memory_space<vmem_shared>>
      tpu.wait_dma2 semaphore(%run_scoped3A : memref<!tpu.dma_semaphore, #tpu.memory_space<semaphore_mem>>) src(%arg17 : memref<8x128xf32, #tpu.memory_space<vmem>>) dst(%dma_wait3A_924 : memref<8x128xf32, #tpu.memory_space<vmem_shared>>)
      tpu.yield
    }) : () -> ()
    %mul3A_581 = arith.constant 624 : i32
    %mul3A_582 = arith.muli %arg1, %mul3A_581 : i32
    %add3A_583 = arith.constant 512 : i32
    %add3A_584 = arith.addi %mul3A_582, %add3A_583 : i32
    %multiple_of3A_585 = tpu.assume_multiple %add3A_584, 8 : i32
    "tpu.region"() ({
      %run_scoped3A = tpu.sem_alloc : memref<!tpu.dma_semaphore, #tpu.memory_space<semaphore_mem>>
      %dma_start3A_917 = arith.constant 0 : i32
      %dma_start3A_918 = tpu.memref_slice %arg22[%multiple_of3A_585, %dma_start3A_917] : memref<10000x128xf32, #tpu.memory_space<vmem_shared>> -> memref<8x128xf32, #tpu.memory_space<vmem_shared>>
      %dma_start3A_919 = arith.constant 0 : i32
      %dma_start3A_920 = tpu.memref_slice %arg22[%multiple_of3A_585, %dma_start3A_919] : memref<10000x128xf32, #tpu.memory_space<vmem_shared>> -> memref<8x128xf32, #tpu.memory_space<vmem_shared>>
      tpu.enqueue_dma source(%arg17 : memref<8x128xf32, #tpu.memory_space<vmem>>) target(%dma_start3A_920 : memref<8x128xf32, #tpu.memory_space<vmem_shared>>) target_semaphore(%run_scoped3A : memref<!tpu.dma_semaphore, #tpu.memory_space<semaphore_mem>>)
      %dma_wait3A_921 = arith.constant 0 : i32
      %dma_wait3A_922 = tpu.memref_slice %arg22[%multiple_of3A_585, %dma_wait3A_921] : memref<10000x128xf32, #tpu.memory_space<vmem_shared>> -> memref<8x128xf32, #tpu.memory_space<vmem_shared>>
      %dma_wait3A_923 = arith.constant 0 : i32
      %dma_wait3A_924 = tpu.memref_slice %arg22[%multiple_of3A_585, %dma_wait3A_923] : memref<10000x128xf32, #tpu.memory_space<vmem_shared>> -> memref<8x128xf32, #tpu.memory_space<vmem_shared>>
      tpu.wait_dma2 semaphore(%run_scoped3A : memref<!tpu.dma_semaphore, #tpu.memory_space<semaphore_mem>>) src(%arg17 : memref<8x128xf32, #tpu.memory_space<vmem>>) dst(%dma_wait3A_924 : memref<8x128xf32, #tpu.memory_space<vmem_shared>>)
      tpu.yield
    }) : () -> ()
    %mul3A_586 = arith.constant 624 : i32
    %mul3A_587 = arith.muli %arg1, %mul3A_586 : i32
    %add3A_588 = arith.constant 520 : i32
    %add3A_589 = arith.addi %mul3A_587, %add3A_588 : i32
    %multiple_of3A_590 = tpu.assume_multiple %add3A_589, 8 : i32
    "tpu.region"() ({
      %run_scoped3A = tpu.sem_alloc : memref<!tpu.dma_semaphore, #tpu.memory_space<semaphore_mem>>
      %dma_start3A_917 = arith.constant 0 : i32
      %dma_start3A_918 = tpu.memref_slice %arg22[%multiple_of3A_590, %dma_start3A_917] : memref<10000x128xf32, #tpu.memory_space<vmem_shared>> -> memref<8x128xf32, #tpu.memory_space<vmem_shared>>
      %dma_start3A_919 = arith.constant 0 : i32
      %dma_start3A_920 = tpu.memref_slice %arg22[%multiple_of3A_590, %dma_start3A_919] : memref<10000x128xf32, #tpu.memory_space<vmem_shared>> -> memref<8x128xf32, #tpu.memory_space<vmem_shared>>
      tpu.enqueue_dma source(%arg17 : memref<8x128xf32, #tpu.memory_space<vmem>>) target(%dma_start3A_920 : memref<8x128xf32, #tpu.memory_space<vmem_shared>>) target_semaphore(%run_scoped3A : memref<!tpu.dma_semaphore, #tpu.memory_space<semaphore_mem>>)
      %dma_wait3A_921 = arith.constant 0 : i32
      %dma_wait3A_922 = tpu.memref_slice %arg22[%multiple_of3A_590, %dma_wait3A_921] : memref<10000x128xf32, #tpu.memory_space<vmem_shared>> -> memref<8x128xf32, #tpu.memory_space<vmem_shared>>
      %dma_wait3A_923 = arith.constant 0 : i32
      %dma_wait3A_924 = tpu.memref_slice %arg22[%multiple_of3A_590, %dma_wait3A_923] : memref<10000x128xf32, #tpu.memory_space<vmem_shared>> -> memref<8x128xf32, #tpu.memory_space<vmem_shared>>
      tpu.wait_dma2 semaphore(%run_scoped3A : memref<!tpu.dma_semaphore, #tpu.memory_space<semaphore_mem>>) src(%arg17 : memref<8x128xf32, #tpu.memory_space<vmem>>) dst(%dma_wait3A_924 : memref<8x128xf32, #tpu.memory_space<vmem_shared>>)
      tpu.yield
    }) : () -> ()
    %mul3A_591 = arith.constant 624 : i32
    %mul3A_592 = arith.muli %arg1, %mul3A_591 : i32
    %add3A_593 = arith.constant 528 : i32
    %add3A_594 = arith.addi %mul3A_592, %add3A_593 : i32
    %multiple_of3A_595 = tpu.assume_multiple %add3A_594, 8 : i32
    "tpu.region"() ({
      %run_scoped3A = tpu.sem_alloc : memref<!tpu.dma_semaphore, #tpu.memory_space<semaphore_mem>>
      %dma_start3A_917 = arith.constant 0 : i32
      %dma_start3A_918 = tpu.memref_slice %arg22[%multiple_of3A_595, %dma_start3A_917] : memref<10000x128xf32, #tpu.memory_space<vmem_shared>> -> memref<8x128xf32, #tpu.memory_space<vmem_shared>>
      %dma_start3A_919 = arith.constant 0 : i32
      %dma_start3A_920 = tpu.memref_slice %arg22[%multiple_of3A_595, %dma_start3A_919] : memref<10000x128xf32, #tpu.memory_space<vmem_shared>> -> memref<8x128xf32, #tpu.memory_space<vmem_shared>>
      tpu.enqueue_dma source(%arg17 : memref<8x128xf32, #tpu.memory_space<vmem>>) target(%dma_start3A_920 : memref<8x128xf32, #tpu.memory_space<vmem_shared>>) target_semaphore(%run_scoped3A : memref<!tpu.dma_semaphore, #tpu.memory_space<semaphore_mem>>)
      %dma_wait3A_921 = arith.constant 0 : i32
      %dma_wait3A_922 = tpu.memref_slice %arg22[%multiple_of3A_595, %dma_wait3A_921] : memref<10000x128xf32, #tpu.memory_space<vmem_shared>> -> memref<8x128xf32, #tpu.memory_space<vmem_shared>>
      %dma_wait3A_923 = arith.constant 0 : i32
      %dma_wait3A_924 = tpu.memref_slice %arg22[%multiple_of3A_595, %dma_wait3A_923] : memref<10000x128xf32, #tpu.memory_space<vmem_shared>> -> memref<8x128xf32, #tpu.memory_space<vmem_shared>>
      tpu.wait_dma2 semaphore(%run_scoped3A : memref<!tpu.dma_semaphore, #tpu.memory_space<semaphore_mem>>) src(%arg17 : memref<8x128xf32, #tpu.memory_space<vmem>>) dst(%dma_wait3A_924 : memref<8x128xf32, #tpu.memory_space<vmem_shared>>)
      tpu.yield
    }) : () -> ()
    %mul3A_596 = arith.constant 624 : i32
    %mul3A_597 = arith.muli %arg1, %mul3A_596 : i32
    %add3A_598 = arith.constant 536 : i32
    %add3A_599 = arith.addi %mul3A_597, %add3A_598 : i32
    %multiple_of3A_600 = tpu.assume_multiple %add3A_599, 8 : i32
    "tpu.region"() ({
      %run_scoped3A = tpu.sem_alloc : memref<!tpu.dma_semaphore, #tpu.memory_space<semaphore_mem>>
      %dma_start3A_917 = arith.constant 0 : i32
      %dma_start3A_918 = tpu.memref_slice %arg22[%multiple_of3A_600, %dma_start3A_917] : memref<10000x128xf32, #tpu.memory_space<vmem_shared>> -> memref<8x128xf32, #tpu.memory_space<vmem_shared>>
      %dma_start3A_919 = arith.constant 0 : i32
      %dma_start3A_920 = tpu.memref_slice %arg22[%multiple_of3A_600, %dma_start3A_919] : memref<10000x128xf32, #tpu.memory_space<vmem_shared>> -> memref<8x128xf32, #tpu.memory_space<vmem_shared>>
      tpu.enqueue_dma source(%arg17 : memref<8x128xf32, #tpu.memory_space<vmem>>) target(%dma_start3A_920 : memref<8x128xf32, #tpu.memory_space<vmem_shared>>) target_semaphore(%run_scoped3A : memref<!tpu.dma_semaphore, #tpu.memory_space<semaphore_mem>>)
      %dma_wait3A_921 = arith.constant 0 : i32
      %dma_wait3A_922 = tpu.memref_slice %arg22[%multiple_of3A_600, %dma_wait3A_921] : memref<10000x128xf32, #tpu.memory_space<vmem_shared>> -> memref<8x128xf32, #tpu.memory_space<vmem_shared>>
      %dma_wait3A_923 = arith.constant 0 : i32
      %dma_wait3A_924 = tpu.memref_slice %arg22[%multiple_of3A_600, %dma_wait3A_923] : memref<10000x128xf32, #tpu.memory_space<vmem_shared>> -> memref<8x128xf32, #tpu.memory_space<vmem_shared>>
      tpu.wait_dma2 semaphore(%run_scoped3A : memref<!tpu.dma_semaphore, #tpu.memory_space<semaphore_mem>>) src(%arg17 : memref<8x128xf32, #tpu.memory_space<vmem>>) dst(%dma_wait3A_924 : memref<8x128xf32, #tpu.memory_space<vmem_shared>>)
      tpu.yield
    }) : () -> ()
    %mul3A_601 = arith.constant 624 : i32
    %mul3A_602 = arith.muli %arg1, %mul3A_601 : i32
    %add3A_603 = arith.constant 544 : i32
    %add3A_604 = arith.addi %mul3A_602, %add3A_603 : i32
    %multiple_of3A_605 = tpu.assume_multiple %add3A_604, 8 : i32
    "tpu.region"() ({
      %run_scoped3A = tpu.sem_alloc : memref<!tpu.dma_semaphore, #tpu.memory_space<semaphore_mem>>
      %dma_start3A_917 = arith.constant 0 : i32
      %dma_start3A_918 = tpu.memref_slice %arg22[%multiple_of3A_605, %dma_start3A_917] : memref<10000x128xf32, #tpu.memory_space<vmem_shared>> -> memref<8x128xf32, #tpu.memory_space<vmem_shared>>
      %dma_start3A_919 = arith.constant 0 : i32
      %dma_start3A_920 = tpu.memref_slice %arg22[%multiple_of3A_605, %dma_start3A_919] : memref<10000x128xf32, #tpu.memory_space<vmem_shared>> -> memref<8x128xf32, #tpu.memory_space<vmem_shared>>
      tpu.enqueue_dma source(%arg17 : memref<8x128xf32, #tpu.memory_space<vmem>>) target(%dma_start3A_920 : memref<8x128xf32, #tpu.memory_space<vmem_shared>>) target_semaphore(%run_scoped3A : memref<!tpu.dma_semaphore, #tpu.memory_space<semaphore_mem>>)
      %dma_wait3A_921 = arith.constant 0 : i32
      %dma_wait3A_922 = tpu.memref_slice %arg22[%multiple_of3A_605, %dma_wait3A_921] : memref<10000x128xf32, #tpu.memory_space<vmem_shared>> -> memref<8x128xf32, #tpu.memory_space<vmem_shared>>
      %dma_wait3A_923 = arith.constant 0 : i32
      %dma_wait3A_924 = tpu.memref_slice %arg22[%multiple_of3A_605, %dma_wait3A_923] : memref<10000x128xf32, #tpu.memory_space<vmem_shared>> -> memref<8x128xf32, #tpu.memory_space<vmem_shared>>
      tpu.wait_dma2 semaphore(%run_scoped3A : memref<!tpu.dma_semaphore, #tpu.memory_space<semaphore_mem>>) src(%arg17 : memref<8x128xf32, #tpu.memory_space<vmem>>) dst(%dma_wait3A_924 : memref<8x128xf32, #tpu.memory_space<vmem_shared>>)
      tpu.yield
    }) : () -> ()
    %mul3A_606 = arith.constant 624 : i32
    %mul3A_607 = arith.muli %arg1, %mul3A_606 : i32
    %add3A_608 = arith.constant 552 : i32
    %add3A_609 = arith.addi %mul3A_607, %add3A_608 : i32
    %multiple_of3A_610 = tpu.assume_multiple %add3A_609, 8 : i32
    "tpu.region"() ({
      %run_scoped3A = tpu.sem_alloc : memref<!tpu.dma_semaphore, #tpu.memory_space<semaphore_mem>>
      %dma_start3A_917 = arith.constant 0 : i32
      %dma_start3A_918 = tpu.memref_slice %arg22[%multiple_of3A_610, %dma_start3A_917] : memref<10000x128xf32, #tpu.memory_space<vmem_shared>> -> memref<8x128xf32, #tpu.memory_space<vmem_shared>>
      %dma_start3A_919 = arith.constant 0 : i32
      %dma_start3A_920 = tpu.memref_slice %arg22[%multiple_of3A_610, %dma_start3A_919] : memref<10000x128xf32, #tpu.memory_space<vmem_shared>> -> memref<8x128xf32, #tpu.memory_space<vmem_shared>>
      tpu.enqueue_dma source(%arg17 : memref<8x128xf32, #tpu.memory_space<vmem>>) target(%dma_start3A_920 : memref<8x128xf32, #tpu.memory_space<vmem_shared>>) target_semaphore(%run_scoped3A : memref<!tpu.dma_semaphore, #tpu.memory_space<semaphore_mem>>)
      %dma_wait3A_921 = arith.constant 0 : i32
      %dma_wait3A_922 = tpu.memref_slice %arg22[%multiple_of3A_610, %dma_wait3A_921] : memref<10000x128xf32, #tpu.memory_space<vmem_shared>> -> memref<8x128xf32, #tpu.memory_space<vmem_shared>>
      %dma_wait3A_923 = arith.constant 0 : i32
      %dma_wait3A_924 = tpu.memref_slice %arg22[%multiple_of3A_610, %dma_wait3A_923] : memref<10000x128xf32, #tpu.memory_space<vmem_shared>> -> memref<8x128xf32, #tpu.memory_space<vmem_shared>>
      tpu.wait_dma2 semaphore(%run_scoped3A : memref<!tpu.dma_semaphore, #tpu.memory_space<semaphore_mem>>) src(%arg17 : memref<8x128xf32, #tpu.memory_space<vmem>>) dst(%dma_wait3A_924 : memref<8x128xf32, #tpu.memory_space<vmem_shared>>)
      tpu.yield
    }) : () -> ()
    %mul3A_611 = arith.constant 624 : i32
    %mul3A_612 = arith.muli %arg1, %mul3A_611 : i32
    %add3A_613 = arith.constant 560 : i32
    %add3A_614 = arith.addi %mul3A_612, %add3A_613 : i32
    %multiple_of3A_615 = tpu.assume_multiple %add3A_614, 8 : i32
    "tpu.region"() ({
      %run_scoped3A = tpu.sem_alloc : memref<!tpu.dma_semaphore, #tpu.memory_space<semaphore_mem>>
      %dma_start3A_917 = arith.constant 0 : i32
      %dma_start3A_918 = tpu.memref_slice %arg22[%multiple_of3A_615, %dma_start3A_917] : memref<10000x128xf32, #tpu.memory_space<vmem_shared>> -> memref<8x128xf32, #tpu.memory_space<vmem_shared>>
      %dma_start3A_919 = arith.constant 0 : i32
      %dma_start3A_920 = tpu.memref_slice %arg22[%multiple_of3A_615, %dma_start3A_919] : memref<10000x128xf32, #tpu.memory_space<vmem_shared>> -> memref<8x128xf32, #tpu.memory_space<vmem_shared>>
      tpu.enqueue_dma source(%arg17 : memref<8x128xf32, #tpu.memory_space<vmem>>) target(%dma_start3A_920 : memref<8x128xf32, #tpu.memory_space<vmem_shared>>) target_semaphore(%run_scoped3A : memref<!tpu.dma_semaphore, #tpu.memory_space<semaphore_mem>>)
      %dma_wait3A_921 = arith.constant 0 : i32
      %dma_wait3A_922 = tpu.memref_slice %arg22[%multiple_of3A_615, %dma_wait3A_921] : memref<10000x128xf32, #tpu.memory_space<vmem_shared>> -> memref<8x128xf32, #tpu.memory_space<vmem_shared>>
      %dma_wait3A_923 = arith.constant 0 : i32
      %dma_wait3A_924 = tpu.memref_slice %arg22[%multiple_of3A_615, %dma_wait3A_923] : memref<10000x128xf32, #tpu.memory_space<vmem_shared>> -> memref<8x128xf32, #tpu.memory_space<vmem_shared>>
      tpu.wait_dma2 semaphore(%run_scoped3A : memref<!tpu.dma_semaphore, #tpu.memory_space<semaphore_mem>>) src(%arg17 : memref<8x128xf32, #tpu.memory_space<vmem>>) dst(%dma_wait3A_924 : memref<8x128xf32, #tpu.memory_space<vmem_shared>>)
      tpu.yield
    }) : () -> ()
    %mul3A_616 = arith.constant 624 : i32
    %mul3A_617 = arith.muli %arg1, %mul3A_616 : i32
    %add3A_618 = arith.constant 568 : i32
    %add3A_619 = arith.addi %mul3A_617, %add3A_618 : i32
    %multiple_of3A_620 = tpu.assume_multiple %add3A_619, 8 : i32
    "tpu.region"() ({
      %run_scoped3A = tpu.sem_alloc : memref<!tpu.dma_semaphore, #tpu.memory_space<semaphore_mem>>
      %dma_start3A_917 = arith.constant 0 : i32
      %dma_start3A_918 = tpu.memref_slice %arg22[%multiple_of3A_620, %dma_start3A_917] : memref<10000x128xf32, #tpu.memory_space<vmem_shared>> -> memref<8x128xf32, #tpu.memory_space<vmem_shared>>
      %dma_start3A_919 = arith.constant 0 : i32
      %dma_start3A_920 = tpu.memref_slice %arg22[%multiple_of3A_620, %dma_start3A_919] : memref<10000x128xf32, #tpu.memory_space<vmem_shared>> -> memref<8x128xf32, #tpu.memory_space<vmem_shared>>
      tpu.enqueue_dma source(%arg17 : memref<8x128xf32, #tpu.memory_space<vmem>>) target(%dma_start3A_920 : memref<8x128xf32, #tpu.memory_space<vmem_shared>>) target_semaphore(%run_scoped3A : memref<!tpu.dma_semaphore, #tpu.memory_space<semaphore_mem>>)
      %dma_wait3A_921 = arith.constant 0 : i32
      %dma_wait3A_922 = tpu.memref_slice %arg22[%multiple_of3A_620, %dma_wait3A_921] : memref<10000x128xf32, #tpu.memory_space<vmem_shared>> -> memref<8x128xf32, #tpu.memory_space<vmem_shared>>
      %dma_wait3A_923 = arith.constant 0 : i32
      %dma_wait3A_924 = tpu.memref_slice %arg22[%multiple_of3A_620, %dma_wait3A_923] : memref<10000x128xf32, #tpu.memory_space<vmem_shared>> -> memref<8x128xf32, #tpu.memory_space<vmem_shared>>
      tpu.wait_dma2 semaphore(%run_scoped3A : memref<!tpu.dma_semaphore, #tpu.memory_space<semaphore_mem>>) src(%arg17 : memref<8x128xf32, #tpu.memory_space<vmem>>) dst(%dma_wait3A_924 : memref<8x128xf32, #tpu.memory_space<vmem_shared>>)
      tpu.yield
    }) : () -> ()
    %mul3A_621 = arith.constant 624 : i32
    %mul3A_622 = arith.muli %arg1, %mul3A_621 : i32
    %add3A_623 = arith.constant 576 : i32
    %add3A_624 = arith.addi %mul3A_622, %add3A_623 : i32
    %multiple_of3A_625 = tpu.assume_multiple %add3A_624, 8 : i32
    "tpu.region"() ({
      %run_scoped3A = tpu.sem_alloc : memref<!tpu.dma_semaphore, #tpu.memory_space<semaphore_mem>>
      %dma_start3A_917 = arith.constant 0 : i32
      %dma_start3A_918 = tpu.memref_slice %arg22[%multiple_of3A_625, %dma_start3A_917] : memref<10000x128xf32, #tpu.memory_space<vmem_shared>> -> memref<8x128xf32, #tpu.memory_space<vmem_shared>>
      %dma_start3A_919 = arith.constant 0 : i32
      %dma_start3A_920 = tpu.memref_slice %arg22[%multiple_of3A_625, %dma_start3A_919] : memref<10000x128xf32, #tpu.memory_space<vmem_shared>> -> memref<8x128xf32, #tpu.memory_space<vmem_shared>>
      tpu.enqueue_dma source(%arg17 : memref<8x128xf32, #tpu.memory_space<vmem>>) target(%dma_start3A_920 : memref<8x128xf32, #tpu.memory_space<vmem_shared>>) target_semaphore(%run_scoped3A : memref<!tpu.dma_semaphore, #tpu.memory_space<semaphore_mem>>)
      %dma_wait3A_921 = arith.constant 0 : i32
      %dma_wait3A_922 = tpu.memref_slice %arg22[%multiple_of3A_625, %dma_wait3A_921] : memref<10000x128xf32, #tpu.memory_space<vmem_shared>> -> memref<8x128xf32, #tpu.memory_space<vmem_shared>>
      %dma_wait3A_923 = arith.constant 0 : i32
      %dma_wait3A_924 = tpu.memref_slice %arg22[%multiple_of3A_625, %dma_wait3A_923] : memref<10000x128xf32, #tpu.memory_space<vmem_shared>> -> memref<8x128xf32, #tpu.memory_space<vmem_shared>>
      tpu.wait_dma2 semaphore(%run_scoped3A : memref<!tpu.dma_semaphore, #tpu.memory_space<semaphore_mem>>) src(%arg17 : memref<8x128xf32, #tpu.memory_space<vmem>>) dst(%dma_wait3A_924 : memref<8x128xf32, #tpu.memory_space<vmem_shared>>)
      tpu.yield
    }) : () -> ()
    %mul3A_626 = arith.constant 624 : i32
    %mul3A_627 = arith.muli %arg1, %mul3A_626 : i32
    %add3A_628 = arith.constant 584 : i32
    %add3A_629 = arith.addi %mul3A_627, %add3A_628 : i32
    %multiple_of3A_630 = tpu.assume_multiple %add3A_629, 8 : i32
    "tpu.region"() ({
      %run_scoped3A = tpu.sem_alloc : memref<!tpu.dma_semaphore, #tpu.memory_space<semaphore_mem>>
      %dma_start3A_917 = arith.constant 0 : i32
      %dma_start3A_918 = tpu.memref_slice %arg22[%multiple_of3A_630, %dma_start3A_917] : memref<10000x128xf32, #tpu.memory_space<vmem_shared>> -> memref<8x128xf32, #tpu.memory_space<vmem_shared>>
      %dma_start3A_919 = arith.constant 0 : i32
      %dma_start3A_920 = tpu.memref_slice %arg22[%multiple_of3A_630, %dma_start3A_919] : memref<10000x128xf32, #tpu.memory_space<vmem_shared>> -> memref<8x128xf32, #tpu.memory_space<vmem_shared>>
      tpu.enqueue_dma source(%arg17 : memref<8x128xf32, #tpu.memory_space<vmem>>) target(%dma_start3A_920 : memref<8x128xf32, #tpu.memory_space<vmem_shared>>) target_semaphore(%run_scoped3A : memref<!tpu.dma_semaphore, #tpu.memory_space<semaphore_mem>>)
      %dma_wait3A_921 = arith.constant 0 : i32
      %dma_wait3A_922 = tpu.memref_slice %arg22[%multiple_of3A_630, %dma_wait3A_921] : memref<10000x128xf32, #tpu.memory_space<vmem_shared>> -> memref<8x128xf32, #tpu.memory_space<vmem_shared>>
      %dma_wait3A_923 = arith.constant 0 : i32
      %dma_wait3A_924 = tpu.memref_slice %arg22[%multiple_of3A_630, %dma_wait3A_923] : memref<10000x128xf32, #tpu.memory_space<vmem_shared>> -> memref<8x128xf32, #tpu.memory_space<vmem_shared>>
      tpu.wait_dma2 semaphore(%run_scoped3A : memref<!tpu.dma_semaphore, #tpu.memory_space<semaphore_mem>>) src(%arg17 : memref<8x128xf32, #tpu.memory_space<vmem>>) dst(%dma_wait3A_924 : memref<8x128xf32, #tpu.memory_space<vmem_shared>>)
      tpu.yield
    }) : () -> ()
    %mul3A_631 = arith.constant 624 : i32
    %mul3A_632 = arith.muli %arg1, %mul3A_631 : i32
    %add3A_633 = arith.constant 592 : i32
    %add3A_634 = arith.addi %mul3A_632, %add3A_633 : i32
    %multiple_of3A_635 = tpu.assume_multiple %add3A_634, 8 : i32
    "tpu.region"() ({
      %run_scoped3A = tpu.sem_alloc : memref<!tpu.dma_semaphore, #tpu.memory_space<semaphore_mem>>
      %dma_start3A_917 = arith.constant 0 : i32
      %dma_start3A_918 = tpu.memref_slice %arg22[%multiple_of3A_635, %dma_start3A_917] : memref<10000x128xf32, #tpu.memory_space<vmem_shared>> -> memref<8x128xf32, #tpu.memory_space<vmem_shared>>
      %dma_start3A_919 = arith.constant 0 : i32
      %dma_start3A_920 = tpu.memref_slice %arg22[%multiple_of3A_635, %dma_start3A_919] : memref<10000x128xf32, #tpu.memory_space<vmem_shared>> -> memref<8x128xf32, #tpu.memory_space<vmem_shared>>
      tpu.enqueue_dma source(%arg17 : memref<8x128xf32, #tpu.memory_space<vmem>>) target(%dma_start3A_920 : memref<8x128xf32, #tpu.memory_space<vmem_shared>>) target_semaphore(%run_scoped3A : memref<!tpu.dma_semaphore, #tpu.memory_space<semaphore_mem>>)
      %dma_wait3A_921 = arith.constant 0 : i32
      %dma_wait3A_922 = tpu.memref_slice %arg22[%multiple_of3A_635, %dma_wait3A_921] : memref<10000x128xf32, #tpu.memory_space<vmem_shared>> -> memref<8x128xf32, #tpu.memory_space<vmem_shared>>
      %dma_wait3A_923 = arith.constant 0 : i32
      %dma_wait3A_924 = tpu.memref_slice %arg22[%multiple_of3A_635, %dma_wait3A_923] : memref<10000x128xf32, #tpu.memory_space<vmem_shared>> -> memref<8x128xf32, #tpu.memory_space<vmem_shared>>
      tpu.wait_dma2 semaphore(%run_scoped3A : memref<!tpu.dma_semaphore, #tpu.memory_space<semaphore_mem>>) src(%arg17 : memref<8x128xf32, #tpu.memory_space<vmem>>) dst(%dma_wait3A_924 : memref<8x128xf32, #tpu.memory_space<vmem_shared>>)
      tpu.yield
    }) : () -> ()
    %mul3A_636 = arith.constant 624 : i32
    %mul3A_637 = arith.muli %arg1, %mul3A_636 : i32
    %add3A_638 = arith.constant 600 : i32
    %add3A_639 = arith.addi %mul3A_637, %add3A_638 : i32
    %multiple_of3A_640 = tpu.assume_multiple %add3A_639, 8 : i32
    "tpu.region"() ({
      %run_scoped3A = tpu.sem_alloc : memref<!tpu.dma_semaphore, #tpu.memory_space<semaphore_mem>>
      %dma_start3A_917 = arith.constant 0 : i32
      %dma_start3A_918 = tpu.memref_slice %arg22[%multiple_of3A_640, %dma_start3A_917] : memref<10000x128xf32, #tpu.memory_space<vmem_shared>> -> memref<8x128xf32, #tpu.memory_space<vmem_shared>>
      %dma_start3A_919 = arith.constant 0 : i32
      %dma_start3A_920 = tpu.memref_slice %arg22[%multiple_of3A_640, %dma_start3A_919] : memref<10000x128xf32, #tpu.memory_space<vmem_shared>> -> memref<8x128xf32, #tpu.memory_space<vmem_shared>>
      tpu.enqueue_dma source(%arg17 : memref<8x128xf32, #tpu.memory_space<vmem>>) target(%dma_start3A_920 : memref<8x128xf32, #tpu.memory_space<vmem_shared>>) target_semaphore(%run_scoped3A : memref<!tpu.dma_semaphore, #tpu.memory_space<semaphore_mem>>)
      %dma_wait3A_921 = arith.constant 0 : i32
      %dma_wait3A_922 = tpu.memref_slice %arg22[%multiple_of3A_640, %dma_wait3A_921] : memref<10000x128xf32, #tpu.memory_space<vmem_shared>> -> memref<8x128xf32, #tpu.memory_space<vmem_shared>>
      %dma_wait3A_923 = arith.constant 0 : i32
      %dma_wait3A_924 = tpu.memref_slice %arg22[%multiple_of3A_640, %dma_wait3A_923] : memref<10000x128xf32, #tpu.memory_space<vmem_shared>> -> memref<8x128xf32, #tpu.memory_space<vmem_shared>>
      tpu.wait_dma2 semaphore(%run_scoped3A : memref<!tpu.dma_semaphore, #tpu.memory_space<semaphore_mem>>) src(%arg17 : memref<8x128xf32, #tpu.memory_space<vmem>>) dst(%dma_wait3A_924 : memref<8x128xf32, #tpu.memory_space<vmem_shared>>)
      tpu.yield
    }) : () -> ()
    %mul3A_641 = arith.constant 624 : i32
    %mul3A_642 = arith.muli %arg1, %mul3A_641 : i32
    %add3A_643 = arith.constant 608 : i32
    %add3A_644 = arith.addi %mul3A_642, %add3A_643 : i32
    %multiple_of3A_645 = tpu.assume_multiple %add3A_644, 8 : i32
    "tpu.region"() ({
      %run_scoped3A = tpu.sem_alloc : memref<!tpu.dma_semaphore, #tpu.memory_space<semaphore_mem>>
      %dma_start3A_917 = arith.constant 0 : i32
      %dma_start3A_918 = tpu.memref_slice %arg22[%multiple_of3A_645, %dma_start3A_917] : memref<10000x128xf32, #tpu.memory_space<vmem_shared>> -> memref<8x128xf32, #tpu.memory_space<vmem_shared>>
      %dma_start3A_919 = arith.constant 0 : i32
      %dma_start3A_920 = tpu.memref_slice %arg22[%multiple_of3A_645, %dma_start3A_919] : memref<10000x128xf32, #tpu.memory_space<vmem_shared>> -> memref<8x128xf32, #tpu.memory_space<vmem_shared>>
      tpu.enqueue_dma source(%arg17 : memref<8x128xf32, #tpu.memory_space<vmem>>) target(%dma_start3A_920 : memref<8x128xf32, #tpu.memory_space<vmem_shared>>) target_semaphore(%run_scoped3A : memref<!tpu.dma_semaphore, #tpu.memory_space<semaphore_mem>>)
      %dma_wait3A_921 = arith.constant 0 : i32
      %dma_wait3A_922 = tpu.memref_slice %arg22[%multiple_of3A_645, %dma_wait3A_921] : memref<10000x128xf32, #tpu.memory_space<vmem_shared>> -> memref<8x128xf32, #tpu.memory_space<vmem_shared>>
      %dma_wait3A_923 = arith.constant 0 : i32
      %dma_wait3A_924 = tpu.memref_slice %arg22[%multiple_of3A_645, %dma_wait3A_923] : memref<10000x128xf32, #tpu.memory_space<vmem_shared>> -> memref<8x128xf32, #tpu.memory_space<vmem_shared>>
      tpu.wait_dma2 semaphore(%run_scoped3A : memref<!tpu.dma_semaphore, #tpu.memory_space<semaphore_mem>>) src(%arg17 : memref<8x128xf32, #tpu.memory_space<vmem>>) dst(%dma_wait3A_924 : memref<8x128xf32, #tpu.memory_space<vmem_shared>>)
      tpu.yield
    }) : () -> ()
    %mul3A_646 = arith.constant 624 : i32
    %mul3A_647 = arith.muli %arg1, %mul3A_646 : i32
    %add3A_648 = arith.constant 616 : i32
    %add3A_649 = arith.addi %mul3A_647, %add3A_648 : i32
    %multiple_of3A_650 = tpu.assume_multiple %add3A_649, 8 : i32
    "tpu.region"() ({
      %run_scoped3A = tpu.sem_alloc : memref<!tpu.dma_semaphore, #tpu.memory_space<semaphore_mem>>
      %dma_start3A_917 = arith.constant 0 : i32
      %dma_start3A_918 = tpu.memref_slice %arg22[%multiple_of3A_650, %dma_start3A_917] : memref<10000x128xf32, #tpu.memory_space<vmem_shared>> -> memref<8x128xf32, #tpu.memory_space<vmem_shared>>
      %dma_start3A_919 = arith.constant 0 : i32
      %dma_start3A_920 = tpu.memref_slice %arg22[%multiple_of3A_650, %dma_start3A_919] : memref<10000x128xf32, #tpu.memory_space<vmem_shared>> -> memref<8x128xf32, #tpu.memory_space<vmem_shared>>
      tpu.enqueue_dma source(%arg17 : memref<8x128xf32, #tpu.memory_space<vmem>>) target(%dma_start3A_920 : memref<8x128xf32, #tpu.memory_space<vmem_shared>>) target_semaphore(%run_scoped3A : memref<!tpu.dma_semaphore, #tpu.memory_space<semaphore_mem>>)
      %dma_wait3A_921 = arith.constant 0 : i32
      %dma_wait3A_922 = tpu.memref_slice %arg22[%multiple_of3A_650, %dma_wait3A_921] : memref<10000x128xf32, #tpu.memory_space<vmem_shared>> -> memref<8x128xf32, #tpu.memory_space<vmem_shared>>
      %dma_wait3A_923 = arith.constant 0 : i32
      %dma_wait3A_924 = tpu.memref_slice %arg22[%multiple_of3A_650, %dma_wait3A_923] : memref<10000x128xf32, #tpu.memory_space<vmem_shared>> -> memref<8x128xf32, #tpu.memory_space<vmem_shared>>
      tpu.wait_dma2 semaphore(%run_scoped3A : memref<!tpu.dma_semaphore, #tpu.memory_space<semaphore_mem>>) src(%arg17 : memref<8x128xf32, #tpu.memory_space<vmem>>) dst(%dma_wait3A_924 : memref<8x128xf32, #tpu.memory_space<vmem_shared>>)
      tpu.yield
    }) : () -> ()
    %eq3A = arith.constant 15 : i32
    %eq3A_651 = arith.cmpi eq, %arg1, %eq3A : i32
    %convert_element_type3A = arith.extui %eq3A_651 : i1 to i32
    %cond3A = arith.constant 0 : i32
    %cond3A_652 = arith.cmpi ne, %convert_element_type3A, %cond3A : i32
    scf.if %cond3A_652 {
      %multiple_of3A_917 = arith.constant 9984 : i32
      %multiple_of3A_918 = tpu.assume_multiple %multiple_of3A_917, 8 : i32
      "tpu.region"() ({
        %run_scoped3A = tpu.sem_alloc : memref<!tpu.dma_semaphore, #tpu.memory_space<semaphore_mem>>
        %dma_start3A_921 = arith.constant 0 : i32
        %dma_start3A_922 = tpu.memref_slice %arg22[%multiple_of3A_918, %dma_start3A_921] : memref<10000x128xf32, #tpu.memory_space<vmem_shared>> -> memref<8x128xf32, #tpu.memory_space<vmem_shared>>
        %dma_start3A_923 = arith.constant 0 : i32
        %dma_start3A_924 = tpu.memref_slice %arg22[%multiple_of3A_918, %dma_start3A_923] : memref<10000x128xf32, #tpu.memory_space<vmem_shared>> -> memref<8x128xf32, #tpu.memory_space<vmem_shared>>
        tpu.enqueue_dma source(%arg17 : memref<8x128xf32, #tpu.memory_space<vmem>>) target(%dma_start3A_924 : memref<8x128xf32, #tpu.memory_space<vmem_shared>>) target_semaphore(%run_scoped3A : memref<!tpu.dma_semaphore, #tpu.memory_space<semaphore_mem>>)
        %dma_wait3A_925 = arith.constant 0 : i32
        %dma_wait3A_926 = tpu.memref_slice %arg22[%multiple_of3A_918, %dma_wait3A_925] : memref<10000x128xf32, #tpu.memory_space<vmem_shared>> -> memref<8x128xf32, #tpu.memory_space<vmem_shared>>
        %dma_wait3A_927 = arith.constant 0 : i32
        %dma_wait3A_928 = tpu.memref_slice %arg22[%multiple_of3A_918, %dma_wait3A_927] : memref<10000x128xf32, #tpu.memory_space<vmem_shared>> -> memref<8x128xf32, #tpu.memory_space<vmem_shared>>
        tpu.wait_dma2 semaphore(%run_scoped3A : memref<!tpu.dma_semaphore, #tpu.memory_space<semaphore_mem>>) src(%arg17 : memref<8x128xf32, #tpu.memory_space<vmem>>) dst(%dma_wait3A_928 : memref<8x128xf32, #tpu.memory_space<vmem_shared>>)
        tpu.yield
      }) : () -> ()
      %multiple_of3A_919 = arith.constant 9992 : i32
      %multiple_of3A_920 = tpu.assume_multiple %multiple_of3A_919, 8 : i32
      "tpu.region"() ({
        %run_scoped3A = tpu.sem_alloc : memref<!tpu.dma_semaphore, #tpu.memory_space<semaphore_mem>>
        %dma_start3A_921 = arith.constant 0 : i32
        %dma_start3A_922 = tpu.memref_slice %arg22[%multiple_of3A_920, %dma_start3A_921] : memref<10000x128xf32, #tpu.memory_space<vmem_shared>> -> memref<8x128xf32, #tpu.memory_space<vmem_shared>>
        %dma_start3A_923 = arith.constant 0 : i32
        %dma_start3A_924 = tpu.memref_slice %arg22[%multiple_of3A_920, %dma_start3A_923] : memref<10000x128xf32, #tpu.memory_space<vmem_shared>> -> memref<8x128xf32, #tpu.memory_space<vmem_shared>>
        tpu.enqueue_dma source(%arg17 : memref<8x128xf32, #tpu.memory_space<vmem>>) target(%dma_start3A_924 : memref<8x128xf32, #tpu.memory_space<vmem_shared>>) target_semaphore(%run_scoped3A : memref<!tpu.dma_semaphore, #tpu.memory_space<semaphore_mem>>)
        %dma_wait3A_925 = arith.constant 0 : i32
        %dma_wait3A_926 = tpu.memref_slice %arg22[%multiple_of3A_920, %dma_wait3A_925] : memref<10000x128xf32, #tpu.memory_space<vmem_shared>> -> memref<8x128xf32, #tpu.memory_space<vmem_shared>>
        %dma_wait3A_927 = arith.constant 0 : i32
        %dma_wait3A_928 = tpu.memref_slice %arg22[%multiple_of3A_920, %dma_wait3A_927] : memref<10000x128xf32, #tpu.memory_space<vmem_shared>> -> memref<8x128xf32, #tpu.memory_space<vmem_shared>>
        tpu.wait_dma2 semaphore(%run_scoped3A : memref<!tpu.dma_semaphore, #tpu.memory_space<semaphore_mem>>) src(%arg17 : memref<8x128xf32, #tpu.memory_space<vmem>>) dst(%dma_wait3A_928 : memref<8x128xf32, #tpu.memory_space<vmem_shared>>)
        tpu.yield
      }) : () -> ()
    } else {
    }
    %barrier3A = arith.constant 0 : index
    tpu.barrier barrier_id(%barrier3A)
    %iota3A = tpu.iota {dimensions = array<i32: 0>} : vector<16xi32>
    %mul3A_653 = arith.constant 10000 : i32
    %mul3A_654 = arith.muli %add3A, %mul3A_653 : i32
    %add3A_655 = arith.constant 0 : i32
    %add3A_656 = arith.addi %mul3A_654, %add3A_655 : i32
    %multiple_of3A_657 = tpu.assume_multiple %add3A_656, 8 : i32
    "tpu.region"() ({
      %run_scoped3A = tpu.sem_alloc : memref<!tpu.dma_semaphore, #tpu.memory_space<semaphore_mem>>
      %dma_start3A_917 = tpu.memref_slice %arg3[%multiple_of3A_657] : memref<320000xi32, #tpu.memory_space<hbm>> -> memref<80xi32, #tpu.memory_space<hbm>>
      %dma_start3A_918 = tpu.memref_slice %arg3[%multiple_of3A_657] : memref<320000xi32, #tpu.memory_space<hbm>> -> memref<80xi32, #tpu.memory_space<hbm>>
      tpu.enqueue_dma source(%dma_start3A_918 : memref<80xi32, #tpu.memory_space<hbm>>) target(%arg18 : memref<80xi32, #tpu.memory_space<vmem>>) target_semaphore(%run_scoped3A : memref<!tpu.dma_semaphore, #tpu.memory_space<semaphore_mem>>)
      %dma_wait3A_919 = tpu.memref_slice %arg3[%multiple_of3A_657] : memref<320000xi32, #tpu.memory_space<hbm>> -> memref<80xi32, #tpu.memory_space<hbm>>
      %dma_wait3A_920 = tpu.memref_slice %arg3[%multiple_of3A_657] : memref<320000xi32, #tpu.memory_space<hbm>> -> memref<80xi32, #tpu.memory_space<hbm>>
      tpu.wait_dma2 semaphore(%run_scoped3A : memref<!tpu.dma_semaphore, #tpu.memory_space<semaphore_mem>>) src(%dma_wait3A_920 : memref<80xi32, #tpu.memory_space<hbm>>) dst(%arg18 : memref<80xi32, #tpu.memory_space<vmem>>)
      tpu.yield
    }) : () -> ()
    %dma_start3A = arith.constant 0 : i32
    %dma_start3A_658 = arith.constant 0 : i32
    %dma_start3A_659 = tpu.memref_slice %arg2[%dma_start3A, %dma_start3A_658] : memref<10000x128xf32, #tpu.memory_space<hbm>> -> memref<10000x128xf32, #tpu.memory_space<hbm>>
    tpu.enqueue_indirect_dma source(%dma_start3A_659 : memref<10000x128xf32, #tpu.memory_space<hbm>>) target(%arg15 : memref<80x128xf32, #tpu.memory_space<vmem>>) offsets(%arg18 : memref<80xi32, #tpu.memory_space<vmem>>) semaphore(%arg23 : memref<!tpu.dma_semaphore, #tpu.memory_space<semaphore_mem>>)
    %scan3A_660 = arith.constant 0 : i32
    %scan3A_661 = arith.constant 0 : i32
    %scan3A_662 = arith.constant 62 : i32
    %scan3A_663 = arith.addi %scan3A_661, %scan3A_662 : i32
    %scan3A_664 = arith.constant 1 : i32
    scf.for %scan3A_917 = %scan3A_661 to %scan3A_663 step %scan3A_664  : i32 {
      %mul3A_918 = arith.constant 2 : i32
      %mul3A_919 = arith.muli %scan3A_917, %mul3A_918 : i32
      %dma_wait3A_920 = arith.constant 0 : i32
      %dma_wait3A_921 = arith.constant 0 : i32
      %dma_wait3A_922 = tpu.memref_slice %arg2[%dma_wait3A_920, %dma_wait3A_921] : memref<10000x128xf32, #tpu.memory_space<hbm>> -> memref<10000x128xf32, #tpu.memory_space<hbm>>
      tpu.wait_indirect_dma semaphore(%arg23 : memref<!tpu.dma_semaphore, #tpu.memory_space<semaphore_mem>>) src(%dma_wait3A_922 : memref<10000x128xf32, #tpu.memory_space<hbm>>) dst(%arg15 : memref<80x128xf32, #tpu.memory_space<vmem>>)
      %add3A_923 = arith.constant 1 : i32
      %add3A_924 = arith.addi %mul3A_919, %add3A_923 : i32
      %mul3A_925 = arith.constant 10000 : i32
      %mul3A_926 = arith.muli %add3A, %mul3A_925 : i32
      %mul3A_927 = arith.constant 80 : i32
      %mul3A_928 = arith.muli %add3A_924, %mul3A_927 : i32
      %add3A_929 = arith.addi %mul3A_926, %mul3A_928 : i32
      %multiple_of3A_930 = tpu.assume_multiple %add3A_929, 8 : i32
      "tpu.region"() ({
        %run_scoped3A = tpu.sem_alloc : memref<!tpu.dma_semaphore, #tpu.memory_space<semaphore_mem>>
        %dma_start3A_1304 = tpu.memref_slice %arg3[%multiple_of3A_930] : memref<320000xi32, #tpu.memory_space<hbm>> -> memref<80xi32, #tpu.memory_space<hbm>>
        %dma_start3A_1305 = tpu.memref_slice %arg3[%multiple_of3A_930] : memref<320000xi32, #tpu.memory_space<hbm>> -> memref<80xi32, #tpu.memory_space<hbm>>
        tpu.enqueue_dma source(%dma_start3A_1305 : memref<80xi32, #tpu.memory_space<hbm>>) target(%arg19 : memref<80xi32, #tpu.memory_space<vmem>>) target_semaphore(%run_scoped3A : memref<!tpu.dma_semaphore, #tpu.memory_space<semaphore_mem>>)
        %dma_wait3A_1306 = tpu.memref_slice %arg3[%multiple_of3A_930] : memref<320000xi32, #tpu.memory_space<hbm>> -> memref<80xi32, #tpu.memory_space<hbm>>
        %dma_wait3A_1307 = tpu.memref_slice %arg3[%multiple_of3A_930] : memref<320000xi32, #tpu.memory_space<hbm>> -> memref<80xi32, #tpu.memory_space<hbm>>
        tpu.wait_dma2 semaphore(%run_scoped3A : memref<!tpu.dma_semaphore, #tpu.memory_space<semaphore_mem>>) src(%dma_wait3A_1307 : memref<80xi32, #tpu.memory_space<hbm>>) dst(%arg19 : memref<80xi32, #tpu.memory_space<vmem>>)
        tpu.yield
      }) : () -> ()
      %dma_start3A_931 = arith.constant 0 : i32
      %dma_start3A_932 = arith.constant 0 : i32
      %dma_start3A_933 = tpu.memref_slice %arg2[%dma_start3A_931, %dma_start3A_932] : memref<10000x128xf32, #tpu.memory_space<hbm>> -> memref<10000x128xf32, #tpu.memory_space<hbm>>
      tpu.enqueue_indirect_dma source(%dma_start3A_933 : memref<10000x128xf32, #tpu.memory_space<hbm>>) target(%arg16 : memref<80x128xf32, #tpu.memory_space<vmem>>) offsets(%arg19 : memref<80xi32, #tpu.memory_space<vmem>>) semaphore(%arg24 : memref<!tpu.dma_semaphore, #tpu.memory_space<semaphore_mem>>)
      %mul3A_934 = arith.constant 10000 : i32
      %mul3A_935 = arith.muli %add3A, %mul3A_934 : i32
      %mul3A_936 = arith.constant 80 : i32
      %mul3A_937 = arith.muli %mul3A_919, %mul3A_936 : i32
      %add3A_938 = arith.addi %mul3A_935, %mul3A_937 : i32
      %multiple_of3A_939 = tpu.assume_multiple %add3A_938, 8 : i32
      "tpu.region"() ({
        %run_scoped3A = tpu.sem_alloc : memref<!tpu.dma_semaphore, #tpu.memory_space<semaphore_mem>>
        %dma_start3A_1304 = tpu.memref_slice %arg4[%multiple_of3A_939] : memref<320000xi32, #tpu.memory_space<hbm>> -> memref<80xi32, #tpu.memory_space<hbm>>
        %dma_start3A_1305 = tpu.memref_slice %arg4[%multiple_of3A_939] : memref<320000xi32, #tpu.memory_space<hbm>> -> memref<80xi32, #tpu.memory_space<hbm>>
        tpu.enqueue_dma source(%dma_start3A_1305 : memref<80xi32, #tpu.memory_space<hbm>>) target(%arg20 : memref<80xi32, #tpu.memory_space<vmem>>) target_semaphore(%run_scoped3A : memref<!tpu.dma_semaphore, #tpu.memory_space<semaphore_mem>>)
        %dma_wait3A_1306 = tpu.memref_slice %arg4[%multiple_of3A_939] : memref<320000xi32, #tpu.memory_space<hbm>> -> memref<80xi32, #tpu.memory_space<hbm>>
        %dma_wait3A_1307 = tpu.memref_slice %arg4[%multiple_of3A_939] : memref<320000xi32, #tpu.memory_space<hbm>> -> memref<80xi32, #tpu.memory_space<hbm>>
        tpu.wait_dma2 semaphore(%run_scoped3A : memref<!tpu.dma_semaphore, #tpu.memory_space<semaphore_mem>>) src(%dma_wait3A_1307 : memref<80xi32, #tpu.memory_space<hbm>>) dst(%arg20 : memref<80xi32, #tpu.memory_space<vmem>>)
        tpu.yield
      }) : () -> ()
      "tpu.region"() ({
        %run_scoped3A = tpu.sem_alloc : memref<!tpu.dma_semaphore, #tpu.memory_space<semaphore_mem>>
        %dma_start3A_1304 = tpu.memref_slice %arg5[%multiple_of3A_939] : memref<320000xi32, #tpu.memory_space<hbm>> -> memref<80xi32, #tpu.memory_space<hbm>>
        %dma_start3A_1305 = tpu.memref_slice %arg5[%multiple_of3A_939] : memref<320000xi32, #tpu.memory_space<hbm>> -> memref<80xi32, #tpu.memory_space<hbm>>
        tpu.enqueue_dma source(%dma_start3A_1305 : memref<80xi32, #tpu.memory_space<hbm>>) target(%arg21 : memref<80xi32, #tpu.memory_space<vmem>>) target_semaphore(%run_scoped3A : memref<!tpu.dma_semaphore, #tpu.memory_space<semaphore_mem>>)
        %dma_wait3A_1306 = tpu.memref_slice %arg5[%multiple_of3A_939] : memref<320000xi32, #tpu.memory_space<hbm>> -> memref<80xi32, #tpu.memory_space<hbm>>
        %dma_wait3A_1307 = tpu.memref_slice %arg5[%multiple_of3A_939] : memref<320000xi32, #tpu.memory_space<hbm>> -> memref<80xi32, #tpu.memory_space<hbm>>
        tpu.wait_dma2 semaphore(%run_scoped3A : memref<!tpu.dma_semaphore, #tpu.memory_space<semaphore_mem>>) src(%dma_wait3A_1307 : memref<80xi32, #tpu.memory_space<hbm>>) dst(%arg21 : memref<80xi32, #tpu.memory_space<vmem>>)
        tpu.yield
      }) : () -> ()
      %add3A_940 = arith.constant 0 : i32
      %add3A_941 = vector.broadcast %add3A_940 : i32 to vector<16xi32>
      %add3A_942 = arith.addi %add3A_941, %iota3A : vector<16xi32>
      %get3A_943 = arith.constant 0 : index
      %get3A_944 = tpu.vector_load %arg20[%get3A_943] {strides = array<i32>} : memref<80xi32, #tpu.memory_space<vmem>>, vector<16xi32>,
      %get3A_945 = arith.constant 0 : index
      %get3A_946 = tpu.vector_load %arg21[%get3A_945] {strides = array<i32>} : memref<80xi32, #tpu.memory_space<vmem>>, vector<16xi32>,
      %gather3A_947 = tpu.vector_load_idx %arg11[%get3A_944] : memref<10000xi32, #tpu.memory_space<vmem>>[vector<16xi32>], vector<16xi32>,
      %and3A_948 = arith.constant 3 : i32
      %and3A_949 = vector.broadcast %and3A_948 : i32 to vector<16xi32>
      %and3A_950 = arith.andi %gather3A_947, %and3A_949 : vector<16xi32>
      %and3A_951 = arith.constant -4 : i32
      %and3A_952 = vector.broadcast %and3A_951 : i32 to vector<16xi32>
      %and3A_953 = arith.andi %gather3A_947, %and3A_952 : vector<16xi32>
      %bitcast3A_954 = vector.bitcast %and3A_953 : vector<16xi32> to vector<16xf32>
      %mul3A_955 = arith.constant 10 : i32
      %mul3A_956 = vector.broadcast %mul3A_955 : i32 to vector<16xi32>
      %mul3A_957 = arith.muli %and3A_950, %mul3A_956 : vector<16xi32>
      %add3A_958 = arith.addi %mul3A_957, %get3A_946 : vector<16xi32>
      %mul3A_959 = arith.constant 128 : i32
      %mul3A_960 = vector.broadcast %mul3A_959 : i32 to vector<16xi32>
      %mul3A_961 = arith.muli %add3A_958, %mul3A_960 : vector<16xi32>
      %broadcast_in_dim3A_962 = arith.constant 0.000000e+00 : f32
      %broadcast_in_dim3A_963 = vector.broadcast %broadcast_in_dim3A_962 : f32 to vector<16xf32>
      %add3A_964 = arith.addf %bitcast3A_954, %broadcast_in_dim3A_963 : vector<16xf32>
      %add3A_965 = arith.addf %add3A_964, %broadcast_in_dim3A_963 : vector<16xf32>
      %ge3A_966 = arith.constant 0.000000e+00 : f32
      %ge3A_967 = vector.broadcast %ge3A_966 : f32 to vector<16xf32>
      %ge3A_968 = arith.cmpf oge, %add3A_965, %ge3A_967 : vector<16xf32>
      %mul3A_969 = arith.constant -1.000000e-01 : f32
      %mul3A_970 = vector.broadcast %mul3A_969 : f32 to vector<16xf32>
      %mul3A_971 = arith.mulf %mul3A_970, %add3A_965 : vector<16xf32>
      %select_n3A_972 = arith.select %ge3A_968, %add3A_965, %mul3A_971 : vector<16xi1>, vector<16xf32>
      %exp3A_973 = math.exp %select_n3A_972 : vector<16xf32>
      tpu.vector_store_idx %arg14[%get3A_944], %exp3A_973 {add = true} : memref<10000xf32, #tpu.memory_space<vmem>>[vector<16xi32>], vector<16xf32>,
      %add3A_974 = arith.constant 16 : i32
      %add3A_975 = vector.broadcast %add3A_974 : i32 to vector<16xi32>
      %add3A_976 = arith.addi %add3A_975, %iota3A : vector<16xi32>
      %get3A_977 = arith.constant 16 : index
      %get3A_978 = tpu.vector_load %arg20[%get3A_977] {strides = array<i32>} : memref<80xi32, #tpu.memory_space<vmem>>, vector<16xi32>,
      %get3A_979 = arith.constant 16 : index
      %get3A_980 = tpu.vector_load %arg21[%get3A_979] {strides = array<i32>} : memref<80xi32, #tpu.memory_space<vmem>>, vector<16xi32>,
      %gather3A_981 = tpu.vector_load_idx %arg11[%get3A_978] : memref<10000xi32, #tpu.memory_space<vmem>>[vector<16xi32>], vector<16xi32>,
      %and3A_982 = arith.constant 3 : i32
      %and3A_983 = vector.broadcast %and3A_982 : i32 to vector<16xi32>
      %and3A_984 = arith.andi %gather3A_981, %and3A_983 : vector<16xi32>
      %and3A_985 = arith.constant -4 : i32
      %and3A_986 = vector.broadcast %and3A_985 : i32 to vector<16xi32>
      %and3A_987 = arith.andi %gather3A_981, %and3A_986 : vector<16xi32>
      %bitcast3A_988 = vector.bitcast %and3A_987 : vector<16xi32> to vector<16xf32>
      %mul3A_989 = arith.constant 10 : i32
      %mul3A_990 = vector.broadcast %mul3A_989 : i32 to vector<16xi32>
      %mul3A_991 = arith.muli %and3A_984, %mul3A_990 : vector<16xi32>
      %add3A_992 = arith.addi %mul3A_991, %get3A_980 : vector<16xi32>
      %mul3A_993 = arith.constant 128 : i32
      %mul3A_994 = vector.broadcast %mul3A_993 : i32 to vector<16xi32>
      %mul3A_995 = arith.muli %add3A_992, %mul3A_994 : vector<16xi32>
      %broadcast_in_dim3A_996 = arith.constant 0.000000e+00 : f32
      %broadcast_in_dim3A_997 = vector.broadcast %broadcast_in_dim3A_996 : f32 to vector<16xf32>
      %add3A_998 = arith.addf %bitcast3A_988, %broadcast_in_dim3A_997 : vector<16xf32>
      %add3A_999 = arith.addf %add3A_998, %broadcast_in_dim3A_997 : vector<16xf32>
      %ge3A_1000 = arith.constant 0.000000e+00 : f32
      %ge3A_1001 = vector.broadcast %ge3A_1000 : f32 to vector<16xf32>
      %ge3A_1002 = arith.cmpf oge, %add3A_999, %ge3A_1001 : vector<16xf32>
      %mul3A_1003 = arith.constant -1.000000e-01 : f32
      %mul3A_1004 = vector.broadcast %mul3A_1003 : f32 to vector<16xf32>
      %mul3A_1005 = arith.mulf %mul3A_1004, %add3A_999 : vector<16xf32>
      %select_n3A_1006 = arith.select %ge3A_1002, %add3A_999, %mul3A_1005 : vector<16xi1>, vector<16xf32>
      %exp3A_1007 = math.exp %select_n3A_1006 : vector<16xf32>
      tpu.vector_store_idx %arg14[%get3A_978], %exp3A_1007 {add = true} : memref<10000xf32, #tpu.memory_space<vmem>>[vector<16xi32>], vector<16xf32>,
      %add3A_1008 = arith.constant 32 : i32
      %add3A_1009 = vector.broadcast %add3A_1008 : i32 to vector<16xi32>
      %add3A_1010 = arith.addi %add3A_1009, %iota3A : vector<16xi32>
      %get3A_1011 = arith.constant 32 : index
      %get3A_1012 = tpu.vector_load %arg20[%get3A_1011] {strides = array<i32>} : memref<80xi32, #tpu.memory_space<vmem>>, vector<16xi32>,
      %get3A_1013 = arith.constant 32 : index
      %get3A_1014 = tpu.vector_load %arg21[%get3A_1013] {strides = array<i32>} : memref<80xi32, #tpu.memory_space<vmem>>, vector<16xi32>,
      %gather3A_1015 = tpu.vector_load_idx %arg11[%get3A_1012] : memref<10000xi32, #tpu.memory_space<vmem>>[vector<16xi32>], vector<16xi32>,
      %and3A_1016 = arith.constant 3 : i32
      %and3A_1017 = vector.broadcast %and3A_1016 : i32 to vector<16xi32>
      %and3A_1018 = arith.andi %gather3A_1015, %and3A_1017 : vector<16xi32>
      %and3A_1019 = arith.constant -4 : i32
      %and3A_1020 = vector.broadcast %and3A_1019 : i32 to vector<16xi32>
      %and3A_1021 = arith.andi %gather3A_1015, %and3A_1020 : vector<16xi32>
      %bitcast3A_1022 = vector.bitcast %and3A_1021 : vector<16xi32> to vector<16xf32>
      %mul3A_1023 = arith.constant 10 : i32
      %mul3A_1024 = vector.broadcast %mul3A_1023 : i32 to vector<16xi32>
      %mul3A_1025 = arith.muli %and3A_1018, %mul3A_1024 : vector<16xi32>
      %add3A_1026 = arith.addi %mul3A_1025, %get3A_1014 : vector<16xi32>
      %mul3A_1027 = arith.constant 128 : i32
      %mul3A_1028 = vector.broadcast %mul3A_1027 : i32 to vector<16xi32>
      %mul3A_1029 = arith.muli %add3A_1026, %mul3A_1028 : vector<16xi32>
      %broadcast_in_dim3A_1030 = arith.constant 0.000000e+00 : f32
      %broadcast_in_dim3A_1031 = vector.broadcast %broadcast_in_dim3A_1030 : f32 to vector<16xf32>
      %add3A_1032 = arith.addf %bitcast3A_1022, %broadcast_in_dim3A_1031 : vector<16xf32>
      %add3A_1033 = arith.addf %add3A_1032, %broadcast_in_dim3A_1031 : vector<16xf32>
      %ge3A_1034 = arith.constant 0.000000e+00 : f32
      %ge3A_1035 = vector.broadcast %ge3A_1034 : f32 to vector<16xf32>
      %ge3A_1036 = arith.cmpf oge, %add3A_1033, %ge3A_1035 : vector<16xf32>
      %mul3A_1037 = arith.constant -1.000000e-01 : f32
      %mul3A_1038 = vector.broadcast %mul3A_1037 : f32 to vector<16xf32>
      %mul3A_1039 = arith.mulf %mul3A_1038, %add3A_1033 : vector<16xf32>
      %select_n3A_1040 = arith.select %ge3A_1036, %add3A_1033, %mul3A_1039 : vector<16xi1>, vector<16xf32>
      %exp3A_1041 = math.exp %select_n3A_1040 : vector<16xf32>
      tpu.vector_store_idx %arg14[%get3A_1012], %exp3A_1041 {add = true} : memref<10000xf32, #tpu.memory_space<vmem>>[vector<16xi32>], vector<16xf32>,
      %add3A_1042 = arith.constant 48 : i32
      %add3A_1043 = vector.broadcast %add3A_1042 : i32 to vector<16xi32>
      %add3A_1044 = arith.addi %add3A_1043, %iota3A : vector<16xi32>
      %get3A_1045 = arith.constant 48 : index
      %get3A_1046 = tpu.vector_load %arg20[%get3A_1045] {strides = array<i32>} : memref<80xi32, #tpu.memory_space<vmem>>, vector<16xi32>,
      %get3A_1047 = arith.constant 48 : index
      %get3A_1048 = tpu.vector_load %arg21[%get3A_1047] {strides = array<i32>} : memref<80xi32, #tpu.memory_space<vmem>>, vector<16xi32>,
      %gather3A_1049 = tpu.vector_load_idx %arg11[%get3A_1046] : memref<10000xi32, #tpu.memory_space<vmem>>[vector<16xi32>], vector<16xi32>,
      %and3A_1050 = arith.constant 3 : i32
      %and3A_1051 = vector.broadcast %and3A_1050 : i32 to vector<16xi32>
      %and3A_1052 = arith.andi %gather3A_1049, %and3A_1051 : vector<16xi32>
      %and3A_1053 = arith.constant -4 : i32
      %and3A_1054 = vector.broadcast %and3A_1053 : i32 to vector<16xi32>
      %and3A_1055 = arith.andi %gather3A_1049, %and3A_1054 : vector<16xi32>
      %bitcast3A_1056 = vector.bitcast %and3A_1055 : vector<16xi32> to vector<16xf32>
      %mul3A_1057 = arith.constant 10 : i32
      %mul3A_1058 = vector.broadcast %mul3A_1057 : i32 to vector<16xi32>
      %mul3A_1059 = arith.muli %and3A_1052, %mul3A_1058 : vector<16xi32>
      %add3A_1060 = arith.addi %mul3A_1059, %get3A_1048 : vector<16xi32>
      %mul3A_1061 = arith.constant 128 : i32
      %mul3A_1062 = vector.broadcast %mul3A_1061 : i32 to vector<16xi32>
      %mul3A_1063 = arith.muli %add3A_1060, %mul3A_1062 : vector<16xi32>
      %broadcast_in_dim3A_1064 = arith.constant 0.000000e+00 : f32
      %broadcast_in_dim3A_1065 = vector.broadcast %broadcast_in_dim3A_1064 : f32 to vector<16xf32>
      %add3A_1066 = arith.addf %bitcast3A_1056, %broadcast_in_dim3A_1065 : vector<16xf32>
      %add3A_1067 = arith.addf %add3A_1066, %broadcast_in_dim3A_1065 : vector<16xf32>
      %ge3A_1068 = arith.constant 0.000000e+00 : f32
      %ge3A_1069 = vector.broadcast %ge3A_1068 : f32 to vector<16xf32>
      %ge3A_1070 = arith.cmpf oge, %add3A_1067, %ge3A_1069 : vector<16xf32>
      %mul3A_1071 = arith.constant -1.000000e-01 : f32
      %mul3A_1072 = vector.broadcast %mul3A_1071 : f32 to vector<16xf32>
      %mul3A_1073 = arith.mulf %mul3A_1072, %add3A_1067 : vector<16xf32>
      %select_n3A_1074 = arith.select %ge3A_1070, %add3A_1067, %mul3A_1073 : vector<16xi1>, vector<16xf32>
      %exp3A_1075 = math.exp %select_n3A_1074 : vector<16xf32>
      tpu.vector_store_idx %arg14[%get3A_1046], %exp3A_1075 {add = true} : memref<10000xf32, #tpu.memory_space<vmem>>[vector<16xi32>], vector<16xf32>,
      %add3A_1076 = arith.constant 64 : i32
      %add3A_1077 = vector.broadcast %add3A_1076 : i32 to vector<16xi32>
      %add3A_1078 = arith.addi %add3A_1077, %iota3A : vector<16xi32>
      %get3A_1079 = arith.constant 64 : index
      %get3A_1080 = tpu.vector_load %arg20[%get3A_1079] {strides = array<i32>} : memref<80xi32, #tpu.memory_space<vmem>>, vector<16xi32>,
      %get3A_1081 = arith.constant 64 : index
      %get3A_1082 = tpu.vector_load %arg21[%get3A_1081] {strides = array<i32>} : memref<80xi32, #tpu.memory_space<vmem>>, vector<16xi32>,
      %gather3A_1083 = tpu.vector_load_idx %arg11[%get3A_1080] : memref<10000xi32, #tpu.memory_space<vmem>>[vector<16xi32>], vector<16xi32>,
      %and3A_1084 = arith.constant 3 : i32
      %and3A_1085 = vector.broadcast %and3A_1084 : i32 to vector<16xi32>
      %and3A_1086 = arith.andi %gather3A_1083, %and3A_1085 : vector<16xi32>
      %and3A_1087 = arith.constant -4 : i32
      %and3A_1088 = vector.broadcast %and3A_1087 : i32 to vector<16xi32>
      %and3A_1089 = arith.andi %gather3A_1083, %and3A_1088 : vector<16xi32>
      %bitcast3A_1090 = vector.bitcast %and3A_1089 : vector<16xi32> to vector<16xf32>
      %mul3A_1091 = arith.constant 10 : i32
      %mul3A_1092 = vector.broadcast %mul3A_1091 : i32 to vector<16xi32>
      %mul3A_1093 = arith.muli %and3A_1086, %mul3A_1092 : vector<16xi32>
      %add3A_1094 = arith.addi %mul3A_1093, %get3A_1082 : vector<16xi32>
      %mul3A_1095 = arith.constant 128 : i32
      %mul3A_1096 = vector.broadcast %mul3A_1095 : i32 to vector<16xi32>
      %mul3A_1097 = arith.muli %add3A_1094, %mul3A_1096 : vector<16xi32>
      %broadcast_in_dim3A_1098 = arith.constant 0.000000e+00 : f32
      %broadcast_in_dim3A_1099 = vector.broadcast %broadcast_in_dim3A_1098 : f32 to vector<16xf32>
      %add3A_1100 = arith.addf %bitcast3A_1090, %broadcast_in_dim3A_1099 : vector<16xf32>
      %add3A_1101 = arith.addf %add3A_1100, %broadcast_in_dim3A_1099 : vector<16xf32>
      %ge3A_1102 = arith.constant 0.000000e+00 : f32
      %ge3A_1103 = vector.broadcast %ge3A_1102 : f32 to vector<16xf32>
      %ge3A_1104 = arith.cmpf oge, %add3A_1101, %ge3A_1103 : vector<16xf32>
      %mul3A_1105 = arith.constant -1.000000e-01 : f32
      %mul3A_1106 = vector.broadcast %mul3A_1105 : f32 to vector<16xf32>
      %mul3A_1107 = arith.mulf %mul3A_1106, %add3A_1101 : vector<16xf32>
      %select_n3A_1108 = arith.select %ge3A_1104, %add3A_1101, %mul3A_1107 : vector<16xi1>, vector<16xf32>
      %exp3A_1109 = math.exp %select_n3A_1108 : vector<16xf32>
      tpu.vector_store_idx %arg14[%get3A_1080], %exp3A_1109 {add = true} : memref<10000xf32, #tpu.memory_space<vmem>>[vector<16xi32>], vector<16xf32>,
      "tpu.region"() ({
        %run_scoped3A = tpu.sem_alloc : memref<!tpu.dma_semaphore, #tpu.memory_space<semaphore_mem>>
        %dma_start3A_1304 = arith.constant 0 : i32
        %dma_start3A_1305 = arith.constant 0 : i32
        %dma_start3A_1306 = tpu.memref_slice %arg22[%dma_start3A_1304, %dma_start3A_1305] : memref<10000x128xf32, #tpu.memory_space<vmem_shared>> -> memref<10000x128xf32, #tpu.memory_space<vmem_shared>>
        tpu.enqueue_indirect_dma source(%arg15 : memref<80x128xf32, #tpu.memory_space<vmem>>) target(%dma_start3A_1306 : memref<10000x128xf32, #tpu.memory_space<vmem_shared>>) offsets(%arg20 : memref<80xi32, #tpu.memory_space<vmem>>) semaphore(%run_scoped3A : memref<!tpu.dma_semaphore, #tpu.memory_space<semaphore_mem>>) {add = true}
        %dma_wait3A_1307 = arith.constant 0 : i32
        %dma_wait3A_1308 = arith.constant 0 : i32
        %dma_wait3A_1309 = tpu.memref_slice %arg22[%dma_wait3A_1307, %dma_wait3A_1308] : memref<10000x128xf32, #tpu.memory_space<vmem_shared>> -> memref<10000x128xf32, #tpu.memory_space<vmem_shared>>
        tpu.wait_indirect_dma semaphore(%run_scoped3A : memref<!tpu.dma_semaphore, #tpu.memory_space<semaphore_mem>>) src(%arg15 : memref<80x128xf32, #tpu.memory_space<vmem>>) dst(%dma_wait3A_1309 : memref<10000x128xf32, #tpu.memory_space<vmem_shared>>)
        tpu.yield
      }) : () -> ()
      %dma_wait3A_1110 = arith.constant 0 : i32
      %dma_wait3A_1111 = arith.constant 0 : i32
      %dma_wait3A_1112 = tpu.memref_slice %arg2[%dma_wait3A_1110, %dma_wait3A_1111] : memref<10000x128xf32, #tpu.memory_space<hbm>> -> memref<10000x128xf32, #tpu.memory_space<hbm>>
      tpu.wait_indirect_dma semaphore(%arg24 : memref<!tpu.dma_semaphore, #tpu.memory_space<semaphore_mem>>) src(%dma_wait3A_1112 : memref<10000x128xf32, #tpu.memory_space<hbm>>) dst(%arg16 : memref<80x128xf32, #tpu.memory_space<vmem>>)
      %add3A_1113 = arith.constant 2 : i32
      %add3A_1114 = arith.addi %mul3A_919, %add3A_1113 : i32
      %mul3A_1115 = arith.constant 10000 : i32
      %mul3A_1116 = arith.muli %add3A, %mul3A_1115 : i32
      %mul3A_1117 = arith.constant 80 : i32
      %mul3A_1118 = arith.muli %add3A_1114, %mul3A_1117 : i32
      %add3A_1119 = arith.addi %mul3A_1116, %mul3A_1118 : i32
      %multiple_of3A_1120 = tpu.assume_multiple %add3A_1119, 8 : i32
      "tpu.region"() ({
        %run_scoped3A = tpu.sem_alloc : memref<!tpu.dma_semaphore, #tpu.memory_space<semaphore_mem>>
        %dma_start3A_1304 = tpu.memref_slice %arg3[%multiple_of3A_1120] : memref<320000xi32, #tpu.memory_space<hbm>> -> memref<80xi32, #tpu.memory_space<hbm>>
        %dma_start3A_1305 = tpu.memref_slice %arg3[%multiple_of3A_1120] : memref<320000xi32, #tpu.memory_space<hbm>> -> memref<80xi32, #tpu.memory_space<hbm>>
        tpu.enqueue_dma source(%dma_start3A_1305 : memref<80xi32, #tpu.memory_space<hbm>>) target(%arg18 : memref<80xi32, #tpu.memory_space<vmem>>) target_semaphore(%run_scoped3A : memref<!tpu.dma_semaphore, #tpu.memory_space<semaphore_mem>>)
        %dma_wait3A_1306 = tpu.memref_slice %arg3[%multiple_of3A_1120] : memref<320000xi32, #tpu.memory_space<hbm>> -> memref<80xi32, #tpu.memory_space<hbm>>
        %dma_wait3A_1307 = tpu.memref_slice %arg3[%multiple_of3A_1120] : memref<320000xi32, #tpu.memory_space<hbm>> -> memref<80xi32, #tpu.memory_space<hbm>>
        tpu.wait_dma2 semaphore(%run_scoped3A : memref<!tpu.dma_semaphore, #tpu.memory_space<semaphore_mem>>) src(%dma_wait3A_1307 : memref<80xi32, #tpu.memory_space<hbm>>) dst(%arg18 : memref<80xi32, #tpu.memory_space<vmem>>)
        tpu.yield
      }) : () -> ()
      %dma_start3A_1121 = arith.constant 0 : i32
      %dma_start3A_1122 = arith.constant 0 : i32
      %dma_start3A_1123 = tpu.memref_slice %arg2[%dma_start3A_1121, %dma_start3A_1122] : memref<10000x128xf32, #tpu.memory_space<hbm>> -> memref<10000x128xf32, #tpu.memory_space<hbm>>
      tpu.enqueue_indirect_dma source(%dma_start3A_1123 : memref<10000x128xf32, #tpu.memory_space<hbm>>) target(%arg15 : memref<80x128xf32, #tpu.memory_space<vmem>>) offsets(%arg18 : memref<80xi32, #tpu.memory_space<vmem>>) semaphore(%arg23 : memref<!tpu.dma_semaphore, #tpu.memory_space<semaphore_mem>>)
      %add3A_1124 = arith.constant 1 : i32
      %add3A_1125 = arith.addi %mul3A_919, %add3A_1124 : i32
      %mul3A_1126 = arith.constant 10000 : i32
      %mul3A_1127 = arith.muli %add3A, %mul3A_1126 : i32
      %mul3A_1128 = arith.constant 80 : i32
      %mul3A_1129 = arith.muli %add3A_1125, %mul3A_1128 : i32
      %add3A_1130 = arith.addi %mul3A_1127, %mul3A_1129 : i32
      %multiple_of3A_1131 = tpu.assume_multiple %add3A_1130, 8 : i32
      "tpu.region"() ({
        %run_scoped3A = tpu.sem_alloc : memref<!tpu.dma_semaphore, #tpu.memory_space<semaphore_mem>>
        %dma_start3A_1304 = tpu.memref_slice %arg4[%multiple_of3A_1131] : memref<320000xi32, #tpu.memory_space<hbm>> -> memref<80xi32, #tpu.memory_space<hbm>>
        %dma_start3A_1305 = tpu.memref_slice %arg4[%multiple_of3A_1131] : memref<320000xi32, #tpu.memory_space<hbm>> -> memref<80xi32, #tpu.memory_space<hbm>>
        tpu.enqueue_dma source(%dma_start3A_1305 : memref<80xi32, #tpu.memory_space<hbm>>) target(%arg20 : memref<80xi32, #tpu.memory_space<vmem>>) target_semaphore(%run_scoped3A : memref<!tpu.dma_semaphore, #tpu.memory_space<semaphore_mem>>)
        %dma_wait3A_1306 = tpu.memref_slice %arg4[%multiple_of3A_1131] : memref<320000xi32, #tpu.memory_space<hbm>> -> memref<80xi32, #tpu.memory_space<hbm>>
        %dma_wait3A_1307 = tpu.memref_slice %arg4[%multiple_of3A_1131] : memref<320000xi32, #tpu.memory_space<hbm>> -> memref<80xi32, #tpu.memory_space<hbm>>
        tpu.wait_dma2 semaphore(%run_scoped3A : memref<!tpu.dma_semaphore, #tpu.memory_space<semaphore_mem>>) src(%dma_wait3A_1307 : memref<80xi32, #tpu.memory_space<hbm>>) dst(%arg20 : memref<80xi32, #tpu.memory_space<vmem>>)
        tpu.yield
      }) : () -> ()
      "tpu.region"() ({
        %run_scoped3A = tpu.sem_alloc : memref<!tpu.dma_semaphore, #tpu.memory_space<semaphore_mem>>
        %dma_start3A_1304 = tpu.memref_slice %arg5[%multiple_of3A_1131] : memref<320000xi32, #tpu.memory_space<hbm>> -> memref<80xi32, #tpu.memory_space<hbm>>
        %dma_start3A_1305 = tpu.memref_slice %arg5[%multiple_of3A_1131] : memref<320000xi32, #tpu.memory_space<hbm>> -> memref<80xi32, #tpu.memory_space<hbm>>
        tpu.enqueue_dma source(%dma_start3A_1305 : memref<80xi32, #tpu.memory_space<hbm>>) target(%arg21 : memref<80xi32, #tpu.memory_space<vmem>>) target_semaphore(%run_scoped3A : memref<!tpu.dma_semaphore, #tpu.memory_space<semaphore_mem>>)
        %dma_wait3A_1306 = tpu.memref_slice %arg5[%multiple_of3A_1131] : memref<320000xi32, #tpu.memory_space<hbm>> -> memref<80xi32, #tpu.memory_space<hbm>>
        %dma_wait3A_1307 = tpu.memref_slice %arg5[%multiple_of3A_1131] : memref<320000xi32, #tpu.memory_space<hbm>> -> memref<80xi32, #tpu.memory_space<hbm>>
        tpu.wait_dma2 semaphore(%run_scoped3A : memref<!tpu.dma_semaphore, #tpu.memory_space<semaphore_mem>>) src(%dma_wait3A_1307 : memref<80xi32, #tpu.memory_space<hbm>>) dst(%arg21 : memref<80xi32, #tpu.memory_space<vmem>>)
        tpu.yield
      }) : () -> ()
      %add3A_1132 = arith.constant 1 : i32
      %add3A_1133 = arith.addi %mul3A_919, %add3A_1132 : i32
      %add3A_1134 = arith.constant 0 : i32
      %add3A_1135 = vector.broadcast %add3A_1134 : i32 to vector<16xi32>
      %add3A_1136 = arith.addi %add3A_1135, %iota3A : vector<16xi32>
      %get3A_1137 = arith.constant 0 : index
      %get3A_1138 = tpu.vector_load %arg20[%get3A_1137] {strides = array<i32>} : memref<80xi32, #tpu.memory_space<vmem>>, vector<16xi32>,
      %get3A_1139 = arith.constant 0 : index
      %get3A_1140 = tpu.vector_load %arg21[%get3A_1139] {strides = array<i32>} : memref<80xi32, #tpu.memory_space<vmem>>, vector<16xi32>,
      %gather3A_1141 = tpu.vector_load_idx %arg11[%get3A_1138] : memref<10000xi32, #tpu.memory_space<vmem>>[vector<16xi32>], vector<16xi32>,
      %and3A_1142 = arith.constant 3 : i32
      %and3A_1143 = vector.broadcast %and3A_1142 : i32 to vector<16xi32>
      %and3A_1144 = arith.andi %gather3A_1141, %and3A_1143 : vector<16xi32>
      %and3A_1145 = arith.constant -4 : i32
      %and3A_1146 = vector.broadcast %and3A_1145 : i32 to vector<16xi32>
      %and3A_1147 = arith.andi %gather3A_1141, %and3A_1146 : vector<16xi32>
      %bitcast3A_1148 = vector.bitcast %and3A_1147 : vector<16xi32> to vector<16xf32>
      %mul3A_1149 = arith.constant 10 : i32
      %mul3A_1150 = vector.broadcast %mul3A_1149 : i32 to vector<16xi32>
      %mul3A_1151 = arith.muli %and3A_1144, %mul3A_1150 : vector<16xi32>
      %add3A_1152 = arith.addi %mul3A_1151, %get3A_1140 : vector<16xi32>
      %mul3A_1153 = arith.constant 128 : i32
      %mul3A_1154 = vector.broadcast %mul3A_1153 : i32 to vector<16xi32>
      %mul3A_1155 = arith.muli %add3A_1152, %mul3A_1154 : vector<16xi32>
      %broadcast_in_dim3A_1156 = arith.constant 0.000000e+00 : f32
      %broadcast_in_dim3A_1157 = vector.broadcast %broadcast_in_dim3A_1156 : f32 to vector<16xf32>
      %add3A_1158 = arith.addf %bitcast3A_1148, %broadcast_in_dim3A_1157 : vector<16xf32>
      %add3A_1159 = arith.addf %add3A_1158, %broadcast_in_dim3A_1157 : vector<16xf32>
      %ge3A_1160 = arith.constant 0.000000e+00 : f32
      %ge3A_1161 = vector.broadcast %ge3A_1160 : f32 to vector<16xf32>
      %ge3A_1162 = arith.cmpf oge, %add3A_1159, %ge3A_1161 : vector<16xf32>
      %mul3A_1163 = arith.constant -1.000000e-01 : f32
      %mul3A_1164 = vector.broadcast %mul3A_1163 : f32 to vector<16xf32>
      %mul3A_1165 = arith.mulf %mul3A_1164, %add3A_1159 : vector<16xf32>
      %select_n3A_1166 = arith.select %ge3A_1162, %add3A_1159, %mul3A_1165 : vector<16xi1>, vector<16xf32>
      %exp3A_1167 = math.exp %select_n3A_1166 : vector<16xf32>
      tpu.vector_store_idx %arg14[%get3A_1138], %exp3A_1167 {add = true} : memref<10000xf32, #tpu.memory_space<vmem>>[vector<16xi32>], vector<16xf32>,
      %add3A_1168 = arith.constant 16 : i32
      %add3A_1169 = vector.broadcast %add3A_1168 : i32 to vector<16xi32>
      %add3A_1170 = arith.addi %add3A_1169, %iota3A : vector<16xi32>
      %get3A_1171 = arith.constant 16 : index
      %get3A_1172 = tpu.vector_load %arg20[%get3A_1171] {strides = array<i32>} : memref<80xi32, #tpu.memory_space<vmem>>, vector<16xi32>,
      %get3A_1173 = arith.constant 16 : index
      %get3A_1174 = tpu.vector_load %arg21[%get3A_1173] {strides = array<i32>} : memref<80xi32, #tpu.memory_space<vmem>>, vector<16xi32>,
      %gather3A_1175 = tpu.vector_load_idx %arg11[%get3A_1172] : memref<10000xi32, #tpu.memory_space<vmem>>[vector<16xi32>], vector<16xi32>,
      %and3A_1176 = arith.constant 3 : i32
      %and3A_1177 = vector.broadcast %and3A_1176 : i32 to vector<16xi32>
      %and3A_1178 = arith.andi %gather3A_1175, %and3A_1177 : vector<16xi32>
      %and3A_1179 = arith.constant -4 : i32
      %and3A_1180 = vector.broadcast %and3A_1179 : i32 to vector<16xi32>
      %and3A_1181 = arith.andi %gather3A_1175, %and3A_1180 : vector<16xi32>
      %bitcast3A_1182 = vector.bitcast %and3A_1181 : vector<16xi32> to vector<16xf32>
      %mul3A_1183 = arith.constant 10 : i32
      %mul3A_1184 = vector.broadcast %mul3A_1183 : i32 to vector<16xi32>
      %mul3A_1185 = arith.muli %and3A_1178, %mul3A_1184 : vector<16xi32>
      %add3A_1186 = arith.addi %mul3A_1185, %get3A_1174 : vector<16xi32>
      %mul3A_1187 = arith.constant 128 : i32
      %mul3A_1188 = vector.broadcast %mul3A_1187 : i32 to vector<16xi32>
      %mul3A_1189 = arith.muli %add3A_1186, %mul3A_1188 : vector<16xi32>
      %broadcast_in_dim3A_1190 = arith.constant 0.000000e+00 : f32
      %broadcast_in_dim3A_1191 = vector.broadcast %broadcast_in_dim3A_1190 : f32 to vector<16xf32>
      %add3A_1192 = arith.addf %bitcast3A_1182, %broadcast_in_dim3A_1191 : vector<16xf32>
      %add3A_1193 = arith.addf %add3A_1192, %broadcast_in_dim3A_1191 : vector<16xf32>
      %ge3A_1194 = arith.constant 0.000000e+00 : f32
      %ge3A_1195 = vector.broadcast %ge3A_1194 : f32 to vector<16xf32>
      %ge3A_1196 = arith.cmpf oge, %add3A_1193, %ge3A_1195 : vector<16xf32>
      %mul3A_1197 = arith.constant -1.000000e-01 : f32
      %mul3A_1198 = vector.broadcast %mul3A_1197 : f32 to vector<16xf32>
      %mul3A_1199 = arith.mulf %mul3A_1198, %add3A_1193 : vector<16xf32>
      %select_n3A_1200 = arith.select %ge3A_1196, %add3A_1193, %mul3A_1199 : vector<16xi1>, vector<16xf32>
      %exp3A_1201 = math.exp %select_n3A_1200 : vector<16xf32>
      tpu.vector_store_idx %arg14[%get3A_1172], %exp3A_1201 {add = true} : memref<10000xf32, #tpu.memory_space<vmem>>[vector<16xi32>], vector<16xf32>,
      %add3A_1202 = arith.constant 32 : i32
      %add3A_1203 = vector.broadcast %add3A_1202 : i32 to vector<16xi32>
      %add3A_1204 = arith.addi %add3A_1203, %iota3A : vector<16xi32>
      %get3A_1205 = arith.constant 32 : index
      %get3A_1206 = tpu.vector_load %arg20[%get3A_1205] {strides = array<i32>} : memref<80xi32, #tpu.memory_space<vmem>>, vector<16xi32>,
      %get3A_1207 = arith.constant 32 : index
      %get3A_1208 = tpu.vector_load %arg21[%get3A_1207] {strides = array<i32>} : memref<80xi32, #tpu.memory_space<vmem>>, vector<16xi32>,
      %gather3A_1209 = tpu.vector_load_idx %arg11[%get3A_1206] : memref<10000xi32, #tpu.memory_space<vmem>>[vector<16xi32>], vector<16xi32>,
      %and3A_1210 = arith.constant 3 : i32
      %and3A_1211 = vector.broadcast %and3A_1210 : i32 to vector<16xi32>
      %and3A_1212 = arith.andi %gather3A_1209, %and3A_1211 : vector<16xi32>
      %and3A_1213 = arith.constant -4 : i32
      %and3A_1214 = vector.broadcast %and3A_1213 : i32 to vector<16xi32>
      %and3A_1215 = arith.andi %gather3A_1209, %and3A_1214 : vector<16xi32>
      %bitcast3A_1216 = vector.bitcast %and3A_1215 : vector<16xi32> to vector<16xf32>
      %mul3A_1217 = arith.constant 10 : i32
      %mul3A_1218 = vector.broadcast %mul3A_1217 : i32 to vector<16xi32>
      %mul3A_1219 = arith.muli %and3A_1212, %mul3A_1218 : vector<16xi32>
      %add3A_1220 = arith.addi %mul3A_1219, %get3A_1208 : vector<16xi32>
      %mul3A_1221 = arith.constant 128 : i32
      %mul3A_1222 = vector.broadcast %mul3A_1221 : i32 to vector<16xi32>
      %mul3A_1223 = arith.muli %add3A_1220, %mul3A_1222 : vector<16xi32>
      %broadcast_in_dim3A_1224 = arith.constant 0.000000e+00 : f32
      %broadcast_in_dim3A_1225 = vector.broadcast %broadcast_in_dim3A_1224 : f32 to vector<16xf32>
      %add3A_1226 = arith.addf %bitcast3A_1216, %broadcast_in_dim3A_1225 : vector<16xf32>
      %add3A_1227 = arith.addf %add3A_1226, %broadcast_in_dim3A_1225 : vector<16xf32>
      %ge3A_1228 = arith.constant 0.000000e+00 : f32
      %ge3A_1229 = vector.broadcast %ge3A_1228 : f32 to vector<16xf32>
      %ge3A_1230 = arith.cmpf oge, %add3A_1227, %ge3A_1229 : vector<16xf32>
      %mul3A_1231 = arith.constant -1.000000e-01 : f32
      %mul3A_1232 = vector.broadcast %mul3A_1231 : f32 to vector<16xf32>
      %mul3A_1233 = arith.mulf %mul3A_1232, %add3A_1227 : vector<16xf32>
      %select_n3A_1234 = arith.select %ge3A_1230, %add3A_1227, %mul3A_1233 : vector<16xi1>, vector<16xf32>
      %exp3A_1235 = math.exp %select_n3A_1234 : vector<16xf32>
      tpu.vector_store_idx %arg14[%get3A_1206], %exp3A_1235 {add = true} : memref<10000xf32, #tpu.memory_space<vmem>>[vector<16xi32>], vector<16xf32>,
      %add3A_1236 = arith.constant 48 : i32
      %add3A_1237 = vector.broadcast %add3A_1236 : i32 to vector<16xi32>
      %add3A_1238 = arith.addi %add3A_1237, %iota3A : vector<16xi32>
      %get3A_1239 = arith.constant 48 : index
      %get3A_1240 = tpu.vector_load %arg20[%get3A_1239] {strides = array<i32>} : memref<80xi32, #tpu.memory_space<vmem>>, vector<16xi32>,
      %get3A_1241 = arith.constant 48 : index
      %get3A_1242 = tpu.vector_load %arg21[%get3A_1241] {strides = array<i32>} : memref<80xi32, #tpu.memory_space<vmem>>, vector<16xi32>,
      %gather3A_1243 = tpu.vector_load_idx %arg11[%get3A_1240] : memref<10000xi32, #tpu.memory_space<vmem>>[vector<16xi32>], vector<16xi32>,
      %and3A_1244 = arith.constant 3 : i32
      %and3A_1245 = vector.broadcast %and3A_1244 : i32 to vector<16xi32>
      %and3A_1246 = arith.andi %gather3A_1243, %and3A_1245 : vector<16xi32>
      %and3A_1247 = arith.constant -4 : i32
      %and3A_1248 = vector.broadcast %and3A_1247 : i32 to vector<16xi32>
      %and3A_1249 = arith.andi %gather3A_1243, %and3A_1248 : vector<16xi32>
      %bitcast3A_1250 = vector.bitcast %and3A_1249 : vector<16xi32> to vector<16xf32>
      %mul3A_1251 = arith.constant 10 : i32
      %mul3A_1252 = vector.broadcast %mul3A_1251 : i32 to vector<16xi32>
      %mul3A_1253 = arith.muli %and3A_1246, %mul3A_1252 : vector<16xi32>
      %add3A_1254 = arith.addi %mul3A_1253, %get3A_1242 : vector<16xi32>
      %mul3A_1255 = arith.constant 128 : i32
      %mul3A_1256 = vector.broadcast %mul3A_1255 : i32 to vector<16xi32>
      %mul3A_1257 = arith.muli %add3A_1254, %mul3A_1256 : vector<16xi32>
      %broadcast_in_dim3A_1258 = arith.constant 0.000000e+00 : f32
      %broadcast_in_dim3A_1259 = vector.broadcast %broadcast_in_dim3A_1258 : f32 to vector<16xf32>
      %add3A_1260 = arith.addf %bitcast3A_1250, %broadcast_in_dim3A_1259 : vector<16xf32>
      %add3A_1261 = arith.addf %add3A_1260, %broadcast_in_dim3A_1259 : vector<16xf32>
      %ge3A_1262 = arith.constant 0.000000e+00 : f32
      %ge3A_1263 = vector.broadcast %ge3A_1262 : f32 to vector<16xf32>
      %ge3A_1264 = arith.cmpf oge, %add3A_1261, %ge3A_1263 : vector<16xf32>
      %mul3A_1265 = arith.constant -1.000000e-01 : f32
      %mul3A_1266 = vector.broadcast %mul3A_1265 : f32 to vector<16xf32>
      %mul3A_1267 = arith.mulf %mul3A_1266, %add3A_1261 : vector<16xf32>
      %select_n3A_1268 = arith.select %ge3A_1264, %add3A_1261, %mul3A_1267 : vector<16xi1>, vector<16xf32>
      %exp3A_1269 = math.exp %select_n3A_1268 : vector<16xf32>
      tpu.vector_store_idx %arg14[%get3A_1240], %exp3A_1269 {add = true} : memref<10000xf32, #tpu.memory_space<vmem>>[vector<16xi32>], vector<16xf32>,
      %add3A_1270 = arith.constant 64 : i32
      %add3A_1271 = vector.broadcast %add3A_1270 : i32 to vector<16xi32>
      %add3A_1272 = arith.addi %add3A_1271, %iota3A : vector<16xi32>
      %get3A_1273 = arith.constant 64 : index
      %get3A_1274 = tpu.vector_load %arg20[%get3A_1273] {strides = array<i32>} : memref<80xi32, #tpu.memory_space<vmem>>, vector<16xi32>,
      %get3A_1275 = arith.constant 64 : index
      %get3A_1276 = tpu.vector_load %arg21[%get3A_1275] {strides = array<i32>} : memref<80xi32, #tpu.memory_space<vmem>>, vector<16xi32>,
      %gather3A_1277 = tpu.vector_load_idx %arg11[%get3A_1274] : memref<10000xi32, #tpu.memory_space<vmem>>[vector<16xi32>], vector<16xi32>,
      %and3A_1278 = arith.constant 3 : i32
      %and3A_1279 = vector.broadcast %and3A_1278 : i32 to vector<16xi32>
      %and3A_1280 = arith.andi %gather3A_1277, %and3A_1279 : vector<16xi32>
      %and3A_1281 = arith.constant -4 : i32
      %and3A_1282 = vector.broadcast %and3A_1281 : i32 to vector<16xi32>
      %and3A_1283 = arith.andi %gather3A_1277, %and3A_1282 : vector<16xi32>
      %bitcast3A_1284 = vector.bitcast %and3A_1283 : vector<16xi32> to vector<16xf32>
      %mul3A_1285 = arith.constant 10 : i32
      %mul3A_1286 = vector.broadcast %mul3A_1285 : i32 to vector<16xi32>
      %mul3A_1287 = arith.muli %and3A_1280, %mul3A_1286 : vector<16xi32>
      %add3A_1288 = arith.addi %mul3A_1287, %get3A_1276 : vector<16xi32>
      %mul3A_1289 = arith.constant 128 : i32
      %mul3A_1290 = vector.broadcast %mul3A_1289 : i32 to vector<16xi32>
      %mul3A_1291 = arith.muli %add3A_1288, %mul3A_1290 : vector<16xi32>
      %broadcast_in_dim3A_1292 = arith.constant 0.000000e+00 : f32
      %broadcast_in_dim3A_1293 = vector.broadcast %broadcast_in_dim3A_1292 : f32 to vector<16xf32>
      %add3A_1294 = arith.addf %bitcast3A_1284, %broadcast_in_dim3A_1293 : vector<16xf32>
      %add3A_1295 = arith.addf %add3A_1294, %broadcast_in_dim3A_1293 : vector<16xf32>
      %ge3A_1296 = arith.constant 0.000000e+00 : f32
      %ge3A_1297 = vector.broadcast %ge3A_1296 : f32 to vector<16xf32>
      %ge3A_1298 = arith.cmpf oge, %add3A_1295, %ge3A_1297 : vector<16xf32>
      %mul3A_1299 = arith.constant -1.000000e-01 : f32
      %mul3A_1300 = vector.broadcast %mul3A_1299 : f32 to vector<16xf32>
      %mul3A_1301 = arith.mulf %mul3A_1300, %add3A_1295 : vector<16xf32>
      %select_n3A_1302 = arith.select %ge3A_1298, %add3A_1295, %mul3A_1301 : vector<16xi1>, vector<16xf32>
      %exp3A_1303 = math.exp %select_n3A_1302 : vector<16xf32>
      tpu.vector_store_idx %arg14[%get3A_1274], %exp3A_1303 {add = true} : memref<10000xf32, #tpu.memory_space<vmem>>[vector<16xi32>], vector<16xf32>,
      "tpu.region"() ({
        %run_scoped3A = tpu.sem_alloc : memref<!tpu.dma_semaphore, #tpu.memory_space<semaphore_mem>>
        %dma_start3A_1304 = arith.constant 0 : i32
        %dma_start3A_1305 = arith.constant 0 : i32
        %dma_start3A_1306 = tpu.memref_slice %arg22[%dma_start3A_1304, %dma_start3A_1305] : memref<10000x128xf32, #tpu.memory_space<vmem_shared>> -> memref<10000x128xf32, #tpu.memory_space<vmem_shared>>
        tpu.enqueue_indirect_dma source(%arg16 : memref<80x128xf32, #tpu.memory_space<vmem>>) target(%dma_start3A_1306 : memref<10000x128xf32, #tpu.memory_space<vmem_shared>>) offsets(%arg20 : memref<80xi32, #tpu.memory_space<vmem>>) semaphore(%run_scoped3A : memref<!tpu.dma_semaphore, #tpu.memory_space<semaphore_mem>>) {add = true}
        %dma_wait3A_1307 = arith.constant 0 : i32
        %dma_wait3A_1308 = arith.constant 0 : i32
        %dma_wait3A_1309 = tpu.memref_slice %arg22[%dma_wait3A_1307, %dma_wait3A_1308] : memref<10000x128xf32, #tpu.memory_space<vmem_shared>> -> memref<10000x128xf32, #tpu.memory_space<vmem_shared>>
        tpu.wait_indirect_dma semaphore(%run_scoped3A : memref<!tpu.dma_semaphore, #tpu.memory_space<semaphore_mem>>) src(%arg16 : memref<80x128xf32, #tpu.memory_space<vmem>>) dst(%dma_wait3A_1309 : memref<10000x128xf32, #tpu.memory_space<vmem_shared>>)
        tpu.yield
      }) : () -> ()
    }
    %scan3A_665 = arith.constant 62 : i32
    %dma_wait3A = arith.constant 0 : i32
    %dma_wait3A_666 = arith.constant 0 : i32
    %dma_wait3A_667 = tpu.memref_slice %arg2[%dma_wait3A, %dma_wait3A_666] : memref<10000x128xf32, #tpu.memory_space<hbm>> -> memref<10000x128xf32, #tpu.memory_space<hbm>>
    tpu.wait_indirect_dma semaphore(%arg23 : memref<!tpu.dma_semaphore, #tpu.memory_space<semaphore_mem>>) src(%dma_wait3A_667 : memref<10000x128xf32, #tpu.memory_space<hbm>>) dst(%arg15 : memref<80x128xf32, #tpu.memory_space<vmem>>)
    %mul3A_668 = arith.constant 10000 : i32
    %mul3A_669 = arith.muli %add3A, %mul3A_668 : i32
    %add3A_670 = arith.constant 9920 : i32
    %add3A_671 = arith.addi %mul3A_669, %add3A_670 : i32
    %multiple_of3A_672 = tpu.assume_multiple %add3A_671, 8 : i32
    "tpu.region"() ({
      %run_scoped3A = tpu.sem_alloc : memref<!tpu.dma_semaphore, #tpu.memory_space<semaphore_mem>>
      %dma_start3A_917 = tpu.memref_slice %arg4[%multiple_of3A_672] : memref<320000xi32, #tpu.memory_space<hbm>> -> memref<80xi32, #tpu.memory_space<hbm>>
      %dma_start3A_918 = tpu.memref_slice %arg4[%multiple_of3A_672] : memref<320000xi32, #tpu.memory_space<hbm>> -> memref<80xi32, #tpu.memory_space<hbm>>
      tpu.enqueue_dma source(%dma_start3A_918 : memref<80xi32, #tpu.memory_space<hbm>>) target(%arg20 : memref<80xi32, #tpu.memory_space<vmem>>) target_semaphore(%run_scoped3A : memref<!tpu.dma_semaphore, #tpu.memory_space<semaphore_mem>>)
      %dma_wait3A_919 = tpu.memref_slice %arg4[%multiple_of3A_672] : memref<320000xi32, #tpu.memory_space<hbm>> -> memref<80xi32, #tpu.memory_space<hbm>>
      %dma_wait3A_920 = tpu.memref_slice %arg4[%multiple_of3A_672] : memref<320000xi32, #tpu.memory_space<hbm>> -> memref<80xi32, #tpu.memory_space<hbm>>
      tpu.wait_dma2 semaphore(%run_scoped3A : memref<!tpu.dma_semaphore, #tpu.memory_space<semaphore_mem>>) src(%dma_wait3A_920 : memref<80xi32, #tpu.memory_space<hbm>>) dst(%arg20 : memref<80xi32, #tpu.memory_space<vmem>>)
      tpu.yield
    }) : () -> ()
    "tpu.region"() ({
      %run_scoped3A = tpu.sem_alloc : memref<!tpu.dma_semaphore, #tpu.memory_space<semaphore_mem>>
      %dma_start3A_917 = tpu.memref_slice %arg5[%multiple_of3A_672] : memref<320000xi32, #tpu.memory_space<hbm>> -> memref<80xi32, #tpu.memory_space<hbm>>
      %dma_start3A_918 = tpu.memref_slice %arg5[%multiple_of3A_672] : memref<320000xi32, #tpu.memory_space<hbm>> -> memref<80xi32, #tpu.memory_space<hbm>>
      tpu.enqueue_dma source(%dma_start3A_918 : memref<80xi32, #tpu.memory_space<hbm>>) target(%arg21 : memref<80xi32, #tpu.memory_space<vmem>>) target_semaphore(%run_scoped3A : memref<!tpu.dma_semaphore, #tpu.memory_space<semaphore_mem>>)
      %dma_wait3A_919 = tpu.memref_slice %arg5[%multiple_of3A_672] : memref<320000xi32, #tpu.memory_space<hbm>> -> memref<80xi32, #tpu.memory_space<hbm>>
      %dma_wait3A_920 = tpu.memref_slice %arg5[%multiple_of3A_672] : memref<320000xi32, #tpu.memory_space<hbm>> -> memref<80xi32, #tpu.memory_space<hbm>>
      tpu.wait_dma2 semaphore(%run_scoped3A : memref<!tpu.dma_semaphore, #tpu.memory_space<semaphore_mem>>) src(%dma_wait3A_920 : memref<80xi32, #tpu.memory_space<hbm>>) dst(%arg21 : memref<80xi32, #tpu.memory_space<vmem>>)
      tpu.yield
    }) : () -> ()
    %add3A_673 = arith.constant 0 : i32
    %add3A_674 = vector.broadcast %add3A_673 : i32 to vector<16xi32>
    %add3A_675 = arith.addi %add3A_674, %iota3A : vector<16xi32>
    %get3A = arith.constant 0 : index
    %get3A_676 = tpu.vector_load %arg20[%get3A] {strides = array<i32>} : memref<80xi32, #tpu.memory_space<vmem>>, vector<16xi32>,
    %get3A_677 = arith.constant 0 : index
    %get3A_678 = tpu.vector_load %arg21[%get3A_677] {strides = array<i32>} : memref<80xi32, #tpu.memory_space<vmem>>, vector<16xi32>,
    %gather3A = tpu.vector_load_idx %arg11[%get3A_676] : memref<10000xi32, #tpu.memory_space<vmem>>[vector<16xi32>], vector<16xi32>,
    %and3A = arith.constant 3 : i32
    %and3A_679 = vector.broadcast %and3A : i32 to vector<16xi32>
    %and3A_680 = arith.andi %gather3A, %and3A_679 : vector<16xi32>
    %and3A_681 = arith.constant -4 : i32
    %and3A_682 = vector.broadcast %and3A_681 : i32 to vector<16xi32>
    %and3A_683 = arith.andi %gather3A, %and3A_682 : vector<16xi32>
    %bitcast3A = vector.bitcast %and3A_683 : vector<16xi32> to vector<16xf32>
    %mul3A_684 = arith.constant 10 : i32
    %mul3A_685 = vector.broadcast %mul3A_684 : i32 to vector<16xi32>
    %mul3A_686 = arith.muli %and3A_680, %mul3A_685 : vector<16xi32>
    %add3A_687 = arith.addi %mul3A_686, %get3A_678 : vector<16xi32>
    %mul3A_688 = arith.constant 128 : i32
    %mul3A_689 = vector.broadcast %mul3A_688 : i32 to vector<16xi32>
    %mul3A_690 = arith.muli %add3A_687, %mul3A_689 : vector<16xi32>
    %broadcast_in_dim3A_691 = arith.constant 0.000000e+00 : f32
    %broadcast_in_dim3A_692 = vector.broadcast %broadcast_in_dim3A_691 : f32 to vector<16xf32>
    %add3A_693 = arith.addf %bitcast3A, %broadcast_in_dim3A_692 : vector<16xf32>
    %add3A_694 = arith.addf %add3A_693, %broadcast_in_dim3A_692 : vector<16xf32>
    %ge3A = arith.constant 0.000000e+00 : f32
    %ge3A_695 = vector.broadcast %ge3A : f32 to vector<16xf32>
    %ge3A_696 = arith.cmpf oge, %add3A_694, %ge3A_695 : vector<16xf32>
    %mul3A_697 = arith.constant -1.000000e-01 : f32
    %mul3A_698 = vector.broadcast %mul3A_697 : f32 to vector<16xf32>
    %mul3A_699 = arith.mulf %mul3A_698, %add3A_694 : vector<16xf32>
    %select_n3A = arith.select %ge3A_696, %add3A_694, %mul3A_699 : vector<16xi1>, vector<16xf32>
    %exp3A = math.exp %select_n3A : vector<16xf32>
    tpu.vector_store_idx %arg14[%get3A_676], %exp3A {add = true} : memref<10000xf32, #tpu.memory_space<vmem>>[vector<16xi32>], vector<16xf32>,
    %add3A_700 = arith.constant 16 : i32
    %add3A_701 = vector.broadcast %add3A_700 : i32 to vector<16xi32>
    %add3A_702 = arith.addi %add3A_701, %iota3A : vector<16xi32>
    %get3A_703 = arith.constant 16 : index
    %get3A_704 = tpu.vector_load %arg20[%get3A_703] {strides = array<i32>} : memref<80xi32, #tpu.memory_space<vmem>>, vector<16xi32>,
    %get3A_705 = arith.constant 16 : index
    %get3A_706 = tpu.vector_load %arg21[%get3A_705] {strides = array<i32>} : memref<80xi32, #tpu.memory_space<vmem>>, vector<16xi32>,
    %gather3A_707 = tpu.vector_load_idx %arg11[%get3A_704] : memref<10000xi32, #tpu.memory_space<vmem>>[vector<16xi32>], vector<16xi32>,
    %and3A_708 = arith.constant 3 : i32
    %and3A_709 = vector.broadcast %and3A_708 : i32 to vector<16xi32>
    %and3A_710 = arith.andi %gather3A_707, %and3A_709 : vector<16xi32>
    %and3A_711 = arith.constant -4 : i32
    %and3A_712 = vector.broadcast %and3A_711 : i32 to vector<16xi32>
    %and3A_713 = arith.andi %gather3A_707, %and3A_712 : vector<16xi32>
    %bitcast3A_714 = vector.bitcast %and3A_713 : vector<16xi32> to vector<16xf32>
    %mul3A_715 = arith.constant 10 : i32
    %mul3A_716 = vector.broadcast %mul3A_715 : i32 to vector<16xi32>
    %mul3A_717 = arith.muli %and3A_710, %mul3A_716 : vector<16xi32>
    %add3A_718 = arith.addi %mul3A_717, %get3A_706 : vector<16xi32>
    %mul3A_719 = arith.constant 128 : i32
    %mul3A_720 = vector.broadcast %mul3A_719 : i32 to vector<16xi32>
    %mul3A_721 = arith.muli %add3A_718, %mul3A_720 : vector<16xi32>
    %broadcast_in_dim3A_722 = arith.constant 0.000000e+00 : f32
    %broadcast_in_dim3A_723 = vector.broadcast %broadcast_in_dim3A_722 : f32 to vector<16xf32>
    %add3A_724 = arith.addf %bitcast3A_714, %broadcast_in_dim3A_723 : vector<16xf32>
    %add3A_725 = arith.addf %add3A_724, %broadcast_in_dim3A_723 : vector<16xf32>
    %ge3A_726 = arith.constant 0.000000e+00 : f32
    %ge3A_727 = vector.broadcast %ge3A_726 : f32 to vector<16xf32>
    %ge3A_728 = arith.cmpf oge, %add3A_725, %ge3A_727 : vector<16xf32>
    %mul3A_729 = arith.constant -1.000000e-01 : f32
    %mul3A_730 = vector.broadcast %mul3A_729 : f32 to vector<16xf32>
    %mul3A_731 = arith.mulf %mul3A_730, %add3A_725 : vector<16xf32>
    %select_n3A_732 = arith.select %ge3A_728, %add3A_725, %mul3A_731 : vector<16xi1>, vector<16xf32>
    %exp3A_733 = math.exp %select_n3A_732 : vector<16xf32>
    tpu.vector_store_idx %arg14[%get3A_704], %exp3A_733 {add = true} : memref<10000xf32, #tpu.memory_space<vmem>>[vector<16xi32>], vector<16xf32>,
    %add3A_734 = arith.constant 32 : i32
    %add3A_735 = vector.broadcast %add3A_734 : i32 to vector<16xi32>
    %add3A_736 = arith.addi %add3A_735, %iota3A : vector<16xi32>
    %get3A_737 = arith.constant 32 : index
    %get3A_738 = tpu.vector_load %arg20[%get3A_737] {strides = array<i32>} : memref<80xi32, #tpu.memory_space<vmem>>, vector<16xi32>,
    %get3A_739 = arith.constant 32 : index
    %get3A_740 = tpu.vector_load %arg21[%get3A_739] {strides = array<i32>} : memref<80xi32, #tpu.memory_space<vmem>>, vector<16xi32>,
    %gather3A_741 = tpu.vector_load_idx %arg11[%get3A_738] : memref<10000xi32, #tpu.memory_space<vmem>>[vector<16xi32>], vector<16xi32>,
    %and3A_742 = arith.constant 3 : i32
    %and3A_743 = vector.broadcast %and3A_742 : i32 to vector<16xi32>
    %and3A_744 = arith.andi %gather3A_741, %and3A_743 : vector<16xi32>
    %and3A_745 = arith.constant -4 : i32
    %and3A_746 = vector.broadcast %and3A_745 : i32 to vector<16xi32>
    %and3A_747 = arith.andi %gather3A_741, %and3A_746 : vector<16xi32>
    %bitcast3A_748 = vector.bitcast %and3A_747 : vector<16xi32> to vector<16xf32>
    %mul3A_749 = arith.constant 10 : i32
    %mul3A_750 = vector.broadcast %mul3A_749 : i32 to vector<16xi32>
    %mul3A_751 = arith.muli %and3A_744, %mul3A_750 : vector<16xi32>
    %add3A_752 = arith.addi %mul3A_751, %get3A_740 : vector<16xi32>
    %mul3A_753 = arith.constant 128 : i32
    %mul3A_754 = vector.broadcast %mul3A_753 : i32 to vector<16xi32>
    %mul3A_755 = arith.muli %add3A_752, %mul3A_754 : vector<16xi32>
    %broadcast_in_dim3A_756 = arith.constant 0.000000e+00 : f32
    %broadcast_in_dim3A_757 = vector.broadcast %broadcast_in_dim3A_756 : f32 to vector<16xf32>
    %add3A_758 = arith.addf %bitcast3A_748, %broadcast_in_dim3A_757 : vector<16xf32>
    %add3A_759 = arith.addf %add3A_758, %broadcast_in_dim3A_757 : vector<16xf32>
    %ge3A_760 = arith.constant 0.000000e+00 : f32
    %ge3A_761 = vector.broadcast %ge3A_760 : f32 to vector<16xf32>
    %ge3A_762 = arith.cmpf oge, %add3A_759, %ge3A_761 : vector<16xf32>
    %mul3A_763 = arith.constant -1.000000e-01 : f32
    %mul3A_764 = vector.broadcast %mul3A_763 : f32 to vector<16xf32>
    %mul3A_765 = arith.mulf %mul3A_764, %add3A_759 : vector<16xf32>
    %select_n3A_766 = arith.select %ge3A_762, %add3A_759, %mul3A_765 : vector<16xi1>, vector<16xf32>
    %exp3A_767 = math.exp %select_n3A_766 : vector<16xf32>
    tpu.vector_store_idx %arg14[%get3A_738], %exp3A_767 {add = true} : memref<10000xf32, #tpu.memory_space<vmem>>[vector<16xi32>], vector<16xf32>,
    %add3A_768 = arith.constant 48 : i32
    %add3A_769 = vector.broadcast %add3A_768 : i32 to vector<16xi32>
    %add3A_770 = arith.addi %add3A_769, %iota3A : vector<16xi32>
    %get3A_771 = arith.constant 48 : index
    %get3A_772 = tpu.vector_load %arg20[%get3A_771] {strides = array<i32>} : memref<80xi32, #tpu.memory_space<vmem>>, vector<16xi32>,
    %get3A_773 = arith.constant 48 : index
    %get3A_774 = tpu.vector_load %arg21[%get3A_773] {strides = array<i32>} : memref<80xi32, #tpu.memory_space<vmem>>, vector<16xi32>,
    %gather3A_775 = tpu.vector_load_idx %arg11[%get3A_772] : memref<10000xi32, #tpu.memory_space<vmem>>[vector<16xi32>], vector<16xi32>,
    %and3A_776 = arith.constant 3 : i32
    %and3A_777 = vector.broadcast %and3A_776 : i32 to vector<16xi32>
    %and3A_778 = arith.andi %gather3A_775, %and3A_777 : vector<16xi32>
    %and3A_779 = arith.constant -4 : i32
    %and3A_780 = vector.broadcast %and3A_779 : i32 to vector<16xi32>
    %and3A_781 = arith.andi %gather3A_775, %and3A_780 : vector<16xi32>
    %bitcast3A_782 = vector.bitcast %and3A_781 : vector<16xi32> to vector<16xf32>
    %mul3A_783 = arith.constant 10 : i32
    %mul3A_784 = vector.broadcast %mul3A_783 : i32 to vector<16xi32>
    %mul3A_785 = arith.muli %and3A_778, %mul3A_784 : vector<16xi32>
    %add3A_786 = arith.addi %mul3A_785, %get3A_774 : vector<16xi32>
    %mul3A_787 = arith.constant 128 : i32
    %mul3A_788 = vector.broadcast %mul3A_787 : i32 to vector<16xi32>
    %mul3A_789 = arith.muli %add3A_786, %mul3A_788 : vector<16xi32>
    %broadcast_in_dim3A_790 = arith.constant 0.000000e+00 : f32
    %broadcast_in_dim3A_791 = vector.broadcast %broadcast_in_dim3A_790 : f32 to vector<16xf32>
    %add3A_792 = arith.addf %bitcast3A_782, %broadcast_in_dim3A_791 : vector<16xf32>
    %add3A_793 = arith.addf %add3A_792, %broadcast_in_dim3A_791 : vector<16xf32>
    %ge3A_794 = arith.constant 0.000000e+00 : f32
    %ge3A_795 = vector.broadcast %ge3A_794 : f32 to vector<16xf32>
    %ge3A_796 = arith.cmpf oge, %add3A_793, %ge3A_795 : vector<16xf32>
    %mul3A_797 = arith.constant -1.000000e-01 : f32
    %mul3A_798 = vector.broadcast %mul3A_797 : f32 to vector<16xf32>
    %mul3A_799 = arith.mulf %mul3A_798, %add3A_793 : vector<16xf32>
    %select_n3A_800 = arith.select %ge3A_796, %add3A_793, %mul3A_799 : vector<16xi1>, vector<16xf32>
    %exp3A_801 = math.exp %select_n3A_800 : vector<16xf32>
    tpu.vector_store_idx %arg14[%get3A_772], %exp3A_801 {add = true} : memref<10000xf32, #tpu.memory_space<vmem>>[vector<16xi32>], vector<16xf32>,
    %add3A_802 = arith.constant 64 : i32
    %add3A_803 = vector.broadcast %add3A_802 : i32 to vector<16xi32>
    %add3A_804 = arith.addi %add3A_803, %iota3A : vector<16xi32>
    %get3A_805 = arith.constant 64 : index
    %get3A_806 = tpu.vector_load %arg20[%get3A_805] {strides = array<i32>} : memref<80xi32, #tpu.memory_space<vmem>>, vector<16xi32>,
    %get3A_807 = arith.constant 64 : index
    %get3A_808 = tpu.vector_load %arg21[%get3A_807] {strides = array<i32>} : memref<80xi32, #tpu.memory_space<vmem>>, vector<16xi32>,
    %gather3A_809 = tpu.vector_load_idx %arg11[%get3A_806] : memref<10000xi32, #tpu.memory_space<vmem>>[vector<16xi32>], vector<16xi32>,
    %and3A_810 = arith.constant 3 : i32
    %and3A_811 = vector.broadcast %and3A_810 : i32 to vector<16xi32>
    %and3A_812 = arith.andi %gather3A_809, %and3A_811 : vector<16xi32>
    %and3A_813 = arith.constant -4 : i32
    %and3A_814 = vector.broadcast %and3A_813 : i32 to vector<16xi32>
    %and3A_815 = arith.andi %gather3A_809, %and3A_814 : vector<16xi32>
    %bitcast3A_816 = vector.bitcast %and3A_815 : vector<16xi32> to vector<16xf32>
    %mul3A_817 = arith.constant 10 : i32
    %mul3A_818 = vector.broadcast %mul3A_817 : i32 to vector<16xi32>
    %mul3A_819 = arith.muli %and3A_812, %mul3A_818 : vector<16xi32>
    %add3A_820 = arith.addi %mul3A_819, %get3A_808 : vector<16xi32>
    %mul3A_821 = arith.constant 128 : i32
    %mul3A_822 = vector.broadcast %mul3A_821 : i32 to vector<16xi32>
    %mul3A_823 = arith.muli %add3A_820, %mul3A_822 : vector<16xi32>
    %broadcast_in_dim3A_824 = arith.constant 0.000000e+00 : f32
    %broadcast_in_dim3A_825 = vector.broadcast %broadcast_in_dim3A_824 : f32 to vector<16xf32>
    %add3A_826 = arith.addf %bitcast3A_816, %broadcast_in_dim3A_825 : vector<16xf32>
    %add3A_827 = arith.addf %add3A_826, %broadcast_in_dim3A_825 : vector<16xf32>
    %ge3A_828 = arith.constant 0.000000e+00 : f32
    %ge3A_829 = vector.broadcast %ge3A_828 : f32 to vector<16xf32>
    %ge3A_830 = arith.cmpf oge, %add3A_827, %ge3A_829 : vector<16xf32>
    %mul3A_831 = arith.constant -1.000000e-01 : f32
    %mul3A_832 = vector.broadcast %mul3A_831 : f32 to vector<16xf32>
    %mul3A_833 = arith.mulf %mul3A_832, %add3A_827 : vector<16xf32>
    %select_n3A_834 = arith.select %ge3A_830, %add3A_827, %mul3A_833 : vector<16xi1>, vector<16xf32>
    %exp3A_835 = math.exp %select_n3A_834 : vector<16xf32>
    tpu.vector_store_idx %arg14[%get3A_806], %exp3A_835 {add = true} : memref<10000xf32, #tpu.memory_space<vmem>>[vector<16xi32>], vector<16xf32>,
    "tpu.region"() ({
      %run_scoped3A = tpu.sem_alloc : memref<!tpu.dma_semaphore, #tpu.memory_space<semaphore_mem>>
      %dma_start3A_917 = arith.constant 0 : i32
      %dma_start3A_918 = arith.constant 0 : i32
      %dma_start3A_919 = tpu.memref_slice %arg22[%dma_start3A_917, %dma_start3A_918] : memref<10000x128xf32, #tpu.memory_space<vmem_shared>> -> memref<10000x128xf32, #tpu.memory_space<vmem_shared>>
      tpu.enqueue_indirect_dma source(%arg15 : memref<80x128xf32, #tpu.memory_space<vmem>>) target(%dma_start3A_919 : memref<10000x128xf32, #tpu.memory_space<vmem_shared>>) offsets(%arg20 : memref<80xi32, #tpu.memory_space<vmem>>) semaphore(%run_scoped3A : memref<!tpu.dma_semaphore, #tpu.memory_space<semaphore_mem>>) {add = true}
      %dma_wait3A_920 = arith.constant 0 : i32
      %dma_wait3A_921 = arith.constant 0 : i32
      %dma_wait3A_922 = tpu.memref_slice %arg22[%dma_wait3A_920, %dma_wait3A_921] : memref<10000x128xf32, #tpu.memory_space<vmem_shared>> -> memref<10000x128xf32, #tpu.memory_space<vmem_shared>>
      tpu.wait_indirect_dma semaphore(%run_scoped3A : memref<!tpu.dma_semaphore, #tpu.memory_space<semaphore_mem>>) src(%arg15 : memref<80x128xf32, #tpu.memory_space<vmem>>) dst(%dma_wait3A_922 : memref<10000x128xf32, #tpu.memory_space<vmem_shared>>)
      tpu.yield
    }) : () -> ()
    %barrier3A_836 = arith.constant 0 : index
    tpu.barrier barrier_id(%barrier3A_836)
    %mul3A_837 = arith.constant 10000 : i32
    %mul3A_838 = arith.muli %add3A, %mul3A_837 : i32
    %multiple_of3A_839 = tpu.assume_multiple %mul3A_838, 8 : i32
    "tpu.region"() ({
      %run_scoped3A = tpu.sem_alloc : memref<!tpu.dma_semaphore, #tpu.memory_space<semaphore_mem>>
      %dma_start3A_917 = tpu.memref_slice %arg10[%multiple_of3A_839] : memref<320000xf32, #tpu.memory_space<hbm>> -> memref<10000xf32, #tpu.memory_space<hbm>>
      %dma_start3A_918 = tpu.memref_slice %arg10[%multiple_of3A_839] : memref<320000xf32, #tpu.memory_space<hbm>> -> memref<10000xf32, #tpu.memory_space<hbm>>
      tpu.enqueue_dma source(%arg14 : memref<10000xf32, #tpu.memory_space<vmem>>) target(%dma_start3A_918 : memref<10000xf32, #tpu.memory_space<hbm>>) target_semaphore(%run_scoped3A : memref<!tpu.dma_semaphore, #tpu.memory_space<semaphore_mem>>)
      %dma_wait3A_919 = tpu.memref_slice %arg10[%multiple_of3A_839] : memref<320000xf32, #tpu.memory_space<hbm>> -> memref<10000xf32, #tpu.memory_space<hbm>>
      %dma_wait3A_920 = tpu.memref_slice %arg10[%multiple_of3A_839] : memref<320000xf32, #tpu.memory_space<hbm>> -> memref<10000xf32, #tpu.memory_space<hbm>>
      tpu.wait_dma2 semaphore(%run_scoped3A : memref<!tpu.dma_semaphore, #tpu.memory_space<semaphore_mem>>) src(%arg14 : memref<10000xf32, #tpu.memory_space<vmem>>) dst(%dma_wait3A_920 : memref<10000xf32, #tpu.memory_space<hbm>>)
      tpu.yield
    }) : () -> ()
    %mul3A_840 = arith.constant 624 : i32
    %mul3A_841 = arith.muli %arg1, %mul3A_840 : i32
    %add3A_842 = arith.constant 0 : i32
    %add3A_843 = arith.addi %mul3A_841, %add3A_842 : i32
    %multiple_of3A_844 = tpu.assume_multiple %add3A_843, 8 : i32
    "tpu.region"() ({
      %run_scoped3A = tpu.sem_alloc : memref<!tpu.dma_semaphore, #tpu.memory_space<semaphore_mem>>
      %dma_start3A_917 = arith.constant 0 : i32
      %dma_start3A_918 = tpu.memref_slice %arg22[%multiple_of3A_844, %dma_start3A_917] : memref<10000x128xf32, #tpu.memory_space<vmem_shared>> -> memref<80x128xf32, #tpu.memory_space<vmem_shared>>
      %dma_start3A_919 = arith.constant 0 : i32
      %dma_start3A_920 = tpu.memref_slice %arg22[%multiple_of3A_844, %dma_start3A_919] : memref<10000x128xf32, #tpu.memory_space<vmem_shared>> -> memref<80x128xf32, #tpu.memory_space<vmem_shared>>
      tpu.enqueue_dma source(%dma_start3A_920 : memref<80x128xf32, #tpu.memory_space<vmem_shared>>) target(%arg15 : memref<80x128xf32, #tpu.memory_space<vmem>>) target_semaphore(%run_scoped3A : memref<!tpu.dma_semaphore, #tpu.memory_space<semaphore_mem>>)
      %dma_wait3A_921 = arith.constant 0 : i32
      %dma_wait3A_922 = tpu.memref_slice %arg22[%multiple_of3A_844, %dma_wait3A_921] : memref<10000x128xf32, #tpu.memory_space<vmem_shared>> -> memref<80x128xf32, #tpu.memory_space<vmem_shared>>
      %dma_wait3A_923 = arith.constant 0 : i32
      %dma_wait3A_924 = tpu.memref_slice %arg22[%multiple_of3A_844, %dma_wait3A_923] : memref<10000x128xf32, #tpu.memory_space<vmem_shared>> -> memref<80x128xf32, #tpu.memory_space<vmem_shared>>
      tpu.wait_dma2 semaphore(%run_scoped3A : memref<!tpu.dma_semaphore, #tpu.memory_space<semaphore_mem>>) src(%dma_wait3A_924 : memref<80x128xf32, #tpu.memory_space<vmem_shared>>) dst(%arg15 : memref<80x128xf32, #tpu.memory_space<vmem>>)
      tpu.yield
    }) : () -> ()
    %mul3A_845 = arith.constant 10000 : i32
    %mul3A_846 = arith.muli %arg0, %mul3A_845 : i32
    %add3A_847 = arith.addi %mul3A_846, %multiple_of3A_844 : i32
    %multiple_of3A_848 = tpu.assume_multiple %add3A_847, 8 : i32
    "tpu.region"() ({
      %run_scoped3A = tpu.sem_alloc : memref<!tpu.dma_semaphore, #tpu.memory_space<semaphore_mem>>
      %dma_start3A_917 = arith.constant 0 : i32
      %dma_start3A_918 = tpu.memref_slice %arg9[%multiple_of3A_848, %dma_start3A_917] : memref<20000x128xf32, #tpu.memory_space<hbm>> -> memref<80x128xf32, #tpu.memory_space<hbm>>
      %dma_start3A_919 = arith.constant 0 : i32
      %dma_start3A_920 = tpu.memref_slice %arg9[%multiple_of3A_848, %dma_start3A_919] : memref<20000x128xf32, #tpu.memory_space<hbm>> -> memref<80x128xf32, #tpu.memory_space<hbm>>
      tpu.enqueue_dma source(%arg15 : memref<80x128xf32, #tpu.memory_space<vmem>>) target(%dma_start3A_920 : memref<80x128xf32, #tpu.memory_space<hbm>>) target_semaphore(%run_scoped3A : memref<!tpu.dma_semaphore, #tpu.memory_space<semaphore_mem>>)
      %dma_wait3A_921 = arith.constant 0 : i32
      %dma_wait3A_922 = tpu.memref_slice %arg9[%multiple_of3A_848, %dma_wait3A_921] : memref<20000x128xf32, #tpu.memory_space<hbm>> -> memref<80x128xf32, #tpu.memory_space<hbm>>
      %dma_wait3A_923 = arith.constant 0 : i32
      %dma_wait3A_924 = tpu.memref_slice %arg9[%multiple_of3A_848, %dma_wait3A_923] : memref<20000x128xf32, #tpu.memory_space<hbm>> -> memref<80x128xf32, #tpu.memory_space<hbm>>
      tpu.wait_dma2 semaphore(%run_scoped3A : memref<!tpu.dma_semaphore, #tpu.memory_space<semaphore_mem>>) src(%arg15 : memref<80x128xf32, #tpu.memory_space<vmem>>) dst(%dma_wait3A_924 : memref<80x128xf32, #tpu.memory_space<hbm>>)
      tpu.yield
    }) : () -> ()
    %mul3A_849 = arith.constant 624 : i32
    %mul3A_850 = arith.muli %arg1, %mul3A_849 : i32
    %add3A_851 = arith.constant 80 : i32
    %add3A_852 = arith.addi %mul3A_850, %add3A_851 : i32
    %multiple_of3A_853 = tpu.assume_multiple %add3A_852, 8 : i32
    "tpu.region"() ({
      %run_scoped3A = tpu.sem_alloc : memref<!tpu.dma_semaphore, #tpu.memory_space<semaphore_mem>>
      %dma_start3A_917 = arith.constant 0 : i32
      %dma_start3A_918 = tpu.memref_slice %arg22[%multiple_of3A_853, %dma_start3A_917] : memref<10000x128xf32, #tpu.memory_space<vmem_shared>> -> memref<80x128xf32, #tpu.memory_space<vmem_shared>>
      %dma_start3A_919 = arith.constant 0 : i32
      %dma_start3A_920 = tpu.memref_slice %arg22[%multiple_of3A_853, %dma_start3A_919] : memref<10000x128xf32, #tpu.memory_space<vmem_shared>> -> memref<80x128xf32, #tpu.memory_space<vmem_shared>>
      tpu.enqueue_dma source(%dma_start3A_920 : memref<80x128xf32, #tpu.memory_space<vmem_shared>>) target(%arg15 : memref<80x128xf32, #tpu.memory_space<vmem>>) target_semaphore(%run_scoped3A : memref<!tpu.dma_semaphore, #tpu.memory_space<semaphore_mem>>)
      %dma_wait3A_921 = arith.constant 0 : i32
      %dma_wait3A_922 = tpu.memref_slice %arg22[%multiple_of3A_853, %dma_wait3A_921] : memref<10000x128xf32, #tpu.memory_space<vmem_shared>> -> memref<80x128xf32, #tpu.memory_space<vmem_shared>>
      %dma_wait3A_923 = arith.constant 0 : i32
      %dma_wait3A_924 = tpu.memref_slice %arg22[%multiple_of3A_853, %dma_wait3A_923] : memref<10000x128xf32, #tpu.memory_space<vmem_shared>> -> memref<80x128xf32, #tpu.memory_space<vmem_shared>>
      tpu.wait_dma2 semaphore(%run_scoped3A : memref<!tpu.dma_semaphore, #tpu.memory_space<semaphore_mem>>) src(%dma_wait3A_924 : memref<80x128xf32, #tpu.memory_space<vmem_shared>>) dst(%arg15 : memref<80x128xf32, #tpu.memory_space<vmem>>)
      tpu.yield
    }) : () -> ()
    %mul3A_854 = arith.constant 10000 : i32
    %mul3A_855 = arith.muli %arg0, %mul3A_854 : i32
    %add3A_856 = arith.addi %mul3A_855, %multiple_of3A_853 : i32
    %multiple_of3A_857 = tpu.assume_multiple %add3A_856, 8 : i32
    "tpu.region"() ({
      %run_scoped3A = tpu.sem_alloc : memref<!tpu.dma_semaphore, #tpu.memory_space<semaphore_mem>>
      %dma_start3A_917 = arith.constant 0 : i32
      %dma_start3A_918 = tpu.memref_slice %arg9[%multiple_of3A_857, %dma_start3A_917] : memref<20000x128xf32, #tpu.memory_space<hbm>> -> memref<80x128xf32, #tpu.memory_space<hbm>>
      %dma_start3A_919 = arith.constant 0 : i32
      %dma_start3A_920 = tpu.memref_slice %arg9[%multiple_of3A_857, %dma_start3A_919] : memref<20000x128xf32, #tpu.memory_space<hbm>> -> memref<80x128xf32, #tpu.memory_space<hbm>>
      tpu.enqueue_dma source(%arg15 : memref<80x128xf32, #tpu.memory_space<vmem>>) target(%dma_start3A_920 : memref<80x128xf32, #tpu.memory_space<hbm>>) target_semaphore(%run_scoped3A : memref<!tpu.dma_semaphore, #tpu.memory_space<semaphore_mem>>)
      %dma_wait3A_921 = arith.constant 0 : i32
      %dma_wait3A_922 = tpu.memref_slice %arg9[%multiple_of3A_857, %dma_wait3A_921] : memref<20000x128xf32, #tpu.memory_space<hbm>> -> memref<80x128xf32, #tpu.memory_space<hbm>>
      %dma_wait3A_923 = arith.constant 0 : i32
      %dma_wait3A_924 = tpu.memref_slice %arg9[%multiple_of3A_857, %dma_wait3A_923] : memref<20000x128xf32, #tpu.memory_space<hbm>> -> memref<80x128xf32, #tpu.memory_space<hbm>>
      tpu.wait_dma2 semaphore(%run_scoped3A : memref<!tpu.dma_semaphore, #tpu.memory_space<semaphore_mem>>) src(%arg15 : memref<80x128xf32, #tpu.memory_space<vmem>>) dst(%dma_wait3A_924 : memref<80x128xf32, #tpu.memory_space<hbm>>)
      tpu.yield
    }) : () -> ()
    %mul3A_858 = arith.constant 624 : i32
    %mul3A_859 = arith.muli %arg1, %mul3A_858 : i32
    %add3A_860 = arith.constant 160 : i32
    %add3A_861 = arith.addi %mul3A_859, %add3A_860 : i32
    %multiple_of3A_862 = tpu.assume_multiple %add3A_861, 8 : i32
    "tpu.region"() ({
      %run_scoped3A = tpu.sem_alloc : memref<!tpu.dma_semaphore, #tpu.memory_space<semaphore_mem>>
      %dma_start3A_917 = arith.constant 0 : i32
      %dma_start3A_918 = tpu.memref_slice %arg22[%multiple_of3A_862, %dma_start3A_917] : memref<10000x128xf32, #tpu.memory_space<vmem_shared>> -> memref<80x128xf32, #tpu.memory_space<vmem_shared>>
      %dma_start3A_919 = arith.constant 0 : i32
      %dma_start3A_920 = tpu.memref_slice %arg22[%multiple_of3A_862, %dma_start3A_919] : memref<10000x128xf32, #tpu.memory_space<vmem_shared>> -> memref<80x128xf32, #tpu.memory_space<vmem_shared>>
      tpu.enqueue_dma source(%dma_start3A_920 : memref<80x128xf32, #tpu.memory_space<vmem_shared>>) target(%arg15 : memref<80x128xf32, #tpu.memory_space<vmem>>) target_semaphore(%run_scoped3A : memref<!tpu.dma_semaphore, #tpu.memory_space<semaphore_mem>>)
      %dma_wait3A_921 = arith.constant 0 : i32
      %dma_wait3A_922 = tpu.memref_slice %arg22[%multiple_of3A_862, %dma_wait3A_921] : memref<10000x128xf32, #tpu.memory_space<vmem_shared>> -> memref<80x128xf32, #tpu.memory_space<vmem_shared>>
      %dma_wait3A_923 = arith.constant 0 : i32
      %dma_wait3A_924 = tpu.memref_slice %arg22[%multiple_of3A_862, %dma_wait3A_923] : memref<10000x128xf32, #tpu.memory_space<vmem_shared>> -> memref<80x128xf32, #tpu.memory_space<vmem_shared>>
      tpu.wait_dma2 semaphore(%run_scoped3A : memref<!tpu.dma_semaphore, #tpu.memory_space<semaphore_mem>>) src(%dma_wait3A_924 : memref<80x128xf32, #tpu.memory_space<vmem_shared>>) dst(%arg15 : memref<80x128xf32, #tpu.memory_space<vmem>>)
      tpu.yield
    }) : () -> ()
    %mul3A_863 = arith.constant 10000 : i32
    %mul3A_864 = arith.muli %arg0, %mul3A_863 : i32
    %add3A_865 = arith.addi %mul3A_864, %multiple_of3A_862 : i32
    %multiple_of3A_866 = tpu.assume_multiple %add3A_865, 8 : i32
    "tpu.region"() ({
      %run_scoped3A = tpu.sem_alloc : memref<!tpu.dma_semaphore, #tpu.memory_space<semaphore_mem>>
      %dma_start3A_917 = arith.constant 0 : i32
      %dma_start3A_918 = tpu.memref_slice %arg9[%multiple_of3A_866, %dma_start3A_917] : memref<20000x128xf32, #tpu.memory_space<hbm>> -> memref<80x128xf32, #tpu.memory_space<hbm>>
      %dma_start3A_919 = arith.constant 0 : i32
      %dma_start3A_920 = tpu.memref_slice %arg9[%multiple_of3A_866, %dma_start3A_919] : memref<20000x128xf32, #tpu.memory_space<hbm>> -> memref<80x128xf32, #tpu.memory_space<hbm>>
      tpu.enqueue_dma source(%arg15 : memref<80x128xf32, #tpu.memory_space<vmem>>) target(%dma_start3A_920 : memref<80x128xf32, #tpu.memory_space<hbm>>) target_semaphore(%run_scoped3A : memref<!tpu.dma_semaphore, #tpu.memory_space<semaphore_mem>>)
      %dma_wait3A_921 = arith.constant 0 : i32
      %dma_wait3A_922 = tpu.memref_slice %arg9[%multiple_of3A_866, %dma_wait3A_921] : memref<20000x128xf32, #tpu.memory_space<hbm>> -> memref<80x128xf32, #tpu.memory_space<hbm>>
      %dma_wait3A_923 = arith.constant 0 : i32
      %dma_wait3A_924 = tpu.memref_slice %arg9[%multiple_of3A_866, %dma_wait3A_923] : memref<20000x128xf32, #tpu.memory_space<hbm>> -> memref<80x128xf32, #tpu.memory_space<hbm>>
      tpu.wait_dma2 semaphore(%run_scoped3A : memref<!tpu.dma_semaphore, #tpu.memory_space<semaphore_mem>>) src(%arg15 : memref<80x128xf32, #tpu.memory_space<vmem>>) dst(%dma_wait3A_924 : memref<80x128xf32, #tpu.memory_space<hbm>>)
      tpu.yield
    }) : () -> ()
    %mul3A_867 = arith.constant 624 : i32
    %mul3A_868 = arith.muli %arg1, %mul3A_867 : i32
    %add3A_869 = arith.constant 240 : i32
    %add3A_870 = arith.addi %mul3A_868, %add3A_869 : i32
    %multiple_of3A_871 = tpu.assume_multiple %add3A_870, 8 : i32
    "tpu.region"() ({
      %run_scoped3A = tpu.sem_alloc : memref<!tpu.dma_semaphore, #tpu.memory_space<semaphore_mem>>
      %dma_start3A_917 = arith.constant 0 : i32
      %dma_start3A_918 = tpu.memref_slice %arg22[%multiple_of3A_871, %dma_start3A_917] : memref<10000x128xf32, #tpu.memory_space<vmem_shared>> -> memref<80x128xf32, #tpu.memory_space<vmem_shared>>
      %dma_start3A_919 = arith.constant 0 : i32
      %dma_start3A_920 = tpu.memref_slice %arg22[%multiple_of3A_871, %dma_start3A_919] : memref<10000x128xf32, #tpu.memory_space<vmem_shared>> -> memref<80x128xf32, #tpu.memory_space<vmem_shared>>
      tpu.enqueue_dma source(%dma_start3A_920 : memref<80x128xf32, #tpu.memory_space<vmem_shared>>) target(%arg15 : memref<80x128xf32, #tpu.memory_space<vmem>>) target_semaphore(%run_scoped3A : memref<!tpu.dma_semaphore, #tpu.memory_space<semaphore_mem>>)
      %dma_wait3A_921 = arith.constant 0 : i32
      %dma_wait3A_922 = tpu.memref_slice %arg22[%multiple_of3A_871, %dma_wait3A_921] : memref<10000x128xf32, #tpu.memory_space<vmem_shared>> -> memref<80x128xf32, #tpu.memory_space<vmem_shared>>
      %dma_wait3A_923 = arith.constant 0 : i32
      %dma_wait3A_924 = tpu.memref_slice %arg22[%multiple_of3A_871, %dma_wait3A_923] : memref<10000x128xf32, #tpu.memory_space<vmem_shared>> -> memref<80x128xf32, #tpu.memory_space<vmem_shared>>
      tpu.wait_dma2 semaphore(%run_scoped3A : memref<!tpu.dma_semaphore, #tpu.memory_space<semaphore_mem>>) src(%dma_wait3A_924 : memref<80x128xf32, #tpu.memory_space<vmem_shared>>) dst(%arg15 : memref<80x128xf32, #tpu.memory_space<vmem>>)
      tpu.yield
    }) : () -> ()
    %mul3A_872 = arith.constant 10000 : i32
    %mul3A_873 = arith.muli %arg0, %mul3A_872 : i32
    %add3A_874 = arith.addi %mul3A_873, %multiple_of3A_871 : i32
    %multiple_of3A_875 = tpu.assume_multiple %add3A_874, 8 : i32
    "tpu.region"() ({
      %run_scoped3A = tpu.sem_alloc : memref<!tpu.dma_semaphore, #tpu.memory_space<semaphore_mem>>
      %dma_start3A_917 = arith.constant 0 : i32
      %dma_start3A_918 = tpu.memref_slice %arg9[%multiple_of3A_875, %dma_start3A_917] : memref<20000x128xf32, #tpu.memory_space<hbm>> -> memref<80x128xf32, #tpu.memory_space<hbm>>
      %dma_start3A_919 = arith.constant 0 : i32
      %dma_start3A_920 = tpu.memref_slice %arg9[%multiple_of3A_875, %dma_start3A_919] : memref<20000x128xf32, #tpu.memory_space<hbm>> -> memref<80x128xf32, #tpu.memory_space<hbm>>
      tpu.enqueue_dma source(%arg15 : memref<80x128xf32, #tpu.memory_space<vmem>>) target(%dma_start3A_920 : memref<80x128xf32, #tpu.memory_space<hbm>>) target_semaphore(%run_scoped3A : memref<!tpu.dma_semaphore, #tpu.memory_space<semaphore_mem>>)
      %dma_wait3A_921 = arith.constant 0 : i32
      %dma_wait3A_922 = tpu.memref_slice %arg9[%multiple_of3A_875, %dma_wait3A_921] : memref<20000x128xf32, #tpu.memory_space<hbm>> -> memref<80x128xf32, #tpu.memory_space<hbm>>
      %dma_wait3A_923 = arith.constant 0 : i32
      %dma_wait3A_924 = tpu.memref_slice %arg9[%multiple_of3A_875, %dma_wait3A_923] : memref<20000x128xf32, #tpu.memory_space<hbm>> -> memref<80x128xf32, #tpu.memory_space<hbm>>
      tpu.wait_dma2 semaphore(%run_scoped3A : memref<!tpu.dma_semaphore, #tpu.memory_space<semaphore_mem>>) src(%arg15 : memref<80x128xf32, #tpu.memory_space<vmem>>) dst(%dma_wait3A_924 : memref<80x128xf32, #tpu.memory_space<hbm>>)
      tpu.yield
    }) : () -> ()
    %mul3A_876 = arith.constant 624 : i32
    %mul3A_877 = arith.muli %arg1, %mul3A_876 : i32
    %add3A_878 = arith.constant 320 : i32
    %add3A_879 = arith.addi %mul3A_877, %add3A_878 : i32
    %multiple_of3A_880 = tpu.assume_multiple %add3A_879, 8 : i32
    "tpu.region"() ({
      %run_scoped3A = tpu.sem_alloc : memref<!tpu.dma_semaphore, #tpu.memory_space<semaphore_mem>>
      %dma_start3A_917 = arith.constant 0 : i32
      %dma_start3A_918 = tpu.memref_slice %arg22[%multiple_of3A_880, %dma_start3A_917] : memref<10000x128xf32, #tpu.memory_space<vmem_shared>> -> memref<80x128xf32, #tpu.memory_space<vmem_shared>>
      %dma_start3A_919 = arith.constant 0 : i32
      %dma_start3A_920 = tpu.memref_slice %arg22[%multiple_of3A_880, %dma_start3A_919] : memref<10000x128xf32, #tpu.memory_space<vmem_shared>> -> memref<80x128xf32, #tpu.memory_space<vmem_shared>>
      tpu.enqueue_dma source(%dma_start3A_920 : memref<80x128xf32, #tpu.memory_space<vmem_shared>>) target(%arg15 : memref<80x128xf32, #tpu.memory_space<vmem>>) target_semaphore(%run_scoped3A : memref<!tpu.dma_semaphore, #tpu.memory_space<semaphore_mem>>)
      %dma_wait3A_921 = arith.constant 0 : i32
      %dma_wait3A_922 = tpu.memref_slice %arg22[%multiple_of3A_880, %dma_wait3A_921] : memref<10000x128xf32, #tpu.memory_space<vmem_shared>> -> memref<80x128xf32, #tpu.memory_space<vmem_shared>>
      %dma_wait3A_923 = arith.constant 0 : i32
      %dma_wait3A_924 = tpu.memref_slice %arg22[%multiple_of3A_880, %dma_wait3A_923] : memref<10000x128xf32, #tpu.memory_space<vmem_shared>> -> memref<80x128xf32, #tpu.memory_space<vmem_shared>>
      tpu.wait_dma2 semaphore(%run_scoped3A : memref<!tpu.dma_semaphore, #tpu.memory_space<semaphore_mem>>) src(%dma_wait3A_924 : memref<80x128xf32, #tpu.memory_space<vmem_shared>>) dst(%arg15 : memref<80x128xf32, #tpu.memory_space<vmem>>)
      tpu.yield
    }) : () -> ()
    %mul3A_881 = arith.constant 10000 : i32
    %mul3A_882 = arith.muli %arg0, %mul3A_881 : i32
    %add3A_883 = arith.addi %mul3A_882, %multiple_of3A_880 : i32
    %multiple_of3A_884 = tpu.assume_multiple %add3A_883, 8 : i32
    "tpu.region"() ({
      %run_scoped3A = tpu.sem_alloc : memref<!tpu.dma_semaphore, #tpu.memory_space<semaphore_mem>>
      %dma_start3A_917 = arith.constant 0 : i32
      %dma_start3A_918 = tpu.memref_slice %arg9[%multiple_of3A_884, %dma_start3A_917] : memref<20000x128xf32, #tpu.memory_space<hbm>> -> memref<80x128xf32, #tpu.memory_space<hbm>>
      %dma_start3A_919 = arith.constant 0 : i32
      %dma_start3A_920 = tpu.memref_slice %arg9[%multiple_of3A_884, %dma_start3A_919] : memref<20000x128xf32, #tpu.memory_space<hbm>> -> memref<80x128xf32, #tpu.memory_space<hbm>>
      tpu.enqueue_dma source(%arg15 : memref<80x128xf32, #tpu.memory_space<vmem>>) target(%dma_start3A_920 : memref<80x128xf32, #tpu.memory_space<hbm>>) target_semaphore(%run_scoped3A : memref<!tpu.dma_semaphore, #tpu.memory_space<semaphore_mem>>)
      %dma_wait3A_921 = arith.constant 0 : i32
      %dma_wait3A_922 = tpu.memref_slice %arg9[%multiple_of3A_884, %dma_wait3A_921] : memref<20000x128xf32, #tpu.memory_space<hbm>> -> memref<80x128xf32, #tpu.memory_space<hbm>>
      %dma_wait3A_923 = arith.constant 0 : i32
      %dma_wait3A_924 = tpu.memref_slice %arg9[%multiple_of3A_884, %dma_wait3A_923] : memref<20000x128xf32, #tpu.memory_space<hbm>> -> memref<80x128xf32, #tpu.memory_space<hbm>>
      tpu.wait_dma2 semaphore(%run_scoped3A : memref<!tpu.dma_semaphore, #tpu.memory_space<semaphore_mem>>) src(%arg15 : memref<80x128xf32, #tpu.memory_space<vmem>>) dst(%dma_wait3A_924 : memref<80x128xf32, #tpu.memory_space<hbm>>)
      tpu.yield
    }) : () -> ()
    %mul3A_885 = arith.constant 624 : i32
    %mul3A_886 = arith.muli %arg1, %mul3A_885 : i32
    %add3A_887 = arith.constant 400 : i32
    %add3A_888 = arith.addi %mul3A_886, %add3A_887 : i32
    %multiple_of3A_889 = tpu.assume_multiple %add3A_888, 8 : i32
    "tpu.region"() ({
      %run_scoped3A = tpu.sem_alloc : memref<!tpu.dma_semaphore, #tpu.memory_space<semaphore_mem>>
      %dma_start3A_917 = arith.constant 0 : i32
      %dma_start3A_918 = tpu.memref_slice %arg22[%multiple_of3A_889, %dma_start3A_917] : memref<10000x128xf32, #tpu.memory_space<vmem_shared>> -> memref<80x128xf32, #tpu.memory_space<vmem_shared>>
      %dma_start3A_919 = arith.constant 0 : i32
      %dma_start3A_920 = tpu.memref_slice %arg22[%multiple_of3A_889, %dma_start3A_919] : memref<10000x128xf32, #tpu.memory_space<vmem_shared>> -> memref<80x128xf32, #tpu.memory_space<vmem_shared>>
      tpu.enqueue_dma source(%dma_start3A_920 : memref<80x128xf32, #tpu.memory_space<vmem_shared>>) target(%arg15 : memref<80x128xf32, #tpu.memory_space<vmem>>) target_semaphore(%run_scoped3A : memref<!tpu.dma_semaphore, #tpu.memory_space<semaphore_mem>>)
      %dma_wait3A_921 = arith.constant 0 : i32
      %dma_wait3A_922 = tpu.memref_slice %arg22[%multiple_of3A_889, %dma_wait3A_921] : memref<10000x128xf32, #tpu.memory_space<vmem_shared>> -> memref<80x128xf32, #tpu.memory_space<vmem_shared>>
      %dma_wait3A_923 = arith.constant 0 : i32
      %dma_wait3A_924 = tpu.memref_slice %arg22[%multiple_of3A_889, %dma_wait3A_923] : memref<10000x128xf32, #tpu.memory_space<vmem_shared>> -> memref<80x128xf32, #tpu.memory_space<vmem_shared>>
      tpu.wait_dma2 semaphore(%run_scoped3A : memref<!tpu.dma_semaphore, #tpu.memory_space<semaphore_mem>>) src(%dma_wait3A_924 : memref<80x128xf32, #tpu.memory_space<vmem_shared>>) dst(%arg15 : memref<80x128xf32, #tpu.memory_space<vmem>>)
      tpu.yield
    }) : () -> ()
    %mul3A_890 = arith.constant 10000 : i32
    %mul3A_891 = arith.muli %arg0, %mul3A_890 : i32
    %add3A_892 = arith.addi %mul3A_891, %multiple_of3A_889 : i32
    %multiple_of3A_893 = tpu.assume_multiple %add3A_892, 8 : i32
    "tpu.region"() ({
      %run_scoped3A = tpu.sem_alloc : memref<!tpu.dma_semaphore, #tpu.memory_space<semaphore_mem>>
      %dma_start3A_917 = arith.constant 0 : i32
      %dma_start3A_918 = tpu.memref_slice %arg9[%multiple_of3A_893, %dma_start3A_917] : memref<20000x128xf32, #tpu.memory_space<hbm>> -> memref<80x128xf32, #tpu.memory_space<hbm>>
      %dma_start3A_919 = arith.constant 0 : i32
      %dma_start3A_920 = tpu.memref_slice %arg9[%multiple_of3A_893, %dma_start3A_919] : memref<20000x128xf32, #tpu.memory_space<hbm>> -> memref<80x128xf32, #tpu.memory_space<hbm>>
      tpu.enqueue_dma source(%arg15 : memref<80x128xf32, #tpu.memory_space<vmem>>) target(%dma_start3A_920 : memref<80x128xf32, #tpu.memory_space<hbm>>) target_semaphore(%run_scoped3A : memref<!tpu.dma_semaphore, #tpu.memory_space<semaphore_mem>>)
      %dma_wait3A_921 = arith.constant 0 : i32
      %dma_wait3A_922 = tpu.memref_slice %arg9[%multiple_of3A_893, %dma_wait3A_921] : memref<20000x128xf32, #tpu.memory_space<hbm>> -> memref<80x128xf32, #tpu.memory_space<hbm>>
      %dma_wait3A_923 = arith.constant 0 : i32
      %dma_wait3A_924 = tpu.memref_slice %arg9[%multiple_of3A_893, %dma_wait3A_923] : memref<20000x128xf32, #tpu.memory_space<hbm>> -> memref<80x128xf32, #tpu.memory_space<hbm>>
      tpu.wait_dma2 semaphore(%run_scoped3A : memref<!tpu.dma_semaphore, #tpu.memory_space<semaphore_mem>>) src(%arg15 : memref<80x128xf32, #tpu.memory_space<vmem>>) dst(%dma_wait3A_924 : memref<80x128xf32, #tpu.memory_space<hbm>>)
      tpu.yield
    }) : () -> ()
    %mul3A_894 = arith.constant 624 : i32
    %mul3A_895 = arith.muli %arg1, %mul3A_894 : i32
    %add3A_896 = arith.constant 480 : i32
    %add3A_897 = arith.addi %mul3A_895, %add3A_896 : i32
    %multiple_of3A_898 = tpu.assume_multiple %add3A_897, 8 : i32
    "tpu.region"() ({
      %run_scoped3A = tpu.sem_alloc : memref<!tpu.dma_semaphore, #tpu.memory_space<semaphore_mem>>
      %dma_start3A_917 = arith.constant 0 : i32
      %dma_start3A_918 = tpu.memref_slice %arg22[%multiple_of3A_898, %dma_start3A_917] : memref<10000x128xf32, #tpu.memory_space<vmem_shared>> -> memref<80x128xf32, #tpu.memory_space<vmem_shared>>
      %dma_start3A_919 = arith.constant 0 : i32
      %dma_start3A_920 = tpu.memref_slice %arg22[%multiple_of3A_898, %dma_start3A_919] : memref<10000x128xf32, #tpu.memory_space<vmem_shared>> -> memref<80x128xf32, #tpu.memory_space<vmem_shared>>
      tpu.enqueue_dma source(%dma_start3A_920 : memref<80x128xf32, #tpu.memory_space<vmem_shared>>) target(%arg15 : memref<80x128xf32, #tpu.memory_space<vmem>>) target_semaphore(%run_scoped3A : memref<!tpu.dma_semaphore, #tpu.memory_space<semaphore_mem>>)
      %dma_wait3A_921 = arith.constant 0 : i32
      %dma_wait3A_922 = tpu.memref_slice %arg22[%multiple_of3A_898, %dma_wait3A_921] : memref<10000x128xf32, #tpu.memory_space<vmem_shared>> -> memref<80x128xf32, #tpu.memory_space<vmem_shared>>
      %dma_wait3A_923 = arith.constant 0 : i32
      %dma_wait3A_924 = tpu.memref_slice %arg22[%multiple_of3A_898, %dma_wait3A_923] : memref<10000x128xf32, #tpu.memory_space<vmem_shared>> -> memref<80x128xf32, #tpu.memory_space<vmem_shared>>
      tpu.wait_dma2 semaphore(%run_scoped3A : memref<!tpu.dma_semaphore, #tpu.memory_space<semaphore_mem>>) src(%dma_wait3A_924 : memref<80x128xf32, #tpu.memory_space<vmem_shared>>) dst(%arg15 : memref<80x128xf32, #tpu.memory_space<vmem>>)
      tpu.yield
    }) : () -> ()
    %mul3A_899 = arith.constant 10000 : i32
    %mul3A_900 = arith.muli %arg0, %mul3A_899 : i32
    %add3A_901 = arith.addi %mul3A_900, %multiple_of3A_898 : i32
    %multiple_of3A_902 = tpu.assume_multiple %add3A_901, 8 : i32
    "tpu.region"() ({
      %run_scoped3A = tpu.sem_alloc : memref<!tpu.dma_semaphore, #tpu.memory_space<semaphore_mem>>
      %dma_start3A_917 = arith.constant 0 : i32
      %dma_start3A_918 = tpu.memref_slice %arg9[%multiple_of3A_902, %dma_start3A_917] : memref<20000x128xf32, #tpu.memory_space<hbm>> -> memref<80x128xf32, #tpu.memory_space<hbm>>
      %dma_start3A_919 = arith.constant 0 : i32
      %dma_start3A_920 = tpu.memref_slice %arg9[%multiple_of3A_902, %dma_start3A_919] : memref<20000x128xf32, #tpu.memory_space<hbm>> -> memref<80x128xf32, #tpu.memory_space<hbm>>
      tpu.enqueue_dma source(%arg15 : memref<80x128xf32, #tpu.memory_space<vmem>>) target(%dma_start3A_920 : memref<80x128xf32, #tpu.memory_space<hbm>>) target_semaphore(%run_scoped3A : memref<!tpu.dma_semaphore, #tpu.memory_space<semaphore_mem>>)
      %dma_wait3A_921 = arith.constant 0 : i32
      %dma_wait3A_922 = tpu.memref_slice %arg9[%multiple_of3A_902, %dma_wait3A_921] : memref<20000x128xf32, #tpu.memory_space<hbm>> -> memref<80x128xf32, #tpu.memory_space<hbm>>
      %dma_wait3A_923 = arith.constant 0 : i32
      %dma_wait3A_924 = tpu.memref_slice %arg9[%multiple_of3A_902, %dma_wait3A_923] : memref<20000x128xf32, #tpu.memory_space<hbm>> -> memref<80x128xf32, #tpu.memory_space<hbm>>
      tpu.wait_dma2 semaphore(%run_scoped3A : memref<!tpu.dma_semaphore, #tpu.memory_space<semaphore_mem>>) src(%arg15 : memref<80x128xf32, #tpu.memory_space<vmem>>) dst(%dma_wait3A_924 : memref<80x128xf32, #tpu.memory_space<hbm>>)
      tpu.yield
    }) : () -> ()
    %mul3A_903 = arith.constant 624 : i32
    %mul3A_904 = arith.muli %arg1, %mul3A_903 : i32
    %add3A_905 = arith.constant 560 : i32
    %add3A_906 = arith.addi %mul3A_904, %add3A_905 : i32
    %multiple_of3A_907 = tpu.assume_multiple %add3A_906, 8 : i32
    "tpu.region"() ({
      %run_scoped3A = tpu.sem_alloc : memref<!tpu.dma_semaphore, #tpu.memory_space<semaphore_mem>>
      %dma_start3A_917 = arith.constant 0 : i32
      %dma_start3A_918 = arith.constant 0 : i32
      %dma_start3A_919 = tpu.memref_slice %arg15[%dma_start3A_917, %dma_start3A_918] : memref<80x128xf32, #tpu.memory_space<vmem>> -> memref<64x128xf32, #tpu.memory_space<vmem>>
      %dma_start3A_920 = arith.constant 0 : i32
      %dma_start3A_921 = tpu.memref_slice %arg22[%multiple_of3A_907, %dma_start3A_920] : memref<10000x128xf32, #tpu.memory_space<vmem_shared>> -> memref<64x128xf32, #tpu.memory_space<vmem_shared>>
      %dma_start3A_922 = arith.constant 0 : i32
      %dma_start3A_923 = arith.constant 0 : i32
      %dma_start3A_924 = tpu.memref_slice %arg15[%dma_start3A_922, %dma_start3A_923] : memref<80x128xf32, #tpu.memory_space<vmem>> -> memref<64x128xf32, #tpu.memory_space<vmem>>
      %dma_start3A_925 = arith.constant 0 : i32
      %dma_start3A_926 = tpu.memref_slice %arg22[%multiple_of3A_907, %dma_start3A_925] : memref<10000x128xf32, #tpu.memory_space<vmem_shared>> -> memref<64x128xf32, #tpu.memory_space<vmem_shared>>
      tpu.enqueue_dma source(%dma_start3A_926 : memref<64x128xf32, #tpu.memory_space<vmem_shared>>) target(%dma_start3A_924 : memref<64x128xf32, #tpu.memory_space<vmem>>) target_semaphore(%run_scoped3A : memref<!tpu.dma_semaphore, #tpu.memory_space<semaphore_mem>>)
      %dma_wait3A_927 = arith.constant 0 : i32
      %dma_wait3A_928 = arith.constant 0 : i32
      %dma_wait3A_929 = tpu.memref_slice %arg15[%dma_wait3A_927, %dma_wait3A_928] : memref<80x128xf32, #tpu.memory_space<vmem>> -> memref<64x128xf32, #tpu.memory_space<vmem>>
      %dma_wait3A_930 = arith.constant 0 : i32
      %dma_wait3A_931 = tpu.memref_slice %arg22[%multiple_of3A_907, %dma_wait3A_930] : memref<10000x128xf32, #tpu.memory_space<vmem_shared>> -> memref<64x128xf32, #tpu.memory_space<vmem_shared>>
      %dma_wait3A_932 = arith.constant 0 : i32
      %dma_wait3A_933 = arith.constant 0 : i32
      %dma_wait3A_934 = tpu.memref_slice %arg15[%dma_wait3A_932, %dma_wait3A_933] : memref<80x128xf32, #tpu.memory_space<vmem>> -> memref<64x128xf32, #tpu.memory_space<vmem>>
      %dma_wait3A_935 = arith.constant 0 : i32
      %dma_wait3A_936 = tpu.memref_slice %arg22[%multiple_of3A_907, %dma_wait3A_935] : memref<10000x128xf32, #tpu.memory_space<vmem_shared>> -> memref<64x128xf32, #tpu.memory_space<vmem_shared>>
      tpu.wait_dma2 semaphore(%run_scoped3A : memref<!tpu.dma_semaphore, #tpu.memory_space<semaphore_mem>>) src(%dma_wait3A_936 : memref<64x128xf32, #tpu.memory_space<vmem_shared>>) dst(%dma_wait3A_934 : memref<64x128xf32, #tpu.memory_space<vmem>>)
      tpu.yield
    }) : () -> ()
    %mul3A_908 = arith.constant 10000 : i32
    %mul3A_909 = arith.muli %arg0, %mul3A_908 : i32
    %add3A_910 = arith.addi %mul3A_909, %multiple_of3A_907 : i32
    %multiple_of3A_911 = tpu.assume_multiple %add3A_910, 8 : i32
    "tpu.region"() ({
      %run_scoped3A = tpu.sem_alloc : memref<!tpu.dma_semaphore, #tpu.memory_space<semaphore_mem>>
      %dma_start3A_917 = arith.constant 0 : i32
      %dma_start3A_918 = arith.constant 0 : i32
      %dma_start3A_919 = tpu.memref_slice %arg15[%dma_start3A_917, %dma_start3A_918] : memref<80x128xf32, #tpu.memory_space<vmem>> -> memref<64x128xf32, #tpu.memory_space<vmem>>
      %dma_start3A_920 = arith.constant 0 : i32
      %dma_start3A_921 = tpu.memref_slice %arg9[%multiple_of3A_911, %dma_start3A_920] : memref<20000x128xf32, #tpu.memory_space<hbm>> -> memref<64x128xf32, #tpu.memory_space<hbm>>
      %dma_start3A_922 = arith.constant 0 : i32
      %dma_start3A_923 = tpu.memref_slice %arg9[%multiple_of3A_911, %dma_start3A_922] : memref<20000x128xf32, #tpu.memory_space<hbm>> -> memref<64x128xf32, #tpu.memory_space<hbm>>
      %dma_start3A_924 = arith.constant 0 : i32
      %dma_start3A_925 = arith.constant 0 : i32
      %dma_start3A_926 = tpu.memref_slice %arg15[%dma_start3A_924, %dma_start3A_925] : memref<80x128xf32, #tpu.memory_space<vmem>> -> memref<64x128xf32, #tpu.memory_space<vmem>>
      tpu.enqueue_dma source(%dma_start3A_926 : memref<64x128xf32, #tpu.memory_space<vmem>>) target(%dma_start3A_923 : memref<64x128xf32, #tpu.memory_space<hbm>>) target_semaphore(%run_scoped3A : memref<!tpu.dma_semaphore, #tpu.memory_space<semaphore_mem>>)
      %dma_wait3A_927 = arith.constant 0 : i32
      %dma_wait3A_928 = arith.constant 0 : i32
      %dma_wait3A_929 = tpu.memref_slice %arg15[%dma_wait3A_927, %dma_wait3A_928] : memref<80x128xf32, #tpu.memory_space<vmem>> -> memref<64x128xf32, #tpu.memory_space<vmem>>
      %dma_wait3A_930 = arith.constant 0 : i32
      %dma_wait3A_931 = tpu.memref_slice %arg9[%multiple_of3A_911, %dma_wait3A_930] : memref<20000x128xf32, #tpu.memory_space<hbm>> -> memref<64x128xf32, #tpu.memory_space<hbm>>
      %dma_wait3A_932 = arith.constant 0 : i32
      %dma_wait3A_933 = tpu.memref_slice %arg9[%multiple_of3A_911, %dma_wait3A_932] : memref<20000x128xf32, #tpu.memory_space<hbm>> -> memref<64x128xf32, #tpu.memory_space<hbm>>
      %dma_wait3A_934 = arith.constant 0 : i32
      %dma_wait3A_935 = arith.constant 0 : i32
      %dma_wait3A_936 = tpu.memref_slice %arg15[%dma_wait3A_934, %dma_wait3A_935] : memref<80x128xf32, #tpu.memory_space<vmem>> -> memref<64x128xf32, #tpu.memory_space<vmem>>
      tpu.wait_dma2 semaphore(%run_scoped3A : memref<!tpu.dma_semaphore, #tpu.memory_space<semaphore_mem>>) src(%dma_wait3A_936 : memref<64x128xf32, #tpu.memory_space<vmem>>) dst(%dma_wait3A_933 : memref<64x128xf32, #tpu.memory_space<hbm>>)
      tpu.yield
    }) : () -> ()
    %eq3A_912 = arith.constant 15 : i32
    %eq3A_913 = arith.cmpi eq, %arg1, %eq3A_912 : i32
    %convert_element_type3A_914 = arith.extui %eq3A_913 : i1 to i32
    %cond3A_915 = arith.constant 0 : i32
    %cond3A_916 = arith.cmpi ne, %convert_element_type3A_914, %cond3A_915 : i32
    scf.if %cond3A_916 {
      %multiple_of3A_917 = arith.constant 9984 : i32
      %multiple_of3A_918 = tpu.assume_multiple %multiple_of3A_917, 8 : i32
      "tpu.region"() ({
        %run_scoped3A = tpu.sem_alloc : memref<!tpu.dma_semaphore, #tpu.memory_space<semaphore_mem>>
        %dma_start3A_923 = arith.constant 0 : i32
        %dma_start3A_924 = arith.constant 0 : i32
        %dma_start3A_925 = tpu.memref_slice %arg15[%dma_start3A_923, %dma_start3A_924] : memref<80x128xf32, #tpu.memory_space<vmem>> -> memref<16x128xf32, #tpu.memory_space<vmem>>
        %dma_start3A_926 = arith.constant 0 : i32
        %dma_start3A_927 = tpu.memref_slice %arg22[%multiple_of3A_918, %dma_start3A_926] : memref<10000x128xf32, #tpu.memory_space<vmem_shared>> -> memref<16x128xf32, #tpu.memory_space<vmem_shared>>
        %dma_start3A_928 = arith.constant 0 : i32
        %dma_start3A_929 = arith.constant 0 : i32
        %dma_start3A_930 = tpu.memref_slice %arg15[%dma_start3A_928, %dma_start3A_929] : memref<80x128xf32, #tpu.memory_space<vmem>> -> memref<16x128xf32, #tpu.memory_space<vmem>>
        %dma_start3A_931 = arith.constant 0 : i32
        %dma_start3A_932 = tpu.memref_slice %arg22[%multiple_of3A_918, %dma_start3A_931] : memref<10000x128xf32, #tpu.memory_space<vmem_shared>> -> memref<16x128xf32, #tpu.memory_space<vmem_shared>>
        tpu.enqueue_dma source(%dma_start3A_932 : memref<16x128xf32, #tpu.memory_space<vmem_shared>>) target(%dma_start3A_930 : memref<16x128xf32, #tpu.memory_space<vmem>>) target_semaphore(%run_scoped3A : memref<!tpu.dma_semaphore, #tpu.memory_space<semaphore_mem>>)
        %dma_wait3A_933 = arith.constant 0 : i32
        %dma_wait3A_934 = arith.constant 0 : i32
        %dma_wait3A_935 = tpu.memref_slice %arg15[%dma_wait3A_933, %dma_wait3A_934] : memref<80x128xf32, #tpu.memory_space<vmem>> -> memref<16x128xf32, #tpu.memory_space<vmem>>
        %dma_wait3A_936 = arith.constant 0 : i32
        %dma_wait3A_937 = tpu.memref_slice %arg22[%multiple_of3A_918, %dma_wait3A_936] : memref<10000x128xf32, #tpu.memory_space<vmem_shared>> -> memref<16x128xf32, #tpu.memory_space<vmem_shared>>
        %dma_wait3A_938 = arith.constant 0 : i32
        %dma_wait3A_939 = arith.constant 0 : i32
        %dma_wait3A_940 = tpu.memref_slice %arg15[%dma_wait3A_938, %dma_wait3A_939] : memref<80x128xf32, #tpu.memory_space<vmem>> -> memref<16x128xf32, #tpu.memory_space<vmem>>
        %dma_wait3A_941 = arith.constant 0 : i32
        %dma_wait3A_942 = tpu.memref_slice %arg22[%multiple_of3A_918, %dma_wait3A_941] : memref<10000x128xf32, #tpu.memory_space<vmem_shared>> -> memref<16x128xf32, #tpu.memory_space<vmem_shared>>
        tpu.wait_dma2 semaphore(%run_scoped3A : memref<!tpu.dma_semaphore, #tpu.memory_space<semaphore_mem>>) src(%dma_wait3A_942 : memref<16x128xf32, #tpu.memory_space<vmem_shared>>) dst(%dma_wait3A_940 : memref<16x128xf32, #tpu.memory_space<vmem>>)
        tpu.yield
      }) : () -> ()
      %mul3A_919 = arith.constant 10000 : i32
      %mul3A_920 = arith.muli %arg0, %mul3A_919 : i32
      %add3A_921 = arith.addi %mul3A_920, %multiple_of3A_918 : i32
      %multiple_of3A_922 = tpu.assume_multiple %add3A_921, 8 : i32
      "tpu.region"() ({
        %run_scoped3A = tpu.sem_alloc : memref<!tpu.dma_semaphore, #tpu.memory_space<semaphore_mem>>
        %dma_start3A_923 = arith.constant 0 : i32
        %dma_start3A_924 = arith.constant 0 : i32
        %dma_start3A_925 = tpu.memref_slice %arg15[%dma_start3A_923, %dma_start3A_924] : memref<80x128xf32, #tpu.memory_space<vmem>> -> memref<16x128xf32, #tpu.memory_space<vmem>>
        %dma_start3A_926 = arith.constant 0 : i32
        %dma_start3A_927 = tpu.memref_slice %arg9[%multiple_of3A_922, %dma_start3A_926] : memref<20000x128xf32, #tpu.memory_space<hbm>> -> memref<16x128xf32, #tpu.memory_space<hbm>>
        %dma_start3A_928 = arith.constant 0 : i32
        %dma_start3A_929 = tpu.memref_slice %arg9[%multiple_of3A_922, %dma_start3A_928] : memref<20000x128xf32, #tpu.memory_space<hbm>> -> memref<16x128xf32, #tpu.memory_space<hbm>>
        %dma_start3A_930 = arith.constant 0 : i32
        %dma_start3A_931 = arith.constant 0 : i32
        %dma_start3A_932 = tpu.memref_slice %arg15[%dma_start3A_930, %dma_start3A_931] : memref<80x128xf32, #tpu.memory_space<vmem>> -> memref<16x128xf32, #tpu.memory_space<vmem>>
        tpu.enqueue_dma source(%dma_start3A_932 : memref<16x128xf32, #tpu.memory_space<vmem>>) target(%dma_start3A_929 : memref<16x128xf32, #tpu.memory_space<hbm>>) target_semaphore(%run_scoped3A : memref<!tpu.dma_semaphore, #tpu.memory_space<semaphore_mem>>)
        %dma_wait3A_933 = arith.constant 0 : i32
        %dma_wait3A_934 = arith.constant 0 : i32
        %dma_wait3A_935 = tpu.memref_slice %arg15[%dma_wait3A_933, %dma_wait3A_934] : memref<80x128xf32, #tpu.memory_space<vmem>> -> memref<16x128xf32, #tpu.memory_space<vmem>>
        %dma_wait3A_936 = arith.constant 0 : i32
        %dma_wait3A_937 = tpu.memref_slice %arg9[%multiple_of3A_922, %dma_wait3A_936] : memref<20000x128xf32, #tpu.memory_space<hbm>> -> memref<16x128xf32, #tpu.memory_space<hbm>>
        %dma_wait3A_938 = arith.constant 0 : i32
        %dma_wait3A_939 = tpu.memref_slice %arg9[%multiple_of3A_922, %dma_wait3A_938] : memref<20000x128xf32, #tpu.memory_space<hbm>> -> memref<16x128xf32, #tpu.memory_space<hbm>>
        %dma_wait3A_940 = arith.constant 0 : i32
        %dma_wait3A_941 = arith.constant 0 : i32
        %dma_wait3A_942 = tpu.memref_slice %arg15[%dma_wait3A_940, %dma_wait3A_941] : memref<80x128xf32, #tpu.memory_space<vmem>> -> memref<16x128xf32, #tpu.memory_space<vmem>>
        tpu.wait_dma2 semaphore(%run_scoped3A : memref<!tpu.dma_semaphore, #tpu.memory_space<semaphore_mem>>) src(%dma_wait3A_942 : memref<16x128xf32, #tpu.memory_space<vmem>>) dst(%dma_wait3A_939 : memref<16x128xf32, #tpu.memory_space<hbm>>)
        tpu.yield
      }) : () -> ()
    } else {
    }
    return
  }
}

module attributes {stable_mosaic.version = 14 : i64} {
  func.func @body(%arg0: i32, %arg1: memref<2000x128xf32, #tpu.memory_space<vmem>>, %arg2: memref<128x8xf32, #tpu.memory_space<vmem>>, %arg3: memref<1x8xf32, #tpu.memory_space<vmem>>, %arg4: memref<2000x1xi32, #tpu.memory_space<vmem>>, %arg5: memref<2000x1xf32, #tpu.memory_space<vmem>>) attributes {dimension_semantics = [#tpu.dimension_semantics<arbitrary>], iteration_bounds = array<i64: 5>, scalar_prefetch = 0 : i64, scratch_operands = 0 : i64, tpu.core_type = #tpu.core_type<tc>, window_params = [{transform_indices = @transform_0, window_bounds = array<i64: 2000, 128>}, {pipeline_mode = #tpu.pipeline_mode<synchronous>, transform_indices = @transform_1, window_bounds = array<i64: 128, 8>}, {pipeline_mode = #tpu.pipeline_mode<synchronous>, transform_indices = @transform_2, window_bounds = array<i64: 1, 8>}, {transform_indices = @transform_3, window_bounds = array<i64: 2000, 1>}, {transform_indices = @transform_4, window_bounds = array<i64: 2000, 1>}]} {
    %get3A = arith.constant 0 : index
    %get3A_0 = arith.constant 0 : index
    %get3A_1 = vector.load %arg1[%get3A, %get3A_0] : memref<2000x128xf32, #tpu.memory_space<vmem>>, vector<2000x128xf32>
    %get3A_2 = arith.constant 0 : index
    %get3A_3 = arith.constant 0 : index
    %get3A_4 = vector.load %arg2[%get3A_2, %get3A_3] : memref<128x8xf32, #tpu.memory_space<vmem>>, vector<128x8xf32>
    %dot_general3A = arith.constant dense<0.000000e+00> : vector<2000x8xf32>
    %dot_general3A_5 = tpu.matmul %get3A_1, %get3A_4, %dot_general3A {dimension_numbers = #tpu.dot_dimension_numbers<[1], [0], [0], [1], [0, 0, 1, 1], [], []>, transpose_lhs_hint = false} : vector<2000x128xf32>, vector<128x8xf32>, vector<2000x8xf32> -> vector<2000x8xf32>
    %get3A_6 = arith.constant 0 : index
    %get3A_7 = arith.constant 0 : index
    %get3A_8 = vector.load %arg3[%get3A_6, %get3A_7] : memref<1x8xf32, #tpu.memory_space<vmem>>, vector<1x8xf32>
    %add3A = vector.broadcast %get3A_8 : vector<1x8xf32> to vector<2000x8xf32>
    %add3A_9 = arith.addf %dot_general3A_5, %add3A : vector<2000x8xf32>
    %get3A_10 = arith.constant 0 : index
    %get3A_11 = arith.constant 0 : index
    %get3A_12 = vector.load %arg4[%get3A_10, %get3A_11] : memref<2000x1xi32, #tpu.memory_space<vmem>>, vector<2000x1xi32>
    %eq3A = arith.constant 0 : i32
    %eq3A_13 = vector.broadcast %eq3A : i32 to vector<2000x1xi32>
    %eq3A_14 = arith.cmpi eq, %get3A_12, %eq3A_13 : vector<2000x1xi32>
    %convert_element_type3A = arith.extui %eq3A_14 : vector<2000x1xi1> to vector<2000x1xi32>
    %convert_element_type3A_15 = arith.sitofp %convert_element_type3A : vector<2000x1xi32> to vector<2000x1xf32>
    %eq3A_16 = arith.constant 1 : i32
    %eq3A_17 = vector.broadcast %eq3A_16 : i32 to vector<2000x1xi32>
    %eq3A_18 = arith.cmpi eq, %get3A_12, %eq3A_17 : vector<2000x1xi32>
    %convert_element_type3A_19 = arith.extui %eq3A_18 : vector<2000x1xi1> to vector<2000x1xi32>
    %convert_element_type3A_20 = arith.sitofp %convert_element_type3A_19 : vector<2000x1xi32> to vector<2000x1xf32>
    %eq3A_21 = arith.constant 2 : i32
    %eq3A_22 = vector.broadcast %eq3A_21 : i32 to vector<2000x1xi32>
    %eq3A_23 = arith.cmpi eq, %get3A_12, %eq3A_22 : vector<2000x1xi32>
    %convert_element_type3A_24 = arith.extui %eq3A_23 : vector<2000x1xi1> to vector<2000x1xi32>
    %convert_element_type3A_25 = arith.sitofp %convert_element_type3A_24 : vector<2000x1xi32> to vector<2000x1xf32>
    %slice3A = vector.extract_strided_slice %add3A_9 {offsets = [0, 0], sizes = [2000, 1], strides = [1, 1]} : vector<2000x8xf32> to vector<2000x1xf32>
    %mul3A = arith.mulf %convert_element_type3A_15, %slice3A : vector<2000x1xf32>
    %slice3A_26 = vector.extract_strided_slice %add3A_9 {offsets = [0, 1], sizes = [2000, 1], strides = [1, 1]} : vector<2000x8xf32> to vector<2000x1xf32>
    %mul3A_27 = arith.mulf %convert_element_type3A_20, %slice3A_26 : vector<2000x1xf32>
    %add3A_28 = arith.addf %mul3A, %mul3A_27 : vector<2000x1xf32>
    %slice3A_29 = vector.extract_strided_slice %add3A_9 {offsets = [0, 2], sizes = [2000, 1], strides = [1, 1]} : vector<2000x8xf32> to vector<2000x1xf32>
    %mul3A_30 = arith.mulf %convert_element_type3A_25, %slice3A_29 : vector<2000x1xf32>
    %add3A_31 = arith.addf %add3A_28, %mul3A_30 : vector<2000x1xf32>
    %swap3A = arith.constant 0 : index
    %swap3A_32 = arith.constant 0 : index
    %swap3A_33 = vector.load %arg5[%swap3A, %swap3A_32] : memref<2000x1xf32, #tpu.memory_space<vmem>>, vector<2000x1xf32>
    tpu.vector_store %arg5[%swap3A, %swap3A_32], %add3A_31 {strides = array<i32>} : memref<2000x1xf32, #tpu.memory_space<vmem>>, vector<2000x1xf32>,
    return
  }
  func.func @transform_0(%arg0: i32) -> (i32, i32) {
    %c0_i32 = arith.constant 0 : i32
    %c0_i32_0 = arith.constant 0 : i32
    return %arg0, %c0_i32 : i32, i32
  }
  func.func @transform_1(%arg0: i32) -> (i32, i32) {
    %c0_i32 = arith.constant 0 : i32
    %c0_i32_0 = arith.constant 0 : i32
    %c0_i32_1 = arith.constant 0 : i32
    return %c0_i32, %c0_i32_0 : i32, i32
  }
  func.func @transform_2(%arg0: i32) -> (i32, i32) {
    %c0_i32 = arith.constant 0 : i32
    %c0_i32_0 = arith.constant 0 : i32
    %c0_i32_1 = arith.constant 0 : i32
    return %c0_i32, %c0_i32_0 : i32, i32
  }
  func.func @transform_3(%arg0: i32) -> (i32, i32) {
    %c0_i32 = arith.constant 0 : i32
    %c0_i32_0 = arith.constant 0 : i32
    return %arg0, %c0_i32 : i32, i32
  }
  func.func @transform_4(%arg0: i32) -> (i32, i32) {
    %c0_i32 = arith.constant 0 : i32
    %c0_i32_0 = arith.constant 0 : i32
    return %arg0, %c0_i32 : i32, i32
  }
}

module attributes {stable_mosaic.version = 14 : i64} {
  func.func @body(%arg0: i32, %arg1: memref<2000x128xf32, #tpu.memory_space<vmem>>, %arg2: memref<2x2000x128xf32, #tpu.memory_space<vmem>>, %arg3: memref<2000x1xf32, #tpu.memory_space<vmem>>, %arg4: memref<2000x1xi32, #tpu.memory_space<vmem>>, %arg5: memref<384x128xf32, #tpu.memory_space<vmem>>, %arg6: memref<8x128xf32, #tpu.memory_space<vmem>>, %arg7: memref<256x128xf32, #tpu.memory_space<vmem>>, %arg8: memref<1x128xf32, #tpu.memory_space<vmem>>, %arg9: memref<512x128xf32, #tpu.memory_space<vmem>>, %arg10: memref<1x128xf32, #tpu.memory_space<vmem>>, %arg11: memref<2000x128xf32, #tpu.memory_space<vmem>>) attributes {dimension_semantics = [#tpu.dimension_semantics<arbitrary>], iteration_bounds = array<i64: 5>, scalar_prefetch = 0 : i64, scratch_operands = 0 : i64, tpu.core_type = #tpu.core_type<tc>, window_params = [{transform_indices = @transform_0, window_bounds = array<i64: 2000, 128>}, {transform_indices = @transform_1, window_bounds = array<i64: 2, 2000, 128>}, {transform_indices = @transform_2, window_bounds = array<i64: 2000, 1>}, {transform_indices = @transform_3, window_bounds = array<i64: 2000, 1>}, {pipeline_mode = #tpu.pipeline_mode<synchronous>, transform_indices = @transform_4, window_bounds = array<i64: 384, 128>}, {pipeline_mode = #tpu.pipeline_mode<synchronous>, transform_indices = @transform_5, window_bounds = array<i64: 8, 128>}, {pipeline_mode = #tpu.pipeline_mode<synchronous>, transform_indices = @transform_6, window_bounds = array<i64: 256, 128>}, {pipeline_mode = #tpu.pipeline_mode<synchronous>, transform_indices = @transform_7, window_bounds = array<i64: 1, 128>}, {pipeline_mode = #tpu.pipeline_mode<synchronous>, transform_indices = @transform_8, window_bounds = array<i64: 512, 128>}, {pipeline_mode = #tpu.pipeline_mode<synchronous>, transform_indices = @transform_9, window_bounds = array<i64: 1, 128>}, {transform_indices = @transform_10, window_bounds = array<i64: 2000, 128>}]} {
    %get3A = arith.constant 0 : index
    %get3A_0 = arith.constant 0 : index
    %get3A_1 = arith.constant 0 : index
    %get3A_2 = vector.load %arg2[%get3A, %get3A_0, %get3A_1] : memref<2x2000x128xf32, #tpu.memory_space<vmem>>, vector<1x2000x128xf32>
    %get3A_3 = vector.shape_cast %get3A_2 : vector<1x2000x128xf32> to vector<2000x128xf32>
    %get3A_4 = arith.constant 1 : index
    %get3A_5 = arith.constant 0 : index
    %get3A_6 = arith.constant 0 : index
    %get3A_7 = vector.load %arg2[%get3A_4, %get3A_5, %get3A_6] : memref<2x2000x128xf32, #tpu.memory_space<vmem>>, vector<1x2000x128xf32>
    %get3A_8 = vector.shape_cast %get3A_7 : vector<1x2000x128xf32> to vector<2000x128xf32>
    %add3A = arith.addf %get3A_3, %get3A_8 : vector<2000x128xf32>
    %get3A_9 = arith.constant 0 : index
    %get3A_10 = arith.constant 0 : index
    %get3A_11 = vector.load %arg3[%get3A_9, %get3A_10] : memref<2000x1xf32, #tpu.memory_space<vmem>>, vector<2000x1xf32>
    %add3A_12 = arith.constant 1.000000e-16 : f32
    %add3A_13 = vector.broadcast %add3A_12 : f32 to vector<2000x1xf32>
    %add3A_14 = arith.addf %get3A_11, %add3A_13 : vector<2000x1xf32>
    %div3A = arith.constant 1.000000e+00 : f32
    %div3A_15 = vector.broadcast %div3A : f32 to vector<2000x1xf32>
    %div3A_16 = arith.divf %div3A_15, %add3A_14 : vector<2000x1xf32>
    %mul3A = vector.broadcast %div3A_16 : vector<2000x1xf32> to vector<2000x128xf32>
    %mul3A_17 = arith.mulf %add3A, %mul3A : vector<2000x128xf32>
    %mul3A_18 = arith.mulf %get3A_11, %div3A_16 : vector<2000x1xf32>
    %get3A_19 = arith.constant 0 : index
    %get3A_20 = arith.constant 0 : index
    %get3A_21 = vector.load %arg4[%get3A_19, %get3A_20] : memref<2000x1xi32, #tpu.memory_space<vmem>>, vector<2000x1xi32>
    %eq3A = arith.constant 0 : i32
    %eq3A_22 = vector.broadcast %eq3A : i32 to vector<2000x1xi32>
    %eq3A_23 = arith.cmpi eq, %get3A_21, %eq3A_22 : vector<2000x1xi32>
    %convert_element_type3A = arith.extui %eq3A_23 : vector<2000x1xi1> to vector<2000x1xi32>
    %convert_element_type3A_24 = arith.sitofp %convert_element_type3A : vector<2000x1xi32> to vector<2000x1xf32>
    %eq3A_25 = arith.constant 1 : i32
    %eq3A_26 = vector.broadcast %eq3A_25 : i32 to vector<2000x1xi32>
    %eq3A_27 = arith.cmpi eq, %get3A_21, %eq3A_26 : vector<2000x1xi32>
    %convert_element_type3A_28 = arith.extui %eq3A_27 : vector<2000x1xi1> to vector<2000x1xi32>
    %convert_element_type3A_29 = arith.sitofp %convert_element_type3A_28 : vector<2000x1xi32> to vector<2000x1xf32>
    %eq3A_30 = arith.constant 2 : i32
    %eq3A_31 = vector.broadcast %eq3A_30 : i32 to vector<2000x1xi32>
    %eq3A_32 = arith.cmpi eq, %get3A_21, %eq3A_31 : vector<2000x1xi32>
    %convert_element_type3A_33 = arith.extui %eq3A_32 : vector<2000x1xi1> to vector<2000x1xi32>
    %convert_element_type3A_34 = arith.sitofp %convert_element_type3A_33 : vector<2000x1xi32> to vector<2000x1xf32>
    %get3A_35 = arith.constant 0 : index
    %get3A_36 = arith.constant 0 : index
    %get3A_37 = vector.load %arg5[%get3A_35, %get3A_36] : memref<384x128xf32, #tpu.memory_space<vmem>>, vector<384x128xf32>
    %slice3A = vector.extract_strided_slice %get3A_37 {offsets = [0, 0], sizes = [128, 128], strides = [1, 1]} : vector<384x128xf32> to vector<128x128xf32>
    %dot_general3A = arith.constant dense<0.000000e+00> : vector<2000x128xf32>
    %dot_general3A_38 = tpu.matmul %mul3A_17, %slice3A, %dot_general3A {dimension_numbers = #tpu.dot_dimension_numbers<[1], [0], [0], [1], [0, 0, 1, 1], [], []>, transpose_lhs_hint = false} : vector<2000x128xf32>, vector<128x128xf32>, vector<2000x128xf32> -> vector<2000x128xf32>
    %mul3A_39 = vector.broadcast %convert_element_type3A_24 : vector<2000x1xf32> to vector<2000x128xf32>
    %mul3A_40 = arith.mulf %mul3A_39, %dot_general3A_38 : vector<2000x128xf32>
    %slice3A_41 = vector.extract_strided_slice %get3A_37 {offsets = [128, 0], sizes = [128, 128], strides = [1, 1]} : vector<384x128xf32> to vector<128x128xf32>
    %dot_general3A_42 = arith.constant dense<0.000000e+00> : vector<2000x128xf32>
    %dot_general3A_43 = tpu.matmul %mul3A_17, %slice3A_41, %dot_general3A_42 {dimension_numbers = #tpu.dot_dimension_numbers<[1], [0], [0], [1], [0, 0, 1, 1], [], []>, transpose_lhs_hint = false} : vector<2000x128xf32>, vector<128x128xf32>, vector<2000x128xf32> -> vector<2000x128xf32>
    %mul3A_44 = vector.broadcast %convert_element_type3A_29 : vector<2000x1xf32> to vector<2000x128xf32>
    %mul3A_45 = arith.mulf %mul3A_44, %dot_general3A_43 : vector<2000x128xf32>
    %add3A_46 = arith.addf %mul3A_40, %mul3A_45 : vector<2000x128xf32>
    %slice3A_47 = vector.extract_strided_slice %get3A_37 {offsets = [256, 0], sizes = [128, 128], strides = [1, 1]} : vector<384x128xf32> to vector<128x128xf32>
    %dot_general3A_48 = arith.constant dense<0.000000e+00> : vector<2000x128xf32>
    %dot_general3A_49 = tpu.matmul %mul3A_17, %slice3A_47, %dot_general3A_48 {dimension_numbers = #tpu.dot_dimension_numbers<[1], [0], [0], [1], [0, 0, 1, 1], [], []>, transpose_lhs_hint = false} : vector<2000x128xf32>, vector<128x128xf32>, vector<2000x128xf32> -> vector<2000x128xf32>
    %mul3A_50 = vector.broadcast %convert_element_type3A_34 : vector<2000x1xf32> to vector<2000x128xf32>
    %mul3A_51 = arith.mulf %mul3A_50, %dot_general3A_49 : vector<2000x128xf32>
    %add3A_52 = arith.addf %add3A_46, %mul3A_51 : vector<2000x128xf32>
    %get3A_53 = arith.constant 0 : index
    %get3A_54 = arith.constant 0 : index
    %get3A_55 = vector.load %arg6[%get3A_53, %get3A_54] : memref<8x128xf32, #tpu.memory_space<vmem>>, vector<8x128xf32>
    %slice3A_56 = vector.extract_strided_slice %get3A_55 {offsets = [0, 0], sizes = [1, 128], strides = [1, 1]} : vector<8x128xf32> to vector<1x128xf32>
    %mul3A_57 = vector.broadcast %convert_element_type3A_24 : vector<2000x1xf32> to vector<2000x128xf32>
    %mul3A_58 = vector.broadcast %slice3A_56 : vector<1x128xf32> to vector<2000x128xf32>
    %mul3A_59 = arith.mulf %mul3A_57, %mul3A_58 : vector<2000x128xf32>
    %slice3A_60 = vector.extract_strided_slice %get3A_55 {offsets = [1, 0], sizes = [1, 128], strides = [1, 1]} : vector<8x128xf32> to vector<1x128xf32>
    %mul3A_61 = vector.broadcast %convert_element_type3A_29 : vector<2000x1xf32> to vector<2000x128xf32>
    %mul3A_62 = vector.broadcast %slice3A_60 : vector<1x128xf32> to vector<2000x128xf32>
    %mul3A_63 = arith.mulf %mul3A_61, %mul3A_62 : vector<2000x128xf32>
    %add3A_64 = arith.addf %mul3A_59, %mul3A_63 : vector<2000x128xf32>
    %slice3A_65 = vector.extract_strided_slice %get3A_55 {offsets = [2, 0], sizes = [1, 128], strides = [1, 1]} : vector<8x128xf32> to vector<1x128xf32>
    %mul3A_66 = vector.broadcast %convert_element_type3A_34 : vector<2000x1xf32> to vector<2000x128xf32>
    %mul3A_67 = vector.broadcast %slice3A_65 : vector<1x128xf32> to vector<2000x128xf32>
    %mul3A_68 = arith.mulf %mul3A_66, %mul3A_67 : vector<2000x128xf32>
    %add3A_69 = arith.addf %add3A_64, %mul3A_68 : vector<2000x128xf32>
    %mul3A_70 = vector.broadcast %mul3A_18 : vector<2000x1xf32> to vector<2000x128xf32>
    %mul3A_71 = arith.mulf %mul3A_70, %add3A_69 : vector<2000x128xf32>
    %add3A_72 = arith.addf %add3A_52, %mul3A_71 : vector<2000x128xf32>
    %get3A_73 = arith.constant 0 : index
    %get3A_74 = arith.constant 0 : index
    %get3A_75 = vector.load %arg7[%get3A_73, %get3A_74] : memref<256x128xf32, #tpu.memory_space<vmem>>, vector<256x128xf32>
    %get3A_76 = arith.constant 0 : index
    %get3A_77 = arith.constant 0 : index
    %get3A_78 = vector.load %arg8[%get3A_76, %get3A_77] : memref<1x128xf32, #tpu.memory_space<vmem>>, vector<1x128xf32>
    %slice3A_79 = vector.extract_strided_slice %get3A_75 {offsets = [0, 0], sizes = [128, 128], strides = [1, 1]} : vector<256x128xf32> to vector<128x128xf32>
    %dot_general3A_80 = arith.constant dense<0.000000e+00> : vector<2000x128xf32>
    %dot_general3A_81 = tpu.matmul %add3A_72, %slice3A_79, %dot_general3A_80 {dimension_numbers = #tpu.dot_dimension_numbers<[1], [0], [0], [1], [0, 0, 1, 1], [], []>, transpose_lhs_hint = false} : vector<2000x128xf32>, vector<128x128xf32>, vector<2000x128xf32> -> vector<2000x128xf32>
    %add3A_82 = vector.broadcast %get3A_78 : vector<1x128xf32> to vector<2000x128xf32>
    %add3A_83 = arith.addf %dot_general3A_81, %add3A_82 : vector<2000x128xf32>
    %logistic3A = arith.negf %add3A_83 : vector<2000x128xf32>
    %logistic3A_84 = math.exp %logistic3A : vector<2000x128xf32>
    %logistic3A_85 = arith.constant 1.000000e+00 : f32
    %logistic3A_86 = vector.broadcast %logistic3A_85 : f32 to vector<2000x128xf32>
    %logistic3A_87 = arith.addf %logistic3A_86, %logistic3A_84 : vector<2000x128xf32>
    %logistic3A_88 = arith.divf %logistic3A_86, %logistic3A_87 : vector<2000x128xf32>
    %slice3A_89 = vector.extract_strided_slice %get3A_75 {offsets = [128, 0], sizes = [128, 128], strides = [1, 1]} : vector<256x128xf32> to vector<128x128xf32>
    %dot_general3A_90 = arith.constant dense<0.000000e+00> : vector<2000x128xf32>
    %dot_general3A_91 = tpu.matmul %add3A_72, %slice3A_89, %dot_general3A_90 {dimension_numbers = #tpu.dot_dimension_numbers<[1], [0], [0], [1], [0, 0, 1, 1], [], []>, transpose_lhs_hint = false} : vector<2000x128xf32>, vector<128x128xf32>, vector<2000x128xf32> -> vector<2000x128xf32>
    %add3A_92 = vector.broadcast %get3A_78 : vector<1x128xf32> to vector<2000x128xf32>
    %add3A_93 = arith.addf %dot_general3A_91, %add3A_92 : vector<2000x128xf32>
    %logistic3A_94 = arith.negf %add3A_93 : vector<2000x128xf32>
    %logistic3A_95 = math.exp %logistic3A_94 : vector<2000x128xf32>
    %logistic3A_96 = arith.constant 1.000000e+00 : f32
    %logistic3A_97 = vector.broadcast %logistic3A_96 : f32 to vector<2000x128xf32>
    %logistic3A_98 = arith.addf %logistic3A_97, %logistic3A_95 : vector<2000x128xf32>
    %logistic3A_99 = arith.divf %logistic3A_97, %logistic3A_98 : vector<2000x128xf32>
    %mul3A_100 = arith.mulf %logistic3A_88, %add3A_72 : vector<2000x128xf32>
    %sub3A = arith.subf %add3A_72, %mul3A_100 : vector<2000x128xf32>
    %mul3A_101 = arith.mulf %logistic3A_99, %add3A_72 : vector<2000x128xf32>
    %mul3A_102 = vector.broadcast %convert_element_type3A_24 : vector<2000x1xf32> to vector<2000x128xf32>
    %mul3A_103 = arith.mulf %mul3A_102, %sub3A : vector<2000x128xf32>
    %mul3A_104 = vector.broadcast %convert_element_type3A_29 : vector<2000x1xf32> to vector<2000x128xf32>
    %mul3A_105 = arith.mulf %mul3A_104, %mul3A_101 : vector<2000x128xf32>
    %add3A_106 = arith.addf %mul3A_103, %mul3A_105 : vector<2000x128xf32>
    %mul3A_107 = vector.broadcast %convert_element_type3A_24 : vector<2000x1xf32> to vector<2000x128xf32>
    %mul3A_108 = arith.mulf %mul3A_107, %sub3A : vector<2000x128xf32>
    %mul3A_109 = vector.broadcast %convert_element_type3A_34 : vector<2000x1xf32> to vector<2000x128xf32>
    %mul3A_110 = arith.mulf %mul3A_109, %mul3A_101 : vector<2000x128xf32>
    %add3A_111 = arith.addf %mul3A_108, %mul3A_110 : vector<2000x128xf32>
    %mul3A_112 = vector.broadcast %convert_element_type3A_29 : vector<2000x1xf32> to vector<2000x128xf32>
    %mul3A_113 = arith.mulf %mul3A_112, %sub3A : vector<2000x128xf32>
    %mul3A_114 = vector.broadcast %convert_element_type3A_34 : vector<2000x1xf32> to vector<2000x128xf32>
    %mul3A_115 = arith.mulf %mul3A_114, %mul3A_101 : vector<2000x128xf32>
    %add3A_116 = arith.addf %mul3A_113, %mul3A_115 : vector<2000x128xf32>
    %get3A_117 = arith.constant 0 : index
    %get3A_118 = arith.constant 0 : index
    %get3A_119 = vector.load %arg9[%get3A_117, %get3A_118] : memref<512x128xf32, #tpu.memory_space<vmem>>, vector<512x128xf32>
    %get3A_120 = arith.constant 0 : index
    %get3A_121 = arith.constant 0 : index
    %get3A_122 = vector.load %arg1[%get3A_120, %get3A_121] : memref<2000x128xf32, #tpu.memory_space<vmem>>, vector<2000x128xf32>
    %slice3A_123 = vector.extract_strided_slice %get3A_119 {offsets = [0, 0], sizes = [128, 128], strides = [1, 1]} : vector<512x128xf32> to vector<128x128xf32>
    %dot_general3A_124 = arith.constant dense<0.000000e+00> : vector<2000x128xf32>
    %dot_general3A_125 = tpu.matmul %get3A_122, %slice3A_123, %dot_general3A_124 {dimension_numbers = #tpu.dot_dimension_numbers<[1], [0], [0], [1], [0, 0, 1, 1], [], []>, transpose_lhs_hint = false} : vector<2000x128xf32>, vector<128x128xf32>, vector<2000x128xf32> -> vector<2000x128xf32>
    %slice3A_126 = vector.extract_strided_slice %get3A_119 {offsets = [128, 0], sizes = [128, 128], strides = [1, 1]} : vector<512x128xf32> to vector<128x128xf32>
    %dot_general3A_127 = arith.constant dense<0.000000e+00> : vector<2000x128xf32>
    %dot_general3A_128 = tpu.matmul %add3A_106, %slice3A_126, %dot_general3A_127 {dimension_numbers = #tpu.dot_dimension_numbers<[1], [0], [0], [1], [0, 0, 1, 1], [], []>, transpose_lhs_hint = false} : vector<2000x128xf32>, vector<128x128xf32>, vector<2000x128xf32> -> vector<2000x128xf32>
    %add3A_129 = arith.addf %dot_general3A_125, %dot_general3A_128 : vector<2000x128xf32>
    %slice3A_130 = vector.extract_strided_slice %get3A_119 {offsets = [256, 0], sizes = [128, 128], strides = [1, 1]} : vector<512x128xf32> to vector<128x128xf32>
    %dot_general3A_131 = arith.constant dense<0.000000e+00> : vector<2000x128xf32>
    %dot_general3A_132 = tpu.matmul %add3A_111, %slice3A_130, %dot_general3A_131 {dimension_numbers = #tpu.dot_dimension_numbers<[1], [0], [0], [1], [0, 0, 1, 1], [], []>, transpose_lhs_hint = false} : vector<2000x128xf32>, vector<128x128xf32>, vector<2000x128xf32> -> vector<2000x128xf32>
    %add3A_133 = arith.addf %add3A_129, %dot_general3A_132 : vector<2000x128xf32>
    %slice3A_134 = vector.extract_strided_slice %get3A_119 {offsets = [384, 0], sizes = [128, 128], strides = [1, 1]} : vector<512x128xf32> to vector<128x128xf32>
    %dot_general3A_135 = arith.constant dense<0.000000e+00> : vector<2000x128xf32>
    %dot_general3A_136 = tpu.matmul %add3A_116, %slice3A_134, %dot_general3A_135 {dimension_numbers = #tpu.dot_dimension_numbers<[1], [0], [0], [1], [0, 0, 1, 1], [], []>, transpose_lhs_hint = false} : vector<2000x128xf32>, vector<128x128xf32>, vector<2000x128xf32> -> vector<2000x128xf32>
    %add3A_137 = arith.addf %add3A_133, %dot_general3A_136 : vector<2000x128xf32>
    %get3A_138 = arith.constant 0 : index
    %get3A_139 = arith.constant 0 : index
    %get3A_140 = vector.load %arg10[%get3A_138, %get3A_139] : memref<1x128xf32, #tpu.memory_space<vmem>>, vector<1x128xf32>
    %add3A_141 = vector.broadcast %get3A_140 : vector<1x128xf32> to vector<2000x128xf32>
    %add3A_142 = arith.addf %add3A_137, %add3A_141 : vector<2000x128xf32>
    %tanh3A = math.tanh %add3A_142 : vector<2000x128xf32>
    %swap3A = arith.constant 0 : index
    %swap3A_143 = arith.constant 0 : index
    %swap3A_144 = vector.load %arg11[%swap3A, %swap3A_143] : memref<2000x128xf32, #tpu.memory_space<vmem>>, vector<2000x128xf32>
    tpu.vector_store %arg11[%swap3A, %swap3A_143], %tanh3A {strides = array<i32>} : memref<2000x128xf32, #tpu.memory_space<vmem>>, vector<2000x128xf32>,
    return
  }
  func.func @transform_0(%arg0: i32) -> (i32, i32) {
    %c0_i32 = arith.constant 0 : i32
    %c0_i32_0 = arith.constant 0 : i32
    return %arg0, %c0_i32 : i32, i32
  }
  func.func @transform_1(%arg0: i32) -> (i32, i32, i32) {
    %c0_i32 = arith.constant 0 : i32
    %c0_i32_0 = arith.constant 0 : i32
    %c0_i32_1 = arith.constant 0 : i32
    return %c0_i32, %arg0, %c0_i32_0 : i32, i32, i32
  }
  func.func @transform_2(%arg0: i32) -> (i32, i32) {
    %c0_i32 = arith.constant 0 : i32
    %c0_i32_0 = arith.constant 0 : i32
    return %arg0, %c0_i32 : i32, i32
  }
  func.func @transform_3(%arg0: i32) -> (i32, i32) {
    %c0_i32 = arith.constant 0 : i32
    %c0_i32_0 = arith.constant 0 : i32
    return %arg0, %c0_i32 : i32, i32
  }
  func.func @transform_4(%arg0: i32) -> (i32, i32) {
    %c0_i32 = arith.constant 0 : i32
    %c0_i32_0 = arith.constant 0 : i32
    %c0_i32_1 = arith.constant 0 : i32
    return %c0_i32, %c0_i32_0 : i32, i32
  }
  func.func @transform_5(%arg0: i32) -> (i32, i32) {
    %c0_i32 = arith.constant 0 : i32
    %c0_i32_0 = arith.constant 0 : i32
    %c0_i32_1 = arith.constant 0 : i32
    return %c0_i32, %c0_i32_0 : i32, i32
  }
  func.func @transform_6(%arg0: i32) -> (i32, i32) {
    %c0_i32 = arith.constant 0 : i32
    %c0_i32_0 = arith.constant 0 : i32
    %c0_i32_1 = arith.constant 0 : i32
    return %c0_i32, %c0_i32_0 : i32, i32
  }
  func.func @transform_7(%arg0: i32) -> (i32, i32) {
    %c0_i32 = arith.constant 0 : i32
    %c0_i32_0 = arith.constant 0 : i32
    %c0_i32_1 = arith.constant 0 : i32
    return %c0_i32, %c0_i32_0 : i32, i32
  }
  func.func @transform_8(%arg0: i32) -> (i32, i32) {
    %c0_i32 = arith.constant 0 : i32
    %c0_i32_0 = arith.constant 0 : i32
    %c0_i32_1 = arith.constant 0 : i32
    return %c0_i32, %c0_i32_0 : i32, i32
  }
  func.func @transform_9(%arg0: i32) -> (i32, i32) {
    %c0_i32 = arith.constant 0 : i32
    %c0_i32_0 = arith.constant 0 : i32
    %c0_i32_1 = arith.constant 0 : i32
    return %c0_i32, %c0_i32_0 : i32, i32
  }
  func.func @transform_10(%arg0: i32) -> (i32, i32) {
    %c0_i32 = arith.constant 0 : i32
    %c0_i32_0 = arith.constant 0 : i32
    return %arg0, %c0_i32 : i32, i32
  }
}

</mosaic_0001>

<sc_bundles>
// kernel: kernel.5.cloned.1.call-start
scs
__scs_entry_jumppad:
0x0: {  	(pc) =	sbr.rel $0x88, $3  }
0x1: {  	(tag) =	ssettag $0x0;
	lr =	simm.s32 $0x1  }
0x2: {  	[smem:$0x3F8A] =	sst lr;
	_ =	strace $0xD0000000  }
0x3: {  	_ = 	snop  }
0x4: {  	_ = 	snop  }
0x5: {  	_ = 	snop  }
0x6: {  	_ = 	snop  }
0x7: {  	_ = 	snop  }
__scs_overlays_trampoline_lowered:
0x8: {  	[smem:$0x3F99] =	sst s0  }
0x9: {  	[smem:$0x3F9A] =	sst s1  }
0xa: {  	[smem:$0x3F9B] =	sst s2  }
0xb: {  	[smem:$0x3F9C] =	sst s3  }
0xc: {  	[smem:$0x3F9D] =	sst s4  }
0xd: {  	[smem:$0x3F9E] =	sst s5  }
0xe: {  	[smem:$0x3F9F] =	sst s6  }
0xf: {  	[smem:$0x3FA0] =	sst s7  }
0x10: {  	[smem:$0x3FA1] =	sst s8  }
0x11: {  	[smem:$0x3FA2] =	sst s9;
	s0 =	simm.s32 @!p0 $0x0  }
0x12: {  	s1 =	sld [smem:$0x3F88];
	s0 =	simm.s32 @p0 $0x1  }
0x13: {  	[smem:$0x3FA3] =	sst s0;
	s0 =	simm.s32 @!p1 $0x0  }
0x14: {  	s2 =	sld [smem:$0x3F87];
	s0 =	simm.s32 @p1 $0x1  }
0x15: {  	[smem:$0x3FA4] =	sst s0;
	s0 =	simm.s32 @!p2 $0x0  }
0x16: {  	s3 =	sld [smem:$0x3FDB];
	s0 =	simm.s32 @p2 $0x1  }
0x17: {  	s4 =	simm.s32 $0x1BF5;
	[smem:$0x3FA6] =	sst s0  }
0x18: {  	s0 =	sld [smem:$0x3F89];
	_ =	swait.ge [sflag:s4], $0x0  }
0x19: {  	s7 =	sld [smem:$0x3F8A]  }
0x1a: {  	s8 =	sadd.s32 $0xFFFFE003, lr  }
0x1b: {  	s9 =	sadd.s32 $0xFFFFFEF7, lr;
	s5 =	simm.s32 $0xFFFFFFFF;
	p2 =	slt.u32 s8, $0xFFFFF086  }
0x1c: {  	p1 =	slt.u32 s9, $0xF7A;
	s5 =	simm.s32 @!p2 $0x0  }
0x1d: {  	s5 =	simm.s32 @p1 $0x1;
	p0 =	seq.s32 s7, s2  }
0x1e: {  	s7 =	smul.u32 @!p0 $0xF7A, s2;
	p2 =	seq.s32 @!p0 s5, $0x0  }
0x1f: {  	s9 =	smul.u32 $0xF7A, s1;
	s8 =	simm.s32 @!p0 $0x1BF5;
	p2 =	por !p2, p0  }
0x20: {  	[sflag:s8] =	ssyncset.s32 @!p0 $0xFFFFF086;
	s6 =	sadd.s32 @!p0 s3, s7;
	s7 =	simm.s32 @!p0 $0x108  }
0x21: {  	s3 =	sadd.s32 s3, s9;
	s6 =	sadd.s32 @!p0 $0x88, s6;
	s7 =	simm.s32 @p2 $0x1082  }
0x22: {  	[simem:s7], [sflag:s8] =	dma.local @!p0 [hbm:s6], $0xF7A  }
0x23: {  	s9 =	sor.u32 $0xD0000000, s2;
	s6 =	simm.s32 $0x108;
	_ =	swait.ge @!p0 [sflag:s8], $0x0  }
0x24: {  	s3 =	sadd.s32 $0x88, s3;
	s6 =	simm.s32 @!p1 $0x1082;
	[sflag:s4] =	ssyncset.s32 $0xFFFFF086  }
0x25: {  	[simem:s6], [sflag:s4] =	dma.local [hbm:s3], $0xF7A  }
0x26: {  	[smem:$0x3F8A] =	sst s1;
	(tag) =	ssettag s2;
	_ =	strace s9  }
0x27: {  	s1 =	sld [smem:$0x3F9A]  }
0x28: {  	s2 =	sld [smem:$0x3F9B]  }
0x29: {  	s4 =	sld [smem:$0x3F9D]  }
0x2a: {  	p0 =	seq.s32 s5, $0x0;
	s5 =	sld [smem:$0x3F9E]  }
0x2b: {  	s6 =	sld [smem:$0x3F9F]  }
0x2c: {  	s7 =	sld [smem:$0x3FA0]  }
0x2d: {  	s3 =	simm.s32 $0x108;
	s8 =	sld [smem:$0x3FA1]  }
0x2e: {  	s3 =	simm.s32 @!p0 $0x1082;
	s9 =	sld [smem:$0x3FA2]  }
0x2f: {  	lr =	sadd.s32 s0, s3;
	s0 =	sld [smem:$0x3F99]  }
0x30: {  	s3 =	sld [smem:$0x3F9C]  }
0x31: {  	[smem:$0x3FA5] =	sst s10  }
0x32: {  	s10 =	sld [smem:$0x3FA3];
	_ =	sdelay $0x3  }
0x33: {  	p0 =	seq.s32 s10, $0x1;
	s10 =	sld [smem:$0x3FA5];
	_ =	sdelay $0x3  }
0x34: {  	[smem:$0x3FA5] =	sst s10  }
0x35: {  	s10 =	sld [smem:$0x3FA4];
	_ =	sdelay $0x3  }
0x36: {  	p1 =	seq.s32 s10, $0x1;
	s10 =	sld [smem:$0x3FA5];
	_ =	sdelay $0x3  }
0x37: {  	[smem:$0x3FA5] =	sst s10  }
0x38: {  	s10 =	sld [smem:$0x3FA6]  }
0x39: {  	_ = 	snop;
	(pc) =	sbr.ind lr, $3  }
0x3a: {  	_ = 	snop  }
0x3b: {  	_ = 	snop  }
0x3c: {  	p2 =	seq.s32 s10, $0x1;
	s10 =	sld [smem:$0x3FA5]  }
0x3d: {  	_ =	shalt  }
0x3e: {  	_ =	shalt  }
0x3f: {  	_ =	shalt  }
0x40: {  	_ =	shalt  }
0x41: {  	_ =	shalt  }
0x42: {  	_ =	shalt  }
0x43: {  	_ =	shalt  }
0x44: {  	_ =	shalt  }
0x45: {  	_ =	shalt  }
0x46: {  	_ =	shalt  }
0x47: {  	_ =	shalt  }
0x48: {  	_ =	shalt  }
0x49: {  	_ =	shalt  }
0x4a: {  	_ =	shalt  }
0x4b: {  	_ =	shalt  }
0x4c: {  	_ =	shalt  }
0x4d: {  	_ =	shalt  }
0x4e: {  	_ =	shalt  }
0x4f: {  	_ =	shalt  }
0x50: {  	_ =	shalt  }
0x51: {  	_ =	shalt  }
0x52: {  	_ =	shalt  }
0x53: {  	_ =	shalt  }
0x54: {  	_ =	shalt  }
0x55: {  	_ =	shalt  }
0x56: {  	_ =	shalt  }
0x57: {  	_ =	shalt  }
0x58: {  	_ =	shalt  }
0x59: {  	_ =	shalt  }
0x5a: {  	_ =	shalt  }
0x5b: {  	_ =	shalt  }
0x5c: {  	_ =	shalt  }
0x5d: {  	_ =	shalt  }
0x5e: {  	_ =	shalt  }
0x5f: {  	_ =	shalt  }
0x60: {  	_ =	shalt  }
0x61: {  	_ =	shalt  }
0x62: {  	_ =	shalt  }
0x63: {  	_ =	shalt  }
0x64: {  	_ =	shalt  }
0x65: {  	_ =	shalt  }
0x66: {  	_ =	shalt  }
0x67: {  	_ =	shalt  }
0x68: {  	_ =	shalt  }
0x69: {  	_ =	shalt  }
0x6a: {  	_ =	shalt  }
0x6b: {  	_ =	shalt  }
0x6c: {  	_ =	shalt  }
0x6d: {  	_ =	shalt  }
0x6e: {  	_ =	shalt  }
0x6f: {  	_ =	shalt  }
0x70: {  	_ =	shalt  }
0x71: {  	_ =	shalt  }
0x72: {  	_ =	shalt  }
0x73: {  	_ =	shalt  }
0x74: {  	_ =	shalt  }
0x75: {  	_ =	shalt  }
0x76: {  	_ =	shalt  }
0x77: {  	_ =	shalt  }
0x78: {  	_ =	shalt  }
0x79: {  	_ =	shalt  }
0x7a: {  	_ =	shalt  }
0x7b: {  	_ =	shalt  }
0x7c: {  	_ =	shalt  }
0x7d: {  	_ =	shalt  }
0x7e: {  	_ =	shalt  }
0x7f: {  	_ =	shalt  }
0x80: {  	_ =	shalt  }
0x81: {  	_ =	shalt  }
0x82: {  	_ =	shalt  }
0x83: {  	_ =	shalt  }
0x84: {  	_ =	shalt  }
0x85: {  	_ =	shalt  }
0x86: {  	_ =	shalt  }
0x87: {  	_ =	shalt  }
.Lfunc_end0:
.L_simem_size_0:
called_computation_lowered:
.L_overlay_start_0:
0x88: {  	s2 =	sld [smem:$0x3FD9]  }
0x89: {  	s3 =	sld [smem:$0x3FFE];
	_ =	sdelay $0x1  }
0x8a: {  	s1 =	srdreg.scid  }
0x8b: {  	s0 =	sand.u32 $0x1, s1  }
0x8c: {  	s17 =	sshll.u32 s0, $0xA;
	s2 =	sadd.s32 s3, s2  }
0x8d: {  	s2 =	sadd.s32 s2, s17  }
0x8e: {  	[smem:$0x3FB1] =	sst s2  }
0x8f: {  	_ = 	snop  }
0x90: {  	s2 =	sld [smem:$0x3FC9]  }
0x91: {  	s18 =	sld [smem:$0x3FC7]  }
0x92: {  	s4 =	sld [smem:$0x3FD0];
	(tm) =	ssettm $0x1  }
0x93: {  	s5 =	sld [smem:$0x3FFB];
	_ =	sdelay $0x3  }
0x94: {  	_ =	strace s5  }
0x95: {  	s5 =	sld [smem:$0x3FFC];
	_ =	sdelay $0x3  }
0x96: {  	_ =	strace s5  }
0x97: {  	s5 =	sld [smem:$0x3FFD];
	_ =	sdelay $0x3  }
0x98: {  	_ =	strace s5  }
0x99: {  	_ =	strace $0x8FFFFFFF  }
0x9a: {  	s19 =	sld [smem:$0x3FDB];
	_ =	sdelay $0x1  }
0x9b: {  	s6 =	simm.s32 $_scs_section_size  }
0x9c: {  	s7 =	simm.s32 $_size__tile_overlayer_lowered;
	s8 =	simm.s32 $_tile_overlayer_lowered  }
0x9d: {  	s22 =	simm.s32 $0x1BFF;
	s21 =	sshll.u32 s8, $0x1;
	s5 =	sadd.s32 s6, s19  }
0x9e: {  	s9 =	simm.s32 $0x0;
	s20 =	sshll.u32 s7, $0x1;
	s7 =	sadd.s32 s21, s5  }
0x9f: {  	[timem:s9], [sflag:s22] =	dma.local [hbm:s7], s20  }
0xa0: {  	_ =	swait.ge [sflag:s22], s20  }
0xa1: {  	s6 =	ssub.s32 $0x0, s20;
	[sflag:s22] =	ssyncset.done $0x0  }
0xa2: {  	[sflag:s22] =	ssyncadd.s32 s6;
	_ =	sdelay $0x1  }
0xa3: {  	s23 =	simm.s32 $0x1B8B  }
0xa4: {  	_ =	swait.ge [sflag:s23], $0x1  }
0xa5: {  	[sflag:s23] =	ssyncset.done $0x0  }
0xa6: {  	s25 =	simm.s32 $0x1B8E;
	s24 =	sld [smem:$0x3FFE];
	[sflag:s23] =	ssyncadd.s32 $0xFFFFFFFF  }
0xa7: {  	s26 =	simm.s32 $execute0_lowered;
	[smem:$0x3FD2] =	sst s25  }
0xa8: {  	s7 =	sshll.u32 s26, $0x1;
	_ =	strace $0x80000046;
	[dreg:$0x1] =	wrdreg $0xFFFFFFFF  }
0xa9: {  	s28 =	simm.s32 $_size_execute0_lowered;
	s5 =	sadd.s32 s5, s7;
	[dreg:$0x0] =	wrdreg $0x0  }
0xaa: {  	s7 =	sshll.u32 s28, $0x1;
	[dreg:$0x2] =	wrdreg s5  }
0xab: {  	[dreg:$0x3] =	wrdreg s7  }
0xac: {  	[dreg:$0x4] =	wrdreg $0xC0  }
0xad: {  	_ =	task [dreg:s9], $0x5FFFF  }
0xae: {  	[dreg:$0x1] =	wrdreg $0xFFFFFFFF  }
0xaf: {  	[dreg:$0x0] =	wrdreg $0x60  }
0xb0: {  	[dreg:$0x2] =	wrdreg s2  }
0xb1: {  	[dreg:$0x3] =	wrdreg s24  }
0xb2: {  	[dreg:$0x4] =	wrdreg s4  }
0xb3: {  	[dreg:$0x5] =	wrdreg s18  }
0xb4: {  	[dreg:$0x6] =	wrdreg $0xC3000  }
0xb5: {  	[dreg:$0x7] =	wrdreg $0x9  }
0xb6: {  	_ =	task.clear_ibuf [dreg:s9], $0x8FFFF;
	_ =	strace $0x90000046  }
0xb7: {  	s29 =	simm.s32 $0x9;
	_ =	strace $0x80000048  }
0xb8: {  	_ =	swait.ge [sflag:s29], $0x1  }
0xb9: {  	[sflag:s29] =	ssyncadd.s32 $0xFFFFFFFF  }
0xba: {  	_ =	strace $0x90000048  }
0xbb: {  	_ =	sfence  }
0xbc: {  	s30 =	sld [smem:$0x0];
	_ =	sdelay $0x2  }
0xbd: {  	s31 =	sshll.u32 s1, $0xD;
	s1 =	sshrl.u32 s1, $0x2  }
0xbe: {  	s3 =	sand.u32 $0x4000, s31;
	s1 =	sadd.s32 s1, s30  }
0xbf: {  	s0 =	sor.u32 s3, s0;
	s1 =	sshll.u32 s1, $0x11  }
0xc0: {  	s0 =	sor.u32 s1, s0  }
0xc1: {  	s0 =	sadd.s32 $0x8F2B, s0  }
0xc2: {  	[sflag:s0] =	ssyncadd.remote.s32 $0x1  }
0xc3: {  	_ =	sfence.sel $0xFFFF  }
0xc4: {  	[dreg:$0x0] =	wrdreg $0xFFFFFFFF;
	(pc) =	sbr.abs _section_cstart, $3  }
0xc5: {  	[dreg:$0x1] =	wrdreg $0xFFFFFFFF  }
0xc6: {  	_ =	task.clear_ibuf [dreg:s9], $0x2FFFF;
	_ =	strace $0x9FFFFFFF  }
0xc7: {  	(tm) =	ssettm $0x7FFFFFFF  }
tec
execute0_lowered:
.L_overlay_start_1:
0x0: {  	(tag) =	ssettag $0x1  }
0x1: {  	s0 =	rddreg [dreg:$0x0]  }
0x2: {  	s4 =	rddreg [dreg:$0x1]  }
0x3: {  	s5 =	rddreg [dreg:$0x2]  }
0x4: {  	s3 =	rddreg [dreg:$0x3]  }
0x5: {  	s2 =	simm.s32 $0x0;
	s1 =	srdreg.scid;
	s20 =	stileid.u32  }
0x6: {  	[smem:$0x7FF] =	sst s2;
	s6 =	sand.u32 $0x1, s1;
	s8 =	smul.u32 $0x270, s20  }
0x7: {  	s18 =	sshll.u32 s20, $0x1;
	s9 =	sadd.s32 $0x16800, s4;
	s11 =	smul.u32 $0x2710, s6  }
0x8: {  	s1 =	sor.u32 s6, s18;
	s7 =	ssub.s32 $0x2, s6;
	s6 =	smul.u32 $0x138800, s6  }
0x9: {  	s10 =	smul.u32 $0x2710, s1;
	s19 =	sshrl.u32 s7, $0x1;
	s14 =	sadd.s32 $0xA0, s8  }
0xa: {  	s15 =	sadd.s32 $0xF0, s8;
	s16 =	sadd.s32 $0x140, s8;
	s18 =	sadd.s32 $0x190, s8  }
0xb: {  	s1 =	ssub.s32 s7, s19;
	s7 =	sadd.s32 $0x50, s8;
	s19 =	sadd.s32 $0x1E0, s8  }
0xc: {  	s12 =	sadd.s32 s8, s11;
	s8 =	sadd.s32 $0x230, s8;
	s22 =	sadd.s32 s11, s14  }
0xd: {  	s24 =	sadd.s32 s11, s15;
	s26 =	sadd.s32 s11, s16;
	s17 =	sadd.s32 s11, s18  }
0xe: {  	s6 =	sshrl.u32 s6, $0x3;
	s12 =	sshll.u32 s12, $0x4;
	s13 =	sadd.s32 s11, s7  }
0xf: {  	s23 =	sshll.u32 s22, $0x4;
	s25 =	sshll.u32 s24, $0x4;
	s22 =	sadd.s32 s11, s19  }
0x10: {  	s24 =	sadd.s32 s11, s8;
	s6 =	sadd.s32 s9, s6;
	s10 =	sshrl.u32 s10, $0x3  }
0x11: {  	s7 =	sshll.u32 s7, $0x7;
	s12 =	sadd.s32 s9, s12;
	s21 =	sshll.u32 s13, $0x4  }
0x12: {  	s1 =	smax.u32 s1, $0x1;
	[dreg:$0x6] =	wrdreg s12;
	s12 =	sadd.s32 s9, s21  }
0x13: {  	s13 =	sshll.u32 s26, $0x4;
	[dreg:$0x7] =	wrdreg s12;
	s12 =	sadd.s32 s9, s23  }
0x14: {  	s26 =	smul.u32 $0x4E20, s20;
	[dreg:$0x8] =	wrdreg s12;
	s12 =	sadd.s32 s9, s25  }
0x15: {  	s21 =	sshll.u32 s17, $0x4;
	[dreg:$0x9] =	wrdreg s12;
	s12 =	sadd.s32 s9, s13  }
0x16: {  	s23 =	sshll.u32 s22, $0x4;
	[dreg:$0xa] =	wrdreg s12;
	s12 =	sadd.s32 s9, s21  }
0x17: {  	s25 =	sshll.u32 s24, $0x4;
	[dreg:$0xb] =	wrdreg s12;
	s12 =	sadd.s32 s9, s23  }
0x18: {  	s17 =	smul.u32 $0x4E000, s20;
	[dreg:$0xc] =	wrdreg s12;
	s12 =	sadd.s32 s9, s25  }
0x19: {  	s22 =	sadd.s32 $0xC200, s4;
	s24 =	sadd.s32 $0x2200, s4;
	[dreg:$0xd] =	wrdreg s12  }
0x1a: {  	s13 =	sadd.s32 $0x2400, s4;
	s21 =	sshrl.u32 s17, $0x2;
	s12 =	rddreg [dreg:$0x4]  }
0x1b: {  	s23 =	sadd.s32 $0xC800, s4;
	_ =	strace $0x80000047;
	[dreg:$0xe] =	wrdreg s22  }
0x1c: {  	s4 =	sadd.s32 s10, s4;
	s9 =	sadd.s32 s11, s26;
	[dreg:$0xf] =	wrdreg s23  }
0x1d: {  	s25 =	sshll.u32 s14, $0x7;
	s4 =	sadd.s32 $0xCA00, s4;
	[dreg:$0x10] =	wrdreg s24  }
0x1e: {  	s26 =	sshll.u32 s15, $0x7;
	s15 =	sshll.u32 s16, $0x7;
	[dreg:$0x17] =	wrdreg s4  }
0x1f: {  	s16 =	sshll.u32 s18, $0x7;
	s7 =	sadd.s32 s7, s12;
	[dreg:$0x1a] =	wrdreg s1  }
0x20: {  	s18 =	sshll.u32 s19, $0x7;
	s14 =	sadd.s32 s26, s12;
	[dreg:$0x11] =	wrdreg s7  }
0x21: {  	s17 =	sadd.s32 s21, s12;
	s21 =	sadd.s32 s13, s10;
	[dreg:$0x13] =	wrdreg s14  }
0x22: {  	s19 =	sshll.u32 s8, $0x7;
	s7 =	sadd.s32 s25, s12;
	[dreg:$0x14] =	wrdreg s21  }
0x23: {  	s25 =	sadd.s32 $0x4D8, s10;
	s10 =	sadd.s32 $0x27000, s6;
	[dreg:$0x12] =	wrdreg s7  }
0x24: {  	s23 =	sadd.s32 s18, s12;
	s18 =	sadd.s32 $0x400, s17;
	[dreg:$0x18] =	wrdreg s10  }
0x25: {  	s24 =	sadd.s32 s19, s12;
	s19 =	sadd.s32 $0x800, s17;
	[dreg:$0x1c] =	wrdreg s18  }
0x26: {  	p0 =	sne.s32 s20, $0xF;
	s20 =	sadd.s32 $0xC00, s17;
	[dreg:$0x1d] =	wrdreg s19  }
0x27: {  	s21 =	sadd.s32 $0x1000, s17;
	[dreg:$0x1e] =	wrdreg s20  }
0x28: {  	s11 =	sadd.s32 $0x50, s9;
	s8 =	sadd.s32 $0x1C00, s17;
	[dreg:$0x1f] =	wrdreg s21  }
0x29: {  	s14 =	sshrl.u32 s11, $0x3;
	s11 =	sadd.s32 $0x2C00, s17;
	[smem:$0x7BD] =	sst s8  }
0x2a: {  	s22 =	sadd.s32 s16, s12;
	s7 =	sadd.s32 s15, s12;
	[smem:$0x7C0] =	sst s11  }
0x2b: {  	s16 =	sshrl.u32 s9, $0x3;
	s26 =	sadd.s32 s5, s25;
	[dreg:$0x19] =	wrdreg s7  }
0x2c: {  	s4 =	sadd.s32 s16, s5;
	s15 =	sadd.s32 $0xA0, s9;
	[dreg:$0x15] =	wrdreg s26  }
0x2d: {  	s1 =	sadd.s32 s14, s3;
	s9 =	sadd.s32 $0x2000, s17;
	[dreg:$0x1b] =	wrdreg s15  }
0x2e: {  	s5 =	sadd.s32 s14, s5;
	s10 =	sadd.s32 $0x2400, s17;
	[smem:$0x7BE] =	sst s9  }
0x2f: {  	s6 =	sadd.s32 s14, s13;
	s14 =	sadd.s32 $0x3000, s17;
	[smem:$0x7BF] =	sst s10  }
0x30: {  	s18 =	sadd.s32 $0x3C00, s17;
	[smem:$0x7C1] =	sst s14  }
0x31: {  	s19 =	sadd.s32 $0x4000, s17;
	[smem:$0x7C4] =	sst s18  }
0x32: {  	s20 =	sadd.s32 $0x4400, s17;
	[smem:$0x7C5] =	sst s19  }
0x33: {  	s21 =	sadd.s32 $0x4800, s17;
	[smem:$0x7C6] =	sst s20  }
0x34: {  	s8 =	sadd.s32 $0x5800, s17;
	[smem:$0x7C7] =	sst s21  }
0x35: {  	s11 =	sadd.s32 $0x6400, s17;
	[smem:$0x7CA] =	sst s8  }
0x36: {  	s7 =	sadd.s32 s3, s25;
	[smem:$0x7CD] =	sst s11  }
0x37: {  	s25 =	sadd.s32 $0x1400, s17;
	[dreg:$0x16] =	wrdreg s7  }
0x38: {  	s26 =	sadd.s32 $0x1800, s17;
	[smem:$0x7BB] =	sst s25  }
0x39: {  	s15 =	sadd.s32 $0x3400, s17;
	[smem:$0x7BC] =	sst s26  }
0x3a: {  	s3 =	sadd.s32 s16, s3;
	s16 =	sadd.s32 $0x3800, s17;
	[smem:$0x7C2] =	sst s15  }
0x3b: {  	s9 =	sadd.s32 $0x5C00, s17;
	[smem:$0x7C3] =	sst s16  }
0x3c: {  	s10 =	sadd.s32 $0x6000, s17;
	[smem:$0x7CB] =	sst s9  }
0x3d: {  	s14 =	sadd.s32 $0x6800, s17;
	[smem:$0x7CC] =	sst s10  }
0x3e: {  	s18 =	sadd.s32 $0x7400, s17;
	[smem:$0x7CE] =	sst s14  }
0x3f: {  	s19 =	sadd.s32 $0x7C00, s17;
	[smem:$0x7D1] =	sst s18  }
0x40: {  	s20 =	sadd.s32 $0x8000, s17;
	[smem:$0x7D2] =	sst s19  }
0x41: {  	s21 =	sadd.s32 $0x8400, s17;
	[smem:$0x7D3] =	sst s20  }
0x42: {  	s8 =	sadd.s32 $0x9000, s17;
	[smem:$0x7D4] =	sst s21  }
0x43: {  	s11 =	sadd.s32 $0x9C00, s17;
	[smem:$0x7D7] =	sst s8  }
0x44: {  	s25 =	sadd.s32 $0x4C00, s17;
	[smem:$0x7DA] =	sst s11  }
0x45: {  	s26 =	sadd.s32 $0x5400, s17;
	[smem:$0x7C8] =	sst s25  }
0x46: {  	s15 =	sadd.s32 $0x6C00, s17;
	[smem:$0x7C9] =	sst s26  }
0x47: {  	s16 =	sadd.s32 $0x7000, s17;
	[smem:$0x7CF] =	sst s15  }
0x48: {  	s9 =	sadd.s32 $0x9400, s17;
	[smem:$0x7D0] =	sst s16  }
0x49: {  	s10 =	sadd.s32 $0x9800, s17;
	[smem:$0x7D8] =	sst s9  }
0x4a: {  	s14 =	sadd.s32 $0xA400, s17;
	[smem:$0x7D9] =	sst s10  }
0x4b: {  	s18 =	sadd.s32 $0xB000, s17;
	[smem:$0x7DB] =	sst s14  }
0x4c: {  	s19 =	sadd.s32 $0xB400, s17;
	[smem:$0x7DE] =	sst s18  }
0x4d: {  	s20 =	sadd.s32 $0xB800, s17;
	[smem:$0x7DF] =	sst s19  }
0x4e: {  	s21 =	sadd.s32 $0xBC00, s17;
	[smem:$0x7E0] =	sst s20  }
0x4f: {  	s8 =	sadd.s32 $0xCC00, s17;
	[smem:$0x7E1] =	sst s21  }
0x50: {  	s11 =	sadd.s32 $0xD800, s17;
	[smem:$0x7E4] =	sst s8  }
0x51: {  	s25 =	sadd.s32 $0x8800, s17;
	[smem:$0x7E7] =	sst s11  }
0x52: {  	s26 =	sadd.s32 $0x8C00, s17;
	[smem:$0x7D5] =	sst s25  }
0x53: {  	s15 =	sadd.s32 $0xA800, s17;
	[smem:$0x7D6] =	sst s26  }
0x54: {  	s16 =	sadd.s32 $0xAC00, s17;
	[smem:$0x7DC] =	sst s15  }
0x55: {  	s9 =	sadd.s32 $0xD000, s17;
	[smem:$0x7DD] =	sst s16  }
0x56: {  	s10 =	sadd.s32 $0xD400, s17;
	[smem:$0x7E5] =	sst s9  }
0x57: {  	s14 =	sadd.s32 $0xDC00, s17;
	[smem:$0x7E6] =	sst s10  }
0x58: {  	s18 =	sadd.s32 $0xE800, s17;
	[smem:$0x7E8] =	sst s14  }
0x59: {  	s19 =	sadd.s32 $0xEC00, s17;
	[smem:$0x7EB] =	sst s18  }
0x5a: {  	s20 =	sadd.s32 $0xF400, s17;
	[smem:$0x7EC] =	sst s19  }
0x5b: {  	s21 =	sadd.s32 $0xF800, s17;
	[smem:$0x7ED] =	sst s20  }
0x5c: {  	s8 =	sadd.s32 $0x10400, s17;
	[smem:$0x7EE] =	sst s21  }
0x5d: {  	s11 =	sadd.s32 $0x11000, s17;
	[smem:$0x7F1] =	sst s8  }
0x5e: {  	s25 =	sadd.s32 $0xC000, s17;
	[smem:$0x7F4] =	sst s11  }
0x5f: {  	s26 =	sadd.s32 $0xC400, s17;
	[smem:$0x7E2] =	sst s25  }
0x60: {  	s15 =	sadd.s32 $0xE000, s17;
	[smem:$0x7E3] =	sst s26  }
0x61: {  	s16 =	sadd.s32 $0xE400, s17;
	[smem:$0x7E9] =	sst s15  }
0x62: {  	s9 =	sadd.s32 $0x10800, s17;
	[smem:$0x7EA] =	sst s16  }
0x63: {  	s28 =	simm.s32 $0x9500;
	s10 =	sadd.s32 $0x10C00, s17;
	[smem:$0x7F2] =	sst s9  }
0x64: {  	s29 =	simm.s32 $0xC200;
	s14 =	sadd.s32 $0x11400, s17;
	[smem:$0x7F3] =	sst s10  }
0x65: {  	s30 =	simm.s32 $0xC280;
	s18 =	sadd.s32 $0x12400, s17;
	[smem:$0x7F5] =	sst s14  }
0x66: {  	s31 =	simm.s32 $0x4580;
	s19 =	sadd.s32 $0x12800, s17;
	[smem:$0x7F8] =	sst s18  }
0x67: {  	s7 =	simm.s32 $0x2;
	s20 =	sadd.s32 $0x12C00, s17;
	[smem:$0x7F9] =	sst s19  }
0x68: {  	s21 =	sadd.s32 $0x13000, s17;
	s11 =	simm.s32 $0xBD00;
	[smem:$0x7FA] =	sst s20  }
0x69: {  	s8 =	simm.s32 $0x0;
	s25 =	sadd.s32 $0xFC00, s17;
	[smem:$0x7FB] =	sst s21  }
0x6a: {  	s26 =	sadd.s32 $0x10000, s17;
	s15 =	sadd.s32 $0x11C00, s17;
	[smem:$0x7EF] =	sst s25  }
0x6b: {  	s16 =	sadd.s32 $0x12000, s17;
	s10 =	sadd.s32 $0x138000, s12;
	[smem:$0x7F0] =	sst s26  }
0x6c: {  	s9 =	simm.s32 $0x3;
	s14 =	simm.s32 $0xC100;
	[smem:$0x7F6] =	sst s15  }
0x6d: {  	[smem:$0x7F7] =	sst s16;
	s25 =	sadd.s32 $0x13400, s17;
	s26 =	sadd.s32 $0x138400, s12  }
0x6e: {  	s15 =	simm.s32 $0x50;
	s16 =	simm.s32 $0x6D00;
	[smem:$0x7FC] =	sst s25  }
0x6f: {  	v0 =	vimm.f32 $0.0e+00;
	[smem:$0x7FD] =	sst s26;
	s25 =	simm.s32 $0x1;
	s26 =	simm.s32 $0xC180  }
.LBB2_1:
0x70: {  	s18 =	rddreg [dreg:$0xe]  }
0x71: {  	[tilespmem:s2], [sflag:$0x3] =	stream.linear.gather [hbm4b:s18+s2], $0x2780, $0x38;
	[tilespmem:$0x1FB80] =	vst v63  }
0x72: {  	_ =	swait.ge [sflag:s9], $0x2780  }
0x73: {  	[sflag:s9] =	ssyncset.done $0x0  }
0x74: {  	s19 =	simm.s32 $0x2780;
	s21 =	rddreg [dreg:$0xf];
	[sflag:s9] =	ssyncadd.s32 $0xFFFFD880  }
0x75: {  	[tilespmem:s19], [sflag:$0x3] =	stream.linear.gather [hbm4b:s21+s2], $0xF00, $0x38;
	[tilespmem:$0x1FB80] =	vst v63  }
0x76: {  	_ =	swait.ge [sflag:s9], $0xF00  }
0x77: {  	[sflag:s9] =	ssyncset.done $0x0  }
0x78: {  	s21 =	simm.s32 $0x3680;
	s20 =	rddreg [dreg:$0x10];
	[sflag:s9] =	ssyncadd.s32 $0xFFFFF100  }
0x79: {  	[tilespmem:s21], [sflag:$0x3] =	stream.linear.gather [hbm4b:s20+s2], $0xF00, $0x38;
	[tilespmem:$0x1FB80] =	vst v63  }
0x7a: {  	_ =	swait.ge [sflag:s9], $0xF00  }
0x7b: {  	[sflag:s9] =	ssyncset.done $0x0  }
0x7c: {  	s18 =	simm.s32 $0x40;
	s19 =	simm.s32 $0x0;
	[sflag:s9] =	ssyncadd.s32 $0xFFFFF100  }
.LBB2_2:
0x7d: {  	p1 =	sne.s32 s18, $0x9C00;
	[tilespmem:s19+$0x4580] =	vst v0;
	s19 =	smov.u32 s18;
	s18 =	sadd.s32 $0x40, s18  }
.Ltmp0:
0x7e: {  	(pc) =	sbr.rel @p1 .LBB2_2-.Ltmp0, $2  }
0x7f: {  	_ =	sdelay $0x2  }
0x80: {  	s19 =	sshra.s32 s19, $0x2  }
0x81: {  	[tilespmem:s19+$0x4580] =	vst v0  }
0x82: {  	[tilespmem:$0xBD00] =	vst v0  }
0x83: {  	[tilespmem:$0xBD10] =	vst v0  }
0x84: {  	[tilespmem:$0xBD20] =	vst v0  }
0x85: {  	[tilespmem:$0xBD30] =	vst v0  }
0x86: {  	[tilespmem:$0xBD40] =	vst v0  }
0x87: {  	[tilespmem:$0xBD50] =	vst v0  }
0x88: {  	[tilespmem:$0xBD60] =	vst v0  }
0x89: {  	[tilespmem:$0xBD70] =	vst v0  }
0x8a: {  	[tilespmem:$0xBD80] =	vst v0  }
0x8b: {  	[tilespmem:$0xBD90] =	vst v0  }
0x8c: {  	[tilespmem:$0xBDA0] =	vst v0  }
0x8d: {  	[tilespmem:$0xBDB0] =	vst v0  }
0x8e: {  	[tilespmem:$0xBDC0] =	vst v0  }
0x8f: {  	[tilespmem:$0xBDD0] =	vst v0  }
0x90: {  	[tilespmem:$0xBDE0] =	vst v0  }
0x91: {  	[tilespmem:$0xBDF0] =	vst v0  }
0x92: {  	[tilespmem:$0xBE00] =	vst v0  }
0x93: {  	[tilespmem:$0xBE10] =	vst v0  }
0x94: {  	[tilespmem:$0xBE20] =	vst v0  }
0x95: {  	[tilespmem:$0xBE30] =	vst v0  }
0x96: {  	[tilespmem:$0xBE40] =	vst v0  }
0x97: {  	[tilespmem:$0xBE50] =	vst v0  }
0x98: {  	[tilespmem:$0xBE60] =	vst v0  }
0x99: {  	[tilespmem:$0xBE70] =	vst v0  }
0x9a: {  	[tilespmem:$0xBE80] =	vst v0  }
0x9b: {  	[tilespmem:$0xBE90] =	vst v0  }
0x9c: {  	[tilespmem:$0xBEA0] =	vst v0  }
0x9d: {  	[tilespmem:$0xBEB0] =	vst v0  }
0x9e: {  	[tilespmem:$0xBEC0] =	vst v0  }
0x9f: {  	[tilespmem:$0xBED0] =	vst v0  }
0xa0: {  	[tilespmem:$0xBEE0] =	vst v0  }
0xa1: {  	[tilespmem:$0xBEF0] =	vst v0  }
0xa2: {  	[tilespmem:$0xBF00] =	vst v0  }
0xa3: {  	[tilespmem:$0xBF10] =	vst v0  }
0xa4: {  	[tilespmem:$0xBF20] =	vst v0  }
0xa5: {  	[tilespmem:$0xBF30] =	vst v0  }
0xa6: {  	[tilespmem:$0xBF40] =	vst v0  }
0xa7: {  	[tilespmem:$0xBF50] =	vst v0  }
0xa8: {  	[tilespmem:$0xBF60] =	vst v0  }
0xa9: {  	[tilespmem:$0xBF70] =	vst v0  }
0xaa: {  	[tilespmem:$0xBF80] =	vst v0  }
0xab: {  	[tilespmem:$0xBF90] =	vst v0  }
0xac: {  	[tilespmem:$0xBFA0] =	vst v0  }
0xad: {  	[tilespmem:$0xBFB0] =	vst v0  }
0xae: {  	[tilespmem:$0xBFC0] =	vst v0  }
0xaf: {  	[tilespmem:$0xBFD0] =	vst v0  }
0xb0: {  	[tilespmem:$0xBFE0] =	vst v0  }
0xb1: {  	[tilespmem:$0xBFF0] =	vst v0  }
0xb2: {  	[tilespmem:$0xC000] =	vst v0  }
0xb3: {  	[tilespmem:$0xC010] =	vst v0  }
0xb4: {  	[tilespmem:$0xC020] =	vst v0  }
0xb5: {  	[tilespmem:$0xC030] =	vst v0  }
0xb6: {  	[tilespmem:$0xC040] =	vst v0  }
0xb7: {  	[tilespmem:$0xC050] =	vst v0  }
0xb8: {  	[tilespmem:$0xC060] =	vst v0  }
0xb9: {  	[tilespmem:$0xC070] =	vst v0  }
0xba: {  	[tilespmem:$0xC080] =	vst v0  }
0xbb: {  	[tilespmem:$0xC090] =	vst v0  }
0xbc: {  	[tilespmem:$0xC0A0] =	vst v0  }
0xbd: {  	[tilespmem:$0xC0B0] =	vst v0  }
0xbe: {  	[tilespmem:$0xC0C0] =	vst v0  }
0xbf: {  	[tilespmem:$0xC0D0] =	vst v0  }
0xc0: {  	[tilespmem:$0xC0E0] =	vst v0  }
0xc1: {  	[tilespmem:$0xC0F0] =	vst v0  }
0xc2: {  	[spmem:s17] =	stream.linear.scatter [tilespmem:s11], [sflag:$0x3], $0x400, $0x38;
	[tilespmem:$0x1FB80] =	vst v63  }
0xc3: {  	_ =	swait.ge [sflag:s9], $0x400  }
0xc4: {  	[sflag:s9] =	ssyncset.done $0x0  }
0xc5: {  	s18 =	rddreg [dreg:$0x1c];
	[sflag:s9] =	ssyncadd.s32 $0xFFFFFC00  }
0xc6: {  	[spmem:s18] =	stream.linear.scatter [tilespmem:s11], [sflag:$0x3], $0x400, $0x38;
	[tilespmem:$0x1FB80] =	vst v63  }
0xc7: {  	_ =	swait.ge [sflag:s9], $0x400  }
0xc8: {  	[sflag:s9] =	ssyncset.done $0x0  }
0xc9: {  	s20 =	rddreg [dreg:$0x1d];
	[sflag:s9] =	ssyncadd.s32 $0xFFFFFC00  }
0xca: {  	[spmem:s20] =	stream.linear.scatter [tilespmem:s11], [sflag:$0x3], $0x400, $0x38;
	[tilespmem:$0x1FB80] =	vst v63  }
0xcb: {  	_ =	swait.ge [sflag:s9], $0x400  }
0xcc: {  	[sflag:s9] =	ssyncset.done $0x0  }
0xcd: {  	s21 =	rddreg [dreg:$0x1e];
	[sflag:s9] =	ssyncadd.s32 $0xFFFFFC00  }
0xce: {  	[spmem:s21] =	stream.linear.scatter [tilespmem:s11], [sflag:$0x3], $0x400, $0x38;
	[tilespmem:$0x1FB80] =	vst v63  }
0xcf: {  	_ =	swait.ge [sflag:s9], $0x400  }
0xd0: {  	[sflag:s9] =	ssyncset.done $0x0  }
0xd1: {  	s19 =	rddreg [dreg:$0x1f];
	[sflag:s9] =	ssyncadd.s32 $0xFFFFFC00  }
0xd2: {  	[spmem:s19] =	stream.linear.scatter [tilespmem:s11], [sflag:$0x3], $0x400, $0x38;
	[tilespmem:$0x1FB80] =	vst v63  }
0xd3: {  	_ =	swait.ge [sflag:s9], $0x400  }
0xd4: {  	s20 =	sld [smem:$0x7BB]  }
0xd5: {  	[sflag:s9] =	ssyncset.done $0x0  }
0xd6: {  	[sflag:s9] =	ssyncadd.s32 $0xFFFFFC00  }
0xd7: {  	[spmem:s20] =	stream.linear.scatter [tilespmem:s11], [sflag:$0x3], $0x400, $0x38;
	[tilespmem:$0x1FB80] =	vst v63  }
0xd8: {  	_ =	swait.ge [sflag:s9], $0x400  }
0xd9: {  	s21 =	sld [smem:$0x7BC]  }
0xda: {  	[sflag:s9] =	ssyncset.done $0x0  }
0xdb: {  	[sflag:s9] =	ssyncadd.s32 $0xFFFFFC00  }
0xdc: {  	[spmem:s21] =	stream.linear.scatter [tilespmem:s11], [sflag:$0x3], $0x400, $0x38;
	[tilespmem:$0x1FB80] =	vst v63  }
0xdd: {  	_ =	swait.ge [sflag:s9], $0x400  }
0xde: {  	s19 =	sld [smem:$0x7BD]  }
0xdf: {  	[sflag:s9] =	ssyncset.done $0x0  }
0xe0: {  	[sflag:s9] =	ssyncadd.s32 $0xFFFFFC00  }
0xe1: {  	[spmem:s19] =	stream.linear.scatter [tilespmem:s11], [sflag:$0x3], $0x400, $0x38;
	[tilespmem:$0x1FB80] =	vst v63  }
0xe2: {  	_ =	swait.ge [sflag:s9], $0x400  }
0xe3: {  	s20 =	sld [smem:$0x7BE]  }
0xe4: {  	[sflag:s9] =	ssyncset.done $0x0  }
0xe5: {  	[sflag:s9] =	ssyncadd.s32 $0xFFFFFC00  }
0xe6: {  	[spmem:s20] =	stream.linear.scatter [tilespmem:s11], [sflag:$0x3], $0x400, $0x38;
	[tilespmem:$0x1FB80] =	vst v63  }
0xe7: {  	_ =	swait.ge [sflag:s9], $0x400  }
0xe8: {  	s21 =	sld [smem:$0x7BF]  }
0xe9: {  	[sflag:s9] =	ssyncset.done $0x0  }
0xea: {  	[sflag:s9] =	ssyncadd.s32 $0xFFFFFC00  }
0xeb: {  	[spmem:s21] =	stream.linear.scatter [tilespmem:s11], [sflag:$0x3], $0x400, $0x38;
	[tilespmem:$0x1FB80] =	vst v63  }
0xec: {  	_ =	swait.ge [sflag:s9], $0x400  }
0xed: {  	[sflag:s9] =	ssyncset.done $0x0  }
0xee: {  	s19 =	rddreg [dreg:$0x11];
	[sflag:s9] =	ssyncadd.s32 $0xFFFFFC00  }
0xef: {  	[spmem:s19] =	stream.linear.scatter [tilespmem:s11], [sflag:$0x3], $0x400, $0x38;
	[tilespmem:$0x1FB80] =	vst v63  }
0xf0: {  	_ =	swait.ge [sflag:s9], $0x400  }
0xf1: {  	s20 =	sld [smem:$0x7C0]  }
0xf2: {  	[sflag:s9] =	ssyncset.done $0x0  }
0xf3: {  	[sflag:s9] =	ssyncadd.s32 $0xFFFFFC00  }
0xf4: {  	[spmem:s20] =	stream.linear.scatter [tilespmem:s11], [sflag:$0x3], $0x400, $0x38;
	[tilespmem:$0x1FB80] =	vst v63  }
0xf5: {  	_ =	swait.ge [sflag:s9], $0x400  }
0xf6: {  	s21 =	sld [smem:$0x7C1]  }
0xf7: {  	[sflag:s9] =	ssyncset.done $0x0  }
0xf8: {  	[sflag:s9] =	ssyncadd.s32 $0xFFFFFC00  }
0xf9: {  	[spmem:s21] =	stream.linear.scatter [tilespmem:s11], [sflag:$0x3], $0x400, $0x38;
	[tilespmem:$0x1FB80] =	vst v63  }
0xfa: {  	_ =	swait.ge [sflag:s9], $0x400  }
0xfb: {  	s19 =	sld [smem:$0x7C2]  }
0xfc: {  	[sflag:s9] =	ssyncset.done $0x0  }
0xfd: {  	[sflag:s9] =	ssyncadd.s32 $0xFFFFFC00  }
0xfe: {  	[spmem:s19] =	stream.linear.scatter [tilespmem:s11], [sflag:$0x3], $0x400, $0x38;
	[tilespmem:$0x1FB80] =	vst v63  }
0xff: {  	_ =	swait.ge [sflag:s9], $0x400  }
0x100: {  	s20 =	sld [smem:$0x7C3]  }
0x101: {  	[sflag:s9] =	ssyncset.done $0x0  }
0x102: {  	[sflag:s9] =	ssyncadd.s32 $0xFFFFFC00  }
0x103: {  	[spmem:s20] =	stream.linear.scatter [tilespmem:s11], [sflag:$0x3], $0x400, $0x38;
	[tilespmem:$0x1FB80] =	vst v63  }
0x104: {  	_ =	swait.ge [sflag:s9], $0x400  }
0x105: {  	s21 =	sld [smem:$0x7C4]  }
0x106: {  	[sflag:s9] =	ssyncset.done $0x0  }
0x107: {  	[sflag:s9] =	ssyncadd.s32 $0xFFFFFC00  }
0x108: {  	[spmem:s21] =	stream.linear.scatter [tilespmem:s11], [sflag:$0x3], $0x400, $0x38;
	[tilespmem:$0x1FB80] =	vst v63  }
0x109: {  	_ =	swait.ge [sflag:s9], $0x400  }
0x10a: {  	s19 =	sld [smem:$0x7C5]  }
0x10b: {  	[sflag:s9] =	ssyncset.done $0x0  }
0x10c: {  	[sflag:s9] =	ssyncadd.s32 $0xFFFFFC00  }
0x10d: {  	[spmem:s19] =	stream.linear.scatter [tilespmem:s11], [sflag:$0x3], $0x400, $0x38;
	[tilespmem:$0x1FB80] =	vst v63  }
0x10e: {  	_ =	swait.ge [sflag:s9], $0x400  }
0x10f: {  	s20 =	sld [smem:$0x7C6]  }
0x110: {  	[sflag:s9] =	ssyncset.done $0x0  }
0x111: {  	[sflag:s9] =	ssyncadd.s32 $0xFFFFFC00  }
0x112: {  	[spmem:s20] =	stream.linear.scatter [tilespmem:s11], [sflag:$0x3], $0x400, $0x38;
	[tilespmem:$0x1FB80] =	vst v63  }
0x113: {  	_ =	swait.ge [sflag:s9], $0x400  }
0x114: {  	s21 =	sld [smem:$0x7C7]  }
0x115: {  	[sflag:s9] =	ssyncset.done $0x0  }
0x116: {  	[sflag:s9] =	ssyncadd.s32 $0xFFFFFC00  }
0x117: {  	[spmem:s21] =	stream.linear.scatter [tilespmem:s11], [sflag:$0x3], $0x400, $0x38;
	[tilespmem:$0x1FB80] =	vst v63  }
0x118: {  	_ =	swait.ge [sflag:s9], $0x400  }
0x119: {  	s19 =	sld [smem:$0x7C8]  }
0x11a: {  	[sflag:s9] =	ssyncset.done $0x0  }
0x11b: {  	[sflag:s9] =	ssyncadd.s32 $0xFFFFFC00  }
0x11c: {  	[spmem:s19] =	stream.linear.scatter [tilespmem:s11], [sflag:$0x3], $0x400, $0x38;
	[tilespmem:$0x1FB80] =	vst v63  }
0x11d: {  	_ =	swait.ge [sflag:s9], $0x400  }
0x11e: {  	[sflag:s9] =	ssyncset.done $0x0  }
0x11f: {  	s20 =	rddreg [dreg:$0x12];
	[sflag:s9] =	ssyncadd.s32 $0xFFFFFC00  }
0x120: {  	[spmem:s20] =	stream.linear.scatter [tilespmem:s11], [sflag:$0x3], $0x400, $0x38;
	[tilespmem:$0x1FB80] =	vst v63  }
0x121: {  	_ =	swait.ge [sflag:s9], $0x400  }
0x122: {  	s21 =	sld [smem:$0x7C9]  }
0x123: {  	[sflag:s9] =	ssyncset.done $0x0  }
0x124: {  	[sflag:s9] =	ssyncadd.s32 $0xFFFFFC00  }
0x125: {  	[spmem:s21] =	stream.linear.scatter [tilespmem:s11], [sflag:$0x3], $0x400, $0x38;
	[tilespmem:$0x1FB80] =	vst v63  }
0x126: {  	_ =	swait.ge [sflag:s9], $0x400  }
0x127: {  	s19 =	sld [smem:$0x7CA]  }
0x128: {  	[sflag:s9] =	ssyncset.done $0x0  }
0x129: {  	[sflag:s9] =	ssyncadd.s32 $0xFFFFFC00  }
0x12a: {  	[spmem:s19] =	stream.linear.scatter [tilespmem:s11], [sflag:$0x3], $0x400, $0x38;
	[tilespmem:$0x1FB80] =	vst v63  }
0x12b: {  	_ =	swait.ge [sflag:s9], $0x400  }
0x12c: {  	s20 =	sld [smem:$0x7CB]  }
0x12d: {  	[sflag:s9] =	ssyncset.done $0x0  }
0x12e: {  	[sflag:s9] =	ssyncadd.s32 $0xFFFFFC00  }
0x12f: {  	[spmem:s20] =	stream.linear.scatter [tilespmem:s11], [sflag:$0x3], $0x400, $0x38;
	[tilespmem:$0x1FB80] =	vst v63  }
0x130: {  	_ =	swait.ge [sflag:s9], $0x400  }
0x131: {  	s21 =	sld [smem:$0x7CC]  }
0x132: {  	[sflag:s9] =	ssyncset.done $0x0  }
0x133: {  	[sflag:s9] =	ssyncadd.s32 $0xFFFFFC00  }
0x134: {  	[spmem:s21] =	stream.linear.scatter [tilespmem:s11], [sflag:$0x3], $0x400, $0x38;
	[tilespmem:$0x1FB80] =	vst v63  }
0x135: {  	_ =	swait.ge [sflag:s9], $0x400  }
0x136: {  	s19 =	sld [smem:$0x7CD]  }
0x137: {  	[sflag:s9] =	ssyncset.done $0x0  }
0x138: {  	[sflag:s9] =	ssyncadd.s32 $0xFFFFFC00  }
0x139: {  	[spmem:s19] =	stream.linear.scatter [tilespmem:s11], [sflag:$0x3], $0x400, $0x38;
	[tilespmem:$0x1FB80] =	vst v63  }
0x13a: {  	_ =	swait.ge [sflag:s9], $0x400  }
0x13b: {  	s20 =	sld [smem:$0x7CE]  }
0x13c: {  	[sflag:s9] =	ssyncset.done $0x0  }
0x13d: {  	[sflag:s9] =	ssyncadd.s32 $0xFFFFFC00  }
0x13e: {  	[spmem:s20] =	stream.linear.scatter [tilespmem:s11], [sflag:$0x3], $0x400, $0x38;
	[tilespmem:$0x1FB80] =	vst v63  }
0x13f: {  	_ =	swait.ge [sflag:s9], $0x400  }
0x140: {  	s21 =	sld [smem:$0x7CF]  }
0x141: {  	[sflag:s9] =	ssyncset.done $0x0  }
0x142: {  	[sflag:s9] =	ssyncadd.s32 $0xFFFFFC00  }
0x143: {  	[spmem:s21] =	stream.linear.scatter [tilespmem:s11], [sflag:$0x3], $0x400, $0x38;
	[tilespmem:$0x1FB80] =	vst v63  }
0x144: {  	_ =	swait.ge [sflag:s9], $0x400  }
0x145: {  	s19 =	sld [smem:$0x7D0]  }
0x146: {  	[sflag:s9] =	ssyncset.done $0x0  }
0x147: {  	[sflag:s9] =	ssyncadd.s32 $0xFFFFFC00  }
0x148: {  	[spmem:s19] =	stream.linear.scatter [tilespmem:s11], [sflag:$0x3], $0x400, $0x38;
	[tilespmem:$0x1FB80] =	vst v63  }
0x149: {  	_ =	swait.ge [sflag:s9], $0x400  }
0x14a: {  	s20 =	sld [smem:$0x7D1]  }
0x14b: {  	[sflag:s9] =	ssyncset.done $0x0  }
0x14c: {  	[sflag:s9] =	ssyncadd.s32 $0xFFFFFC00  }
0x14d: {  	[spmem:s20] =	stream.linear.scatter [tilespmem:s11], [sflag:$0x3], $0x400, $0x38;
	[tilespmem:$0x1FB80] =	vst v63  }
0x14e: {  	_ =	swait.ge [sflag:s9], $0x400  }
0x14f: {  	[sflag:s9] =	ssyncset.done $0x0  }
0x150: {  	s21 =	rddreg [dreg:$0x13];
	[sflag:s9] =	ssyncadd.s32 $0xFFFFFC00  }
0x151: {  	[spmem:s21] =	stream.linear.scatter [tilespmem:s11], [sflag:$0x3], $0x400, $0x38;
	[tilespmem:$0x1FB80] =	vst v63  }
0x152: {  	_ =	swait.ge [sflag:s9], $0x400  }
0x153: {  	s19 =	sld [smem:$0x7D2]  }
0x154: {  	[sflag:s9] =	ssyncset.done $0x0  }
0x155: {  	[sflag:s9] =	ssyncadd.s32 $0xFFFFFC00  }
0x156: {  	[spmem:s19] =	stream.linear.scatter [tilespmem:s11], [sflag:$0x3], $0x400, $0x38;
	[tilespmem:$0x1FB80] =	vst v63  }
0x157: {  	_ =	swait.ge [sflag:s9], $0x400  }
0x158: {  	s20 =	sld [smem:$0x7D3]  }
0x159: {  	[sflag:s9] =	ssyncset.done $0x0  }
0x15a: {  	[sflag:s9] =	ssyncadd.s32 $0xFFFFFC00  }
0x15b: {  	[spmem:s20] =	stream.linear.scatter [tilespmem:s11], [sflag:$0x3], $0x400, $0x38;
	[tilespmem:$0x1FB80] =	vst v63  }
0x15c: {  	_ =	swait.ge [sflag:s9], $0x400  }
0x15d: {  	s21 =	sld [smem:$0x7D4]  }
0x15e: {  	[sflag:s9] =	ssyncset.done $0x0  }
0x15f: {  	[sflag:s9] =	ssyncadd.s32 $0xFFFFFC00  }
0x160: {  	[spmem:s21] =	stream.linear.scatter [tilespmem:s11], [sflag:$0x3], $0x400, $0x38;
	[tilespmem:$0x1FB80] =	vst v63  }
0x161: {  	_ =	swait.ge [sflag:s9], $0x400  }
0x162: {  	s19 =	sld [smem:$0x7D5]  }
0x163: {  	[sflag:s9] =	ssyncset.done $0x0  }
0x164: {  	[sflag:s9] =	ssyncadd.s32 $0xFFFFFC00  }
0x165: {  	[spmem:s19] =	stream.linear.scatter [tilespmem:s11], [sflag:$0x3], $0x400, $0x38;
	[tilespmem:$0x1FB80] =	vst v63  }
0x166: {  	_ =	swait.ge [sflag:s9], $0x400  }
0x167: {  	s20 =	sld [smem:$0x7D6]  }
0x168: {  	[sflag:s9] =	ssyncset.done $0x0  }
0x169: {  	[sflag:s9] =	ssyncadd.s32 $0xFFFFFC00  }
0x16a: {  	[spmem:s20] =	stream.linear.scatter [tilespmem:s11], [sflag:$0x3], $0x400, $0x38;
	[tilespmem:$0x1FB80] =	vst v63  }
0x16b: {  	_ =	swait.ge [sflag:s9], $0x400  }
0x16c: {  	s21 =	sld [smem:$0x7D7]  }
0x16d: {  	[sflag:s9] =	ssyncset.done $0x0  }
0x16e: {  	[sflag:s9] =	ssyncadd.s32 $0xFFFFFC00  }
0x16f: {  	[spmem:s21] =	stream.linear.scatter [tilespmem:s11], [sflag:$0x3], $0x400, $0x38;
	[tilespmem:$0x1FB80] =	vst v63  }
0x170: {  	_ =	swait.ge [sflag:s9], $0x400  }
0x171: {  	s19 =	sld [smem:$0x7D8]  }
0x172: {  	[sflag:s9] =	ssyncset.done $0x0  }
0x173: {  	[sflag:s9] =	ssyncadd.s32 $0xFFFFFC00  }
0x174: {  	[spmem:s19] =	stream.linear.scatter [tilespmem:s11], [sflag:$0x3], $0x400, $0x38;
	[tilespmem:$0x1FB80] =	vst v63  }
0x175: {  	_ =	swait.ge [sflag:s9], $0x400  }
0x176: {  	s20 =	sld [smem:$0x7D9]  }
0x177: {  	[sflag:s9] =	ssyncset.done $0x0  }
0x178: {  	[sflag:s9] =	ssyncadd.s32 $0xFFFFFC00  }
0x179: {  	[spmem:s20] =	stream.linear.scatter [tilespmem:s11], [sflag:$0x3], $0x400, $0x38;
	[tilespmem:$0x1FB80] =	vst v63  }
0x17a: {  	_ =	swait.ge [sflag:s9], $0x400  }
0x17b: {  	s21 =	sld [smem:$0x7DA]  }
0x17c: {  	[sflag:s9] =	ssyncset.done $0x0  }
0x17d: {  	[sflag:s9] =	ssyncadd.s32 $0xFFFFFC00  }
0x17e: {  	[spmem:s21] =	stream.linear.scatter [tilespmem:s11], [sflag:$0x3], $0x400, $0x38;
	[tilespmem:$0x1FB80] =	vst v63  }
0x17f: {  	_ =	swait.ge [sflag:s9], $0x400  }
0x180: {  	[sflag:s9] =	ssyncset.done $0x0  }
0x181: {  	s19 =	rddreg [dreg:$0x19];
	[sflag:s9] =	ssyncadd.s32 $0xFFFFFC00  }
0x182: {  	[spmem:s19] =	stream.linear.scatter [tilespmem:s11], [sflag:$0x3], $0x400, $0x38;
	[tilespmem:$0x1FB80] =	vst v63  }
0x183: {  	_ =	swait.ge [sflag:s9], $0x400  }
0x184: {  	s20 =	sld [smem:$0x7DB]  }
0x185: {  	[sflag:s9] =	ssyncset.done $0x0  }
0x186: {  	[sflag:s9] =	ssyncadd.s32 $0xFFFFFC00  }
0x187: {  	[spmem:s20] =	stream.linear.scatter [tilespmem:s11], [sflag:$0x3], $0x400, $0x38;
	[tilespmem:$0x1FB80] =	vst v63  }
0x188: {  	_ =	swait.ge [sflag:s9], $0x400  }
0x189: {  	s21 =	sld [smem:$0x7DC]  }
0x18a: {  	[sflag:s9] =	ssyncset.done $0x0  }
0x18b: {  	[sflag:s9] =	ssyncadd.s32 $0xFFFFFC00  }
0x18c: {  	[spmem:s21] =	stream.linear.scatter [tilespmem:s11], [sflag:$0x3], $0x400, $0x38;
	[tilespmem:$0x1FB80] =	vst v63  }
0x18d: {  	_ =	swait.ge [sflag:s9], $0x400  }
0x18e: {  	s19 =	sld [smem:$0x7DD]  }
0x18f: {  	[sflag:s9] =	ssyncset.done $0x0  }
0x190: {  	[sflag:s9] =	ssyncadd.s32 $0xFFFFFC00  }
0x191: {  	[spmem:s19] =	stream.linear.scatter [tilespmem:s11], [sflag:$0x3], $0x400, $0x38;
	[tilespmem:$0x1FB80] =	vst v63  }
0x192: {  	_ =	swait.ge [sflag:s9], $0x400  }
0x193: {  	s20 =	sld [smem:$0x7DE]  }
0x194: {  	[sflag:s9] =	ssyncset.done $0x0  }
0x195: {  	[sflag:s9] =	ssyncadd.s32 $0xFFFFFC00  }
0x196: {  	[spmem:s20] =	stream.linear.scatter [tilespmem:s11], [sflag:$0x3], $0x400, $0x38;
	[tilespmem:$0x1FB80] =	vst v63  }
0x197: {  	_ =	swait.ge [sflag:s9], $0x400  }
0x198: {  	s21 =	sld [smem:$0x7DF]  }
0x199: {  	[sflag:s9] =	ssyncset.done $0x0  }
0x19a: {  	[sflag:s9] =	ssyncadd.s32 $0xFFFFFC00  }
0x19b: {  	[spmem:s21] =	stream.linear.scatter [tilespmem:s11], [sflag:$0x3], $0x400, $0x38;
	[tilespmem:$0x1FB80] =	vst v63  }
0x19c: {  	_ =	swait.ge [sflag:s9], $0x400  }
0x19d: {  	s19 =	sld [smem:$0x7E0]  }
0x19e: {  	[sflag:s9] =	ssyncset.done $0x0  }
0x19f: {  	[sflag:s9] =	ssyncadd.s32 $0xFFFFFC00  }
0x1a0: {  	[spmem:s19] =	stream.linear.scatter [tilespmem:s11], [sflag:$0x3], $0x400, $0x38;
	[tilespmem:$0x1FB80] =	vst v63  }
0x1a1: {  	_ =	swait.ge [sflag:s9], $0x400  }
0x1a2: {  	s20 =	sld [smem:$0x7E1]  }
0x1a3: {  	[sflag:s9] =	ssyncset.done $0x0  }
0x1a4: {  	[sflag:s9] =	ssyncadd.s32 $0xFFFFFC00  }
0x1a5: {  	[spmem:s20] =	stream.linear.scatter [tilespmem:s11], [sflag:$0x3], $0x400, $0x38;
	[tilespmem:$0x1FB80] =	vst v63  }
0x1a6: {  	_ =	swait.ge [sflag:s9], $0x400  }
0x1a7: {  	s21 =	sld [smem:$0x7E2]  }
0x1a8: {  	[sflag:s9] =	ssyncset.done $0x0  }
0x1a9: {  	[sflag:s9] =	ssyncadd.s32 $0xFFFFFC00  }
0x1aa: {  	[spmem:s21] =	stream.linear.scatter [tilespmem:s11], [sflag:$0x3], $0x400, $0x38;
	[tilespmem:$0x1FB80] =	vst v63  }
0x1ab: {  	_ =	swait.ge [sflag:s9], $0x400  }
0x1ac: {  	s19 =	sld [smem:$0x7E3]  }
0x1ad: {  	[sflag:s9] =	ssyncset.done $0x0  }
0x1ae: {  	[sflag:s9] =	ssyncadd.s32 $0xFFFFFC00  }
0x1af: {  	[spmem:s19] =	stream.linear.scatter [tilespmem:s11], [sflag:$0x3], $0x400, $0x38;
	[tilespmem:$0x1FB80] =	vst v63  }
0x1b0: {  	_ =	swait.ge [sflag:s9], $0x400  }
0x1b1: {  	[sflag:s9] =	ssyncset.done $0x0  }
0x1b2: {  	[sflag:s9] =	ssyncadd.s32 $0xFFFFFC00  }
0x1b3: {  	[spmem:s22] =	stream.linear.scatter [tilespmem:s11], [sflag:$0x3], $0x400, $0x38;
	[tilespmem:$0x1FB80] =	vst v63  }
0x1b4: {  	_ =	swait.ge [sflag:s9], $0x400  }
0x1b5: {  	s20 =	sld [smem:$0x7E4]  }
0x1b6: {  	[sflag:s9] =	ssyncset.done $0x0  }
0x1b7: {  	[sflag:s9] =	ssyncadd.s32 $0xFFFFFC00  }
0x1b8: {  	[spmem:s20] =	stream.linear.scatter [tilespmem:s11], [sflag:$0x3], $0x400, $0x38;
	[tilespmem:$0x1FB80] =	vst v63  }
0x1b9: {  	_ =	swait.ge [sflag:s9], $0x400  }
0x1ba: {  	s21 =	sld [smem:$0x7E5]  }
0x1bb: {  	[sflag:s9] =	ssyncset.done $0x0  }
0x1bc: {  	[sflag:s9] =	ssyncadd.s32 $0xFFFFFC00  }
0x1bd: {  	[spmem:s21] =	stream.linear.scatter [tilespmem:s11], [sflag:$0x3], $0x400, $0x38;
	[tilespmem:$0x1FB80] =	vst v63  }
0x1be: {  	_ =	swait.ge [sflag:s9], $0x400  }
0x1bf: {  	s19 =	sld [smem:$0x7E6]  }
0x1c0: {  	[sflag:s9] =	ssyncset.done $0x0  }
0x1c1: {  	[sflag:s9] =	ssyncadd.s32 $0xFFFFFC00  }
0x1c2: {  	[spmem:s19] =	stream.linear.scatter [tilespmem:s11], [sflag:$0x3], $0x400, $0x38;
	[tilespmem:$0x1FB80] =	vst v63  }
0x1c3: {  	_ =	swait.ge [sflag:s9], $0x400  }
0x1c4: {  	s20 =	sld [smem:$0x7E7]  }
0x1c5: {  	[sflag:s9] =	ssyncset.done $0x0  }
0x1c6: {  	[sflag:s9] =	ssyncadd.s32 $0xFFFFFC00  }
0x1c7: {  	[spmem:s20] =	stream.linear.scatter [tilespmem:s11], [sflag:$0x3], $0x400, $0x38;
	[tilespmem:$0x1FB80] =	vst v63  }
0x1c8: {  	_ =	swait.ge [sflag:s9], $0x400  }
0x1c9: {  	s21 =	sld [smem:$0x7E8]  }
0x1ca: {  	[sflag:s9] =	ssyncset.done $0x0  }
0x1cb: {  	[sflag:s9] =	ssyncadd.s32 $0xFFFFFC00  }
0x1cc: {  	[spmem:s21] =	stream.linear.scatter [tilespmem:s11], [sflag:$0x3], $0x400, $0x38;
	[tilespmem:$0x1FB80] =	vst v63  }
0x1cd: {  	_ =	swait.ge [sflag:s9], $0x400  }
0x1ce: {  	s19 =	sld [smem:$0x7E9]  }
0x1cf: {  	[sflag:s9] =	ssyncset.done $0x0  }
0x1d0: {  	[sflag:s9] =	ssyncadd.s32 $0xFFFFFC00  }
0x1d1: {  	[spmem:s19] =	stream.linear.scatter [tilespmem:s11], [sflag:$0x3], $0x400, $0x38;
	[tilespmem:$0x1FB80] =	vst v63  }
0x1d2: {  	_ =	swait.ge [sflag:s9], $0x400  }
0x1d3: {  	s20 =	sld [smem:$0x7EA]  }
0x1d4: {  	[sflag:s9] =	ssyncset.done $0x0  }
0x1d5: {  	[sflag:s9] =	ssyncadd.s32 $0xFFFFFC00  }
0x1d6: {  	[spmem:s20] =	stream.linear.scatter [tilespmem:s11], [sflag:$0x3], $0x400, $0x38;
	[tilespmem:$0x1FB80] =	vst v63  }
0x1d7: {  	_ =	swait.ge [sflag:s9], $0x400  }
0x1d8: {  	s21 =	sld [smem:$0x7EB]  }
0x1d9: {  	[sflag:s9] =	ssyncset.done $0x0  }
0x1da: {  	[sflag:s9] =	ssyncadd.s32 $0xFFFFFC00  }
0x1db: {  	[spmem:s21] =	stream.linear.scatter [tilespmem:s11], [sflag:$0x3], $0x400, $0x38;
	[tilespmem:$0x1FB80] =	vst v63  }
0x1dc: {  	_ =	swait.ge [sflag:s9], $0x400  }
0x1dd: {  	s19 =	sld [smem:$0x7EC]  }
0x1de: {  	[sflag:s9] =	ssyncset.done $0x0  }
0x1df: {  	[sflag:s9] =	ssyncadd.s32 $0xFFFFFC00  }
0x1e0: {  	[spmem:s19] =	stream.linear.scatter [tilespmem:s11], [sflag:$0x3], $0x400, $0x38;
	[tilespmem:$0x1FB80] =	vst v63  }
0x1e1: {  	_ =	swait.ge [sflag:s9], $0x400  }
0x1e2: {  	[sflag:s9] =	ssyncset.done $0x0  }
0x1e3: {  	[sflag:s9] =	ssyncadd.s32 $0xFFFFFC00  }
0x1e4: {  	[spmem:s23] =	stream.linear.scatter [tilespmem:s11], [sflag:$0x3], $0x400, $0x38;
	[tilespmem:$0x1FB80] =	vst v63  }
0x1e5: {  	_ =	swait.ge [sflag:s9], $0x400  }
0x1e6: {  	s20 =	sld [smem:$0x7ED]  }
0x1e7: {  	[sflag:s9] =	ssyncset.done $0x0  }
0x1e8: {  	[sflag:s9] =	ssyncadd.s32 $0xFFFFFC00  }
0x1e9: {  	[spmem:s20] =	stream.linear.scatter [tilespmem:s11], [sflag:$0x3], $0x400, $0x38;
	[tilespmem:$0x1FB80] =	vst v63  }
0x1ea: {  	_ =	swait.ge [sflag:s9], $0x400  }
0x1eb: {  	s21 =	sld [smem:$0x7EE]  }
0x1ec: {  	[sflag:s9] =	ssyncset.done $0x0  }
0x1ed: {  	[sflag:s9] =	ssyncadd.s32 $0xFFFFFC00  }
0x1ee: {  	[spmem:s21] =	stream.linear.scatter [tilespmem:s11], [sflag:$0x3], $0x400, $0x38;
	[tilespmem:$0x1FB80] =	vst v63  }
0x1ef: {  	_ =	swait.ge [sflag:s9], $0x400  }
0x1f0: {  	s19 =	sld [smem:$0x7EF]  }
0x1f1: {  	[sflag:s9] =	ssyncset.done $0x0  }
0x1f2: {  	[sflag:s9] =	ssyncadd.s32 $0xFFFFFC00  }
0x1f3: {  	[spmem:s19] =	stream.linear.scatter [tilespmem:s11], [sflag:$0x3], $0x400, $0x38;
	[tilespmem:$0x1FB80] =	vst v63  }
0x1f4: {  	_ =	swait.ge [sflag:s9], $0x400  }
0x1f5: {  	s20 =	sld [smem:$0x7F0]  }
0x1f6: {  	[sflag:s9] =	ssyncset.done $0x0  }
0x1f7: {  	[sflag:s9] =	ssyncadd.s32 $0xFFFFFC00  }
0x1f8: {  	[spmem:s20] =	stream.linear.scatter [tilespmem:s11], [sflag:$0x3], $0x400, $0x38;
	[tilespmem:$0x1FB80] =	vst v63  }
0x1f9: {  	_ =	swait.ge [sflag:s9], $0x400  }
0x1fa: {  	s21 =	sld [smem:$0x7F1]  }
0x1fb: {  	[sflag:s9] =	ssyncset.done $0x0  }
0x1fc: {  	[sflag:s9] =	ssyncadd.s32 $0xFFFFFC00  }
0x1fd: {  	[spmem:s21] =	stream.linear.scatter [tilespmem:s11], [sflag:$0x3], $0x400, $0x38;
	[tilespmem:$0x1FB80] =	vst v63  }
0x1fe: {  	_ =	swait.ge [sflag:s9], $0x400  }
0x1ff: {  	s19 =	sld [smem:$0x7F2]  }
0x200: {  	[sflag:s9] =	ssyncset.done $0x0  }
0x201: {  	[sflag:s9] =	ssyncadd.s32 $0xFFFFFC00  }
0x202: {  	[spmem:s19] =	stream.linear.scatter [tilespmem:s11], [sflag:$0x3], $0x400, $0x38;
	[tilespmem:$0x1FB80] =	vst v63  }
0x203: {  	_ =	swait.ge [sflag:s9], $0x400  }
0x204: {  	s20 =	sld [smem:$0x7F3]  }
0x205: {  	[sflag:s9] =	ssyncset.done $0x0  }
0x206: {  	[sflag:s9] =	ssyncadd.s32 $0xFFFFFC00  }
0x207: {  	[spmem:s20] =	stream.linear.scatter [tilespmem:s11], [sflag:$0x3], $0x400, $0x38;
	[tilespmem:$0x1FB80] =	vst v63  }
0x208: {  	_ =	swait.ge [sflag:s9], $0x400  }
0x209: {  	s21 =	sld [smem:$0x7F4]  }
0x20a: {  	[sflag:s9] =	ssyncset.done $0x0  }
0x20b: {  	[sflag:s9] =	ssyncadd.s32 $0xFFFFFC00  }
0x20c: {  	[spmem:s21] =	stream.linear.scatter [tilespmem:s11], [sflag:$0x3], $0x400, $0x38;
	[tilespmem:$0x1FB80] =	vst v63  }
0x20d: {  	_ =	swait.ge [sflag:s9], $0x400  }
0x20e: {  	s19 =	sld [smem:$0x7F5]  }
0x20f: {  	[sflag:s9] =	ssyncset.done $0x0  }
0x210: {  	[sflag:s9] =	ssyncadd.s32 $0xFFFFFC00  }
0x211: {  	[spmem:s19] =	stream.linear.scatter [tilespmem:s11], [sflag:$0x3], $0x400, $0x38;
	[tilespmem:$0x1FB80] =	vst v63  }
0x212: {  	_ =	swait.ge [sflag:s9], $0x400  }
0x213: {  	[sflag:s9] =	ssyncset.done $0x0  }
0x214: {  	[sflag:s9] =	ssyncadd.s32 $0xFFFFFC00  }
0x215: {  	[spmem:s24] =	stream.linear.scatter [tilespmem:s11], [sflag:$0x3], $0x400, $0x38;
	[tilespmem:$0x1FB80] =	vst v63  }
0x216: {  	_ =	swait.ge [sflag:s9], $0x400  }
0x217: {  	s20 =	sld [smem:$0x7F6]  }
0x218: {  	[sflag:s9] =	ssyncset.done $0x0  }
0x219: {  	[sflag:s9] =	ssyncadd.s32 $0xFFFFFC00  }
0x21a: {  	[spmem:s20] =	stream.linear.scatter [tilespmem:s11], [sflag:$0x3], $0x400, $0x38;
	[tilespmem:$0x1FB80] =	vst v63  }
0x21b: {  	_ =	swait.ge [sflag:s9], $0x400  }
0x21c: {  	s21 =	sld [smem:$0x7F7]  }
0x21d: {  	[sflag:s9] =	ssyncset.done $0x0  }
0x21e: {  	[sflag:s9] =	ssyncadd.s32 $0xFFFFFC00  }
0x21f: {  	[spmem:s21] =	stream.linear.scatter [tilespmem:s11], [sflag:$0x3], $0x400, $0x38;
	[tilespmem:$0x1FB80] =	vst v63  }
0x220: {  	_ =	swait.ge [sflag:s9], $0x400  }
0x221: {  	s19 =	sld [smem:$0x7F8]  }
0x222: {  	[sflag:s9] =	ssyncset.done $0x0  }
0x223: {  	[sflag:s9] =	ssyncadd.s32 $0xFFFFFC00  }
0x224: {  	[spmem:s19] =	stream.linear.scatter [tilespmem:s11], [sflag:$0x3], $0x400, $0x38;
	[tilespmem:$0x1FB80] =	vst v63  }
0x225: {  	_ =	swait.ge [sflag:s9], $0x400  }
0x226: {  	s20 =	sld [smem:$0x7F9]  }
0x227: {  	[sflag:s9] =	ssyncset.done $0x0  }
0x228: {  	[sflag:s9] =	ssyncadd.s32 $0xFFFFFC00  }
0x229: {  	[spmem:s20] =	stream.linear.scatter [tilespmem:s11], [sflag:$0x3], $0x400, $0x38;
	[tilespmem:$0x1FB80] =	vst v63  }
0x22a: {  	_ =	swait.ge [sflag:s9], $0x400  }
0x22b: {  	s21 =	sld [smem:$0x7FA]  }
0x22c: {  	[sflag:s9] =	ssyncset.done $0x0  }
0x22d: {  	[sflag:s9] =	ssyncadd.s32 $0xFFFFFC00  }
0x22e: {  	[spmem:s21] =	stream.linear.scatter [tilespmem:s11], [sflag:$0x3], $0x400, $0x38;
	[tilespmem:$0x1FB80] =	vst v63  }
0x22f: {  	_ =	swait.ge [sflag:s9], $0x400  }
0x230: {  	s19 =	sld [smem:$0x7FB]  }
0x231: {  	[sflag:s9] =	ssyncset.done $0x0  }
0x232: {  	[sflag:s9] =	ssyncadd.s32 $0xFFFFFC00  }
0x233: {  	[spmem:s19] =	stream.linear.scatter [tilespmem:s11], [sflag:$0x3], $0x400, $0x38;
	[tilespmem:$0x1FB80] =	vst v63  }
0x234: {  	_ =	swait.ge [sflag:s9], $0x400  }
0x235: {  	s20 =	sld [smem:$0x7FC]  }
0x236: {  	[sflag:s9] =	ssyncset.done $0x0  }
0x237: {  	[sflag:s9] =	ssyncadd.s32 $0xFFFFFC00  }
0x238: {  	[spmem:s20] =	stream.linear.scatter [tilespmem:s11], [sflag:$0x3], $0x400, $0x38;
	[tilespmem:$0x1FB80] =	vst v63  }
0x239: {  	_ =	swait.ge [sflag:s9], $0x400  }
0x23a: {  	[sflag:s9] =	ssyncset.done $0x0  }
0x23b: {  	s18 =	simm.s32 @!p0 $0xBD00;
	s19 =	simm.s32 @!p0 $0x3;
	[sflag:s9] =	ssyncadd.s32 $0xFFFFFC00  }
0x23c: {  	[spmem:s10] =	stream.linear.scatter @!p0 [tilespmem:s18], [sflag:$0x3], $0x400, $0x38;
	[tilespmem:$0x1FB80] =	vst v63  }
0x23d: {  	_ =	swait.ge @!p0 [sflag:s19], $0x400  }
0x23e: {  	s20 =	sld [smem:$0x7FD]  }
0x23f: {  	[sflag:s19] =	ssyncset.done @!p0 $0x0  }
0x240: {  	[sflag:s19] =	ssyncadd.s32 @!p0 $0xFFFFFC00  }
0x241: {  	[spmem:s20] =	stream.linear.scatter @!p0 [tilespmem:s18], [sflag:$0x3], $0x400, $0x38;
	[tilespmem:$0x1FB80] =	vst v63  }
0x242: {  	_ =	swait.ge @!p0 [sflag:s19], $0x400  }
0x243: {  	[sflag:s19] =	ssyncset.done @!p0 $0x0  }
0x244: {  	[sflag:s19] =	ssyncadd.s32 @!p0 $0xFFFFFC00  }
0x245: {  	[bflag:$0x0] =	sbarrier.arrive $0xFFFF  }
0x246: {  	s18 =	simm.s32 $0x0;
	s21 =	rddreg [dreg:$0x14]  }
0x247: {  	[tilespmem:s14], [sflag:$0x3] =	stream.linear.gather [hbm4b:s21+s18], $0x50, $0x38;
	[tilespmem:$0x1FB80] =	vst v63  }
0x248: {  	_ =	swait.ge [sflag:s9], $0x50  }
0x249: {  	[sflag:s9] =	ssyncset.done $0x0  }
0x24a: {  	s19 =	rddreg [dreg:$0x1b];
	[sflag:s9] =	ssyncadd.s32 $0xFFFFFFB0  }
0x24b: {  	[tilespmem:s16], [sflag:$0x1] =	stream.indirect.gather [hbm4b:s0+s15], $0x80, s14, s15, $0xb8;
	[tilespmem:$0x1FB80] =	vst v63  }
.LBB2_4:
0x24c: {  	_ =	swait.ge [sflag:s25], $0x2800  }
0x24d: {  	[sflag:s25] =	ssyncset.done $0x0  }
0x24e: {  	s20 =	sadd.s32 s18, s6;
	[sflag:s25] =	ssyncadd.s32 $0xFFFFD800  }
0x24f: {  	[tilespmem:s26], [sflag:$0x3] =	stream.linear.gather [hbm4b:s20+s2], $0x50, $0x38;
	[tilespmem:$0x1FB80] =	vst v63  }
0x250: {  	_ =	swait.ge [sflag:s9], $0x50  }
0x251: {  	[sflag:s9] =	ssyncset.done $0x0  }
0x252: {  	[sflag:s9] =	ssyncadd.s32 $0xFFFFFFB0  }
0x253: {  	[tilespmem:s28], [sflag:$0x2] =	stream.indirect.gather [hbm4b:s0+s15], $0x80, s26, s15, $0xb8;
	[tilespmem:$0x1FB80] =	vst v63  }
0x254: {  	s21 =	sadd.s32 s18, s4  }
0x255: {  	[tilespmem:s29], [sflag:$0x3] =	stream.linear.gather [hbm4b:s21+s2], $0x50, $0x38;
	[tilespmem:$0x1FB80] =	vst v63  }
0x256: {  	_ =	swait.ge [sflag:s9], $0x50  }
0x257: {  	[sflag:s9] =	ssyncset.done $0x0  }
0x258: {  	s21 =	sadd.s32 s18, s3;
	[sflag:s9] =	ssyncadd.s32 $0xFFFFFFB0  }
0x259: {  	[tilespmem:s30], [sflag:$0x3] =	stream.linear.gather [hbm4b:s21+s2], $0x50, $0x38;
	[tilespmem:$0x1FB80] =	vst v63  }
0x25a: {  	_ =	swait.ge [sflag:s9], $0x50  }
0x25b: {  	[sflag:s9] =	ssyncset.done $0x0  }
0x25c: {  	[sflag:s9] =	ssyncadd.s32 $0xFFFFFFB0  }
0x25d: {  	v1 =	vld [tilespmem:$0xC200];
	_ =	sdelay $0x7  }
0x25e: {  	v2 =	vld.idx.msk [tilespmem:v1+s2+$0x0], $0xffff;
	_ =	sdelay $0x4  }
0x25f: {  	v2 =	vand.u32 $0xFFFFFFFC, v2  }
0x260: {  	v3 =	vadd.f32 $0.0e+00, v2;
	_ =	sdelay $0x1  }
0x261: {  	v4 =	vmul.f32 $-1.000000010e-01, v3  }
0x262: {  	vm0 =	vge.f32 v2, $0.0e+00  }
0x263: {  	v2 =	vsel vm0, v3, v4  }
0x264: {  	v2 =	vmul.f32 $1.442695020e+00, v2;
	_ =	sdelay $0x1  }
0x265: {  	(erf) = vpow2.f32 v2;
	_ =	sdelay $0x8  }
0x266: {  	v2 =	vpop (erf)  }
0x267: {  	[tilespmem:v1+s31+$0x0] =	vst.idx.add.f32.msk $0xffff, v2  }
0x268: {  	v1 =	vld [tilespmem:$0xC210];
	_ =	sdelay $0x7  }
0x269: {  	v2 =	vld.idx.msk [tilespmem:v1+s2+$0x0], $0xffff;
	_ =	sdelay $0x4  }
0x26a: {  	v2 =	vand.u32 $0xFFFFFFFC, v2  }
0x26b: {  	v3 =	vadd.f32 $0.0e+00, v2;
	_ =	sdelay $0x1  }
0x26c: {  	v55 =	vmul.f32 $-1.000000010e-01, v3  }
0x26d: {  	vm7 =	vge.f32 v2, $0.0e+00  }
0x26e: {  	v2 =	vsel vm7, v3, v55  }
0x26f: {  	v2 =	vmul.f32 $1.442695020e+00, v2;
	_ =	sdelay $0x1  }
0x270: {  	(erf) = vpow2.f32 v2;
	_ =	sdelay $0x8  }
0x271: {  	v2 =	vpop (erf)  }
0x272: {  	[tilespmem:v1+s31+$0x0] =	vst.idx.add.f32.msk $0xffff, v2  }
0x273: {  	v1 =	vld [tilespmem:$0xC220];
	_ =	sdelay $0x7  }
0x274: {  	v2 =	vld.idx.msk [tilespmem:v1+s2+$0x0], $0xffff;
	_ =	sdelay $0x4  }
0x275: {  	v2 =	vand.u32 $0xFFFFFFFC, v2  }
0x276: {  	v3 =	vadd.f32 $0.0e+00, v2;
	_ =	sdelay $0x1  }
0x277: {  	v56 =	vmul.f32 $-1.000000010e-01, v3  }
0x278: {  	vm8 =	vge.f32 v2, $0.0e+00  }
0x279: {  	v2 =	vsel vm8, v3, v56  }
0x27a: {  	v2 =	vmul.f32 $1.442695020e+00, v2;
	_ =	sdelay $0x1  }
0x27b: {  	(erf) = vpow2.f32 v2;
	_ =	sdelay $0x8  }
0x27c: {  	v2 =	vpop (erf)  }
0x27d: {  	[tilespmem:v1+s31+$0x0] =	vst.idx.add.f32.msk $0xffff, v2  }
0x27e: {  	v1 =	vld [tilespmem:$0xC230];
	_ =	sdelay $0x7  }
0x27f: {  	v2 =	vld.idx.msk [tilespmem:v1+s2+$0x0], $0xffff;
	_ =	sdelay $0x4  }
0x280: {  	v2 =	vand.u32 $0xFFFFFFFC, v2  }
0x281: {  	v3 =	vadd.f32 $0.0e+00, v2;
	_ =	sdelay $0x1  }
0x282: {  	v57 =	vmul.f32 $-1.000000010e-01, v3  }
0x283: {  	vm9 =	vge.f32 v2, $0.0e+00  }
0x284: {  	v2 =	vsel vm9, v3, v57  }
0x285: {  	v2 =	vmul.f32 $1.442695020e+00, v2;
	_ =	sdelay $0x1  }
0x286: {  	(erf) = vpow2.f32 v2;
	_ =	sdelay $0x8  }
0x287: {  	v2 =	vpop (erf)  }
0x288: {  	[tilespmem:v1+s31+$0x0] =	vst.idx.add.f32.msk $0xffff, v2  }
0x289: {  	v1 =	vld [tilespmem:$0xC240];
	_ =	sdelay $0x7  }
0x28a: {  	v2 =	vld.idx.msk [tilespmem:v1+s2+$0x0], $0xffff;
	_ =	sdelay $0x4  }
0x28b: {  	v2 =	vand.u32 $0xFFFFFFFC, v2  }
0x28c: {  	v3 =	vadd.f32 $0.0e+00, v2;
	_ =	sdelay $0x1  }
0x28d: {  	v58 =	vmul.f32 $-1.000000010e-01, v3  }
0x28e: {  	vm10 =	vge.f32 v2, $0.0e+00  }
0x28f: {  	v2 =	vsel vm10, v3, v58  }
0x290: {  	v2 =	vmul.f32 $1.442695020e+00, v2;
	_ =	sdelay $0x1  }
0x291: {  	(erf) = vpow2.f32 v2;
	_ =	sdelay $0x8  }
0x292: {  	v2 =	vpop (erf)  }
0x293: {  	[tilespmem:v1+s31+$0x0] =	vst.idx.add.f32.msk $0xffff, v2  }
0x294: {  	[spmem:s12] =	stream.indirect.scatter.add.f32 [tilespmem:s16], [sflag:$0x3], $0x80, s29, s15, $0xb8;
	[tilespmem:$0x1FB80] =	vst v63  }
0x295: {  	_ =	swait.ge [sflag:s9], $0x2800  }
0x296: {  	[sflag:s9] =	ssyncset.done $0x0  }
0x297: {  	[sflag:s9] =	ssyncadd.s32 $0xFFFFD800  }
0x298: {  	_ =	swait.ge [sflag:s7], $0x2800  }
0x299: {  	s21 =	sshrl.u32 s19, $0x3;
	[sflag:s7] =	ssyncset.done $0x0  }
0x29a: {  	s20 =	sadd.s32 s13, s21;
	[sflag:s7] =	ssyncadd.s32 $0xFFFFD800  }
0x29b: {  	[tilespmem:s14], [sflag:$0x3] =	stream.linear.gather [hbm4b:s20+s2], $0x50, $0x38;
	[tilespmem:$0x1FB80] =	vst v63  }
0x29c: {  	_ =	swait.ge [sflag:s9], $0x50  }
0x29d: {  	[sflag:s9] =	ssyncset.done $0x0  }
0x29e: {  	[sflag:s9] =	ssyncadd.s32 $0xFFFFFFB0  }
0x29f: {  	[tilespmem:s16], [sflag:$0x1] =	stream.indirect.gather [hbm4b:s0+s15], $0x80, s14, s15, $0xb8;
	[tilespmem:$0x1FB80] =	vst v63  }
0x2a0: {  	s21 =	sadd.s32 s18, s5  }
0x2a1: {  	[tilespmem:s29], [sflag:$0x3] =	stream.linear.gather [hbm4b:s21+s2], $0x50, $0x38;
	[tilespmem:$0x1FB80] =	vst v63  }
0x2a2: {  	_ =	swait.ge [sflag:s9], $0x50  }
0x2a3: {  	[sflag:s9] =	ssyncset.done $0x0  }
0x2a4: {  	s21 =	sadd.s32 s18, s1;
	[sflag:s9] =	ssyncadd.s32 $0xFFFFFFB0  }
0x2a5: {  	[tilespmem:s30], [sflag:$0x3] =	stream.linear.gather [hbm4b:s21+s2], $0x50, $0x38;
	[tilespmem:$0x1FB80] =	vst v63  }
0x2a6: {  	_ =	swait.ge [sflag:s9], $0x50  }
0x2a7: {  	[sflag:s9] =	ssyncset.done $0x0  }
0x2a8: {  	[sflag:s9] =	ssyncadd.s32 $0xFFFFFFB0  }
0x2a9: {  	v1 =	vld [tilespmem:$0xC200];
	_ =	sdelay $0x7  }
0x2aa: {  	v2 =	vld.idx.msk [tilespmem:v1+s2+$0x0], $0xffff;
	_ =	sdelay $0x4  }
0x2ab: {  	v2 =	vand.u32 $0xFFFFFFFC, v2  }
0x2ac: {  	v3 =	vadd.f32 $0.0e+00, v2;
	_ =	sdelay $0x1  }
0x2ad: {  	v59 =	vmul.f32 $-1.000000010e-01, v3  }
0x2ae: {  	vm11 =	vge.f32 v2, $0.0e+00  }
0x2af: {  	v2 =	vsel vm11, v3, v59  }
0x2b0: {  	v2 =	vmul.f32 $1.442695020e+00, v2;
	_ =	sdelay $0x1  }
0x2b1: {  	(erf) = vpow2.f32 v2;
	_ =	sdelay $0x8  }
0x2b2: {  	v2 =	vpop (erf)  }
0x2b3: {  	[tilespmem:v1+s31+$0x0] =	vst.idx.add.f32.msk $0xffff, v2  }
0x2b4: {  	v1 =	vld [tilespmem:$0xC210];
	_ =	sdelay $0x7  }
0x2b5: {  	v2 =	vld.idx.msk [tilespmem:v1+s2+$0x0], $0xffff;
	_ =	sdelay $0x4  }
0x2b6: {  	v2 =	vand.u32 $0xFFFFFFFC, v2  }
0x2b7: {  	v3 =	vadd.f32 $0.0e+00, v2;
	_ =	sdelay $0x1  }
0x2b8: {  	v60 =	vmul.f32 $-1.000000010e-01, v3  }
0x2b9: {  	vm12 =	vge.f32 v2, $0.0e+00  }
0x2ba: {  	v2 =	vsel vm12, v3, v60  }
0x2bb: {  	v2 =	vmul.f32 $1.442695020e+00, v2;
	_ =	sdelay $0x1  }
0x2bc: {  	(erf) = vpow2.f32 v2;
	_ =	sdelay $0x8  }
0x2bd: {  	v2 =	vpop (erf)  }
0x2be: {  	[tilespmem:v1+s31+$0x0] =	vst.idx.add.f32.msk $0xffff, v2  }
0x2bf: {  	v1 =	vld [tilespmem:$0xC220];
	_ =	sdelay $0x7  }
0x2c0: {  	v2 =	vld.idx.msk [tilespmem:v1+s2+$0x0], $0xffff;
	_ =	sdelay $0x4  }
0x2c1: {  	v2 =	vand.u32 $0xFFFFFFFC, v2  }
0x2c2: {  	v3 =	vadd.f32 $0.0e+00, v2;
	_ =	sdelay $0x1  }
0x2c3: {  	v61 =	vmul.f32 $-1.000000010e-01, v3  }
0x2c4: {  	vm13 =	vge.f32 v2, $0.0e+00  }
0x2c5: {  	v2 =	vsel vm13, v3, v61  }
0x2c6: {  	v2 =	vmul.f32 $1.442695020e+00, v2;
	_ =	sdelay $0x1  }
0x2c7: {  	(erf) = vpow2.f32 v2;
	_ =	sdelay $0x8  }
0x2c8: {  	v2 =	vpop (erf)  }
0x2c9: {  	[tilespmem:v1+s31+$0x0] =	vst.idx.add.f32.msk $0xffff, v2  }
0x2ca: {  	v1 =	vld [tilespmem:$0xC230];
	_ =	sdelay $0x7  }
0x2cb: {  	v2 =	vld.idx.msk [tilespmem:v1+s2+$0x0], $0xffff;
	_ =	sdelay $0x4  }
0x2cc: {  	v2 =	vand.u32 $0xFFFFFFFC, v2  }
0x2cd: {  	v3 =	vadd.f32 $0.0e+00, v2;
	_ =	sdelay $0x1  }
0x2ce: {  	v62 =	vmul.f32 $-1.000000010e-01, v3  }
0x2cf: {  	vm14 =	vge.f32 v2, $0.0e+00  }
0x2d0: {  	v2 =	vsel vm14, v3, v62  }
0x2d1: {  	v2 =	vmul.f32 $1.442695020e+00, v2;
	_ =	sdelay $0x1  }
0x2d2: {  	(erf) = vpow2.f32 v2;
	_ =	sdelay $0x8  }
0x2d3: {  	v2 =	vpop (erf)  }
0x2d4: {  	[tilespmem:v1+s31+$0x0] =	vst.idx.add.f32.msk $0xffff, v2  }
0x2d5: {  	v1 =	vld [tilespmem:$0xC240];
	_ =	sdelay $0x7  }
0x2d6: {  	v2 =	vld.idx.msk [tilespmem:v1+s2+$0x0], $0xffff;
	_ =	sdelay $0x4  }
0x2d7: {  	v2 =	vand.u32 $0xFFFFFFFC, v2  }
0x2d8: {  	v3 =	vadd.f32 $0.0e+00, v2;
	_ =	sdelay $0x1  }
0x2d9: {  	v63 =	vmul.f32 $-1.000000010e-01, v3  }
0x2da: {  	vm15 =	vge.f32 v2, $0.0e+00  }
0x2db: {  	v2 =	vsel vm15, v3, v63  }
0x2dc: {  	v2 =	vmul.f32 $1.442695020e+00, v2;
	_ =	sdelay $0x1  }
0x2dd: {  	(erf) = vpow2.f32 v2;
	_ =	sdelay $0x8  }
0x2de: {  	p1 =	sne.s32 s18, $0x4C4;
	v2 =	vpop (erf)  }
.Ltmp1:
0x2df: {  	[tilespmem:v1+s31+$0x0] =	vst.idx.add.f32.msk $0xffff, v2;
	(pc) =	sbr.rel @p1 .LBB2_4-.Ltmp1, $4  }
0x2e0: {  	[spmem:s12] =	stream.indirect.scatter.add.f32 [tilespmem:s28], [sflag:$0x3], $0x80, s29, s15, $0xb8;
	[tilespmem:$0x1FB80] =	vst v63  }
0x2e1: {  	_ =	swait.ge [sflag:s9], $0x2800  }
0x2e2: {  	[sflag:s9] =	ssyncset.done $0x0  }
0x2e3: {  	s19 =	sadd.s32 $0xA0, s19;
	s18 =	sadd.s32 $0x14, s18;
	[sflag:s9] =	ssyncadd.s32 $0xFFFFD800  }
0x2e4: {  	_ =	swait.ge [sflag:s25], $0x2800  }
0x2e5: {  	[sflag:s25] =	ssyncset.done $0x0  }
0x2e6: {  	s18 =	rddreg [dreg:$0x15];
	[sflag:s25] =	ssyncadd.s32 $0xFFFFD800  }
0x2e7: {  	[tilespmem:s29], [sflag:$0x3] =	stream.linear.gather [hbm4b:s18+s2], $0x50, $0x38;
	[tilespmem:$0x1FB80] =	vst v63  }
0x2e8: {  	_ =	swait.ge [sflag:s9], $0x50  }
0x2e9: {  	[sflag:s9] =	ssyncset.done $0x0  }
0x2ea: {  	s19 =	rddreg [dreg:$0x16];
	[sflag:s9] =	ssyncadd.s32 $0xFFFFFFB0  }
0x2eb: {  	[tilespmem:s30], [sflag:$0x3] =	stream.linear.gather [hbm4b:s19+s2], $0x50, $0x38;
	[tilespmem:$0x1FB80] =	vst v63  }
0x2ec: {  	_ =	swait.ge [sflag:s9], $0x50  }
0x2ed: {  	[sflag:s9] =	ssyncset.done $0x0  }
0x2ee: {  	[sflag:s9] =	ssyncadd.s32 $0xFFFFFFB0  }
0x2ef: {  	v1 =	vld [tilespmem:$0xC200];
	_ =	sdelay $0x7  }
0x2f0: {  	v2 =	vld.idx.msk [tilespmem:v1+s2+$0x0], $0xffff;
	_ =	sdelay $0x4  }
0x2f1: {  	v2 =	vand.u32 $0xFFFFFFFC, v2  }
0x2f2: {  	v3 =	vadd.f32 $0.0e+00, v2;
	_ =	sdelay $0x1  }
0x2f3: {  	v4 =	vmul.f32 $-1.000000010e-01, v3  }
0x2f4: {  	vm0 =	vge.f32 v2, $0.0e+00  }
0x2f5: {  	v2 =	vsel vm0, v3, v4  }
0x2f6: {  	v2 =	vmul.f32 $1.442695020e+00, v2;
	_ =	sdelay $0x1  }
0x2f7: {  	(erf) = vpow2.f32 v2;
	_ =	sdelay $0x8  }
0x2f8: {  	v2 =	vpop (erf)  }
0x2f9: {  	[tilespmem:v1+s31+$0x0] =	vst.idx.add.f32.msk $0xffff, v2  }
0x2fa: {  	v1 =	vld [tilespmem:$0xC210];
	_ =	sdelay $0x7  }
0x2fb: {  	v2 =	vld.idx.msk [tilespmem:v1+s2+$0x0], $0xffff;
	_ =	sdelay $0x4  }
0x2fc: {  	v2 =	vand.u32 $0xFFFFFFFC, v2  }
0x2fd: {  	v3 =	vadd.f32 $0.0e+00, v2;
	_ =	sdelay $0x1  }
0x2fe: {  	v60 =	vmul.f32 $-1.000000010e-01, v3  }
0x2ff: {  	vm12 =	vge.f32 v2, $0.0e+00  }
0x300: {  	v2 =	vsel vm12, v3, v60  }
0x301: {  	v2 =	vmul.f32 $1.442695020e+00, v2;
	_ =	sdelay $0x1  }
0x302: {  	(erf) = vpow2.f32 v2;
	_ =	sdelay $0x8  }
0x303: {  	v2 =	vpop (erf)  }
0x304: {  	[tilespmem:v1+s31+$0x0] =	vst.idx.add.f32.msk $0xffff, v2  }
0x305: {  	v1 =	vld [tilespmem:$0xC220];
	_ =	sdelay $0x7  }
0x306: {  	v2 =	vld.idx.msk [tilespmem:v1+s2+$0x0], $0xffff;
	_ =	sdelay $0x4  }
0x307: {  	v2 =	vand.u32 $0xFFFFFFFC, v2  }
0x308: {  	v3 =	vadd.f32 $0.0e+00, v2;
	_ =	sdelay $0x1  }
0x309: {  	v61 =	vmul.f32 $-1.000000010e-01, v3  }
0x30a: {  	vm13 =	vge.f32 v2, $0.0e+00  }
0x30b: {  	v2 =	vsel vm13, v3, v61  }
0x30c: {  	v2 =	vmul.f32 $1.442695020e+00, v2;
	_ =	sdelay $0x1  }
0x30d: {  	(erf) = vpow2.f32 v2;
	_ =	sdelay $0x8  }
0x30e: {  	v2 =	vpop (erf)  }
0x30f: {  	[tilespmem:v1+s31+$0x0] =	vst.idx.add.f32.msk $0xffff, v2  }
0x310: {  	v1 =	vld [tilespmem:$0xC230];
	_ =	sdelay $0x7  }
0x311: {  	v2 =	vld.idx.msk [tilespmem:v1+s2+$0x0], $0xffff;
	_ =	sdelay $0x4  }
0x312: {  	v2 =	vand.u32 $0xFFFFFFFC, v2  }
0x313: {  	v3 =	vadd.f32 $0.0e+00, v2;
	_ =	sdelay $0x1  }
0x314: {  	v62 =	vmul.f32 $-1.000000010e-01, v3  }
0x315: {  	vm14 =	vge.f32 v2, $0.0e+00  }
0x316: {  	v2 =	vsel vm14, v3, v62  }
0x317: {  	v2 =	vmul.f32 $1.442695020e+00, v2;
	_ =	sdelay $0x1  }
0x318: {  	(erf) = vpow2.f32 v2;
	_ =	sdelay $0x8  }
0x319: {  	v2 =	vpop (erf)  }
0x31a: {  	[tilespmem:v1+s31+$0x0] =	vst.idx.add.f32.msk $0xffff, v2  }
0x31b: {  	v1 =	vld [tilespmem:$0xC240];
	_ =	sdelay $0x7  }
0x31c: {  	v2 =	vld.idx.msk [tilespmem:v1+s2+$0x0], $0xffff;
	_ =	sdelay $0x4  }
0x31d: {  	v2 =	vand.u32 $0xFFFFFFFC, v2  }
0x31e: {  	v3 =	vadd.f32 $0.0e+00, v2;
	_ =	sdelay $0x1  }
0x31f: {  	v63 =	vmul.f32 $-1.000000010e-01, v3  }
0x320: {  	vm15 =	vge.f32 v2, $0.0e+00  }
0x321: {  	v2 =	vsel vm15, v3, v63  }
0x322: {  	v2 =	vmul.f32 $1.442695020e+00, v2;
	_ =	sdelay $0x1  }
0x323: {  	(erf) = vpow2.f32 v2;
	_ =	sdelay $0x8  }
0x324: {  	v2 =	vpop (erf)  }
0x325: {  	[tilespmem:v1+s31+$0x0] =	vst.idx.add.f32.msk $0xffff, v2  }
0x326: {  	[spmem:s12] =	stream.indirect.scatter.add.f32 [tilespmem:s16], [sflag:$0x3], $0x80, s29, s15, $0xb8;
	[tilespmem:$0x1FB80] =	vst v63  }
0x327: {  	_ =	swait.ge [sflag:s9], $0x2800  }
0x328: {  	[sflag:s9] =	ssyncset.done $0x0  }
0x329: {  	[sflag:s9] =	ssyncadd.s32 $0xFFFFD800  }
0x32a: {  	[bflag:$0x0] =	sbarrier.arrive $0xFFFF  }
0x32b: {  	s20 =	rddreg [dreg:$0x17]  }
0x32c: {  	[hbm4b:s20+s2] =	stream.linear.scatter [tilespmem:s31], [sflag:$0x3], $0x2710, $0x38;
	[tilespmem:$0x1FB80] =	vst v63  }
0x32d: {  	_ =	swait.ge [sflag:s9], $0x2710  }
0x32e: {  	[sflag:s9] =	ssyncset.done $0x0  }
0x32f: {  	[sflag:s9] =	ssyncadd.s32 $0xFFFFD8F0  }
0x330: {  	[tilespmem:s16], [sflag:$0x3] =	stream.linear.gather [spmem:s17], $0x2800, $0x38;
	[tilespmem:$0x1FB80] =	vst v63  }
0x331: {  	_ =	swait.ge [sflag:s9], $0x2800  }
0x332: {  	[sflag:s9] =	ssyncset.done $0x0  }
0x333: {  	s21 =	rddreg [dreg:$0x6];
	[sflag:s9] =	ssyncadd.s32 $0xFFFFD800  }
0x334: {  	[hbm4b:s21+s2] =	stream.linear.scatter [tilespmem:s16], [sflag:$0x3], $0x2800, $0x38;
	[tilespmem:$0x1FB80] =	vst v63  }
0x335: {  	_ =	swait.ge [sflag:s9], $0x2800  }
0x336: {  	[sflag:s9] =	ssyncset.done $0x0  }
0x337: {  	s19 =	rddreg [dreg:$0x11];
	[sflag:s9] =	ssyncadd.s32 $0xFFFFD800  }
0x338: {  	[tilespmem:s16], [sflag:$0x3] =	stream.linear.gather [spmem:s19], $0x2800, $0x38;
	[tilespmem:$0x1FB80] =	vst v63  }
0x339: {  	_ =	swait.ge [sflag:s9], $0x2800  }
0x33a: {  	[sflag:s9] =	ssyncset.done $0x0  }
0x33b: {  	s20 =	rddreg [dreg:$0x7];
	[sflag:s9] =	ssyncadd.s32 $0xFFFFD800  }
0x33c: {  	[hbm4b:s20+s2] =	stream.linear.scatter [tilespmem:s16], [sflag:$0x3], $0x2800, $0x38;
	[tilespmem:$0x1FB80] =	vst v63  }
0x33d: {  	_ =	swait.ge [sflag:s9], $0x2800  }
0x33e: {  	[sflag:s9] =	ssyncset.done $0x0  }
0x33f: {  	s21 =	rddreg [dreg:$0x12];
	[sflag:s9] =	ssyncadd.s32 $0xFFFFD800  }
0x340: {  	[tilespmem:s16], [sflag:$0x3] =	stream.linear.gather [spmem:s21], $0x2800, $0x38;
	[tilespmem:$0x1FB80] =	vst v63  }
0x341: {  	_ =	swait.ge [sflag:s9], $0x2800  }
0x342: {  	[sflag:s9] =	ssyncset.done $0x0  }
0x343: {  	s19 =	rddreg [dreg:$0x8];
	[sflag:s9] =	ssyncadd.s32 $0xFFFFD800  }
0x344: {  	[hbm4b:s19+s2] =	stream.linear.scatter [tilespmem:s16], [sflag:$0x3], $0x2800, $0x38;
	[tilespmem:$0x1FB80] =	vst v63  }
0x345: {  	_ =	swait.ge [sflag:s9], $0x2800  }
0x346: {  	[sflag:s9] =	ssyncset.done $0x0  }
0x347: {  	s20 =	rddreg [dreg:$0x13];
	[sflag:s9] =	ssyncadd.s32 $0xFFFFD800  }
0x348: {  	[tilespmem:s16], [sflag:$0x3] =	stream.linear.gather [spmem:s20], $0x2800, $0x38;
	[tilespmem:$0x1FB80] =	vst v63  }
0x349: {  	_ =	swait.ge [sflag:s9], $0x2800  }
0x34a: {  	[sflag:s9] =	ssyncset.done $0x0  }
0x34b: {  	s21 =	rddreg [dreg:$0x9];
	[sflag:s9] =	ssyncadd.s32 $0xFFFFD800  }
0x34c: {  	[hbm4b:s21+s2] =	stream.linear.scatter [tilespmem:s16], [sflag:$0x3], $0x2800, $0x38;
	[tilespmem:$0x1FB80] =	vst v63  }
0x34d: {  	_ =	swait.ge [sflag:s9], $0x2800  }
0x34e: {  	[sflag:s9] =	ssyncset.done $0x0  }
0x34f: {  	s19 =	rddreg [dreg:$0x19];
	[sflag:s9] =	ssyncadd.s32 $0xFFFFD800  }
0x350: {  	[tilespmem:s16], [sflag:$0x3] =	stream.linear.gather [spmem:s19], $0x2800, $0x38;
	[tilespmem:$0x1FB80] =	vst v63  }
0x351: {  	_ =	swait.ge [sflag:s9], $0x2800  }
0x352: {  	[sflag:s9] =	ssyncset.done $0x0  }
0x353: {  	s20 =	rddreg [dreg:$0xa];
	[sflag:s9] =	ssyncadd.s32 $0xFFFFD800  }
0x354: {  	[hbm4b:s20+s2] =	stream.linear.scatter [tilespmem:s16], [sflag:$0x3], $0x2800, $0x38;
	[tilespmem:$0x1FB80] =	vst v63  }
0x355: {  	_ =	swait.ge [sflag:s9], $0x2800  }
0x356: {  	[sflag:s9] =	ssyncset.done $0x0  }
0x357: {  	[sflag:s9] =	ssyncadd.s32 $0xFFFFD800  }
0x358: {  	[tilespmem:s16], [sflag:$0x3] =	stream.linear.gather [spmem:s22], $0x2800, $0x38;
	[tilespmem:$0x1FB80] =	vst v63  }
0x359: {  	_ =	swait.ge [sflag:s9], $0x2800  }
0x35a: {  	[sflag:s9] =	ssyncset.done $0x0  }
0x35b: {  	s21 =	rddreg [dreg:$0xb];
	[sflag:s9] =	ssyncadd.s32 $0xFFFFD800  }
0x35c: {  	[hbm4b:s21+s2] =	stream.linear.scatter [tilespmem:s16], [sflag:$0x3], $0x2800, $0x38;
	[tilespmem:$0x1FB80] =	vst v63  }
0x35d: {  	_ =	swait.ge [sflag:s9], $0x2800  }
0x35e: {  	[sflag:s9] =	ssyncset.done $0x0  }
0x35f: {  	[sflag:s9] =	ssyncadd.s32 $0xFFFFD800  }
0x360: {  	[tilespmem:s16], [sflag:$0x3] =	stream.linear.gather [spmem:s23], $0x2800, $0x38;
	[tilespmem:$0x1FB80] =	vst v63  }
0x361: {  	_ =	swait.ge [sflag:s9], $0x2800  }
0x362: {  	[sflag:s9] =	ssyncset.done $0x0  }
0x363: {  	s19 =	rddreg [dreg:$0xc];
	[sflag:s9] =	ssyncadd.s32 $0xFFFFD800  }
0x364: {  	[hbm4b:s19+s2] =	stream.linear.scatter [tilespmem:s16], [sflag:$0x3], $0x2800, $0x38;
	[tilespmem:$0x1FB80] =	vst v63  }
0x365: {  	_ =	swait.ge [sflag:s9], $0x2800  }
0x366: {  	[sflag:s9] =	ssyncset.done $0x0  }
0x367: {  	[sflag:s9] =	ssyncadd.s32 $0xFFFFD800  }
0x368: {  	[tilespmem:s16], [sflag:$0x3] =	stream.linear.gather [spmem:s24], $0x2000, $0x38;
	[tilespmem:$0x1FB80] =	vst v63  }
0x369: {  	_ =	swait.ge [sflag:s9], $0x2000  }
0x36a: {  	[sflag:s9] =	ssyncset.done $0x0  }
0x36b: {  	s20 =	rddreg [dreg:$0xd];
	[sflag:s9] =	ssyncadd.s32 $0xFFFFE000  }
0x36c: {  	[hbm4b:s20+s2] =	stream.linear.scatter [tilespmem:s16], [sflag:$0x3], $0x2000, $0x38;
	[tilespmem:$0x1FB80] =	vst v63  }
0x36d: {  	_ =	swait.ge [sflag:s9], $0x2000  }
0x36e: {  	[sflag:s9] =	ssyncset.done $0x0  }
0x36f: {  	s18 =	simm.s32 @!p0 $0x6D00;
	s19 =	simm.s32 @!p0 $0x3;
	[sflag:s9] =	ssyncadd.s32 $0xFFFFE000  }
0x370: {  	[tilespmem:s18], [sflag:$0x3] =	stream.linear.gather @!p0 [spmem:s10], $0x800, $0x38;
	[tilespmem:$0x1FB80] =	vst v63  }
0x371: {  	_ =	swait.ge @!p0 [sflag:s19], $0x800  }
0x372: {  	[sflag:s19] =	ssyncset.done @!p0 $0x0  }
0x373: {  	s20 =	simm.s32 @!p0 $0x0;
	s21 =	rddreg [dreg:$0x18];
	[sflag:s19] =	ssyncadd.s32 @!p0 $0xFFFFF800  }
0x374: {  	[hbm4b:s21+s20] =	stream.linear.scatter @!p0 [tilespmem:s18], [sflag:$0x3], $0x800, $0x38;
	[tilespmem:$0x1FB80] =	vst v63  }
0x375: {  	_ =	swait.ge @!p0 [sflag:s19], $0x800  }
0x376: {  	s8 =	sadd.s32 $0x1, s8;
	s21 =	rddreg [dreg:$0x1a]  }
0x377: {  	p1 =	sne.s32 s8, s21  }
.Ltmp2:
0x378: {  	_ = 	snop;
	(pc) =	sbr.rel @p1 .LBB2_1-.Ltmp2, $3  }
0x379: {  	_ =	sdelay $0x1  }
0x37a: {  	[sflag:s19] =	ssyncset.done @!p0 $0x0  }
0x37b: {  	[sflag:s19] =	ssyncadd.s32 @!p0 $0xFFFFF800  }
0x37c: {  	_ =	sfence.sel $0x180000  }
0x37d: {  	[bflag:$0x0] =	sbarrier.arrive $0xFFFF  }
0x37e: {  	_ =	strace $0x90000047  }
0x37f: {  	s0 =	stileid.u32;
	[bflag:$0x2] =	sbarrier.arrive $0xFFFF  }
0x380: {  	p0 =	sne.s32 s0, $0x0;
	s0 =	rddreg [dreg:$0x5]  }
0x381: {  	s0 =	sadd.s32 @!p0 $0x100000, s0  }
0x382: {  	[sflag:s0] =	ssyncadd.tile.s32 @!p0 $0x1;
	_ =	shalt  }
.Lfunc_end2:
_tile_overlayer_lowered:
.L_overlay_start_2:
0x383: {  	(tag) =	ssettag $0x2  }
0x384: {  	s0 =	rddreg [dreg:$0x0];
	s2 =	stileid.u32  }
0x385: {  	s1 =	rddreg [dreg:$0x1];
	p0 =	sne.s32 s2, $0x0  }
0x386: {  	s3 =	rddreg [dreg:$0x2];
	[bflag:$0x3] =	sbarrier.arrive $0xFFFF;
	s2 =	simm.s32 @!p0 $0x1C03  }
0x387: {  	[timem:s3], [sflag:s2] =	dma.local @!p0 [hbm:s0], s1  }
0x388: {  	s0 =	simm.s32 @!p0 $0x3  }
0x389: {  	_ =	swait.ge @!p0 [sflag:s0], s1  }
0x38a: {  	s1 =	ssub.s32 @!p0 $0x0, s1;
	[sflag:s0] =	ssyncset.done @!p0 $0x0  }
0x38b: {  	[sflag:s0] =	ssyncadd.s32 @!p0 s1  }
0x38c: {  	[bflag:$0x3] =	sbarrier.arrive $0xFFFF  }
0x38d: {  	_ =	shalt  }

</sc_bundles>
